<compile_context>
chip_gen: v7x
topology: tpu7x:2x2x1
jax: 0.10.2.dev20260603
libtpu: 0.0.44.dev20260713+nightly
codegen_flags: <defaults>
</compile_context>

<pallas_src>
import functools

import jax
import jax.numpy as jnp
from jax import lax
from jax.experimental import pallas as pl
from jax.experimental.pallas import tpu as pltpu
from jax.experimental.pallas import tpu_sc as plsc

E = 160000
C = 256
_NW = 32
_R = 80
_BE = 640
_BT = 640

_NCH = (4 * E) // _NW // _R


_NB = 5
_LEAD = 2


def _sc_gather_body(table_hbm, idx_hbm, out_hbm, idx_all,
                    rows0, rows1, rows2, rows3, rows4,
                    g0, g1, g2, g3, g4, s0, s1, s2, s3, s4):
    nch = idx_all.shape[0]
    wid = lax.axis_index("s") * 2 + lax.axis_index("c")
    nrows = out_hbm.shape[0] // _NW
    base0 = wid * nrows
    pltpu.sync_copy(idx_hbm.at[wid], idx_all)

    rows = (rows0, rows1, rows2, rows3, rows4)
    gs = (g0, g1, g2, g3, g4)
    ss = (s0, s1, s2, s3, s4)

    def g_start(ci, b):
        pltpu.async_copy(table_hbm.at[idx_all.at[ci]], rows[b], gs[b])

    def g_wait(b):
        pltpu.make_async_copy(table_hbm.at[idx_all.at[0]], rows[b],
                              gs[b]).wait()

    def s_start(ci, b):
        pltpu.async_copy(rows[b], out_hbm.at[pl.ds(base0 + ci * _R, _R)],
                         ss[b])

    def s_wait(b):
        pltpu.make_async_copy(rows[b], out_hbm.at[pl.ds(base0, _R)],
                              ss[b]).wait()

    g_start(0, 0)
    g_start(1, 1)
    g_start(2, 2)
    g_wait(0)
    s_start(0, 0)
    g_start(3, 3)
    g_wait(1)
    s_start(1, 1)
    g_start(4, 4)
    g_wait(2)
    s_start(2, 2)
    s_wait(0)
    g_start(5, 0)
    g_wait(3)
    s_start(3, 3)
    s_wait(1)
    g_start(6, 1)
    g_wait(4)
    s_start(4, 4)

    def body(j, carry):
        c_base = _NB * j

        def step(b):
            ci = c_base + b
            bp = (b + _LEAD) % _NB
            s_wait(bp)
            ci2 = ci + _LEAD
            g_start(jnp.where(ci2 < nch, ci2, 0), bp)
            g_wait(b)
            s_start(ci, b)

        for b in range(_NB):
            step(b)
        return carry

    lax.fori_loop(1, nch // _NB, body, 0)
    g_wait(0)
    g_wait(1)
    for b in range(_LEAD, _NB):
        s_wait(b)


_CP = C // 2


@functools.lru_cache(maxsize=2)
def _sc_gather_kernel(rows_total):
    nch = rows_total // _NW // _R
    mesh = plsc.VectorSubcoreMesh(core_axis_name="c", subcore_axis_name="s")
    return pl.kernel(
        _sc_gather_body,
        mesh=mesh,
        out_type=jax.ShapeDtypeStruct((rows_total, _CP), jnp.uint32),
        scratch_types=(
            [pltpu.VMEM((nch, _R), jnp.int32)]
            + [pltpu.VMEM((_R, _CP), jnp.uint32) for _ in range(_NB)]
            + [pltpu.SemaphoreType.DMA for _ in range(2 * _NB)]
        ),
    )


def _sc_gather(table, idxf):
    rows_total = idxf.shape[0]
    nch = rows_total // _NW // _R
    return _sc_gather_kernel(rows_total)(table, idxf.reshape(_NW, nch, _R))


def _bf16_bits(xf32):
    xb = lax.bitcast_convert_type(xf32, jnp.uint32)
    r = xb + jnp.uint32(0x7FFF) + ((xb >> 16) & jnp.uint32(1))
    return r >> 16


def _pack_row(xf32):
    top = _bf16_bits(xf32[:, :_CP])
    bot = _bf16_bits(xf32[:, _CP:])
    return (bot << 16) | top


def _unpack_row(p):
    top = lax.bitcast_convert_type(p << 16, jnp.float32)
    bot = lax.bitcast_convert_type((p >> 16) << 16, jnp.float32)
    return jnp.concatenate([top, bot], axis=1)


def _tr_body(x_ref, o_ref):
    o_ref[:] = _pack_row(x_ref[:].T)


def _transpose_tc(x2d):
    return pl.pallas_call(
        _tr_body,
        grid=(E // _BT,),
        in_specs=[pl.BlockSpec((C, _BT), lambda i: (0, i))],
        out_specs=pl.BlockSpec((_BT, _CP), lambda i: (i, 0)),
        out_shape=jax.ShapeDtypeStruct((E, _CP), jnp.uint32),
    )(x2d)


def _combine_dot(nb_ref, w_ref, acc):
    n0 = _unpack_row(nb_ref[0])
    n1 = _unpack_row(nb_ref[1])
    n2 = _unpack_row(nb_ref[2])
    n3 = _unpack_row(nb_ref[3])
    acc = acc + jnp.dot(n0 + n2, w_ref[1], preferred_element_type=jnp.float32)
    acc = acc + jnp.dot(n1 + n3, w_ref[2], preferred_element_type=jnp.float32)
    acc = acc + jnp.dot(jnp.abs(n0 - n2), w_ref[3],
                        preferred_element_type=jnp.float32)
    acc = acc + jnp.dot(jnp.abs(n1 - n3), w_ref[4],
                        preferred_element_type=jnp.float32)
    return acc


def _mm_body(x_ref, nb_ref, w_ref, b_ref, o_ref, *, final):
    f0 = _unpack_row(x_ref[:])
    acc = jnp.dot(f0, w_ref[0], preferred_element_type=jnp.float32)
    acc = _combine_dot(nb_ref, w_ref, acc) + b_ref[:]
    o_ref[:] = acc.T if final else _pack_row(acc)


def _mm_half_body(prev_ref, x_ref, nb_ref, w_ref, b_ref, o_ref, *, final):
    del prev_ref
    _mm_body(x_ref, nb_ref, w_ref, b_ref, o_ref, final=final)


_EH = E // 2


def _mesh_conv_half(prev, xt_p, nbh, wt, b2d, final, half):
    nblk = _EH // _BE
    off = half * nblk
    if final:
        out_shape = jax.ShapeDtypeStruct((C, E), jnp.float32)
        out_spec = pl.BlockSpec((C, _BE), lambda i: (0, i + off))
    else:
        out_shape = jax.ShapeDtypeStruct((E, _CP), jnp.uint32)
        out_spec = pl.BlockSpec((_BE, _CP), lambda i: (i + off, 0))
    body = functools.partial(_mm_half_body if prev is not None else _mm_body,
                             final=final)
    in_specs = [
        pl.BlockSpec((_BE, _CP), lambda i: (i + off, 0)),
        pl.BlockSpec((4, _BE, _CP), lambda i: (0, i, 0)),
        pl.BlockSpec((5, C, C), lambda i: (0, 0, 0)),
        pl.BlockSpec((1, C), lambda i: (0, 0)),
    ]
    args = (xt_p, nbh.reshape(4, _EH, _CP), wt, b2d)
    alias = {}
    if prev is not None:
        in_specs = [pl.BlockSpec(memory_space=pl.ANY)] + in_specs
        args = (prev,) + args
        alias = {0: 0}
    return pl.pallas_call(
        body,
        grid=(nblk,),
        in_specs=in_specs,
        out_specs=out_spec,
        out_shape=out_shape,
        input_output_aliases=alias,
    )(*args)


def kernel(input, meshes, W1, b1, W2, b2):
    x2d = input.reshape(C, E)
    m = meshes.reshape(E, 4).astype(jnp.int32)
    idx_a = m[:_EH].T.reshape(2 * E)
    idx_b = m[_EH:].T.reshape(2 * E)
    wt1 = jnp.transpose(W1, (2, 1, 0))
    wt2 = jnp.transpose(W2, (2, 1, 0))
    b1r = b1.reshape(1, C)
    b2r = b2.reshape(1, C)
    xt_p = _transpose_tc(x2d)
    nb1a = _sc_gather(xt_p, idx_a)
    nb1b = _sc_gather(xt_p, idx_b)
    h1pa = _mesh_conv_half(None, xt_p, nb1a, wt1, b1r, False, 0)
    h1p = _mesh_conv_half(h1pa, xt_p, nb1b, wt1, b1r, False, 1)
    nb2a = _sc_gather(h1p, idx_a)
    nb2b = _sc_gather(h1p, idx_b)
    outa = _mesh_conv_half(None, h1p, nb2a, wt2, b2r, True, 0)
    out_t = _mesh_conv_half(outa, h1p, nb2b, wt2, b2r, True, 1)
    return out_t.reshape(1, C, E)

# --- scband reference (transcript-rebuilt; emitter-appended) ---
"""Pipeline reference for scband-conv-block-3195455668378 (READ-ONLY COPY).

The authoritative reference and input builder live on the scoring server;
editing this copy changes nothing except your own understanding.
"""

import jax, jax.numpy as jnp
import numpy as np

B = 1
E = 160000
IN_FEAT = 256
OUT_FEAT = 256
K_LAYERS = 2
KERNEL = 5  # MeshCNN-style (1,5) kernel over [edge, 4 symmetric neighbor features]


def setup_inputs(seed: int = 0) -> dict:
    key = jax.random.key(seed)
    k1, k2, k3, k4, k5, k6 = jax.random.split(key, 6)
    x = jax.random.normal(k1, (B, IN_FEAT, E), dtype=jnp.float32)
    # gemm neighborhood: each mesh edge has 4 neighbor edges (one-ring)
    gemm = jax.random.randint(k2, (B, E, 4), 0, E, dtype=jnp.int64)
    # MeshConv layer 0: in_feat -> out_feat
    s1 = 1.0 / np.sqrt(IN_FEAT * KERNEL)
    W1 = jax.random.uniform(k3, (OUT_FEAT, IN_FEAT, KERNEL), dtype=jnp.float32, minval=-s1, maxval=s1)
    b1 = jax.random.uniform(k4, (OUT_FEAT,), dtype=jnp.float32, minval=-s1, maxval=s1)
    # MeshConv layer 1: out_feat -> out_feat
    s2 = 1.0 / np.sqrt(OUT_FEAT * KERNEL)
    W2 = jax.random.uniform(k5, (OUT_FEAT, OUT_FEAT, KERNEL), dtype=jnp.float32, minval=-s2, maxval=s2)
    b2 = jax.random.uniform(k6, (OUT_FEAT,), dtype=jnp.float32, minval=-s2, maxval=s2)
    return {"input": x, "meshes": gemm, "W1": W1, "b1": b1, "W2": W2, "b2": b2}


def _mesh_conv(x, gemm, W, b):
    # x: [B, C, E]; gemm: [B, E, 4] int neighbor edge ids
    x_t = jnp.transpose(x, (0, 2, 1))  # [B, E, C]
    batch_idx = jnp.arange(x.shape[0])[:, None, None]
    nb = x_t[batch_idx, gemm]  # gather -> [B, E, 4, C]
    f0 = x_t
    x1 = nb[:, :, 0] + nb[:, :, 2]
    x2 = nb[:, :, 1] + nb[:, :, 3]
    x3 = jnp.abs(nb[:, :, 0] - nb[:, :, 2])
    x4 = jnp.abs(nb[:, :, 1] - nb[:, :, 3])
    G = jnp.stack([f0, x1, x2, x3, x4], axis=2)  # [B, E, 5, C]
    # Conv2d with kernel (1,5): out[b,e,o] = sum_{c,k} G[b,e,k,c] * W[o,c,k] + b[o]
    out = jnp.einsum('bekc,ock->beo', G, W) + b
    return jnp.transpose(out, (0, 2, 1))  # [B, out_feat, E]


def reference(input, meshes, W1, b1, W2, b2):
    # ConvBlock: sequential MeshConv layers sharing the same mesh connectivity
    h = _mesh_conv(input, meshes, W1, b1)
    h = _mesh_conv(h, meshes, W2, b2)
    return h

if __name__ == "__main__":
    import jax
    _d = setup_inputs()
    print(jax.jit(kernel)(*tuple(_d.values())))

</pallas_src>

<mosaic_0001>
#map = affine_map<(d0, d1) -> (0, 0)>
#map1 = affine_map<(d0, d1) -> (0, 0, 0)>
module attributes {stable_mosaic.version = 14 : i64} {
  func.func @_sc_gather_body(%arg0: i32, %arg1: i32, %arg2: memref<160000x128xi32, #tpu.memory_space<hbm>>, %arg3: memref<32x125x80xi32, #tpu.memory_space<hbm>>, %arg4: memref<320000x128xi32, #tpu.memory_space<hbm>>, %arg5: memref<125x80xi32, #tpu.memory_space<vmem>>, %arg6: memref<80x128xi32, #tpu.memory_space<vmem>>, %arg7: memref<80x128xi32, #tpu.memory_space<vmem>>, %arg8: memref<80x128xi32, #tpu.memory_space<vmem>>, %arg9: memref<80x128xi32, #tpu.memory_space<vmem>>, %arg10: memref<80x128xi32, #tpu.memory_space<vmem>>, %arg11: memref<!tpu.dma_semaphore, #tpu.memory_space<semaphore_mem>>, %arg12: memref<!tpu.dma_semaphore, #tpu.memory_space<semaphore_mem>>, %arg13: memref<!tpu.dma_semaphore, #tpu.memory_space<semaphore_mem>>, %arg14: memref<!tpu.dma_semaphore, #tpu.memory_space<semaphore_mem>>, %arg15: memref<!tpu.dma_semaphore, #tpu.memory_space<semaphore_mem>>, %arg16: memref<!tpu.dma_semaphore, #tpu.memory_space<semaphore_mem>>, %arg17: memref<!tpu.dma_semaphore, #tpu.memory_space<semaphore_mem>>, %arg18: memref<!tpu.dma_semaphore, #tpu.memory_space<semaphore_mem>>, %arg19: memref<!tpu.dma_semaphore, #tpu.memory_space<semaphore_mem>>, %arg20: memref<!tpu.dma_semaphore, #tpu.memory_space<semaphore_mem>>) attributes {dimension_semantics = [#tpu.dimension_semantics<core_parallel>, #tpu.dimension_semantics<subcore_parallel>], iteration_bounds = array<i64: 2, 16>, scalar_prefetch = 0 : i64, scratch_operands = 16 : i64, tpu.core_type = #tpu.core_type<sc_vector_subcore>, window_params = [{transform_indices = #map}, {transform_indices = #map1}, {transform_indices = #map}]} {
    %mul3A = arith.constant 2 : i32
    %mul3A_0 = arith.muli %arg1, %mul3A : i32
    %add3A = arith.addi %mul3A_0, %arg0 : i32
    %mul3A_1 = arith.constant 10000 : i32
    %mul3A_2 = arith.muli %add3A, %mul3A_1 : i32
    "tpu.region"() ({
      %run_scoped3A = tpu.sem_alloc : memref<!tpu.dma_semaphore, #tpu.memory_space<semaphore_mem>>
      %dma_start3A_154 = arith.constant 0 : i32
      %dma_start3A_155 = arith.constant 0 : i32
      %dma_start3A_156 = tpu.memref_slice %arg3[%add3A, %dma_start3A_154, %dma_start3A_155] : memref<32x125x80xi32, #tpu.memory_space<hbm>> -> memref<1x125x80xi32, #tpu.memory_space<hbm>>
      %dma_start3A_157 = tpu.memref_squeeze %dma_start3A_156 : memref<1x125x80xi32, #tpu.memory_space<hbm>> -> memref<125x80xi32, #tpu.memory_space<hbm>>
      %dma_start3A_158 = arith.constant 0 : i32
      %dma_start3A_159 = arith.constant 0 : i32
      %dma_start3A_160 = tpu.memref_slice %arg3[%add3A, %dma_start3A_158, %dma_start3A_159] : memref<32x125x80xi32, #tpu.memory_space<hbm>> -> memref<1x125x80xi32, #tpu.memory_space<hbm>>
      %dma_start3A_161 = tpu.memref_squeeze %dma_start3A_160 : memref<1x125x80xi32, #tpu.memory_space<hbm>> -> memref<125x80xi32, #tpu.memory_space<hbm>>
      tpu.enqueue_dma source(%dma_start3A_161 : memref<125x80xi32, #tpu.memory_space<hbm>>) target(%arg5 : memref<125x80xi32, #tpu.memory_space<vmem>>) target_semaphore(%run_scoped3A : memref<!tpu.dma_semaphore, #tpu.memory_space<semaphore_mem>>)
      %dma_wait3A_162 = arith.constant 0 : i32
      %dma_wait3A_163 = arith.constant 0 : i32
      %dma_wait3A_164 = tpu.memref_slice %arg3[%add3A, %dma_wait3A_162, %dma_wait3A_163] : memref<32x125x80xi32, #tpu.memory_space<hbm>> -> memref<1x125x80xi32, #tpu.memory_space<hbm>>
      %dma_wait3A_165 = tpu.memref_squeeze %dma_wait3A_164 : memref<1x125x80xi32, #tpu.memory_space<hbm>> -> memref<125x80xi32, #tpu.memory_space<hbm>>
      %dma_wait3A_166 = arith.constant 0 : i32
      %dma_wait3A_167 = arith.constant 0 : i32
      %dma_wait3A_168 = tpu.memref_slice %arg3[%add3A, %dma_wait3A_166, %dma_wait3A_167] : memref<32x125x80xi32, #tpu.memory_space<hbm>> -> memref<1x125x80xi32, #tpu.memory_space<hbm>>
      %dma_wait3A_169 = tpu.memref_squeeze %dma_wait3A_168 : memref<1x125x80xi32, #tpu.memory_space<hbm>> -> memref<125x80xi32, #tpu.memory_space<hbm>>
      tpu.wait_dma2 semaphore(%run_scoped3A : memref<!tpu.dma_semaphore, #tpu.memory_space<semaphore_mem>>) src(%dma_wait3A_169 : memref<125x80xi32, #tpu.memory_space<hbm>>) dst(%arg5 : memref<125x80xi32, #tpu.memory_space<vmem>>)
      tpu.yield
    }) : () -> ()
    %dma_start3A = arith.constant 0 : i32
    %dma_start3A_3 = arith.constant 0 : i32
    %dma_start3A_4 = tpu.memref_slice %arg5[%dma_start3A, %dma_start3A_3] : memref<125x80xi32, #tpu.memory_space<vmem>> -> memref<1x80xi32, #tpu.memory_space<vmem>>
    %dma_start3A_5 = tpu.memref_squeeze %dma_start3A_4 : memref<1x80xi32, #tpu.memory_space<vmem>> -> memref<80xi32, #tpu.memory_space<vmem>>
    %dma_start3A_6 = arith.constant 0 : i32
    %dma_start3A_7 = arith.constant 0 : i32
    %dma_start3A_8 = tpu.memref_slice %arg2[%dma_start3A_6, %dma_start3A_7] : memref<160000x128xi32, #tpu.memory_space<hbm>> -> memref<160000x128xi32, #tpu.memory_space<hbm>>
    tpu.enqueue_indirect_dma source(%dma_start3A_8 : memref<160000x128xi32, #tpu.memory_space<hbm>>) target(%arg6 : memref<80x128xi32, #tpu.memory_space<vmem>>) offsets(%dma_start3A_5 : memref<80xi32, #tpu.memory_space<vmem>>) semaphore(%arg11 : memref<!tpu.dma_semaphore, #tpu.memory_space<semaphore_mem>>)
    %dma_start3A_9 = arith.constant 1 : i32
    %dma_start3A_10 = arith.constant 0 : i32
    %dma_start3A_11 = tpu.memref_slice %arg5[%dma_start3A_9, %dma_start3A_10] : memref<125x80xi32, #tpu.memory_space<vmem>> -> memref<1x80xi32, #tpu.memory_space<vmem>>
    %dma_start3A_12 = tpu.memref_squeeze %dma_start3A_11 : memref<1x80xi32, #tpu.memory_space<vmem>> -> memref<80xi32, #tpu.memory_space<vmem>>
    %dma_start3A_13 = arith.constant 0 : i32
    %dma_start3A_14 = arith.constant 0 : i32
    %dma_start3A_15 = tpu.memref_slice %arg2[%dma_start3A_13, %dma_start3A_14] : memref<160000x128xi32, #tpu.memory_space<hbm>> -> memref<160000x128xi32, #tpu.memory_space<hbm>>
    tpu.enqueue_indirect_dma source(%dma_start3A_15 : memref<160000x128xi32, #tpu.memory_space<hbm>>) target(%arg7 : memref<80x128xi32, #tpu.memory_space<vmem>>) offsets(%dma_start3A_12 : memref<80xi32, #tpu.memory_space<vmem>>) semaphore(%arg12 : memref<!tpu.dma_semaphore, #tpu.memory_space<semaphore_mem>>)
    %dma_start3A_16 = arith.constant 2 : i32
    %dma_start3A_17 = arith.constant 0 : i32
    %dma_start3A_18 = tpu.memref_slice %arg5[%dma_start3A_16, %dma_start3A_17] : memref<125x80xi32, #tpu.memory_space<vmem>> -> memref<1x80xi32, #tpu.memory_space<vmem>>
    %dma_start3A_19 = tpu.memref_squeeze %dma_start3A_18 : memref<1x80xi32, #tpu.memory_space<vmem>> -> memref<80xi32, #tpu.memory_space<vmem>>
    %dma_start3A_20 = arith.constant 0 : i32
    %dma_start3A_21 = arith.constant 0 : i32
    %dma_start3A_22 = tpu.memref_slice %arg2[%dma_start3A_20, %dma_start3A_21] : memref<160000x128xi32, #tpu.memory_space<hbm>> -> memref<160000x128xi32, #tpu.memory_space<hbm>>
    tpu.enqueue_indirect_dma source(%dma_start3A_22 : memref<160000x128xi32, #tpu.memory_space<hbm>>) target(%arg8 : memref<80x128xi32, #tpu.memory_space<vmem>>) offsets(%dma_start3A_19 : memref<80xi32, #tpu.memory_space<vmem>>) semaphore(%arg13 : memref<!tpu.dma_semaphore, #tpu.memory_space<semaphore_mem>>)
    %dma_wait3A = arith.constant 0 : i32
    %dma_wait3A_23 = arith.constant 0 : i32
    %dma_wait3A_24 = tpu.memref_slice %arg5[%dma_wait3A, %dma_wait3A_23] : memref<125x80xi32, #tpu.memory_space<vmem>> -> memref<1x80xi32, #tpu.memory_space<vmem>>
    %dma_wait3A_25 = tpu.memref_squeeze %dma_wait3A_24 : memref<1x80xi32, #tpu.memory_space<vmem>> -> memref<80xi32, #tpu.memory_space<vmem>>
    %dma_wait3A_26 = arith.constant 0 : i32
    %dma_wait3A_27 = arith.constant 0 : i32
    %dma_wait3A_28 = tpu.memref_slice %arg2[%dma_wait3A_26, %dma_wait3A_27] : memref<160000x128xi32, #tpu.memory_space<hbm>> -> memref<160000x128xi32, #tpu.memory_space<hbm>>
    tpu.wait_indirect_dma semaphore(%arg11 : memref<!tpu.dma_semaphore, #tpu.memory_space<semaphore_mem>>) src(%dma_wait3A_28 : memref<160000x128xi32, #tpu.memory_space<hbm>>) dst(%arg6 : memref<80x128xi32, #tpu.memory_space<vmem>>)
    %add3A_29 = arith.constant 0 : i32
    %add3A_30 = arith.addi %mul3A_2, %add3A_29 : i32
    %dma_start3A_31 = arith.constant 0 : i32
    %dma_start3A_32 = tpu.memref_slice %arg4[%add3A_30, %dma_start3A_31] : memref<320000x128xi32, #tpu.memory_space<hbm>> -> memref<80x128xi32, #tpu.memory_space<hbm>>
    %dma_start3A_33 = arith.constant 0 : i32
    %dma_start3A_34 = tpu.memref_slice %arg4[%add3A_30, %dma_start3A_33] : memref<320000x128xi32, #tpu.memory_space<hbm>> -> memref<80x128xi32, #tpu.memory_space<hbm>>
    tpu.enqueue_dma source(%arg6 : memref<80x128xi32, #tpu.memory_space<vmem>>) target(%dma_start3A_34 : memref<80x128xi32, #tpu.memory_space<hbm>>) target_semaphore(%arg16 : memref<!tpu.dma_semaphore, #tpu.memory_space<semaphore_mem>>)
    %dma_start3A_35 = arith.constant 3 : i32
    %dma_start3A_36 = arith.constant 0 : i32
    %dma_start3A_37 = tpu.memref_slice %arg5[%dma_start3A_35, %dma_start3A_36] : memref<125x80xi32, #tpu.memory_space<vmem>> -> memref<1x80xi32, #tpu.memory_space<vmem>>
    %dma_start3A_38 = tpu.memref_squeeze %dma_start3A_37 : memref<1x80xi32, #tpu.memory_space<vmem>> -> memref<80xi32, #tpu.memory_space<vmem>>
    %dma_start3A_39 = arith.constant 0 : i32
    %dma_start3A_40 = arith.constant 0 : i32
    %dma_start3A_41 = tpu.memref_slice %arg2[%dma_start3A_39, %dma_start3A_40] : memref<160000x128xi32, #tpu.memory_space<hbm>> -> memref<160000x128xi32, #tpu.memory_space<hbm>>
    tpu.enqueue_indirect_dma source(%dma_start3A_41 : memref<160000x128xi32, #tpu.memory_space<hbm>>) target(%arg9 : memref<80x128xi32, #tpu.memory_space<vmem>>) offsets(%dma_start3A_38 : memref<80xi32, #tpu.memory_space<vmem>>) semaphore(%arg14 : memref<!tpu.dma_semaphore, #tpu.memory_space<semaphore_mem>>)
    %dma_wait3A_42 = arith.constant 0 : i32
    %dma_wait3A_43 = arith.constant 0 : i32
    %dma_wait3A_44 = tpu.memref_slice %arg5[%dma_wait3A_42, %dma_wait3A_43] : memref<125x80xi32, #tpu.memory_space<vmem>> -> memref<1x80xi32, #tpu.memory_space<vmem>>
    %dma_wait3A_45 = tpu.memref_squeeze %dma_wait3A_44 : memref<1x80xi32, #tpu.memory_space<vmem>> -> memref<80xi32, #tpu.memory_space<vmem>>
    %dma_wait3A_46 = arith.constant 0 : i32
    %dma_wait3A_47 = arith.constant 0 : i32
    %dma_wait3A_48 = tpu.memref_slice %arg2[%dma_wait3A_46, %dma_wait3A_47] : memref<160000x128xi32, #tpu.memory_space<hbm>> -> memref<160000x128xi32, #tpu.memory_space<hbm>>
    tpu.wait_indirect_dma semaphore(%arg12 : memref<!tpu.dma_semaphore, #tpu.memory_space<semaphore_mem>>) src(%dma_wait3A_48 : memref<160000x128xi32, #tpu.memory_space<hbm>>) dst(%arg7 : memref<80x128xi32, #tpu.memory_space<vmem>>)
    %add3A_49 = arith.constant 80 : i32
    %add3A_50 = arith.addi %mul3A_2, %add3A_49 : i32
    %dma_start3A_51 = arith.constant 0 : i32
    %dma_start3A_52 = tpu.memref_slice %arg4[%add3A_50, %dma_start3A_51] : memref<320000x128xi32, #tpu.memory_space<hbm>> -> memref<80x128xi32, #tpu.memory_space<hbm>>
    %dma_start3A_53 = arith.constant 0 : i32
    %dma_start3A_54 = tpu.memref_slice %arg4[%add3A_50, %dma_start3A_53] : memref<320000x128xi32, #tpu.memory_space<hbm>> -> memref<80x128xi32, #tpu.memory_space<hbm>>
    tpu.enqueue_dma source(%arg7 : memref<80x128xi32, #tpu.memory_space<vmem>>) target(%dma_start3A_54 : memref<80x128xi32, #tpu.memory_space<hbm>>) target_semaphore(%arg17 : memref<!tpu.dma_semaphore, #tpu.memory_space<semaphore_mem>>)
    %dma_start3A_55 = arith.constant 4 : i32
    %dma_start3A_56 = arith.constant 0 : i32
    %dma_start3A_57 = tpu.memref_slice %arg5[%dma_start3A_55, %dma_start3A_56] : memref<125x80xi32, #tpu.memory_space<vmem>> -> memref<1x80xi32, #tpu.memory_space<vmem>>
    %dma_start3A_58 = tpu.memref_squeeze %dma_start3A_57 : memref<1x80xi32, #tpu.memory_space<vmem>> -> memref<80xi32, #tpu.memory_space<vmem>>
    %dma_start3A_59 = arith.constant 0 : i32
    %dma_start3A_60 = arith.constant 0 : i32
    %dma_start3A_61 = tpu.memref_slice %arg2[%dma_start3A_59, %dma_start3A_60] : memref<160000x128xi32, #tpu.memory_space<hbm>> -> memref<160000x128xi32, #tpu.memory_space<hbm>>
    tpu.enqueue_indirect_dma source(%dma_start3A_61 : memref<160000x128xi32, #tpu.memory_space<hbm>>) target(%arg10 : memref<80x128xi32, #tpu.memory_space<vmem>>) offsets(%dma_start3A_58 : memref<80xi32, #tpu.memory_space<vmem>>) semaphore(%arg15 : memref<!tpu.dma_semaphore, #tpu.memory_space<semaphore_mem>>)
    %dma_wait3A_62 = arith.constant 0 : i32
    %dma_wait3A_63 = arith.constant 0 : i32
    %dma_wait3A_64 = tpu.memref_slice %arg5[%dma_wait3A_62, %dma_wait3A_63] : memref<125x80xi32, #tpu.memory_space<vmem>> -> memref<1x80xi32, #tpu.memory_space<vmem>>
    %dma_wait3A_65 = tpu.memref_squeeze %dma_wait3A_64 : memref<1x80xi32, #tpu.memory_space<vmem>> -> memref<80xi32, #tpu.memory_space<vmem>>
    %dma_wait3A_66 = arith.constant 0 : i32
    %dma_wait3A_67 = arith.constant 0 : i32
    %dma_wait3A_68 = tpu.memref_slice %arg2[%dma_wait3A_66, %dma_wait3A_67] : memref<160000x128xi32, #tpu.memory_space<hbm>> -> memref<160000x128xi32, #tpu.memory_space<hbm>>
    tpu.wait_indirect_dma semaphore(%arg13 : memref<!tpu.dma_semaphore, #tpu.memory_space<semaphore_mem>>) src(%dma_wait3A_68 : memref<160000x128xi32, #tpu.memory_space<hbm>>) dst(%arg8 : memref<80x128xi32, #tpu.memory_space<vmem>>)
    %add3A_69 = arith.constant 160 : i32
    %add3A_70 = arith.addi %mul3A_2, %add3A_69 : i32
    %dma_start3A_71 = arith.constant 0 : i32
    %dma_start3A_72 = tpu.memref_slice %arg4[%add3A_70, %dma_start3A_71] : memref<320000x128xi32, #tpu.memory_space<hbm>> -> memref<80x128xi32, #tpu.memory_space<hbm>>
    %dma_start3A_73 = arith.constant 0 : i32
    %dma_start3A_74 = tpu.memref_slice %arg4[%add3A_70, %dma_start3A_73] : memref<320000x128xi32, #tpu.memory_space<hbm>> -> memref<80x128xi32, #tpu.memory_space<hbm>>
    tpu.enqueue_dma source(%arg8 : memref<80x128xi32, #tpu.memory_space<vmem>>) target(%dma_start3A_74 : memref<80x128xi32, #tpu.memory_space<hbm>>) target_semaphore(%arg18 : memref<!tpu.dma_semaphore, #tpu.memory_space<semaphore_mem>>)
    %dma_wait3A_75 = arith.constant 0 : i32
    %dma_wait3A_76 = tpu.memref_slice %arg4[%mul3A_2, %dma_wait3A_75] : memref<320000x128xi32, #tpu.memory_space<hbm>> -> memref<80x128xi32, #tpu.memory_space<hbm>>
    %dma_wait3A_77 = arith.constant 0 : i32
    %dma_wait3A_78 = tpu.memref_slice %arg4[%mul3A_2, %dma_wait3A_77] : memref<320000x128xi32, #tpu.memory_space<hbm>> -> memref<80x128xi32, #tpu.memory_space<hbm>>
    tpu.wait_dma2 semaphore(%arg16 : memref<!tpu.dma_semaphore, #tpu.memory_space<semaphore_mem>>) src(%arg6 : memref<80x128xi32, #tpu.memory_space<vmem>>) dst(%dma_wait3A_78 : memref<80x128xi32, #tpu.memory_space<hbm>>)
    %dma_start3A_79 = arith.constant 5 : i32
    %dma_start3A_80 = arith.constant 0 : i32
    %dma_start3A_81 = tpu.memref_slice %arg5[%dma_start3A_79, %dma_start3A_80] : memref<125x80xi32, #tpu.memory_space<vmem>> -> memref<1x80xi32, #tpu.memory_space<vmem>>
    %dma_start3A_82 = tpu.memref_squeeze %dma_start3A_81 : memref<1x80xi32, #tpu.memory_space<vmem>> -> memref<80xi32, #tpu.memory_space<vmem>>
    %dma_start3A_83 = arith.constant 0 : i32
    %dma_start3A_84 = arith.constant 0 : i32
    %dma_start3A_85 = tpu.memref_slice %arg2[%dma_start3A_83, %dma_start3A_84] : memref<160000x128xi32, #tpu.memory_space<hbm>> -> memref<160000x128xi32, #tpu.memory_space<hbm>>
    tpu.enqueue_indirect_dma source(%dma_start3A_85 : memref<160000x128xi32, #tpu.memory_space<hbm>>) target(%arg6 : memref<80x128xi32, #tpu.memory_space<vmem>>) offsets(%dma_start3A_82 : memref<80xi32, #tpu.memory_space<vmem>>) semaphore(%arg11 : memref<!tpu.dma_semaphore, #tpu.memory_space<semaphore_mem>>)
    %dma_wait3A_86 = arith.constant 0 : i32
    %dma_wait3A_87 = arith.constant 0 : i32
    %dma_wait3A_88 = tpu.memref_slice %arg5[%dma_wait3A_86, %dma_wait3A_87] : memref<125x80xi32, #tpu.memory_space<vmem>> -> memref<1x80xi32, #tpu.memory_space<vmem>>
    %dma_wait3A_89 = tpu.memref_squeeze %dma_wait3A_88 : memref<1x80xi32, #tpu.memory_space<vmem>> -> memref<80xi32, #tpu.memory_space<vmem>>
    %dma_wait3A_90 = arith.constant 0 : i32
    %dma_wait3A_91 = arith.constant 0 : i32
    %dma_wait3A_92 = tpu.memref_slice %arg2[%dma_wait3A_90, %dma_wait3A_91] : memref<160000x128xi32, #tpu.memory_space<hbm>> -> memref<160000x128xi32, #tpu.memory_space<hbm>>
    tpu.wait_indirect_dma semaphore(%arg14 : memref<!tpu.dma_semaphore, #tpu.memory_space<semaphore_mem>>) src(%dma_wait3A_92 : memref<160000x128xi32, #tpu.memory_space<hbm>>) dst(%arg9 : memref<80x128xi32, #tpu.memory_space<vmem>>)
    %add3A_93 = arith.constant 240 : i32
    %add3A_94 = arith.addi %mul3A_2, %add3A_93 : i32
    %dma_start3A_95 = arith.constant 0 : i32
    %dma_start3A_96 = tpu.memref_slice %arg4[%add3A_94, %dma_start3A_95] : memref<320000x128xi32, #tpu.memory_space<hbm>> -> memref<80x128xi32, #tpu.memory_space<hbm>>
    %dma_start3A_97 = arith.constant 0 : i32
    %dma_start3A_98 = tpu.memref_slice %arg4[%add3A_94, %dma_start3A_97] : memref<320000x128xi32, #tpu.memory_space<hbm>> -> memref<80x128xi32, #tpu.memory_space<hbm>>
    tpu.enqueue_dma source(%arg9 : memref<80x128xi32, #tpu.memory_space<vmem>>) target(%dma_start3A_98 : memref<80x128xi32, #tpu.memory_space<hbm>>) target_semaphore(%arg19 : memref<!tpu.dma_semaphore, #tpu.memory_space<semaphore_mem>>)
    %dma_wait3A_99 = arith.constant 0 : i32
    %dma_wait3A_100 = tpu.memref_slice %arg4[%mul3A_2, %dma_wait3A_99] : memref<320000x128xi32, #tpu.memory_space<hbm>> -> memref<80x128xi32, #tpu.memory_space<hbm>>
    %dma_wait3A_101 = arith.constant 0 : i32
    %dma_wait3A_102 = tpu.memref_slice %arg4[%mul3A_2, %dma_wait3A_101] : memref<320000x128xi32, #tpu.memory_space<hbm>> -> memref<80x128xi32, #tpu.memory_space<hbm>>
    tpu.wait_dma2 semaphore(%arg17 : memref<!tpu.dma_semaphore, #tpu.memory_space<semaphore_mem>>) src(%arg7 : memref<80x128xi32, #tpu.memory_space<vmem>>) dst(%dma_wait3A_102 : memref<80x128xi32, #tpu.memory_space<hbm>>)
    %dma_start3A_103 = arith.constant 6 : i32
    %dma_start3A_104 = arith.constant 0 : i32
    %dma_start3A_105 = tpu.memref_slice %arg5[%dma_start3A_103, %dma_start3A_104] : memref<125x80xi32, #tpu.memory_space<vmem>> -> memref<1x80xi32, #tpu.memory_space<vmem>>
    %dma_start3A_106 = tpu.memref_squeeze %dma_start3A_105 : memref<1x80xi32, #tpu.memory_space<vmem>> -> memref<80xi32, #tpu.memory_space<vmem>>
    %dma_start3A_107 = arith.constant 0 : i32
    %dma_start3A_108 = arith.constant 0 : i32
    %dma_start3A_109 = tpu.memref_slice %arg2[%dma_start3A_107, %dma_start3A_108] : memref<160000x128xi32, #tpu.memory_space<hbm>> -> memref<160000x128xi32, #tpu.memory_space<hbm>>
    tpu.enqueue_indirect_dma source(%dma_start3A_109 : memref<160000x128xi32, #tpu.memory_space<hbm>>) target(%arg7 : memref<80x128xi32, #tpu.memory_space<vmem>>) offsets(%dma_start3A_106 : memref<80xi32, #tpu.memory_space<vmem>>) semaphore(%arg12 : memref<!tpu.dma_semaphore, #tpu.memory_space<semaphore_mem>>)
    %dma_wait3A_110 = arith.constant 0 : i32
    %dma_wait3A_111 = arith.constant 0 : i32
    %dma_wait3A_112 = tpu.memref_slice %arg5[%dma_wait3A_110, %dma_wait3A_111] : memref<125x80xi32, #tpu.memory_space<vmem>> -> memref<1x80xi32, #tpu.memory_space<vmem>>
    %dma_wait3A_113 = tpu.memref_squeeze %dma_wait3A_112 : memref<1x80xi32, #tpu.memory_space<vmem>> -> memref<80xi32, #tpu.memory_space<vmem>>
    %dma_wait3A_114 = arith.constant 0 : i32
    %dma_wait3A_115 = arith.constant 0 : i32
    %dma_wait3A_116 = tpu.memref_slice %arg2[%dma_wait3A_114, %dma_wait3A_115] : memref<160000x128xi32, #tpu.memory_space<hbm>> -> memref<160000x128xi32, #tpu.memory_space<hbm>>
    tpu.wait_indirect_dma semaphore(%arg15 : memref<!tpu.dma_semaphore, #tpu.memory_space<semaphore_mem>>) src(%dma_wait3A_116 : memref<160000x128xi32, #tpu.memory_space<hbm>>) dst(%arg10 : memref<80x128xi32, #tpu.memory_space<vmem>>)
    %add3A_117 = arith.constant 320 : i32
    %add3A_118 = arith.addi %mul3A_2, %add3A_117 : i32
    %dma_start3A_119 = arith.constant 0 : i32
    %dma_start3A_120 = tpu.memref_slice %arg4[%add3A_118, %dma_start3A_119] : memref<320000x128xi32, #tpu.memory_space<hbm>> -> memref<80x128xi32, #tpu.memory_space<hbm>>
    %dma_start3A_121 = arith.constant 0 : i32
    %dma_start3A_122 = tpu.memref_slice %arg4[%add3A_118, %dma_start3A_121] : memref<320000x128xi32, #tpu.memory_space<hbm>> -> memref<80x128xi32, #tpu.memory_space<hbm>>
    tpu.enqueue_dma source(%arg10 : memref<80x128xi32, #tpu.memory_space<vmem>>) target(%dma_start3A_122 : memref<80x128xi32, #tpu.memory_space<hbm>>) target_semaphore(%arg20 : memref<!tpu.dma_semaphore, #tpu.memory_space<semaphore_mem>>)
    %scan3A = arith.constant 0 : i32
    %scan3A_123 = arith.constant 1 : i32
    %scan3A_124 = arith.constant 24 : i32
    %scan3A_125 = arith.addi %scan3A_123, %scan3A_124 : i32
    %scan3A_126 = arith.constant 1 : i32
    scf.for %scan3A_154 = %scan3A_123 to %scan3A_125 step %scan3A_126  : i32 {
      %mul3A_155 = arith.constant 5 : i32
      %mul3A_156 = arith.muli %mul3A_155, %scan3A_154 : i32
      %add3A_157 = arith.constant 0 : i32
      %add3A_158 = arith.addi %mul3A_156, %add3A_157 : i32
      %dma_wait3A_159 = arith.constant 0 : i32
      %dma_wait3A_160 = tpu.memref_slice %arg4[%mul3A_2, %dma_wait3A_159] : memref<320000x128xi32, #tpu.memory_space<hbm>> -> memref<80x128xi32, #tpu.memory_space<hbm>>
      %dma_wait3A_161 = arith.constant 0 : i32
      %dma_wait3A_162 = tpu.memref_slice %arg4[%mul3A_2, %dma_wait3A_161] : memref<320000x128xi32, #tpu.memory_space<hbm>> -> memref<80x128xi32, #tpu.memory_space<hbm>>
      tpu.wait_dma2 semaphore(%arg18 : memref<!tpu.dma_semaphore, #tpu.memory_space<semaphore_mem>>) src(%arg8 : memref<80x128xi32, #tpu.memory_space<vmem>>) dst(%dma_wait3A_162 : memref<80x128xi32, #tpu.memory_space<hbm>>)
      %add3A_163 = arith.constant 2 : i32
      %add3A_164 = arith.addi %add3A_158, %add3A_163 : i32
      %lt3A = arith.constant 125 : i32
      %lt3A_165 = arith.cmpi slt, %add3A_164, %lt3A : i32
      %jit3A = arith.constant 0 : i32
      %select_n3A = arith.select %lt3A_165, %add3A_164, %jit3A : i32
      %dma_start3A_166 = arith.constant 0 : i32
      %dma_start3A_167 = tpu.memref_slice %arg5[%select_n3A, %dma_start3A_166] : memref<125x80xi32, #tpu.memory_space<vmem>> -> memref<1x80xi32, #tpu.memory_space<vmem>>
      %dma_start3A_168 = tpu.memref_squeeze %dma_start3A_167 : memref<1x80xi32, #tpu.memory_space<vmem>> -> memref<80xi32, #tpu.memory_space<vmem>>
      %dma_start3A_169 = arith.constant 0 : i32
      %dma_start3A_170 = arith.constant 0 : i32
      %dma_start3A_171 = tpu.memref_slice %arg2[%dma_start3A_169, %dma_start3A_170] : memref<160000x128xi32, #tpu.memory_space<hbm>> -> memref<160000x128xi32, #tpu.memory_space<hbm>>
      tpu.enqueue_indirect_dma source(%dma_start3A_171 : memref<160000x128xi32, #tpu.memory_space<hbm>>) target(%arg8 : memref<80x128xi32, #tpu.memory_space<vmem>>) offsets(%dma_start3A_168 : memref<80xi32, #tpu.memory_space<vmem>>) semaphore(%arg13 : memref<!tpu.dma_semaphore, #tpu.memory_space<semaphore_mem>>)
      %dma_wait3A_172 = arith.constant 0 : i32
      %dma_wait3A_173 = arith.constant 0 : i32
      %dma_wait3A_174 = tpu.memref_slice %arg5[%dma_wait3A_172, %dma_wait3A_173] : memref<125x80xi32, #tpu.memory_space<vmem>> -> memref<1x80xi32, #tpu.memory_space<vmem>>
      %dma_wait3A_175 = tpu.memref_squeeze %dma_wait3A_174 : memref<1x80xi32, #tpu.memory_space<vmem>> -> memref<80xi32, #tpu.memory_space<vmem>>
      %dma_wait3A_176 = arith.constant 0 : i32
      %dma_wait3A_177 = arith.constant 0 : i32
      %dma_wait3A_178 = tpu.memref_slice %arg2[%dma_wait3A_176, %dma_wait3A_177] : memref<160000x128xi32, #tpu.memory_space<hbm>> -> memref<160000x128xi32, #tpu.memory_space<hbm>>
      tpu.wait_indirect_dma semaphore(%arg11 : memref<!tpu.dma_semaphore, #tpu.memory_space<semaphore_mem>>) src(%dma_wait3A_178 : memref<160000x128xi32, #tpu.memory_space<hbm>>) dst(%arg6 : memref<80x128xi32, #tpu.memory_space<vmem>>)
      %mul3A_179 = arith.constant 80 : i32
      %mul3A_180 = arith.muli %add3A_158, %mul3A_179 : i32
      %add3A_181 = arith.addi %mul3A_2, %mul3A_180 : i32
      %dma_start3A_182 = arith.constant 0 : i32
      %dma_start3A_183 = tpu.memref_slice %arg4[%add3A_181, %dma_start3A_182] : memref<320000x128xi32, #tpu.memory_space<hbm>> -> memref<80x128xi32, #tpu.memory_space<hbm>>
      %dma_start3A_184 = arith.constant 0 : i32
      %dma_start3A_185 = tpu.memref_slice %arg4[%add3A_181, %dma_start3A_184] : memref<320000x128xi32, #tpu.memory_space<hbm>> -> memref<80x128xi32, #tpu.memory_space<hbm>>
      tpu.enqueue_dma source(%arg6 : memref<80x128xi32, #tpu.memory_space<vmem>>) target(%dma_start3A_185 : memref<80x128xi32, #tpu.memory_space<hbm>>) target_semaphore(%arg16 : memref<!tpu.dma_semaphore, #tpu.memory_space<semaphore_mem>>)
      %add3A_186 = arith.constant 1 : i32
      %add3A_187 = arith.addi %mul3A_156, %add3A_186 : i32
      %dma_wait3A_188 = arith.constant 0 : i32
      %dma_wait3A_189 = tpu.memref_slice %arg4[%mul3A_2, %dma_wait3A_188] : memref<320000x128xi32, #tpu.memory_space<hbm>> -> memref<80x128xi32, #tpu.memory_space<hbm>>
      %dma_wait3A_190 = arith.constant 0 : i32
      %dma_wait3A_191 = tpu.memref_slice %arg4[%mul3A_2, %dma_wait3A_190] : memref<320000x128xi32, #tpu.memory_space<hbm>> -> memref<80x128xi32, #tpu.memory_space<hbm>>
      tpu.wait_dma2 semaphore(%arg19 : memref<!tpu.dma_semaphore, #tpu.memory_space<semaphore_mem>>) src(%arg9 : memref<80x128xi32, #tpu.memory_space<vmem>>) dst(%dma_wait3A_191 : memref<80x128xi32, #tpu.memory_space<hbm>>)
      %add3A_192 = arith.constant 2 : i32
      %add3A_193 = arith.addi %add3A_187, %add3A_192 : i32
      %lt3A_194 = arith.constant 125 : i32
      %lt3A_195 = arith.cmpi slt, %add3A_193, %lt3A_194 : i32
      %jit3A_196 = arith.constant 0 : i32
      %select_n3A_197 = arith.select %lt3A_195, %add3A_193, %jit3A_196 : i32
      %dma_start3A_198 = arith.constant 0 : i32
      %dma_start3A_199 = tpu.memref_slice %arg5[%select_n3A_197, %dma_start3A_198] : memref<125x80xi32, #tpu.memory_space<vmem>> -> memref<1x80xi32, #tpu.memory_space<vmem>>
      %dma_start3A_200 = tpu.memref_squeeze %dma_start3A_199 : memref<1x80xi32, #tpu.memory_space<vmem>> -> memref<80xi32, #tpu.memory_space<vmem>>
      %dma_start3A_201 = arith.constant 0 : i32
      %dma_start3A_202 = arith.constant 0 : i32
      %dma_start3A_203 = tpu.memref_slice %arg2[%dma_start3A_201, %dma_start3A_202] : memref<160000x128xi32, #tpu.memory_space<hbm>> -> memref<160000x128xi32, #tpu.memory_space<hbm>>
      tpu.enqueue_indirect_dma source(%dma_start3A_203 : memref<160000x128xi32, #tpu.memory_space<hbm>>) target(%arg9 : memref<80x128xi32, #tpu.memory_space<vmem>>) offsets(%dma_start3A_200 : memref<80xi32, #tpu.memory_space<vmem>>) semaphore(%arg14 : memref<!tpu.dma_semaphore, #tpu.memory_space<semaphore_mem>>)
      %dma_wait3A_204 = arith.constant 0 : i32
      %dma_wait3A_205 = arith.constant 0 : i32
      %dma_wait3A_206 = tpu.memref_slice %arg5[%dma_wait3A_204, %dma_wait3A_205] : memref<125x80xi32, #tpu.memory_space<vmem>> -> memref<1x80xi32, #tpu.memory_space<vmem>>
      %dma_wait3A_207 = tpu.memref_squeeze %dma_wait3A_206 : memref<1x80xi32, #tpu.memory_space<vmem>> -> memref<80xi32, #tpu.memory_space<vmem>>
      %dma_wait3A_208 = arith.constant 0 : i32
      %dma_wait3A_209 = arith.constant 0 : i32
      %dma_wait3A_210 = tpu.memref_slice %arg2[%dma_wait3A_208, %dma_wait3A_209] : memref<160000x128xi32, #tpu.memory_space<hbm>> -> memref<160000x128xi32, #tpu.memory_space<hbm>>
      tpu.wait_indirect_dma semaphore(%arg12 : memref<!tpu.dma_semaphore, #tpu.memory_space<semaphore_mem>>) src(%dma_wait3A_210 : memref<160000x128xi32, #tpu.memory_space<hbm>>) dst(%arg7 : memref<80x128xi32, #tpu.memory_space<vmem>>)
      %mul3A_211 = arith.constant 80 : i32
      %mul3A_212 = arith.muli %add3A_187, %mul3A_211 : i32
      %add3A_213 = arith.addi %mul3A_2, %mul3A_212 : i32
      %dma_start3A_214 = arith.constant 0 : i32
      %dma_start3A_215 = tpu.memref_slice %arg4[%add3A_213, %dma_start3A_214] : memref<320000x128xi32, #tpu.memory_space<hbm>> -> memref<80x128xi32, #tpu.memory_space<hbm>>
      %dma_start3A_216 = arith.constant 0 : i32
      %dma_start3A_217 = tpu.memref_slice %arg4[%add3A_213, %dma_start3A_216] : memref<320000x128xi32, #tpu.memory_space<hbm>> -> memref<80x128xi32, #tpu.memory_space<hbm>>
      tpu.enqueue_dma source(%arg7 : memref<80x128xi32, #tpu.memory_space<vmem>>) target(%dma_start3A_217 : memref<80x128xi32, #tpu.memory_space<hbm>>) target_semaphore(%arg17 : memref<!tpu.dma_semaphore, #tpu.memory_space<semaphore_mem>>)
      %add3A_218 = arith.constant 2 : i32
      %add3A_219 = arith.addi %mul3A_156, %add3A_218 : i32
      %dma_wait3A_220 = arith.constant 0 : i32
      %dma_wait3A_221 = tpu.memref_slice %arg4[%mul3A_2, %dma_wait3A_220] : memref<320000x128xi32, #tpu.memory_space<hbm>> -> memref<80x128xi32, #tpu.memory_space<hbm>>
      %dma_wait3A_222 = arith.constant 0 : i32
      %dma_wait3A_223 = tpu.memref_slice %arg4[%mul3A_2, %dma_wait3A_222] : memref<320000x128xi32, #tpu.memory_space<hbm>> -> memref<80x128xi32, #tpu.memory_space<hbm>>
      tpu.wait_dma2 semaphore(%arg20 : memref<!tpu.dma_semaphore, #tpu.memory_space<semaphore_mem>>) src(%arg10 : memref<80x128xi32, #tpu.memory_space<vmem>>) dst(%dma_wait3A_223 : memref<80x128xi32, #tpu.memory_space<hbm>>)
      %add3A_224 = arith.constant 2 : i32
      %add3A_225 = arith.addi %add3A_219, %add3A_224 : i32
      %lt3A_226 = arith.constant 125 : i32
      %lt3A_227 = arith.cmpi slt, %add3A_225, %lt3A_226 : i32
      %jit3A_228 = arith.constant 0 : i32
      %select_n3A_229 = arith.select %lt3A_227, %add3A_225, %jit3A_228 : i32
      %dma_start3A_230 = arith.constant 0 : i32
      %dma_start3A_231 = tpu.memref_slice %arg5[%select_n3A_229, %dma_start3A_230] : memref<125x80xi32, #tpu.memory_space<vmem>> -> memref<1x80xi32, #tpu.memory_space<vmem>>
      %dma_start3A_232 = tpu.memref_squeeze %dma_start3A_231 : memref<1x80xi32, #tpu.memory_space<vmem>> -> memref<80xi32, #tpu.memory_space<vmem>>
      %dma_start3A_233 = arith.constant 0 : i32
      %dma_start3A_234 = arith.constant 0 : i32
      %dma_start3A_235 = tpu.memref_slice %arg2[%dma_start3A_233, %dma_start3A_234] : memref<160000x128xi32, #tpu.memory_space<hbm>> -> memref<160000x128xi32, #tpu.memory_space<hbm>>
      tpu.enqueue_indirect_dma source(%dma_start3A_235 : memref<160000x128xi32, #tpu.memory_space<hbm>>) target(%arg10 : memref<80x128xi32, #tpu.memory_space<vmem>>) offsets(%dma_start3A_232 : memref<80xi32, #tpu.memory_space<vmem>>) semaphore(%arg15 : memref<!tpu.dma_semaphore, #tpu.memory_space<semaphore_mem>>)
      %dma_wait3A_236 = arith.constant 0 : i32
      %dma_wait3A_237 = arith.constant 0 : i32
      %dma_wait3A_238 = tpu.memref_slice %arg5[%dma_wait3A_236, %dma_wait3A_237] : memref<125x80xi32, #tpu.memory_space<vmem>> -> memref<1x80xi32, #tpu.memory_space<vmem>>
      %dma_wait3A_239 = tpu.memref_squeeze %dma_wait3A_238 : memref<1x80xi32, #tpu.memory_space<vmem>> -> memref<80xi32, #tpu.memory_space<vmem>>
      %dma_wait3A_240 = arith.constant 0 : i32
      %dma_wait3A_241 = arith.constant 0 : i32
      %dma_wait3A_242 = tpu.memref_slice %arg2[%dma_wait3A_240, %dma_wait3A_241] : memref<160000x128xi32, #tpu.memory_space<hbm>> -> memref<160000x128xi32, #tpu.memory_space<hbm>>
      tpu.wait_indirect_dma semaphore(%arg13 : memref<!tpu.dma_semaphore, #tpu.memory_space<semaphore_mem>>) src(%dma_wait3A_242 : memref<160000x128xi32, #tpu.memory_space<hbm>>) dst(%arg8 : memref<80x128xi32, #tpu.memory_space<vmem>>)
      %mul3A_243 = arith.constant 80 : i32
      %mul3A_244 = arith.muli %add3A_219, %mul3A_243 : i32
      %add3A_245 = arith.addi %mul3A_2, %mul3A_244 : i32
      %dma_start3A_246 = arith.constant 0 : i32
      %dma_start3A_247 = tpu.memref_slice %arg4[%add3A_245, %dma_start3A_246] : memref<320000x128xi32, #tpu.memory_space<hbm>> -> memref<80x128xi32, #tpu.memory_space<hbm>>
      %dma_start3A_248 = arith.constant 0 : i32
      %dma_start3A_249 = tpu.memref_slice %arg4[%add3A_245, %dma_start3A_248] : memref<320000x128xi32, #tpu.memory_space<hbm>> -> memref<80x128xi32, #tpu.memory_space<hbm>>
      tpu.enqueue_dma source(%arg8 : memref<80x128xi32, #tpu.memory_space<vmem>>) target(%dma_start3A_249 : memref<80x128xi32, #tpu.memory_space<hbm>>) target_semaphore(%arg18 : memref<!tpu.dma_semaphore, #tpu.memory_space<semaphore_mem>>)
      %add3A_250 = arith.constant 3 : i32
      %add3A_251 = arith.addi %mul3A_156, %add3A_250 : i32
      %dma_wait3A_252 = arith.constant 0 : i32
      %dma_wait3A_253 = tpu.memref_slice %arg4[%mul3A_2, %dma_wait3A_252] : memref<320000x128xi32, #tpu.memory_space<hbm>> -> memref<80x128xi32, #tpu.memory_space<hbm>>
      %dma_wait3A_254 = arith.constant 0 : i32
      %dma_wait3A_255 = tpu.memref_slice %arg4[%mul3A_2, %dma_wait3A_254] : memref<320000x128xi32, #tpu.memory_space<hbm>> -> memref<80x128xi32, #tpu.memory_space<hbm>>
      tpu.wait_dma2 semaphore(%arg16 : memref<!tpu.dma_semaphore, #tpu.memory_space<semaphore_mem>>) src(%arg6 : memref<80x128xi32, #tpu.memory_space<vmem>>) dst(%dma_wait3A_255 : memref<80x128xi32, #tpu.memory_space<hbm>>)
      %add3A_256 = arith.constant 2 : i32
      %add3A_257 = arith.addi %add3A_251, %add3A_256 : i32
      %lt3A_258 = arith.constant 125 : i32
      %lt3A_259 = arith.cmpi slt, %add3A_257, %lt3A_258 : i32
      %jit3A_260 = arith.constant 0 : i32
      %select_n3A_261 = arith.select %lt3A_259, %add3A_257, %jit3A_260 : i32
      %dma_start3A_262 = arith.constant 0 : i32
      %dma_start3A_263 = tpu.memref_slice %arg5[%select_n3A_261, %dma_start3A_262] : memref<125x80xi32, #tpu.memory_space<vmem>> -> memref<1x80xi32, #tpu.memory_space<vmem>>
      %dma_start3A_264 = tpu.memref_squeeze %dma_start3A_263 : memref<1x80xi32, #tpu.memory_space<vmem>> -> memref<80xi32, #tpu.memory_space<vmem>>
      %dma_start3A_265 = arith.constant 0 : i32
      %dma_start3A_266 = arith.constant 0 : i32
      %dma_start3A_267 = tpu.memref_slice %arg2[%dma_start3A_265, %dma_start3A_266] : memref<160000x128xi32, #tpu.memory_space<hbm>> -> memref<160000x128xi32, #tpu.memory_space<hbm>>
      tpu.enqueue_indirect_dma source(%dma_start3A_267 : memref<160000x128xi32, #tpu.memory_space<hbm>>) target(%arg6 : memref<80x128xi32, #tpu.memory_space<vmem>>) offsets(%dma_start3A_264 : memref<80xi32, #tpu.memory_space<vmem>>) semaphore(%arg11 : memref<!tpu.dma_semaphore, #tpu.memory_space<semaphore_mem>>)
      %dma_wait3A_268 = arith.constant 0 : i32
      %dma_wait3A_269 = arith.constant 0 : i32
      %dma_wait3A_270 = tpu.memref_slice %arg5[%dma_wait3A_268, %dma_wait3A_269] : memref<125x80xi32, #tpu.memory_space<vmem>> -> memref<1x80xi32, #tpu.memory_space<vmem>>
      %dma_wait3A_271 = tpu.memref_squeeze %dma_wait3A_270 : memref<1x80xi32, #tpu.memory_space<vmem>> -> memref<80xi32, #tpu.memory_space<vmem>>
      %dma_wait3A_272 = arith.constant 0 : i32
      %dma_wait3A_273 = arith.constant 0 : i32
      %dma_wait3A_274 = tpu.memref_slice %arg2[%dma_wait3A_272, %dma_wait3A_273] : memref<160000x128xi32, #tpu.memory_space<hbm>> -> memref<160000x128xi32, #tpu.memory_space<hbm>>
      tpu.wait_indirect_dma semaphore(%arg14 : memref<!tpu.dma_semaphore, #tpu.memory_space<semaphore_mem>>) src(%dma_wait3A_274 : memref<160000x128xi32, #tpu.memory_space<hbm>>) dst(%arg9 : memref<80x128xi32, #tpu.memory_space<vmem>>)
      %mul3A_275 = arith.constant 80 : i32
      %mul3A_276 = arith.muli %add3A_251, %mul3A_275 : i32
      %add3A_277 = arith.addi %mul3A_2, %mul3A_276 : i32
      %dma_start3A_278 = arith.constant 0 : i32
      %dma_start3A_279 = tpu.memref_slice %arg4[%add3A_277, %dma_start3A_278] : memref<320000x128xi32, #tpu.memory_space<hbm>> -> memref<80x128xi32, #tpu.memory_space<hbm>>
      %dma_start3A_280 = arith.constant 0 : i32
      %dma_start3A_281 = tpu.memref_slice %arg4[%add3A_277, %dma_start3A_280] : memref<320000x128xi32, #tpu.memory_space<hbm>> -> memref<80x128xi32, #tpu.memory_space<hbm>>
      tpu.enqueue_dma source(%arg9 : memref<80x128xi32, #tpu.memory_space<vmem>>) target(%dma_start3A_281 : memref<80x128xi32, #tpu.memory_space<hbm>>) target_semaphore(%arg19 : memref<!tpu.dma_semaphore, #tpu.memory_space<semaphore_mem>>)
      %add3A_282 = arith.constant 4 : i32
      %add3A_283 = arith.addi %mul3A_156, %add3A_282 : i32
      %dma_wait3A_284 = arith.constant 0 : i32
      %dma_wait3A_285 = tpu.memref_slice %arg4[%mul3A_2, %dma_wait3A_284] : memref<320000x128xi32, #tpu.memory_space<hbm>> -> memref<80x128xi32, #tpu.memory_space<hbm>>
      %dma_wait3A_286 = arith.constant 0 : i32
      %dma_wait3A_287 = tpu.memref_slice %arg4[%mul3A_2, %dma_wait3A_286] : memref<320000x128xi32, #tpu.memory_space<hbm>> -> memref<80x128xi32, #tpu.memory_space<hbm>>
      tpu.wait_dma2 semaphore(%arg17 : memref<!tpu.dma_semaphore, #tpu.memory_space<semaphore_mem>>) src(%arg7 : memref<80x128xi32, #tpu.memory_space<vmem>>) dst(%dma_wait3A_287 : memref<80x128xi32, #tpu.memory_space<hbm>>)
      %add3A_288 = arith.constant 2 : i32
      %add3A_289 = arith.addi %add3A_283, %add3A_288 : i32
      %lt3A_290 = arith.constant 125 : i32
      %lt3A_291 = arith.cmpi slt, %add3A_289, %lt3A_290 : i32
      %jit3A_292 = arith.constant 0 : i32
      %select_n3A_293 = arith.select %lt3A_291, %add3A_289, %jit3A_292 : i32
      %dma_start3A_294 = arith.constant 0 : i32
      %dma_start3A_295 = tpu.memref_slice %arg5[%select_n3A_293, %dma_start3A_294] : memref<125x80xi32, #tpu.memory_space<vmem>> -> memref<1x80xi32, #tpu.memory_space<vmem>>
      %dma_start3A_296 = tpu.memref_squeeze %dma_start3A_295 : memref<1x80xi32, #tpu.memory_space<vmem>> -> memref<80xi32, #tpu.memory_space<vmem>>
      %dma_start3A_297 = arith.constant 0 : i32
      %dma_start3A_298 = arith.constant 0 : i32
      %dma_start3A_299 = tpu.memref_slice %arg2[%dma_start3A_297, %dma_start3A_298] : memref<160000x128xi32, #tpu.memory_space<hbm>> -> memref<160000x128xi32, #tpu.memory_space<hbm>>
      tpu.enqueue_indirect_dma source(%dma_start3A_299 : memref<160000x128xi32, #tpu.memory_space<hbm>>) target(%arg7 : memref<80x128xi32, #tpu.memory_space<vmem>>) offsets(%dma_start3A_296 : memref<80xi32, #tpu.memory_space<vmem>>) semaphore(%arg12 : memref<!tpu.dma_semaphore, #tpu.memory_space<semaphore_mem>>)
      %dma_wait3A_300 = arith.constant 0 : i32
      %dma_wait3A_301 = arith.constant 0 : i32
      %dma_wait3A_302 = tpu.memref_slice %arg5[%dma_wait3A_300, %dma_wait3A_301] : memref<125x80xi32, #tpu.memory_space<vmem>> -> memref<1x80xi32, #tpu.memory_space<vmem>>
      %dma_wait3A_303 = tpu.memref_squeeze %dma_wait3A_302 : memref<1x80xi32, #tpu.memory_space<vmem>> -> memref<80xi32, #tpu.memory_space<vmem>>
      %dma_wait3A_304 = arith.constant 0 : i32
      %dma_wait3A_305 = arith.constant 0 : i32
      %dma_wait3A_306 = tpu.memref_slice %arg2[%dma_wait3A_304, %dma_wait3A_305] : memref<160000x128xi32, #tpu.memory_space<hbm>> -> memref<160000x128xi32, #tpu.memory_space<hbm>>
      tpu.wait_indirect_dma semaphore(%arg15 : memref<!tpu.dma_semaphore, #tpu.memory_space<semaphore_mem>>) src(%dma_wait3A_306 : memref<160000x128xi32, #tpu.memory_space<hbm>>) dst(%arg10 : memref<80x128xi32, #tpu.memory_space<vmem>>)
      %mul3A_307 = arith.constant 80 : i32
      %mul3A_308 = arith.muli %add3A_283, %mul3A_307 : i32
      %add3A_309 = arith.addi %mul3A_2, %mul3A_308 : i32
      %dma_start3A_310 = arith.constant 0 : i32
      %dma_start3A_311 = tpu.memref_slice %arg4[%add3A_309, %dma_start3A_310] : memref<320000x128xi32, #tpu.memory_space<hbm>> -> memref<80x128xi32, #tpu.memory_space<hbm>>
      %dma_start3A_312 = arith.constant 0 : i32
      %dma_start3A_313 = tpu.memref_slice %arg4[%add3A_309, %dma_start3A_312] : memref<320000x128xi32, #tpu.memory_space<hbm>> -> memref<80x128xi32, #tpu.memory_space<hbm>>
      tpu.enqueue_dma source(%arg10 : memref<80x128xi32, #tpu.memory_space<vmem>>) target(%dma_start3A_313 : memref<80x128xi32, #tpu.memory_space<hbm>>) target_semaphore(%arg20 : memref<!tpu.dma_semaphore, #tpu.memory_space<semaphore_mem>>)
    }
    %scan3A_127 = arith.constant 24 : i32
    %dma_wait3A_128 = arith.constant 0 : i32
    %dma_wait3A_129 = arith.constant 0 : i32
    %dma_wait3A_130 = tpu.memref_slice %arg5[%dma_wait3A_128, %dma_wait3A_129] : memref<125x80xi32, #tpu.memory_space<vmem>> -> memref<1x80xi32, #tpu.memory_space<vmem>>
    %dma_wait3A_131 = tpu.memref_squeeze %dma_wait3A_130 : memref<1x80xi32, #tpu.memory_space<vmem>> -> memref<80xi32, #tpu.memory_space<vmem>>
    %dma_wait3A_132 = arith.constant 0 : i32
    %dma_wait3A_133 = arith.constant 0 : i32
    %dma_wait3A_134 = tpu.memref_slice %arg2[%dma_wait3A_132, %dma_wait3A_133] : memref<160000x128xi32, #tpu.memory_space<hbm>> -> memref<160000x128xi32, #tpu.memory_space<hbm>>
    tpu.wait_indirect_dma semaphore(%arg11 : memref<!tpu.dma_semaphore, #tpu.memory_space<semaphore_mem>>) src(%dma_wait3A_134 : memref<160000x128xi32, #tpu.memory_space<hbm>>) dst(%arg6 : memref<80x128xi32, #tpu.memory_space<vmem>>)
    %dma_wait3A_135 = arith.constant 0 : i32
    %dma_wait3A_136 = arith.constant 0 : i32
    %dma_wait3A_137 = tpu.memref_slice %arg5[%dma_wait3A_135, %dma_wait3A_136] : memref<125x80xi32, #tpu.memory_space<vmem>> -> memref<1x80xi32, #tpu.memory_space<vmem>>
    %dma_wait3A_138 = tpu.memref_squeeze %dma_wait3A_137 : memref<1x80xi32, #tpu.memory_space<vmem>> -> memref<80xi32, #tpu.memory_space<vmem>>
    %dma_wait3A_139 = arith.constant 0 : i32
    %dma_wait3A_140 = arith.constant 0 : i32
    %dma_wait3A_141 = tpu.memref_slice %arg2[%dma_wait3A_139, %dma_wait3A_140] : memref<160000x128xi32, #tpu.memory_space<hbm>> -> memref<160000x128xi32, #tpu.memory_space<hbm>>
    tpu.wait_indirect_dma semaphore(%arg12 : memref<!tpu.dma_semaphore, #tpu.memory_space<semaphore_mem>>) src(%dma_wait3A_141 : memref<160000x128xi32, #tpu.memory_space<hbm>>) dst(%arg7 : memref<80x128xi32, #tpu.memory_space<vmem>>)
    %dma_wait3A_142 = arith.constant 0 : i32
    %dma_wait3A_143 = tpu.memref_slice %arg4[%mul3A_2, %dma_wait3A_142] : memref<320000x128xi32, #tpu.memory_space<hbm>> -> memref<80x128xi32, #tpu.memory_space<hbm>>
    %dma_wait3A_144 = arith.constant 0 : i32
    %dma_wait3A_145 = tpu.memref_slice %arg4[%mul3A_2, %dma_wait3A_144] : memref<320000x128xi32, #tpu.memory_space<hbm>> -> memref<80x128xi32, #tpu.memory_space<hbm>>
    tpu.wait_dma2 semaphore(%arg18 : memref<!tpu.dma_semaphore, #tpu.memory_space<semaphore_mem>>) src(%arg8 : memref<80x128xi32, #tpu.memory_space<vmem>>) dst(%dma_wait3A_145 : memref<80x128xi32, #tpu.memory_space<hbm>>)
    %dma_wait3A_146 = arith.constant 0 : i32
    %dma_wait3A_147 = tpu.memref_slice %arg4[%mul3A_2, %dma_wait3A_146] : memref<320000x128xi32, #tpu.memory_space<hbm>> -> memref<80x128xi32, #tpu.memory_space<hbm>>
    %dma_wait3A_148 = arith.constant 0 : i32
    %dma_wait3A_149 = tpu.memref_slice %arg4[%mul3A_2, %dma_wait3A_148] : memref<320000x128xi32, #tpu.memory_space<hbm>> -> memref<80x128xi32, #tpu.memory_space<hbm>>
    tpu.wait_dma2 semaphore(%arg19 : memref<!tpu.dma_semaphore, #tpu.memory_space<semaphore_mem>>) src(%arg9 : memref<80x128xi32, #tpu.memory_space<vmem>>) dst(%dma_wait3A_149 : memref<80x128xi32, #tpu.memory_space<hbm>>)
    %dma_wait3A_150 = arith.constant 0 : i32
    %dma_wait3A_151 = tpu.memref_slice %arg4[%mul3A_2, %dma_wait3A_150] : memref<320000x128xi32, #tpu.memory_space<hbm>> -> memref<80x128xi32, #tpu.memory_space<hbm>>
    %dma_wait3A_152 = arith.constant 0 : i32
    %dma_wait3A_153 = tpu.memref_slice %arg4[%mul3A_2, %dma_wait3A_152] : memref<320000x128xi32, #tpu.memory_space<hbm>> -> memref<80x128xi32, #tpu.memory_space<hbm>>
    tpu.wait_dma2 semaphore(%arg20 : memref<!tpu.dma_semaphore, #tpu.memory_space<semaphore_mem>>) src(%arg10 : memref<80x128xi32, #tpu.memory_space<vmem>>) dst(%dma_wait3A_153 : memref<80x128xi32, #tpu.memory_space<hbm>>)
    return
  }
}

#map = affine_map<(d0, d1) -> (0, 0)>
#map1 = affine_map<(d0, d1) -> (0, 0, 0)>
module attributes {stable_mosaic.version = 14 : i64} {
  func.func @_sc_gather_body(%arg0: i32, %arg1: i32, %arg2: memref<160000x128xi32, #tpu.memory_space<hbm>>, %arg3: memref<32x125x80xi32, #tpu.memory_space<hbm>>, %arg4: memref<320000x128xi32, #tpu.memory_space<hbm>>, %arg5: memref<125x80xi32, #tpu.memory_space<vmem>>, %arg6: memref<80x128xi32, #tpu.memory_space<vmem>>, %arg7: memref<80x128xi32, #tpu.memory_space<vmem>>, %arg8: memref<80x128xi32, #tpu.memory_space<vmem>>, %arg9: memref<80x128xi32, #tpu.memory_space<vmem>>, %arg10: memref<80x128xi32, #tpu.memory_space<vmem>>, %arg11: memref<!tpu.dma_semaphore, #tpu.memory_space<semaphore_mem>>, %arg12: memref<!tpu.dma_semaphore, #tpu.memory_space<semaphore_mem>>, %arg13: memref<!tpu.dma_semaphore, #tpu.memory_space<semaphore_mem>>, %arg14: memref<!tpu.dma_semaphore, #tpu.memory_space<semaphore_mem>>, %arg15: memref<!tpu.dma_semaphore, #tpu.memory_space<semaphore_mem>>, %arg16: memref<!tpu.dma_semaphore, #tpu.memory_space<semaphore_mem>>, %arg17: memref<!tpu.dma_semaphore, #tpu.memory_space<semaphore_mem>>, %arg18: memref<!tpu.dma_semaphore, #tpu.memory_space<semaphore_mem>>, %arg19: memref<!tpu.dma_semaphore, #tpu.memory_space<semaphore_mem>>, %arg20: memref<!tpu.dma_semaphore, #tpu.memory_space<semaphore_mem>>) attributes {dimension_semantics = [#tpu.dimension_semantics<core_parallel>, #tpu.dimension_semantics<subcore_parallel>], iteration_bounds = array<i64: 2, 16>, scalar_prefetch = 0 : i64, scratch_operands = 16 : i64, tpu.core_type = #tpu.core_type<sc_vector_subcore>, window_params = [{transform_indices = #map}, {transform_indices = #map1}, {transform_indices = #map}]} {
    %mul3A = arith.constant 2 : i32
    %mul3A_0 = arith.muli %arg1, %mul3A : i32
    %add3A = arith.addi %mul3A_0, %arg0 : i32
    %mul3A_1 = arith.constant 10000 : i32
    %mul3A_2 = arith.muli %add3A, %mul3A_1 : i32
    "tpu.region"() ({
      %run_scoped3A = tpu.sem_alloc : memref<!tpu.dma_semaphore, #tpu.memory_space<semaphore_mem>>
      %dma_start3A_154 = arith.constant 0 : i32
      %dma_start3A_155 = arith.constant 0 : i32
      %dma_start3A_156 = tpu.memref_slice %arg3[%add3A, %dma_start3A_154, %dma_start3A_155] : memref<32x125x80xi32, #tpu.memory_space<hbm>> -> memref<1x125x80xi32, #tpu.memory_space<hbm>>
      %dma_start3A_157 = tpu.memref_squeeze %dma_start3A_156 : memref<1x125x80xi32, #tpu.memory_space<hbm>> -> memref<125x80xi32, #tpu.memory_space<hbm>>
      %dma_start3A_158 = arith.constant 0 : i32
      %dma_start3A_159 = arith.constant 0 : i32
      %dma_start3A_160 = tpu.memref_slice %arg3[%add3A, %dma_start3A_158, %dma_start3A_159] : memref<32x125x80xi32, #tpu.memory_space<hbm>> -> memref<1x125x80xi32, #tpu.memory_space<hbm>>
      %dma_start3A_161 = tpu.memref_squeeze %dma_start3A_160 : memref<1x125x80xi32, #tpu.memory_space<hbm>> -> memref<125x80xi32, #tpu.memory_space<hbm>>
      tpu.enqueue_dma source(%dma_start3A_161 : memref<125x80xi32, #tpu.memory_space<hbm>>) target(%arg5 : memref<125x80xi32, #tpu.memory_space<vmem>>) target_semaphore(%run_scoped3A : memref<!tpu.dma_semaphore, #tpu.memory_space<semaphore_mem>>)
      %dma_wait3A_162 = arith.constant 0 : i32
      %dma_wait3A_163 = arith.constant 0 : i32
      %dma_wait3A_164 = tpu.memref_slice %arg3[%add3A, %dma_wait3A_162, %dma_wait3A_163] : memref<32x125x80xi32, #tpu.memory_space<hbm>> -> memref<1x125x80xi32, #tpu.memory_space<hbm>>
      %dma_wait3A_165 = tpu.memref_squeeze %dma_wait3A_164 : memref<1x125x80xi32, #tpu.memory_space<hbm>> -> memref<125x80xi32, #tpu.memory_space<hbm>>
      %dma_wait3A_166 = arith.constant 0 : i32
      %dma_wait3A_167 = arith.constant 0 : i32
      %dma_wait3A_168 = tpu.memref_slice %arg3[%add3A, %dma_wait3A_166, %dma_wait3A_167] : memref<32x125x80xi32, #tpu.memory_space<hbm>> -> memref<1x125x80xi32, #tpu.memory_space<hbm>>
      %dma_wait3A_169 = tpu.memref_squeeze %dma_wait3A_168 : memref<1x125x80xi32, #tpu.memory_space<hbm>> -> memref<125x80xi32, #tpu.memory_space<hbm>>
      tpu.wait_dma2 semaphore(%run_scoped3A : memref<!tpu.dma_semaphore, #tpu.memory_space<semaphore_mem>>) src(%dma_wait3A_169 : memref<125x80xi32, #tpu.memory_space<hbm>>) dst(%arg5 : memref<125x80xi32, #tpu.memory_space<vmem>>)
      tpu.yield
    }) : () -> ()
    %dma_start3A = arith.constant 0 : i32
    %dma_start3A_3 = arith.constant 0 : i32
    %dma_start3A_4 = tpu.memref_slice %arg5[%dma_start3A, %dma_start3A_3] : memref<125x80xi32, #tpu.memory_space<vmem>> -> memref<1x80xi32, #tpu.memory_space<vmem>>
    %dma_start3A_5 = tpu.memref_squeeze %dma_start3A_4 : memref<1x80xi32, #tpu.memory_space<vmem>> -> memref<80xi32, #tpu.memory_space<vmem>>
    %dma_start3A_6 = arith.constant 0 : i32
    %dma_start3A_7 = arith.constant 0 : i32
    %dma_start3A_8 = tpu.memref_slice %arg2[%dma_start3A_6, %dma_start3A_7] : memref<160000x128xi32, #tpu.memory_space<hbm>> -> memref<160000x128xi32, #tpu.memory_space<hbm>>
    tpu.enqueue_indirect_dma source(%dma_start3A_8 : memref<160000x128xi32, #tpu.memory_space<hbm>>) target(%arg6 : memref<80x128xi32, #tpu.memory_space<vmem>>) offsets(%dma_start3A_5 : memref<80xi32, #tpu.memory_space<vmem>>) semaphore(%arg11 : memref<!tpu.dma_semaphore, #tpu.memory_space<semaphore_mem>>)
    %dma_start3A_9 = arith.constant 1 : i32
    %dma_start3A_10 = arith.constant 0 : i32
    %dma_start3A_11 = tpu.memref_slice %arg5[%dma_start3A_9, %dma_start3A_10] : memref<125x80xi32, #tpu.memory_space<vmem>> -> memref<1x80xi32, #tpu.memory_space<vmem>>
    %dma_start3A_12 = tpu.memref_squeeze %dma_start3A_11 : memref<1x80xi32, #tpu.memory_space<vmem>> -> memref<80xi32, #tpu.memory_space<vmem>>
    %dma_start3A_13 = arith.constant 0 : i32
    %dma_start3A_14 = arith.constant 0 : i32
    %dma_start3A_15 = tpu.memref_slice %arg2[%dma_start3A_13, %dma_start3A_14] : memref<160000x128xi32, #tpu.memory_space<hbm>> -> memref<160000x128xi32, #tpu.memory_space<hbm>>
    tpu.enqueue_indirect_dma source(%dma_start3A_15 : memref<160000x128xi32, #tpu.memory_space<hbm>>) target(%arg7 : memref<80x128xi32, #tpu.memory_space<vmem>>) offsets(%dma_start3A_12 : memref<80xi32, #tpu.memory_space<vmem>>) semaphore(%arg12 : memref<!tpu.dma_semaphore, #tpu.memory_space<semaphore_mem>>)
    %dma_start3A_16 = arith.constant 2 : i32
    %dma_start3A_17 = arith.constant 0 : i32
    %dma_start3A_18 = tpu.memref_slice %arg5[%dma_start3A_16, %dma_start3A_17] : memref<125x80xi32, #tpu.memory_space<vmem>> -> memref<1x80xi32, #tpu.memory_space<vmem>>
    %dma_start3A_19 = tpu.memref_squeeze %dma_start3A_18 : memref<1x80xi32, #tpu.memory_space<vmem>> -> memref<80xi32, #tpu.memory_space<vmem>>
    %dma_start3A_20 = arith.constant 0 : i32
    %dma_start3A_21 = arith.constant 0 : i32
    %dma_start3A_22 = tpu.memref_slice %arg2[%dma_start3A_20, %dma_start3A_21] : memref<160000x128xi32, #tpu.memory_space<hbm>> -> memref<160000x128xi32, #tpu.memory_space<hbm>>
    tpu.enqueue_indirect_dma source(%dma_start3A_22 : memref<160000x128xi32, #tpu.memory_space<hbm>>) target(%arg8 : memref<80x128xi32, #tpu.memory_space<vmem>>) offsets(%dma_start3A_19 : memref<80xi32, #tpu.memory_space<vmem>>) semaphore(%arg13 : memref<!tpu.dma_semaphore, #tpu.memory_space<semaphore_mem>>)
    %dma_wait3A = arith.constant 0 : i32
    %dma_wait3A_23 = arith.constant 0 : i32
    %dma_wait3A_24 = tpu.memref_slice %arg5[%dma_wait3A, %dma_wait3A_23] : memref<125x80xi32, #tpu.memory_space<vmem>> -> memref<1x80xi32, #tpu.memory_space<vmem>>
    %dma_wait3A_25 = tpu.memref_squeeze %dma_wait3A_24 : memref<1x80xi32, #tpu.memory_space<vmem>> -> memref<80xi32, #tpu.memory_space<vmem>>
    %dma_wait3A_26 = arith.constant 0 : i32
    %dma_wait3A_27 = arith.constant 0 : i32
    %dma_wait3A_28 = tpu.memref_slice %arg2[%dma_wait3A_26, %dma_wait3A_27] : memref<160000x128xi32, #tpu.memory_space<hbm>> -> memref<160000x128xi32, #tpu.memory_space<hbm>>
    tpu.wait_indirect_dma semaphore(%arg11 : memref<!tpu.dma_semaphore, #tpu.memory_space<semaphore_mem>>) src(%dma_wait3A_28 : memref<160000x128xi32, #tpu.memory_space<hbm>>) dst(%arg6 : memref<80x128xi32, #tpu.memory_space<vmem>>)
    %add3A_29 = arith.constant 0 : i32
    %add3A_30 = arith.addi %mul3A_2, %add3A_29 : i32
    %dma_start3A_31 = arith.constant 0 : i32
    %dma_start3A_32 = tpu.memref_slice %arg4[%add3A_30, %dma_start3A_31] : memref<320000x128xi32, #tpu.memory_space<hbm>> -> memref<80x128xi32, #tpu.memory_space<hbm>>
    %dma_start3A_33 = arith.constant 0 : i32
    %dma_start3A_34 = tpu.memref_slice %arg4[%add3A_30, %dma_start3A_33] : memref<320000x128xi32, #tpu.memory_space<hbm>> -> memref<80x128xi32, #tpu.memory_space<hbm>>
    tpu.enqueue_dma source(%arg6 : memref<80x128xi32, #tpu.memory_space<vmem>>) target(%dma_start3A_34 : memref<80x128xi32, #tpu.memory_space<hbm>>) target_semaphore(%arg16 : memref<!tpu.dma_semaphore, #tpu.memory_space<semaphore_mem>>)
    %dma_start3A_35 = arith.constant 3 : i32
    %dma_start3A_36 = arith.constant 0 : i32
    %dma_start3A_37 = tpu.memref_slice %arg5[%dma_start3A_35, %dma_start3A_36] : memref<125x80xi32, #tpu.memory_space<vmem>> -> memref<1x80xi32, #tpu.memory_space<vmem>>
    %dma_start3A_38 = tpu.memref_squeeze %dma_start3A_37 : memref<1x80xi32, #tpu.memory_space<vmem>> -> memref<80xi32, #tpu.memory_space<vmem>>
    %dma_start3A_39 = arith.constant 0 : i32
    %dma_start3A_40 = arith.constant 0 : i32
    %dma_start3A_41 = tpu.memref_slice %arg2[%dma_start3A_39, %dma_start3A_40] : memref<160000x128xi32, #tpu.memory_space<hbm>> -> memref<160000x128xi32, #tpu.memory_space<hbm>>
    tpu.enqueue_indirect_dma source(%dma_start3A_41 : memref<160000x128xi32, #tpu.memory_space<hbm>>) target(%arg9 : memref<80x128xi32, #tpu.memory_space<vmem>>) offsets(%dma_start3A_38 : memref<80xi32, #tpu.memory_space<vmem>>) semaphore(%arg14 : memref<!tpu.dma_semaphore, #tpu.memory_space<semaphore_mem>>)
    %dma_wait3A_42 = arith.constant 0 : i32
    %dma_wait3A_43 = arith.constant 0 : i32
    %dma_wait3A_44 = tpu.memref_slice %arg5[%dma_wait3A_42, %dma_wait3A_43] : memref<125x80xi32, #tpu.memory_space<vmem>> -> memref<1x80xi32, #tpu.memory_space<vmem>>
    %dma_wait3A_45 = tpu.memref_squeeze %dma_wait3A_44 : memref<1x80xi32, #tpu.memory_space<vmem>> -> memref<80xi32, #tpu.memory_space<vmem>>
    %dma_wait3A_46 = arith.constant 0 : i32
    %dma_wait3A_47 = arith.constant 0 : i32
    %dma_wait3A_48 = tpu.memref_slice %arg2[%dma_wait3A_46, %dma_wait3A_47] : memref<160000x128xi32, #tpu.memory_space<hbm>> -> memref<160000x128xi32, #tpu.memory_space<hbm>>
    tpu.wait_indirect_dma semaphore(%arg12 : memref<!tpu.dma_semaphore, #tpu.memory_space<semaphore_mem>>) src(%dma_wait3A_48 : memref<160000x128xi32, #tpu.memory_space<hbm>>) dst(%arg7 : memref<80x128xi32, #tpu.memory_space<vmem>>)
    %add3A_49 = arith.constant 80 : i32
    %add3A_50 = arith.addi %mul3A_2, %add3A_49 : i32
    %dma_start3A_51 = arith.constant 0 : i32
    %dma_start3A_52 = tpu.memref_slice %arg4[%add3A_50, %dma_start3A_51] : memref<320000x128xi32, #tpu.memory_space<hbm>> -> memref<80x128xi32, #tpu.memory_space<hbm>>
    %dma_start3A_53 = arith.constant 0 : i32
    %dma_start3A_54 = tpu.memref_slice %arg4[%add3A_50, %dma_start3A_53] : memref<320000x128xi32, #tpu.memory_space<hbm>> -> memref<80x128xi32, #tpu.memory_space<hbm>>
    tpu.enqueue_dma source(%arg7 : memref<80x128xi32, #tpu.memory_space<vmem>>) target(%dma_start3A_54 : memref<80x128xi32, #tpu.memory_space<hbm>>) target_semaphore(%arg17 : memref<!tpu.dma_semaphore, #tpu.memory_space<semaphore_mem>>)
    %dma_start3A_55 = arith.constant 4 : i32
    %dma_start3A_56 = arith.constant 0 : i32
    %dma_start3A_57 = tpu.memref_slice %arg5[%dma_start3A_55, %dma_start3A_56] : memref<125x80xi32, #tpu.memory_space<vmem>> -> memref<1x80xi32, #tpu.memory_space<vmem>>
    %dma_start3A_58 = tpu.memref_squeeze %dma_start3A_57 : memref<1x80xi32, #tpu.memory_space<vmem>> -> memref<80xi32, #tpu.memory_space<vmem>>
    %dma_start3A_59 = arith.constant 0 : i32
    %dma_start3A_60 = arith.constant 0 : i32
    %dma_start3A_61 = tpu.memref_slice %arg2[%dma_start3A_59, %dma_start3A_60] : memref<160000x128xi32, #tpu.memory_space<hbm>> -> memref<160000x128xi32, #tpu.memory_space<hbm>>
    tpu.enqueue_indirect_dma source(%dma_start3A_61 : memref<160000x128xi32, #tpu.memory_space<hbm>>) target(%arg10 : memref<80x128xi32, #tpu.memory_space<vmem>>) offsets(%dma_start3A_58 : memref<80xi32, #tpu.memory_space<vmem>>) semaphore(%arg15 : memref<!tpu.dma_semaphore, #tpu.memory_space<semaphore_mem>>)
    %dma_wait3A_62 = arith.constant 0 : i32
    %dma_wait3A_63 = arith.constant 0 : i32
    %dma_wait3A_64 = tpu.memref_slice %arg5[%dma_wait3A_62, %dma_wait3A_63] : memref<125x80xi32, #tpu.memory_space<vmem>> -> memref<1x80xi32, #tpu.memory_space<vmem>>
    %dma_wait3A_65 = tpu.memref_squeeze %dma_wait3A_64 : memref<1x80xi32, #tpu.memory_space<vmem>> -> memref<80xi32, #tpu.memory_space<vmem>>
    %dma_wait3A_66 = arith.constant 0 : i32
    %dma_wait3A_67 = arith.constant 0 : i32
    %dma_wait3A_68 = tpu.memref_slice %arg2[%dma_wait3A_66, %dma_wait3A_67] : memref<160000x128xi32, #tpu.memory_space<hbm>> -> memref<160000x128xi32, #tpu.memory_space<hbm>>
    tpu.wait_indirect_dma semaphore(%arg13 : memref<!tpu.dma_semaphore, #tpu.memory_space<semaphore_mem>>) src(%dma_wait3A_68 : memref<160000x128xi32, #tpu.memory_space<hbm>>) dst(%arg8 : memref<80x128xi32, #tpu.memory_space<vmem>>)
    %add3A_69 = arith.constant 160 : i32
    %add3A_70 = arith.addi %mul3A_2, %add3A_69 : i32
    %dma_start3A_71 = arith.constant 0 : i32
    %dma_start3A_72 = tpu.memref_slice %arg4[%add3A_70, %dma_start3A_71] : memref<320000x128xi32, #tpu.memory_space<hbm>> -> memref<80x128xi32, #tpu.memory_space<hbm>>
    %dma_start3A_73 = arith.constant 0 : i32
    %dma_start3A_74 = tpu.memref_slice %arg4[%add3A_70, %dma_start3A_73] : memref<320000x128xi32, #tpu.memory_space<hbm>> -> memref<80x128xi32, #tpu.memory_space<hbm>>
    tpu.enqueue_dma source(%arg8 : memref<80x128xi32, #tpu.memory_space<vmem>>) target(%dma_start3A_74 : memref<80x128xi32, #tpu.memory_space<hbm>>) target_semaphore(%arg18 : memref<!tpu.dma_semaphore, #tpu.memory_space<semaphore_mem>>)
    %dma_wait3A_75 = arith.constant 0 : i32
    %dma_wait3A_76 = tpu.memref_slice %arg4[%mul3A_2, %dma_wait3A_75] : memref<320000x128xi32, #tpu.memory_space<hbm>> -> memref<80x128xi32, #tpu.memory_space<hbm>>
    %dma_wait3A_77 = arith.constant 0 : i32
    %dma_wait3A_78 = tpu.memref_slice %arg4[%mul3A_2, %dma_wait3A_77] : memref<320000x128xi32, #tpu.memory_space<hbm>> -> memref<80x128xi32, #tpu.memory_space<hbm>>
    tpu.wait_dma2 semaphore(%arg16 : memref<!tpu.dma_semaphore, #tpu.memory_space<semaphore_mem>>) src(%arg6 : memref<80x128xi32, #tpu.memory_space<vmem>>) dst(%dma_wait3A_78 : memref<80x128xi32, #tpu.memory_space<hbm>>)
    %dma_start3A_79 = arith.constant 5 : i32
    %dma_start3A_80 = arith.constant 0 : i32
    %dma_start3A_81 = tpu.memref_slice %arg5[%dma_start3A_79, %dma_start3A_80] : memref<125x80xi32, #tpu.memory_space<vmem>> -> memref<1x80xi32, #tpu.memory_space<vmem>>
    %dma_start3A_82 = tpu.memref_squeeze %dma_start3A_81 : memref<1x80xi32, #tpu.memory_space<vmem>> -> memref<80xi32, #tpu.memory_space<vmem>>
    %dma_start3A_83 = arith.constant 0 : i32
    %dma_start3A_84 = arith.constant 0 : i32
    %dma_start3A_85 = tpu.memref_slice %arg2[%dma_start3A_83, %dma_start3A_84] : memref<160000x128xi32, #tpu.memory_space<hbm>> -> memref<160000x128xi32, #tpu.memory_space<hbm>>
    tpu.enqueue_indirect_dma source(%dma_start3A_85 : memref<160000x128xi32, #tpu.memory_space<hbm>>) target(%arg6 : memref<80x128xi32, #tpu.memory_space<vmem>>) offsets(%dma_start3A_82 : memref<80xi32, #tpu.memory_space<vmem>>) semaphore(%arg11 : memref<!tpu.dma_semaphore, #tpu.memory_space<semaphore_mem>>)
    %dma_wait3A_86 = arith.constant 0 : i32
    %dma_wait3A_87 = arith.constant 0 : i32
    %dma_wait3A_88 = tpu.memref_slice %arg5[%dma_wait3A_86, %dma_wait3A_87] : memref<125x80xi32, #tpu.memory_space<vmem>> -> memref<1x80xi32, #tpu.memory_space<vmem>>
    %dma_wait3A_89 = tpu.memref_squeeze %dma_wait3A_88 : memref<1x80xi32, #tpu.memory_space<vmem>> -> memref<80xi32, #tpu.memory_space<vmem>>
    %dma_wait3A_90 = arith.constant 0 : i32
    %dma_wait3A_91 = arith.constant 0 : i32
    %dma_wait3A_92 = tpu.memref_slice %arg2[%dma_wait3A_90, %dma_wait3A_91] : memref<160000x128xi32, #tpu.memory_space<hbm>> -> memref<160000x128xi32, #tpu.memory_space<hbm>>
    tpu.wait_indirect_dma semaphore(%arg14 : memref<!tpu.dma_semaphore, #tpu.memory_space<semaphore_mem>>) src(%dma_wait3A_92 : memref<160000x128xi32, #tpu.memory_space<hbm>>) dst(%arg9 : memref<80x128xi32, #tpu.memory_space<vmem>>)
    %add3A_93 = arith.constant 240 : i32
    %add3A_94 = arith.addi %mul3A_2, %add3A_93 : i32
    %dma_start3A_95 = arith.constant 0 : i32
    %dma_start3A_96 = tpu.memref_slice %arg4[%add3A_94, %dma_start3A_95] : memref<320000x128xi32, #tpu.memory_space<hbm>> -> memref<80x128xi32, #tpu.memory_space<hbm>>
    %dma_start3A_97 = arith.constant 0 : i32
    %dma_start3A_98 = tpu.memref_slice %arg4[%add3A_94, %dma_start3A_97] : memref<320000x128xi32, #tpu.memory_space<hbm>> -> memref<80x128xi32, #tpu.memory_space<hbm>>
    tpu.enqueue_dma source(%arg9 : memref<80x128xi32, #tpu.memory_space<vmem>>) target(%dma_start3A_98 : memref<80x128xi32, #tpu.memory_space<hbm>>) target_semaphore(%arg19 : memref<!tpu.dma_semaphore, #tpu.memory_space<semaphore_mem>>)
    %dma_wait3A_99 = arith.constant 0 : i32
    %dma_wait3A_100 = tpu.memref_slice %arg4[%mul3A_2, %dma_wait3A_99] : memref<320000x128xi32, #tpu.memory_space<hbm>> -> memref<80x128xi32, #tpu.memory_space<hbm>>
    %dma_wait3A_101 = arith.constant 0 : i32
    %dma_wait3A_102 = tpu.memref_slice %arg4[%mul3A_2, %dma_wait3A_101] : memref<320000x128xi32, #tpu.memory_space<hbm>> -> memref<80x128xi32, #tpu.memory_space<hbm>>
    tpu.wait_dma2 semaphore(%arg17 : memref<!tpu.dma_semaphore, #tpu.memory_space<semaphore_mem>>) src(%arg7 : memref<80x128xi32, #tpu.memory_space<vmem>>) dst(%dma_wait3A_102 : memref<80x128xi32, #tpu.memory_space<hbm>>)
    %dma_start3A_103 = arith.constant 6 : i32
    %dma_start3A_104 = arith.constant 0 : i32
    %dma_start3A_105 = tpu.memref_slice %arg5[%dma_start3A_103, %dma_start3A_104] : memref<125x80xi32, #tpu.memory_space<vmem>> -> memref<1x80xi32, #tpu.memory_space<vmem>>
    %dma_start3A_106 = tpu.memref_squeeze %dma_start3A_105 : memref<1x80xi32, #tpu.memory_space<vmem>> -> memref<80xi32, #tpu.memory_space<vmem>>
    %dma_start3A_107 = arith.constant 0 : i32
    %dma_start3A_108 = arith.constant 0 : i32
    %dma_start3A_109 = tpu.memref_slice %arg2[%dma_start3A_107, %dma_start3A_108] : memref<160000x128xi32, #tpu.memory_space<hbm>> -> memref<160000x128xi32, #tpu.memory_space<hbm>>
    tpu.enqueue_indirect_dma source(%dma_start3A_109 : memref<160000x128xi32, #tpu.memory_space<hbm>>) target(%arg7 : memref<80x128xi32, #tpu.memory_space<vmem>>) offsets(%dma_start3A_106 : memref<80xi32, #tpu.memory_space<vmem>>) semaphore(%arg12 : memref<!tpu.dma_semaphore, #tpu.memory_space<semaphore_mem>>)
    %dma_wait3A_110 = arith.constant 0 : i32
    %dma_wait3A_111 = arith.constant 0 : i32
    %dma_wait3A_112 = tpu.memref_slice %arg5[%dma_wait3A_110, %dma_wait3A_111] : memref<125x80xi32, #tpu.memory_space<vmem>> -> memref<1x80xi32, #tpu.memory_space<vmem>>
    %dma_wait3A_113 = tpu.memref_squeeze %dma_wait3A_112 : memref<1x80xi32, #tpu.memory_space<vmem>> -> memref<80xi32, #tpu.memory_space<vmem>>
    %dma_wait3A_114 = arith.constant 0 : i32
    %dma_wait3A_115 = arith.constant 0 : i32
    %dma_wait3A_116 = tpu.memref_slice %arg2[%dma_wait3A_114, %dma_wait3A_115] : memref<160000x128xi32, #tpu.memory_space<hbm>> -> memref<160000x128xi32, #tpu.memory_space<hbm>>
    tpu.wait_indirect_dma semaphore(%arg15 : memref<!tpu.dma_semaphore, #tpu.memory_space<semaphore_mem>>) src(%dma_wait3A_116 : memref<160000x128xi32, #tpu.memory_space<hbm>>) dst(%arg10 : memref<80x128xi32, #tpu.memory_space<vmem>>)
    %add3A_117 = arith.constant 320 : i32
    %add3A_118 = arith.addi %mul3A_2, %add3A_117 : i32
    %dma_start3A_119 = arith.constant 0 : i32
    %dma_start3A_120 = tpu.memref_slice %arg4[%add3A_118, %dma_start3A_119] : memref<320000x128xi32, #tpu.memory_space<hbm>> -> memref<80x128xi32, #tpu.memory_space<hbm>>
    %dma_start3A_121 = arith.constant 0 : i32
    %dma_start3A_122 = tpu.memref_slice %arg4[%add3A_118, %dma_start3A_121] : memref<320000x128xi32, #tpu.memory_space<hbm>> -> memref<80x128xi32, #tpu.memory_space<hbm>>
    tpu.enqueue_dma source(%arg10 : memref<80x128xi32, #tpu.memory_space<vmem>>) target(%dma_start3A_122 : memref<80x128xi32, #tpu.memory_space<hbm>>) target_semaphore(%arg20 : memref<!tpu.dma_semaphore, #tpu.memory_space<semaphore_mem>>)
    %scan3A = arith.constant 0 : i32
    %scan3A_123 = arith.constant 1 : i32
    %scan3A_124 = arith.constant 24 : i32
    %scan3A_125 = arith.addi %scan3A_123, %scan3A_124 : i32
    %scan3A_126 = arith.constant 1 : i32
    scf.for %scan3A_154 = %scan3A_123 to %scan3A_125 step %scan3A_126  : i32 {
      %mul3A_155 = arith.constant 5 : i32
      %mul3A_156 = arith.muli %mul3A_155, %scan3A_154 : i32
      %add3A_157 = arith.constant 0 : i32
      %add3A_158 = arith.addi %mul3A_156, %add3A_157 : i32
      %dma_wait3A_159 = arith.constant 0 : i32
      %dma_wait3A_160 = tpu.memref_slice %arg4[%mul3A_2, %dma_wait3A_159] : memref<320000x128xi32, #tpu.memory_space<hbm>> -> memref<80x128xi32, #tpu.memory_space<hbm>>
      %dma_wait3A_161 = arith.constant 0 : i32
      %dma_wait3A_162 = tpu.memref_slice %arg4[%mul3A_2, %dma_wait3A_161] : memref<320000x128xi32, #tpu.memory_space<hbm>> -> memref<80x128xi32, #tpu.memory_space<hbm>>
      tpu.wait_dma2 semaphore(%arg18 : memref<!tpu.dma_semaphore, #tpu.memory_space<semaphore_mem>>) src(%arg8 : memref<80x128xi32, #tpu.memory_space<vmem>>) dst(%dma_wait3A_162 : memref<80x128xi32, #tpu.memory_space<hbm>>)
      %add3A_163 = arith.constant 2 : i32
      %add3A_164 = arith.addi %add3A_158, %add3A_163 : i32
      %lt3A = arith.constant 125 : i32
      %lt3A_165 = arith.cmpi slt, %add3A_164, %lt3A : i32
      %jit3A = arith.constant 0 : i32
      %select_n3A = arith.select %lt3A_165, %add3A_164, %jit3A : i32
      %dma_start3A_166 = arith.constant 0 : i32
      %dma_start3A_167 = tpu.memref_slice %arg5[%select_n3A, %dma_start3A_166] : memref<125x80xi32, #tpu.memory_space<vmem>> -> memref<1x80xi32, #tpu.memory_space<vmem>>
      %dma_start3A_168 = tpu.memref_squeeze %dma_start3A_167 : memref<1x80xi32, #tpu.memory_space<vmem>> -> memref<80xi32, #tpu.memory_space<vmem>>
      %dma_start3A_169 = arith.constant 0 : i32
      %dma_start3A_170 = arith.constant 0 : i32
      %dma_start3A_171 = tpu.memref_slice %arg2[%dma_start3A_169, %dma_start3A_170] : memref<160000x128xi32, #tpu.memory_space<hbm>> -> memref<160000x128xi32, #tpu.memory_space<hbm>>
      tpu.enqueue_indirect_dma source(%dma_start3A_171 : memref<160000x128xi32, #tpu.memory_space<hbm>>) target(%arg8 : memref<80x128xi32, #tpu.memory_space<vmem>>) offsets(%dma_start3A_168 : memref<80xi32, #tpu.memory_space<vmem>>) semaphore(%arg13 : memref<!tpu.dma_semaphore, #tpu.memory_space<semaphore_mem>>)
      %dma_wait3A_172 = arith.constant 0 : i32
      %dma_wait3A_173 = arith.constant 0 : i32
      %dma_wait3A_174 = tpu.memref_slice %arg5[%dma_wait3A_172, %dma_wait3A_173] : memref<125x80xi32, #tpu.memory_space<vmem>> -> memref<1x80xi32, #tpu.memory_space<vmem>>
      %dma_wait3A_175 = tpu.memref_squeeze %dma_wait3A_174 : memref<1x80xi32, #tpu.memory_space<vmem>> -> memref<80xi32, #tpu.memory_space<vmem>>
      %dma_wait3A_176 = arith.constant 0 : i32
      %dma_wait3A_177 = arith.constant 0 : i32
      %dma_wait3A_178 = tpu.memref_slice %arg2[%dma_wait3A_176, %dma_wait3A_177] : memref<160000x128xi32, #tpu.memory_space<hbm>> -> memref<160000x128xi32, #tpu.memory_space<hbm>>
      tpu.wait_indirect_dma semaphore(%arg11 : memref<!tpu.dma_semaphore, #tpu.memory_space<semaphore_mem>>) src(%dma_wait3A_178 : memref<160000x128xi32, #tpu.memory_space<hbm>>) dst(%arg6 : memref<80x128xi32, #tpu.memory_space<vmem>>)
      %mul3A_179 = arith.constant 80 : i32
      %mul3A_180 = arith.muli %add3A_158, %mul3A_179 : i32
      %add3A_181 = arith.addi %mul3A_2, %mul3A_180 : i32
      %dma_start3A_182 = arith.constant 0 : i32
      %dma_start3A_183 = tpu.memref_slice %arg4[%add3A_181, %dma_start3A_182] : memref<320000x128xi32, #tpu.memory_space<hbm>> -> memref<80x128xi32, #tpu.memory_space<hbm>>
      %dma_start3A_184 = arith.constant 0 : i32
      %dma_start3A_185 = tpu.memref_slice %arg4[%add3A_181, %dma_start3A_184] : memref<320000x128xi32, #tpu.memory_space<hbm>> -> memref<80x128xi32, #tpu.memory_space<hbm>>
      tpu.enqueue_dma source(%arg6 : memref<80x128xi32, #tpu.memory_space<vmem>>) target(%dma_start3A_185 : memref<80x128xi32, #tpu.memory_space<hbm>>) target_semaphore(%arg16 : memref<!tpu.dma_semaphore, #tpu.memory_space<semaphore_mem>>)
      %add3A_186 = arith.constant 1 : i32
      %add3A_187 = arith.addi %mul3A_156, %add3A_186 : i32
      %dma_wait3A_188 = arith.constant 0 : i32
      %dma_wait3A_189 = tpu.memref_slice %arg4[%mul3A_2, %dma_wait3A_188] : memref<320000x128xi32, #tpu.memory_space<hbm>> -> memref<80x128xi32, #tpu.memory_space<hbm>>
      %dma_wait3A_190 = arith.constant 0 : i32
      %dma_wait3A_191 = tpu.memref_slice %arg4[%mul3A_2, %dma_wait3A_190] : memref<320000x128xi32, #tpu.memory_space<hbm>> -> memref<80x128xi32, #tpu.memory_space<hbm>>
      tpu.wait_dma2 semaphore(%arg19 : memref<!tpu.dma_semaphore, #tpu.memory_space<semaphore_mem>>) src(%arg9 : memref<80x128xi32, #tpu.memory_space<vmem>>) dst(%dma_wait3A_191 : memref<80x128xi32, #tpu.memory_space<hbm>>)
      %add3A_192 = arith.constant 2 : i32
      %add3A_193 = arith.addi %add3A_187, %add3A_192 : i32
      %lt3A_194 = arith.constant 125 : i32
      %lt3A_195 = arith.cmpi slt, %add3A_193, %lt3A_194 : i32
      %jit3A_196 = arith.constant 0 : i32
      %select_n3A_197 = arith.select %lt3A_195, %add3A_193, %jit3A_196 : i32
      %dma_start3A_198 = arith.constant 0 : i32
      %dma_start3A_199 = tpu.memref_slice %arg5[%select_n3A_197, %dma_start3A_198] : memref<125x80xi32, #tpu.memory_space<vmem>> -> memref<1x80xi32, #tpu.memory_space<vmem>>
      %dma_start3A_200 = tpu.memref_squeeze %dma_start3A_199 : memref<1x80xi32, #tpu.memory_space<vmem>> -> memref<80xi32, #tpu.memory_space<vmem>>
      %dma_start3A_201 = arith.constant 0 : i32
      %dma_start3A_202 = arith.constant 0 : i32
      %dma_start3A_203 = tpu.memref_slice %arg2[%dma_start3A_201, %dma_start3A_202] : memref<160000x128xi32, #tpu.memory_space<hbm>> -> memref<160000x128xi32, #tpu.memory_space<hbm>>
      tpu.enqueue_indirect_dma source(%dma_start3A_203 : memref<160000x128xi32, #tpu.memory_space<hbm>>) target(%arg9 : memref<80x128xi32, #tpu.memory_space<vmem>>) offsets(%dma_start3A_200 : memref<80xi32, #tpu.memory_space<vmem>>) semaphore(%arg14 : memref<!tpu.dma_semaphore, #tpu.memory_space<semaphore_mem>>)
      %dma_wait3A_204 = arith.constant 0 : i32
      %dma_wait3A_205 = arith.constant 0 : i32
      %dma_wait3A_206 = tpu.memref_slice %arg5[%dma_wait3A_204, %dma_wait3A_205] : memref<125x80xi32, #tpu.memory_space<vmem>> -> memref<1x80xi32, #tpu.memory_space<vmem>>
      %dma_wait3A_207 = tpu.memref_squeeze %dma_wait3A_206 : memref<1x80xi32, #tpu.memory_space<vmem>> -> memref<80xi32, #tpu.memory_space<vmem>>
      %dma_wait3A_208 = arith.constant 0 : i32
      %dma_wait3A_209 = arith.constant 0 : i32
      %dma_wait3A_210 = tpu.memref_slice %arg2[%dma_wait3A_208, %dma_wait3A_209] : memref<160000x128xi32, #tpu.memory_space<hbm>> -> memref<160000x128xi32, #tpu.memory_space<hbm>>
      tpu.wait_indirect_dma semaphore(%arg12 : memref<!tpu.dma_semaphore, #tpu.memory_space<semaphore_mem>>) src(%dma_wait3A_210 : memref<160000x128xi32, #tpu.memory_space<hbm>>) dst(%arg7 : memref<80x128xi32, #tpu.memory_space<vmem>>)
      %mul3A_211 = arith.constant 80 : i32
      %mul3A_212 = arith.muli %add3A_187, %mul3A_211 : i32
      %add3A_213 = arith.addi %mul3A_2, %mul3A_212 : i32
      %dma_start3A_214 = arith.constant 0 : i32
      %dma_start3A_215 = tpu.memref_slice %arg4[%add3A_213, %dma_start3A_214] : memref<320000x128xi32, #tpu.memory_space<hbm>> -> memref<80x128xi32, #tpu.memory_space<hbm>>
      %dma_start3A_216 = arith.constant 0 : i32
      %dma_start3A_217 = tpu.memref_slice %arg4[%add3A_213, %dma_start3A_216] : memref<320000x128xi32, #tpu.memory_space<hbm>> -> memref<80x128xi32, #tpu.memory_space<hbm>>
      tpu.enqueue_dma source(%arg7 : memref<80x128xi32, #tpu.memory_space<vmem>>) target(%dma_start3A_217 : memref<80x128xi32, #tpu.memory_space<hbm>>) target_semaphore(%arg17 : memref<!tpu.dma_semaphore, #tpu.memory_space<semaphore_mem>>)
      %add3A_218 = arith.constant 2 : i32
      %add3A_219 = arith.addi %mul3A_156, %add3A_218 : i32
      %dma_wait3A_220 = arith.constant 0 : i32
      %dma_wait3A_221 = tpu.memref_slice %arg4[%mul3A_2, %dma_wait3A_220] : memref<320000x128xi32, #tpu.memory_space<hbm>> -> memref<80x128xi32, #tpu.memory_space<hbm>>
      %dma_wait3A_222 = arith.constant 0 : i32
      %dma_wait3A_223 = tpu.memref_slice %arg4[%mul3A_2, %dma_wait3A_222] : memref<320000x128xi32, #tpu.memory_space<hbm>> -> memref<80x128xi32, #tpu.memory_space<hbm>>
      tpu.wait_dma2 semaphore(%arg20 : memref<!tpu.dma_semaphore, #tpu.memory_space<semaphore_mem>>) src(%arg10 : memref<80x128xi32, #tpu.memory_space<vmem>>) dst(%dma_wait3A_223 : memref<80x128xi32, #tpu.memory_space<hbm>>)
      %add3A_224 = arith.constant 2 : i32
      %add3A_225 = arith.addi %add3A_219, %add3A_224 : i32
      %lt3A_226 = arith.constant 125 : i32
      %lt3A_227 = arith.cmpi slt, %add3A_225, %lt3A_226 : i32
      %jit3A_228 = arith.constant 0 : i32
      %select_n3A_229 = arith.select %lt3A_227, %add3A_225, %jit3A_228 : i32
      %dma_start3A_230 = arith.constant 0 : i32
      %dma_start3A_231 = tpu.memref_slice %arg5[%select_n3A_229, %dma_start3A_230] : memref<125x80xi32, #tpu.memory_space<vmem>> -> memref<1x80xi32, #tpu.memory_space<vmem>>
      %dma_start3A_232 = tpu.memref_squeeze %dma_start3A_231 : memref<1x80xi32, #tpu.memory_space<vmem>> -> memref<80xi32, #tpu.memory_space<vmem>>
      %dma_start3A_233 = arith.constant 0 : i32
      %dma_start3A_234 = arith.constant 0 : i32
      %dma_start3A_235 = tpu.memref_slice %arg2[%dma_start3A_233, %dma_start3A_234] : memref<160000x128xi32, #tpu.memory_space<hbm>> -> memref<160000x128xi32, #tpu.memory_space<hbm>>
      tpu.enqueue_indirect_dma source(%dma_start3A_235 : memref<160000x128xi32, #tpu.memory_space<hbm>>) target(%arg10 : memref<80x128xi32, #tpu.memory_space<vmem>>) offsets(%dma_start3A_232 : memref<80xi32, #tpu.memory_space<vmem>>) semaphore(%arg15 : memref<!tpu.dma_semaphore, #tpu.memory_space<semaphore_mem>>)
      %dma_wait3A_236 = arith.constant 0 : i32
      %dma_wait3A_237 = arith.constant 0 : i32
      %dma_wait3A_238 = tpu.memref_slice %arg5[%dma_wait3A_236, %dma_wait3A_237] : memref<125x80xi32, #tpu.memory_space<vmem>> -> memref<1x80xi32, #tpu.memory_space<vmem>>
      %dma_wait3A_239 = tpu.memref_squeeze %dma_wait3A_238 : memref<1x80xi32, #tpu.memory_space<vmem>> -> memref<80xi32, #tpu.memory_space<vmem>>
      %dma_wait3A_240 = arith.constant 0 : i32
      %dma_wait3A_241 = arith.constant 0 : i32
      %dma_wait3A_242 = tpu.memref_slice %arg2[%dma_wait3A_240, %dma_wait3A_241] : memref<160000x128xi32, #tpu.memory_space<hbm>> -> memref<160000x128xi32, #tpu.memory_space<hbm>>
      tpu.wait_indirect_dma semaphore(%arg13 : memref<!tpu.dma_semaphore, #tpu.memory_space<semaphore_mem>>) src(%dma_wait3A_242 : memref<160000x128xi32, #tpu.memory_space<hbm>>) dst(%arg8 : memref<80x128xi32, #tpu.memory_space<vmem>>)
      %mul3A_243 = arith.constant 80 : i32
      %mul3A_244 = arith.muli %add3A_219, %mul3A_243 : i32
      %add3A_245 = arith.addi %mul3A_2, %mul3A_244 : i32
      %dma_start3A_246 = arith.constant 0 : i32
      %dma_start3A_247 = tpu.memref_slice %arg4[%add3A_245, %dma_start3A_246] : memref<320000x128xi32, #tpu.memory_space<hbm>> -> memref<80x128xi32, #tpu.memory_space<hbm>>
      %dma_start3A_248 = arith.constant 0 : i32
      %dma_start3A_249 = tpu.memref_slice %arg4[%add3A_245, %dma_start3A_248] : memref<320000x128xi32, #tpu.memory_space<hbm>> -> memref<80x128xi32, #tpu.memory_space<hbm>>
      tpu.enqueue_dma source(%arg8 : memref<80x128xi32, #tpu.memory_space<vmem>>) target(%dma_start3A_249 : memref<80x128xi32, #tpu.memory_space<hbm>>) target_semaphore(%arg18 : memref<!tpu.dma_semaphore, #tpu.memory_space<semaphore_mem>>)
      %add3A_250 = arith.constant 3 : i32
      %add3A_251 = arith.addi %mul3A_156, %add3A_250 : i32
      %dma_wait3A_252 = arith.constant 0 : i32
      %dma_wait3A_253 = tpu.memref_slice %arg4[%mul3A_2, %dma_wait3A_252] : memref<320000x128xi32, #tpu.memory_space<hbm>> -> memref<80x128xi32, #tpu.memory_space<hbm>>
      %dma_wait3A_254 = arith.constant 0 : i32
      %dma_wait3A_255 = tpu.memref_slice %arg4[%mul3A_2, %dma_wait3A_254] : memref<320000x128xi32, #tpu.memory_space<hbm>> -> memref<80x128xi32, #tpu.memory_space<hbm>>
      tpu.wait_dma2 semaphore(%arg16 : memref<!tpu.dma_semaphore, #tpu.memory_space<semaphore_mem>>) src(%arg6 : memref<80x128xi32, #tpu.memory_space<vmem>>) dst(%dma_wait3A_255 : memref<80x128xi32, #tpu.memory_space<hbm>>)
      %add3A_256 = arith.constant 2 : i32
      %add3A_257 = arith.addi %add3A_251, %add3A_256 : i32
      %lt3A_258 = arith.constant 125 : i32
      %lt3A_259 = arith.cmpi slt, %add3A_257, %lt3A_258 : i32
      %jit3A_260 = arith.constant 0 : i32
      %select_n3A_261 = arith.select %lt3A_259, %add3A_257, %jit3A_260 : i32
      %dma_start3A_262 = arith.constant 0 : i32
      %dma_start3A_263 = tpu.memref_slice %arg5[%select_n3A_261, %dma_start3A_262] : memref<125x80xi32, #tpu.memory_space<vmem>> -> memref<1x80xi32, #tpu.memory_space<vmem>>
      %dma_start3A_264 = tpu.memref_squeeze %dma_start3A_263 : memref<1x80xi32, #tpu.memory_space<vmem>> -> memref<80xi32, #tpu.memory_space<vmem>>
      %dma_start3A_265 = arith.constant 0 : i32
      %dma_start3A_266 = arith.constant 0 : i32
      %dma_start3A_267 = tpu.memref_slice %arg2[%dma_start3A_265, %dma_start3A_266] : memref<160000x128xi32, #tpu.memory_space<hbm>> -> memref<160000x128xi32, #tpu.memory_space<hbm>>
      tpu.enqueue_indirect_dma source(%dma_start3A_267 : memref<160000x128xi32, #tpu.memory_space<hbm>>) target(%arg6 : memref<80x128xi32, #tpu.memory_space<vmem>>) offsets(%dma_start3A_264 : memref<80xi32, #tpu.memory_space<vmem>>) semaphore(%arg11 : memref<!tpu.dma_semaphore, #tpu.memory_space<semaphore_mem>>)
      %dma_wait3A_268 = arith.constant 0 : i32
      %dma_wait3A_269 = arith.constant 0 : i32
      %dma_wait3A_270 = tpu.memref_slice %arg5[%dma_wait3A_268, %dma_wait3A_269] : memref<125x80xi32, #tpu.memory_space<vmem>> -> memref<1x80xi32, #tpu.memory_space<vmem>>
      %dma_wait3A_271 = tpu.memref_squeeze %dma_wait3A_270 : memref<1x80xi32, #tpu.memory_space<vmem>> -> memref<80xi32, #tpu.memory_space<vmem>>
      %dma_wait3A_272 = arith.constant 0 : i32
      %dma_wait3A_273 = arith.constant 0 : i32
      %dma_wait3A_274 = tpu.memref_slice %arg2[%dma_wait3A_272, %dma_wait3A_273] : memref<160000x128xi32, #tpu.memory_space<hbm>> -> memref<160000x128xi32, #tpu.memory_space<hbm>>
      tpu.wait_indirect_dma semaphore(%arg14 : memref<!tpu.dma_semaphore, #tpu.memory_space<semaphore_mem>>) src(%dma_wait3A_274 : memref<160000x128xi32, #tpu.memory_space<hbm>>) dst(%arg9 : memref<80x128xi32, #tpu.memory_space<vmem>>)
      %mul3A_275 = arith.constant 80 : i32
      %mul3A_276 = arith.muli %add3A_251, %mul3A_275 : i32
      %add3A_277 = arith.addi %mul3A_2, %mul3A_276 : i32
      %dma_start3A_278 = arith.constant 0 : i32
      %dma_start3A_279 = tpu.memref_slice %arg4[%add3A_277, %dma_start3A_278] : memref<320000x128xi32, #tpu.memory_space<hbm>> -> memref<80x128xi32, #tpu.memory_space<hbm>>
      %dma_start3A_280 = arith.constant 0 : i32
      %dma_start3A_281 = tpu.memref_slice %arg4[%add3A_277, %dma_start3A_280] : memref<320000x128xi32, #tpu.memory_space<hbm>> -> memref<80x128xi32, #tpu.memory_space<hbm>>
      tpu.enqueue_dma source(%arg9 : memref<80x128xi32, #tpu.memory_space<vmem>>) target(%dma_start3A_281 : memref<80x128xi32, #tpu.memory_space<hbm>>) target_semaphore(%arg19 : memref<!tpu.dma_semaphore, #tpu.memory_space<semaphore_mem>>)
      %add3A_282 = arith.constant 4 : i32
      %add3A_283 = arith.addi %mul3A_156, %add3A_282 : i32
      %dma_wait3A_284 = arith.constant 0 : i32
      %dma_wait3A_285 = tpu.memref_slice %arg4[%mul3A_2, %dma_wait3A_284] : memref<320000x128xi32, #tpu.memory_space<hbm>> -> memref<80x128xi32, #tpu.memory_space<hbm>>
      %dma_wait3A_286 = arith.constant 0 : i32
      %dma_wait3A_287 = tpu.memref_slice %arg4[%mul3A_2, %dma_wait3A_286] : memref<320000x128xi32, #tpu.memory_space<hbm>> -> memref<80x128xi32, #tpu.memory_space<hbm>>
      tpu.wait_dma2 semaphore(%arg17 : memref<!tpu.dma_semaphore, #tpu.memory_space<semaphore_mem>>) src(%arg7 : memref<80x128xi32, #tpu.memory_space<vmem>>) dst(%dma_wait3A_287 : memref<80x128xi32, #tpu.memory_space<hbm>>)
      %add3A_288 = arith.constant 2 : i32
      %add3A_289 = arith.addi %add3A_283, %add3A_288 : i32
      %lt3A_290 = arith.constant 125 : i32
      %lt3A_291 = arith.cmpi slt, %add3A_289, %lt3A_290 : i32
      %jit3A_292 = arith.constant 0 : i32
      %select_n3A_293 = arith.select %lt3A_291, %add3A_289, %jit3A_292 : i32
      %dma_start3A_294 = arith.constant 0 : i32
      %dma_start3A_295 = tpu.memref_slice %arg5[%select_n3A_293, %dma_start3A_294] : memref<125x80xi32, #tpu.memory_space<vmem>> -> memref<1x80xi32, #tpu.memory_space<vmem>>
      %dma_start3A_296 = tpu.memref_squeeze %dma_start3A_295 : memref<1x80xi32, #tpu.memory_space<vmem>> -> memref<80xi32, #tpu.memory_space<vmem>>
      %dma_start3A_297 = arith.constant 0 : i32
      %dma_start3A_298 = arith.constant 0 : i32
      %dma_start3A_299 = tpu.memref_slice %arg2[%dma_start3A_297, %dma_start3A_298] : memref<160000x128xi32, #tpu.memory_space<hbm>> -> memref<160000x128xi32, #tpu.memory_space<hbm>>
      tpu.enqueue_indirect_dma source(%dma_start3A_299 : memref<160000x128xi32, #tpu.memory_space<hbm>>) target(%arg7 : memref<80x128xi32, #tpu.memory_space<vmem>>) offsets(%dma_start3A_296 : memref<80xi32, #tpu.memory_space<vmem>>) semaphore(%arg12 : memref<!tpu.dma_semaphore, #tpu.memory_space<semaphore_mem>>)
      %dma_wait3A_300 = arith.constant 0 : i32
      %dma_wait3A_301 = arith.constant 0 : i32
      %dma_wait3A_302 = tpu.memref_slice %arg5[%dma_wait3A_300, %dma_wait3A_301] : memref<125x80xi32, #tpu.memory_space<vmem>> -> memref<1x80xi32, #tpu.memory_space<vmem>>
      %dma_wait3A_303 = tpu.memref_squeeze %dma_wait3A_302 : memref<1x80xi32, #tpu.memory_space<vmem>> -> memref<80xi32, #tpu.memory_space<vmem>>
      %dma_wait3A_304 = arith.constant 0 : i32
      %dma_wait3A_305 = arith.constant 0 : i32
      %dma_wait3A_306 = tpu.memref_slice %arg2[%dma_wait3A_304, %dma_wait3A_305] : memref<160000x128xi32, #tpu.memory_space<hbm>> -> memref<160000x128xi32, #tpu.memory_space<hbm>>
      tpu.wait_indirect_dma semaphore(%arg15 : memref<!tpu.dma_semaphore, #tpu.memory_space<semaphore_mem>>) src(%dma_wait3A_306 : memref<160000x128xi32, #tpu.memory_space<hbm>>) dst(%arg10 : memref<80x128xi32, #tpu.memory_space<vmem>>)
      %mul3A_307 = arith.constant 80 : i32
      %mul3A_308 = arith.muli %add3A_283, %mul3A_307 : i32
      %add3A_309 = arith.addi %mul3A_2, %mul3A_308 : i32
      %dma_start3A_310 = arith.constant 0 : i32
      %dma_start3A_311 = tpu.memref_slice %arg4[%add3A_309, %dma_start3A_310] : memref<320000x128xi32, #tpu.memory_space<hbm>> -> memref<80x128xi32, #tpu.memory_space<hbm>>
      %dma_start3A_312 = arith.constant 0 : i32
      %dma_start3A_313 = tpu.memref_slice %arg4[%add3A_309, %dma_start3A_312] : memref<320000x128xi32, #tpu.memory_space<hbm>> -> memref<80x128xi32, #tpu.memory_space<hbm>>
      tpu.enqueue_dma source(%arg10 : memref<80x128xi32, #tpu.memory_space<vmem>>) target(%dma_start3A_313 : memref<80x128xi32, #tpu.memory_space<hbm>>) target_semaphore(%arg20 : memref<!tpu.dma_semaphore, #tpu.memory_space<semaphore_mem>>)
    }
    %scan3A_127 = arith.constant 24 : i32
    %dma_wait3A_128 = arith.constant 0 : i32
    %dma_wait3A_129 = arith.constant 0 : i32
    %dma_wait3A_130 = tpu.memref_slice %arg5[%dma_wait3A_128, %dma_wait3A_129] : memref<125x80xi32, #tpu.memory_space<vmem>> -> memref<1x80xi32, #tpu.memory_space<vmem>>
    %dma_wait3A_131 = tpu.memref_squeeze %dma_wait3A_130 : memref<1x80xi32, #tpu.memory_space<vmem>> -> memref<80xi32, #tpu.memory_space<vmem>>
    %dma_wait3A_132 = arith.constant 0 : i32
    %dma_wait3A_133 = arith.constant 0 : i32
    %dma_wait3A_134 = tpu.memref_slice %arg2[%dma_wait3A_132, %dma_wait3A_133] : memref<160000x128xi32, #tpu.memory_space<hbm>> -> memref<160000x128xi32, #tpu.memory_space<hbm>>
    tpu.wait_indirect_dma semaphore(%arg11 : memref<!tpu.dma_semaphore, #tpu.memory_space<semaphore_mem>>) src(%dma_wait3A_134 : memref<160000x128xi32, #tpu.memory_space<hbm>>) dst(%arg6 : memref<80x128xi32, #tpu.memory_space<vmem>>)
    %dma_wait3A_135 = arith.constant 0 : i32
    %dma_wait3A_136 = arith.constant 0 : i32
    %dma_wait3A_137 = tpu.memref_slice %arg5[%dma_wait3A_135, %dma_wait3A_136] : memref<125x80xi32, #tpu.memory_space<vmem>> -> memref<1x80xi32, #tpu.memory_space<vmem>>
    %dma_wait3A_138 = tpu.memref_squeeze %dma_wait3A_137 : memref<1x80xi32, #tpu.memory_space<vmem>> -> memref<80xi32, #tpu.memory_space<vmem>>
    %dma_wait3A_139 = arith.constant 0 : i32
    %dma_wait3A_140 = arith.constant 0 : i32
    %dma_wait3A_141 = tpu.memref_slice %arg2[%dma_wait3A_139, %dma_wait3A_140] : memref<160000x128xi32, #tpu.memory_space<hbm>> -> memref<160000x128xi32, #tpu.memory_space<hbm>>
    tpu.wait_indirect_dma semaphore(%arg12 : memref<!tpu.dma_semaphore, #tpu.memory_space<semaphore_mem>>) src(%dma_wait3A_141 : memref<160000x128xi32, #tpu.memory_space<hbm>>) dst(%arg7 : memref<80x128xi32, #tpu.memory_space<vmem>>)
    %dma_wait3A_142 = arith.constant 0 : i32
    %dma_wait3A_143 = tpu.memref_slice %arg4[%mul3A_2, %dma_wait3A_142] : memref<320000x128xi32, #tpu.memory_space<hbm>> -> memref<80x128xi32, #tpu.memory_space<hbm>>
    %dma_wait3A_144 = arith.constant 0 : i32
    %dma_wait3A_145 = tpu.memref_slice %arg4[%mul3A_2, %dma_wait3A_144] : memref<320000x128xi32, #tpu.memory_space<hbm>> -> memref<80x128xi32, #tpu.memory_space<hbm>>
    tpu.wait_dma2 semaphore(%arg18 : memref<!tpu.dma_semaphore, #tpu.memory_space<semaphore_mem>>) src(%arg8 : memref<80x128xi32, #tpu.memory_space<vmem>>) dst(%dma_wait3A_145 : memref<80x128xi32, #tpu.memory_space<hbm>>)
    %dma_wait3A_146 = arith.constant 0 : i32
    %dma_wait3A_147 = tpu.memref_slice %arg4[%mul3A_2, %dma_wait3A_146] : memref<320000x128xi32, #tpu.memory_space<hbm>> -> memref<80x128xi32, #tpu.memory_space<hbm>>
    %dma_wait3A_148 = arith.constant 0 : i32
    %dma_wait3A_149 = tpu.memref_slice %arg4[%mul3A_2, %dma_wait3A_148] : memref<320000x128xi32, #tpu.memory_space<hbm>> -> memref<80x128xi32, #tpu.memory_space<hbm>>
    tpu.wait_dma2 semaphore(%arg19 : memref<!tpu.dma_semaphore, #tpu.memory_space<semaphore_mem>>) src(%arg9 : memref<80x128xi32, #tpu.memory_space<vmem>>) dst(%dma_wait3A_149 : memref<80x128xi32, #tpu.memory_space<hbm>>)
    %dma_wait3A_150 = arith.constant 0 : i32
    %dma_wait3A_151 = tpu.memref_slice %arg4[%mul3A_2, %dma_wait3A_150] : memref<320000x128xi32, #tpu.memory_space<hbm>> -> memref<80x128xi32, #tpu.memory_space<hbm>>
    %dma_wait3A_152 = arith.constant 0 : i32
    %dma_wait3A_153 = tpu.memref_slice %arg4[%mul3A_2, %dma_wait3A_152] : memref<320000x128xi32, #tpu.memory_space<hbm>> -> memref<80x128xi32, #tpu.memory_space<hbm>>
    tpu.wait_dma2 semaphore(%arg20 : memref<!tpu.dma_semaphore, #tpu.memory_space<semaphore_mem>>) src(%arg10 : memref<80x128xi32, #tpu.memory_space<vmem>>) dst(%dma_wait3A_153 : memref<80x128xi32, #tpu.memory_space<hbm>>)
    return
  }
}

#map = affine_map<(d0, d1) -> (0, 0)>
#map1 = affine_map<(d0, d1) -> (0, 0, 0)>
module attributes {stable_mosaic.version = 14 : i64} {
  func.func @_sc_gather_body(%arg0: i32, %arg1: i32, %arg2: memref<160000x128xi32, #tpu.memory_space<hbm>>, %arg3: memref<32x125x80xi32, #tpu.memory_space<hbm>>, %arg4: memref<320000x128xi32, #tpu.memory_space<hbm>>, %arg5: memref<125x80xi32, #tpu.memory_space<vmem>>, %arg6: memref<80x128xi32, #tpu.memory_space<vmem>>, %arg7: memref<80x128xi32, #tpu.memory_space<vmem>>, %arg8: memref<80x128xi32, #tpu.memory_space<vmem>>, %arg9: memref<80x128xi32, #tpu.memory_space<vmem>>, %arg10: memref<80x128xi32, #tpu.memory_space<vmem>>, %arg11: memref<!tpu.dma_semaphore, #tpu.memory_space<semaphore_mem>>, %arg12: memref<!tpu.dma_semaphore, #tpu.memory_space<semaphore_mem>>, %arg13: memref<!tpu.dma_semaphore, #tpu.memory_space<semaphore_mem>>, %arg14: memref<!tpu.dma_semaphore, #tpu.memory_space<semaphore_mem>>, %arg15: memref<!tpu.dma_semaphore, #tpu.memory_space<semaphore_mem>>, %arg16: memref<!tpu.dma_semaphore, #tpu.memory_space<semaphore_mem>>, %arg17: memref<!tpu.dma_semaphore, #tpu.memory_space<semaphore_mem>>, %arg18: memref<!tpu.dma_semaphore, #tpu.memory_space<semaphore_mem>>, %arg19: memref<!tpu.dma_semaphore, #tpu.memory_space<semaphore_mem>>, %arg20: memref<!tpu.dma_semaphore, #tpu.memory_space<semaphore_mem>>) attributes {dimension_semantics = [#tpu.dimension_semantics<core_parallel>, #tpu.dimension_semantics<subcore_parallel>], iteration_bounds = array<i64: 2, 16>, scalar_prefetch = 0 : i64, scratch_operands = 16 : i64, tpu.core_type = #tpu.core_type<sc_vector_subcore>, window_params = [{transform_indices = #map}, {transform_indices = #map1}, {transform_indices = #map}]} {
    %mul3A = arith.constant 2 : i32
    %mul3A_0 = arith.muli %arg1, %mul3A : i32
    %add3A = arith.addi %mul3A_0, %arg0 : i32
    %mul3A_1 = arith.constant 10000 : i32
    %mul3A_2 = arith.muli %add3A, %mul3A_1 : i32
    "tpu.region"() ({
      %run_scoped3A = tpu.sem_alloc : memref<!tpu.dma_semaphore, #tpu.memory_space<semaphore_mem>>
      %dma_start3A_154 = arith.constant 0 : i32
      %dma_start3A_155 = arith.constant 0 : i32
      %dma_start3A_156 = tpu.memref_slice %arg3[%add3A, %dma_start3A_154, %dma_start3A_155] : memref<32x125x80xi32, #tpu.memory_space<hbm>> -> memref<1x125x80xi32, #tpu.memory_space<hbm>>
      %dma_start3A_157 = tpu.memref_squeeze %dma_start3A_156 : memref<1x125x80xi32, #tpu.memory_space<hbm>> -> memref<125x80xi32, #tpu.memory_space<hbm>>
      %dma_start3A_158 = arith.constant 0 : i32
      %dma_start3A_159 = arith.constant 0 : i32
      %dma_start3A_160 = tpu.memref_slice %arg3[%add3A, %dma_start3A_158, %dma_start3A_159] : memref<32x125x80xi32, #tpu.memory_space<hbm>> -> memref<1x125x80xi32, #tpu.memory_space<hbm>>
      %dma_start3A_161 = tpu.memref_squeeze %dma_start3A_160 : memref<1x125x80xi32, #tpu.memory_space<hbm>> -> memref<125x80xi32, #tpu.memory_space<hbm>>
      tpu.enqueue_dma source(%dma_start3A_161 : memref<125x80xi32, #tpu.memory_space<hbm>>) target(%arg5 : memref<125x80xi32, #tpu.memory_space<vmem>>) target_semaphore(%run_scoped3A : memref<!tpu.dma_semaphore, #tpu.memory_space<semaphore_mem>>)
      %dma_wait3A_162 = arith.constant 0 : i32
      %dma_wait3A_163 = arith.constant 0 : i32
      %dma_wait3A_164 = tpu.memref_slice %arg3[%add3A, %dma_wait3A_162, %dma_wait3A_163] : memref<32x125x80xi32, #tpu.memory_space<hbm>> -> memref<1x125x80xi32, #tpu.memory_space<hbm>>
      %dma_wait3A_165 = tpu.memref_squeeze %dma_wait3A_164 : memref<1x125x80xi32, #tpu.memory_space<hbm>> -> memref<125x80xi32, #tpu.memory_space<hbm>>
      %dma_wait3A_166 = arith.constant 0 : i32
      %dma_wait3A_167 = arith.constant 0 : i32
      %dma_wait3A_168 = tpu.memref_slice %arg3[%add3A, %dma_wait3A_166, %dma_wait3A_167] : memref<32x125x80xi32, #tpu.memory_space<hbm>> -> memref<1x125x80xi32, #tpu.memory_space<hbm>>
      %dma_wait3A_169 = tpu.memref_squeeze %dma_wait3A_168 : memref<1x125x80xi32, #tpu.memory_space<hbm>> -> memref<125x80xi32, #tpu.memory_space<hbm>>
      tpu.wait_dma2 semaphore(%run_scoped3A : memref<!tpu.dma_semaphore, #tpu.memory_space<semaphore_mem>>) src(%dma_wait3A_169 : memref<125x80xi32, #tpu.memory_space<hbm>>) dst(%arg5 : memref<125x80xi32, #tpu.memory_space<vmem>>)
      tpu.yield
    }) : () -> ()
    %dma_start3A = arith.constant 0 : i32
    %dma_start3A_3 = arith.constant 0 : i32
    %dma_start3A_4 = tpu.memref_slice %arg5[%dma_start3A, %dma_start3A_3] : memref<125x80xi32, #tpu.memory_space<vmem>> -> memref<1x80xi32, #tpu.memory_space<vmem>>
    %dma_start3A_5 = tpu.memref_squeeze %dma_start3A_4 : memref<1x80xi32, #tpu.memory_space<vmem>> -> memref<80xi32, #tpu.memory_space<vmem>>
    %dma_start3A_6 = arith.constant 0 : i32
    %dma_start3A_7 = arith.constant 0 : i32
    %dma_start3A_8 = tpu.memref_slice %arg2[%dma_start3A_6, %dma_start3A_7] : memref<160000x128xi32, #tpu.memory_space<hbm>> -> memref<160000x128xi32, #tpu.memory_space<hbm>>
    tpu.enqueue_indirect_dma source(%dma_start3A_8 : memref<160000x128xi32, #tpu.memory_space<hbm>>) target(%arg6 : memref<80x128xi32, #tpu.memory_space<vmem>>) offsets(%dma_start3A_5 : memref<80xi32, #tpu.memory_space<vmem>>) semaphore(%arg11 : memref<!tpu.dma_semaphore, #tpu.memory_space<semaphore_mem>>)
    %dma_start3A_9 = arith.constant 1 : i32
    %dma_start3A_10 = arith.constant 0 : i32
    %dma_start3A_11 = tpu.memref_slice %arg5[%dma_start3A_9, %dma_start3A_10] : memref<125x80xi32, #tpu.memory_space<vmem>> -> memref<1x80xi32, #tpu.memory_space<vmem>>
    %dma_start3A_12 = tpu.memref_squeeze %dma_start3A_11 : memref<1x80xi32, #tpu.memory_space<vmem>> -> memref<80xi32, #tpu.memory_space<vmem>>
    %dma_start3A_13 = arith.constant 0 : i32
    %dma_start3A_14 = arith.constant 0 : i32
    %dma_start3A_15 = tpu.memref_slice %arg2[%dma_start3A_13, %dma_start3A_14] : memref<160000x128xi32, #tpu.memory_space<hbm>> -> memref<160000x128xi32, #tpu.memory_space<hbm>>
    tpu.enqueue_indirect_dma source(%dma_start3A_15 : memref<160000x128xi32, #tpu.memory_space<hbm>>) target(%arg7 : memref<80x128xi32, #tpu.memory_space<vmem>>) offsets(%dma_start3A_12 : memref<80xi32, #tpu.memory_space<vmem>>) semaphore(%arg12 : memref<!tpu.dma_semaphore, #tpu.memory_space<semaphore_mem>>)
    %dma_start3A_16 = arith.constant 2 : i32
    %dma_start3A_17 = arith.constant 0 : i32
    %dma_start3A_18 = tpu.memref_slice %arg5[%dma_start3A_16, %dma_start3A_17] : memref<125x80xi32, #tpu.memory_space<vmem>> -> memref<1x80xi32, #tpu.memory_space<vmem>>
    %dma_start3A_19 = tpu.memref_squeeze %dma_start3A_18 : memref<1x80xi32, #tpu.memory_space<vmem>> -> memref<80xi32, #tpu.memory_space<vmem>>
    %dma_start3A_20 = arith.constant 0 : i32
    %dma_start3A_21 = arith.constant 0 : i32
    %dma_start3A_22 = tpu.memref_slice %arg2[%dma_start3A_20, %dma_start3A_21] : memref<160000x128xi32, #tpu.memory_space<hbm>> -> memref<160000x128xi32, #tpu.memory_space<hbm>>
    tpu.enqueue_indirect_dma source(%dma_start3A_22 : memref<160000x128xi32, #tpu.memory_space<hbm>>) target(%arg8 : memref<80x128xi32, #tpu.memory_space<vmem>>) offsets(%dma_start3A_19 : memref<80xi32, #tpu.memory_space<vmem>>) semaphore(%arg13 : memref<!tpu.dma_semaphore, #tpu.memory_space<semaphore_mem>>)
    %dma_wait3A = arith.constant 0 : i32
    %dma_wait3A_23 = arith.constant 0 : i32
    %dma_wait3A_24 = tpu.memref_slice %arg5[%dma_wait3A, %dma_wait3A_23] : memref<125x80xi32, #tpu.memory_space<vmem>> -> memref<1x80xi32, #tpu.memory_space<vmem>>
    %dma_wait3A_25 = tpu.memref_squeeze %dma_wait3A_24 : memref<1x80xi32, #tpu.memory_space<vmem>> -> memref<80xi32, #tpu.memory_space<vmem>>
    %dma_wait3A_26 = arith.constant 0 : i32
    %dma_wait3A_27 = arith.constant 0 : i32
    %dma_wait3A_28 = tpu.memref_slice %arg2[%dma_wait3A_26, %dma_wait3A_27] : memref<160000x128xi32, #tpu.memory_space<hbm>> -> memref<160000x128xi32, #tpu.memory_space<hbm>>
    tpu.wait_indirect_dma semaphore(%arg11 : memref<!tpu.dma_semaphore, #tpu.memory_space<semaphore_mem>>) src(%dma_wait3A_28 : memref<160000x128xi32, #tpu.memory_space<hbm>>) dst(%arg6 : memref<80x128xi32, #tpu.memory_space<vmem>>)
    %add3A_29 = arith.constant 0 : i32
    %add3A_30 = arith.addi %mul3A_2, %add3A_29 : i32
    %dma_start3A_31 = arith.constant 0 : i32
    %dma_start3A_32 = tpu.memref_slice %arg4[%add3A_30, %dma_start3A_31] : memref<320000x128xi32, #tpu.memory_space<hbm>> -> memref<80x128xi32, #tpu.memory_space<hbm>>
    %dma_start3A_33 = arith.constant 0 : i32
    %dma_start3A_34 = tpu.memref_slice %arg4[%add3A_30, %dma_start3A_33] : memref<320000x128xi32, #tpu.memory_space<hbm>> -> memref<80x128xi32, #tpu.memory_space<hbm>>
    tpu.enqueue_dma source(%arg6 : memref<80x128xi32, #tpu.memory_space<vmem>>) target(%dma_start3A_34 : memref<80x128xi32, #tpu.memory_space<hbm>>) target_semaphore(%arg16 : memref<!tpu.dma_semaphore, #tpu.memory_space<semaphore_mem>>)
    %dma_start3A_35 = arith.constant 3 : i32
    %dma_start3A_36 = arith.constant 0 : i32
    %dma_start3A_37 = tpu.memref_slice %arg5[%dma_start3A_35, %dma_start3A_36] : memref<125x80xi32, #tpu.memory_space<vmem>> -> memref<1x80xi32, #tpu.memory_space<vmem>>
    %dma_start3A_38 = tpu.memref_squeeze %dma_start3A_37 : memref<1x80xi32, #tpu.memory_space<vmem>> -> memref<80xi32, #tpu.memory_space<vmem>>
    %dma_start3A_39 = arith.constant 0 : i32
    %dma_start3A_40 = arith.constant 0 : i32
    %dma_start3A_41 = tpu.memref_slice %arg2[%dma_start3A_39, %dma_start3A_40] : memref<160000x128xi32, #tpu.memory_space<hbm>> -> memref<160000x128xi32, #tpu.memory_space<hbm>>
    tpu.enqueue_indirect_dma source(%dma_start3A_41 : memref<160000x128xi32, #tpu.memory_space<hbm>>) target(%arg9 : memref<80x128xi32, #tpu.memory_space<vmem>>) offsets(%dma_start3A_38 : memref<80xi32, #tpu.memory_space<vmem>>) semaphore(%arg14 : memref<!tpu.dma_semaphore, #tpu.memory_space<semaphore_mem>>)
    %dma_wait3A_42 = arith.constant 0 : i32
    %dma_wait3A_43 = arith.constant 0 : i32
    %dma_wait3A_44 = tpu.memref_slice %arg5[%dma_wait3A_42, %dma_wait3A_43] : memref<125x80xi32, #tpu.memory_space<vmem>> -> memref<1x80xi32, #tpu.memory_space<vmem>>
    %dma_wait3A_45 = tpu.memref_squeeze %dma_wait3A_44 : memref<1x80xi32, #tpu.memory_space<vmem>> -> memref<80xi32, #tpu.memory_space<vmem>>
    %dma_wait3A_46 = arith.constant 0 : i32
    %dma_wait3A_47 = arith.constant 0 : i32
    %dma_wait3A_48 = tpu.memref_slice %arg2[%dma_wait3A_46, %dma_wait3A_47] : memref<160000x128xi32, #tpu.memory_space<hbm>> -> memref<160000x128xi32, #tpu.memory_space<hbm>>
    tpu.wait_indirect_dma semaphore(%arg12 : memref<!tpu.dma_semaphore, #tpu.memory_space<semaphore_mem>>) src(%dma_wait3A_48 : memref<160000x128xi32, #tpu.memory_space<hbm>>) dst(%arg7 : memref<80x128xi32, #tpu.memory_space<vmem>>)
    %add3A_49 = arith.constant 80 : i32
    %add3A_50 = arith.addi %mul3A_2, %add3A_49 : i32
    %dma_start3A_51 = arith.constant 0 : i32
    %dma_start3A_52 = tpu.memref_slice %arg4[%add3A_50, %dma_start3A_51] : memref<320000x128xi32, #tpu.memory_space<hbm>> -> memref<80x128xi32, #tpu.memory_space<hbm>>
    %dma_start3A_53 = arith.constant 0 : i32
    %dma_start3A_54 = tpu.memref_slice %arg4[%add3A_50, %dma_start3A_53] : memref<320000x128xi32, #tpu.memory_space<hbm>> -> memref<80x128xi32, #tpu.memory_space<hbm>>
    tpu.enqueue_dma source(%arg7 : memref<80x128xi32, #tpu.memory_space<vmem>>) target(%dma_start3A_54 : memref<80x128xi32, #tpu.memory_space<hbm>>) target_semaphore(%arg17 : memref<!tpu.dma_semaphore, #tpu.memory_space<semaphore_mem>>)
    %dma_start3A_55 = arith.constant 4 : i32
    %dma_start3A_56 = arith.constant 0 : i32
    %dma_start3A_57 = tpu.memref_slice %arg5[%dma_start3A_55, %dma_start3A_56] : memref<125x80xi32, #tpu.memory_space<vmem>> -> memref<1x80xi32, #tpu.memory_space<vmem>>
    %dma_start3A_58 = tpu.memref_squeeze %dma_start3A_57 : memref<1x80xi32, #tpu.memory_space<vmem>> -> memref<80xi32, #tpu.memory_space<vmem>>
    %dma_start3A_59 = arith.constant 0 : i32
    %dma_start3A_60 = arith.constant 0 : i32
    %dma_start3A_61 = tpu.memref_slice %arg2[%dma_start3A_59, %dma_start3A_60] : memref<160000x128xi32, #tpu.memory_space<hbm>> -> memref<160000x128xi32, #tpu.memory_space<hbm>>
    tpu.enqueue_indirect_dma source(%dma_start3A_61 : memref<160000x128xi32, #tpu.memory_space<hbm>>) target(%arg10 : memref<80x128xi32, #tpu.memory_space<vmem>>) offsets(%dma_start3A_58 : memref<80xi32, #tpu.memory_space<vmem>>) semaphore(%arg15 : memref<!tpu.dma_semaphore, #tpu.memory_space<semaphore_mem>>)
    %dma_wait3A_62 = arith.constant 0 : i32
    %dma_wait3A_63 = arith.constant 0 : i32
    %dma_wait3A_64 = tpu.memref_slice %arg5[%dma_wait3A_62, %dma_wait3A_63] : memref<125x80xi32, #tpu.memory_space<vmem>> -> memref<1x80xi32, #tpu.memory_space<vmem>>
    %dma_wait3A_65 = tpu.memref_squeeze %dma_wait3A_64 : memref<1x80xi32, #tpu.memory_space<vmem>> -> memref<80xi32, #tpu.memory_space<vmem>>
    %dma_wait3A_66 = arith.constant 0 : i32
    %dma_wait3A_67 = arith.constant 0 : i32
    %dma_wait3A_68 = tpu.memref_slice %arg2[%dma_wait3A_66, %dma_wait3A_67] : memref<160000x128xi32, #tpu.memory_space<hbm>> -> memref<160000x128xi32, #tpu.memory_space<hbm>>
    tpu.wait_indirect_dma semaphore(%arg13 : memref<!tpu.dma_semaphore, #tpu.memory_space<semaphore_mem>>) src(%dma_wait3A_68 : memref<160000x128xi32, #tpu.memory_space<hbm>>) dst(%arg8 : memref<80x128xi32, #tpu.memory_space<vmem>>)
    %add3A_69 = arith.constant 160 : i32
    %add3A_70 = arith.addi %mul3A_2, %add3A_69 : i32
    %dma_start3A_71 = arith.constant 0 : i32
    %dma_start3A_72 = tpu.memref_slice %arg4[%add3A_70, %dma_start3A_71] : memref<320000x128xi32, #tpu.memory_space<hbm>> -> memref<80x128xi32, #tpu.memory_space<hbm>>
    %dma_start3A_73 = arith.constant 0 : i32
    %dma_start3A_74 = tpu.memref_slice %arg4[%add3A_70, %dma_start3A_73] : memref<320000x128xi32, #tpu.memory_space<hbm>> -> memref<80x128xi32, #tpu.memory_space<hbm>>
    tpu.enqueue_dma source(%arg8 : memref<80x128xi32, #tpu.memory_space<vmem>>) target(%dma_start3A_74 : memref<80x128xi32, #tpu.memory_space<hbm>>) target_semaphore(%arg18 : memref<!tpu.dma_semaphore, #tpu.memory_space<semaphore_mem>>)
    %dma_wait3A_75 = arith.constant 0 : i32
    %dma_wait3A_76 = tpu.memref_slice %arg4[%mul3A_2, %dma_wait3A_75] : memref<320000x128xi32, #tpu.memory_space<hbm>> -> memref<80x128xi32, #tpu.memory_space<hbm>>
    %dma_wait3A_77 = arith.constant 0 : i32
    %dma_wait3A_78 = tpu.memref_slice %arg4[%mul3A_2, %dma_wait3A_77] : memref<320000x128xi32, #tpu.memory_space<hbm>> -> memref<80x128xi32, #tpu.memory_space<hbm>>
    tpu.wait_dma2 semaphore(%arg16 : memref<!tpu.dma_semaphore, #tpu.memory_space<semaphore_mem>>) src(%arg6 : memref<80x128xi32, #tpu.memory_space<vmem>>) dst(%dma_wait3A_78 : memref<80x128xi32, #tpu.memory_space<hbm>>)
    %dma_start3A_79 = arith.constant 5 : i32
    %dma_start3A_80 = arith.constant 0 : i32
    %dma_start3A_81 = tpu.memref_slice %arg5[%dma_start3A_79, %dma_start3A_80] : memref<125x80xi32, #tpu.memory_space<vmem>> -> memref<1x80xi32, #tpu.memory_space<vmem>>
    %dma_start3A_82 = tpu.memref_squeeze %dma_start3A_81 : memref<1x80xi32, #tpu.memory_space<vmem>> -> memref<80xi32, #tpu.memory_space<vmem>>
    %dma_start3A_83 = arith.constant 0 : i32
    %dma_start3A_84 = arith.constant 0 : i32
    %dma_start3A_85 = tpu.memref_slice %arg2[%dma_start3A_83, %dma_start3A_84] : memref<160000x128xi32, #tpu.memory_space<hbm>> -> memref<160000x128xi32, #tpu.memory_space<hbm>>
    tpu.enqueue_indirect_dma source(%dma_start3A_85 : memref<160000x128xi32, #tpu.memory_space<hbm>>) target(%arg6 : memref<80x128xi32, #tpu.memory_space<vmem>>) offsets(%dma_start3A_82 : memref<80xi32, #tpu.memory_space<vmem>>) semaphore(%arg11 : memref<!tpu.dma_semaphore, #tpu.memory_space<semaphore_mem>>)
    %dma_wait3A_86 = arith.constant 0 : i32
    %dma_wait3A_87 = arith.constant 0 : i32
    %dma_wait3A_88 = tpu.memref_slice %arg5[%dma_wait3A_86, %dma_wait3A_87] : memref<125x80xi32, #tpu.memory_space<vmem>> -> memref<1x80xi32, #tpu.memory_space<vmem>>
    %dma_wait3A_89 = tpu.memref_squeeze %dma_wait3A_88 : memref<1x80xi32, #tpu.memory_space<vmem>> -> memref<80xi32, #tpu.memory_space<vmem>>
    %dma_wait3A_90 = arith.constant 0 : i32
    %dma_wait3A_91 = arith.constant 0 : i32
    %dma_wait3A_92 = tpu.memref_slice %arg2[%dma_wait3A_90, %dma_wait3A_91] : memref<160000x128xi32, #tpu.memory_space<hbm>> -> memref<160000x128xi32, #tpu.memory_space<hbm>>
    tpu.wait_indirect_dma semaphore(%arg14 : memref<!tpu.dma_semaphore, #tpu.memory_space<semaphore_mem>>) src(%dma_wait3A_92 : memref<160000x128xi32, #tpu.memory_space<hbm>>) dst(%arg9 : memref<80x128xi32, #tpu.memory_space<vmem>>)
    %add3A_93 = arith.constant 240 : i32
    %add3A_94 = arith.addi %mul3A_2, %add3A_93 : i32
    %dma_start3A_95 = arith.constant 0 : i32
    %dma_start3A_96 = tpu.memref_slice %arg4[%add3A_94, %dma_start3A_95] : memref<320000x128xi32, #tpu.memory_space<hbm>> -> memref<80x128xi32, #tpu.memory_space<hbm>>
    %dma_start3A_97 = arith.constant 0 : i32
    %dma_start3A_98 = tpu.memref_slice %arg4[%add3A_94, %dma_start3A_97] : memref<320000x128xi32, #tpu.memory_space<hbm>> -> memref<80x128xi32, #tpu.memory_space<hbm>>
    tpu.enqueue_dma source(%arg9 : memref<80x128xi32, #tpu.memory_space<vmem>>) target(%dma_start3A_98 : memref<80x128xi32, #tpu.memory_space<hbm>>) target_semaphore(%arg19 : memref<!tpu.dma_semaphore, #tpu.memory_space<semaphore_mem>>)
    %dma_wait3A_99 = arith.constant 0 : i32
    %dma_wait3A_100 = tpu.memref_slice %arg4[%mul3A_2, %dma_wait3A_99] : memref<320000x128xi32, #tpu.memory_space<hbm>> -> memref<80x128xi32, #tpu.memory_space<hbm>>
    %dma_wait3A_101 = arith.constant 0 : i32
    %dma_wait3A_102 = tpu.memref_slice %arg4[%mul3A_2, %dma_wait3A_101] : memref<320000x128xi32, #tpu.memory_space<hbm>> -> memref<80x128xi32, #tpu.memory_space<hbm>>
    tpu.wait_dma2 semaphore(%arg17 : memref<!tpu.dma_semaphore, #tpu.memory_space<semaphore_mem>>) src(%arg7 : memref<80x128xi32, #tpu.memory_space<vmem>>) dst(%dma_wait3A_102 : memref<80x128xi32, #tpu.memory_space<hbm>>)
    %dma_start3A_103 = arith.constant 6 : i32
    %dma_start3A_104 = arith.constant 0 : i32
    %dma_start3A_105 = tpu.memref_slice %arg5[%dma_start3A_103, %dma_start3A_104] : memref<125x80xi32, #tpu.memory_space<vmem>> -> memref<1x80xi32, #tpu.memory_space<vmem>>
    %dma_start3A_106 = tpu.memref_squeeze %dma_start3A_105 : memref<1x80xi32, #tpu.memory_space<vmem>> -> memref<80xi32, #tpu.memory_space<vmem>>
    %dma_start3A_107 = arith.constant 0 : i32
    %dma_start3A_108 = arith.constant 0 : i32
    %dma_start3A_109 = tpu.memref_slice %arg2[%dma_start3A_107, %dma_start3A_108] : memref<160000x128xi32, #tpu.memory_space<hbm>> -> memref<160000x128xi32, #tpu.memory_space<hbm>>
    tpu.enqueue_indirect_dma source(%dma_start3A_109 : memref<160000x128xi32, #tpu.memory_space<hbm>>) target(%arg7 : memref<80x128xi32, #tpu.memory_space<vmem>>) offsets(%dma_start3A_106 : memref<80xi32, #tpu.memory_space<vmem>>) semaphore(%arg12 : memref<!tpu.dma_semaphore, #tpu.memory_space<semaphore_mem>>)
    %dma_wait3A_110 = arith.constant 0 : i32
    %dma_wait3A_111 = arith.constant 0 : i32
    %dma_wait3A_112 = tpu.memref_slice %arg5[%dma_wait3A_110, %dma_wait3A_111] : memref<125x80xi32, #tpu.memory_space<vmem>> -> memref<1x80xi32, #tpu.memory_space<vmem>>
    %dma_wait3A_113 = tpu.memref_squeeze %dma_wait3A_112 : memref<1x80xi32, #tpu.memory_space<vmem>> -> memref<80xi32, #tpu.memory_space<vmem>>
    %dma_wait3A_114 = arith.constant 0 : i32
    %dma_wait3A_115 = arith.constant 0 : i32
    %dma_wait3A_116 = tpu.memref_slice %arg2[%dma_wait3A_114, %dma_wait3A_115] : memref<160000x128xi32, #tpu.memory_space<hbm>> -> memref<160000x128xi32, #tpu.memory_space<hbm>>
    tpu.wait_indirect_dma semaphore(%arg15 : memref<!tpu.dma_semaphore, #tpu.memory_space<semaphore_mem>>) src(%dma_wait3A_116 : memref<160000x128xi32, #tpu.memory_space<hbm>>) dst(%arg10 : memref<80x128xi32, #tpu.memory_space<vmem>>)
    %add3A_117 = arith.constant 320 : i32
    %add3A_118 = arith.addi %mul3A_2, %add3A_117 : i32
    %dma_start3A_119 = arith.constant 0 : i32
    %dma_start3A_120 = tpu.memref_slice %arg4[%add3A_118, %dma_start3A_119] : memref<320000x128xi32, #tpu.memory_space<hbm>> -> memref<80x128xi32, #tpu.memory_space<hbm>>
    %dma_start3A_121 = arith.constant 0 : i32
    %dma_start3A_122 = tpu.memref_slice %arg4[%add3A_118, %dma_start3A_121] : memref<320000x128xi32, #tpu.memory_space<hbm>> -> memref<80x128xi32, #tpu.memory_space<hbm>>
    tpu.enqueue_dma source(%arg10 : memref<80x128xi32, #tpu.memory_space<vmem>>) target(%dma_start3A_122 : memref<80x128xi32, #tpu.memory_space<hbm>>) target_semaphore(%arg20 : memref<!tpu.dma_semaphore, #tpu.memory_space<semaphore_mem>>)
    %scan3A = arith.constant 0 : i32
    %scan3A_123 = arith.constant 1 : i32
    %scan3A_124 = arith.constant 24 : i32
    %scan3A_125 = arith.addi %scan3A_123, %scan3A_124 : i32
    %scan3A_126 = arith.constant 1 : i32
    scf.for %scan3A_154 = %scan3A_123 to %scan3A_125 step %scan3A_126  : i32 {
      %mul3A_155 = arith.constant 5 : i32
      %mul3A_156 = arith.muli %mul3A_155, %scan3A_154 : i32
      %add3A_157 = arith.constant 0 : i32
      %add3A_158 = arith.addi %mul3A_156, %add3A_157 : i32
      %dma_wait3A_159 = arith.constant 0 : i32
      %dma_wait3A_160 = tpu.memref_slice %arg4[%mul3A_2, %dma_wait3A_159] : memref<320000x128xi32, #tpu.memory_space<hbm>> -> memref<80x128xi32, #tpu.memory_space<hbm>>
      %dma_wait3A_161 = arith.constant 0 : i32
      %dma_wait3A_162 = tpu.memref_slice %arg4[%mul3A_2, %dma_wait3A_161] : memref<320000x128xi32, #tpu.memory_space<hbm>> -> memref<80x128xi32, #tpu.memory_space<hbm>>
      tpu.wait_dma2 semaphore(%arg18 : memref<!tpu.dma_semaphore, #tpu.memory_space<semaphore_mem>>) src(%arg8 : memref<80x128xi32, #tpu.memory_space<vmem>>) dst(%dma_wait3A_162 : memref<80x128xi32, #tpu.memory_space<hbm>>)
      %add3A_163 = arith.constant 2 : i32
      %add3A_164 = arith.addi %add3A_158, %add3A_163 : i32
      %lt3A = arith.constant 125 : i32
      %lt3A_165 = arith.cmpi slt, %add3A_164, %lt3A : i32
      %jit3A = arith.constant 0 : i32
      %select_n3A = arith.select %lt3A_165, %add3A_164, %jit3A : i32
      %dma_start3A_166 = arith.constant 0 : i32
      %dma_start3A_167 = tpu.memref_slice %arg5[%select_n3A, %dma_start3A_166] : memref<125x80xi32, #tpu.memory_space<vmem>> -> memref<1x80xi32, #tpu.memory_space<vmem>>
      %dma_start3A_168 = tpu.memref_squeeze %dma_start3A_167 : memref<1x80xi32, #tpu.memory_space<vmem>> -> memref<80xi32, #tpu.memory_space<vmem>>
      %dma_start3A_169 = arith.constant 0 : i32
      %dma_start3A_170 = arith.constant 0 : i32
      %dma_start3A_171 = tpu.memref_slice %arg2[%dma_start3A_169, %dma_start3A_170] : memref<160000x128xi32, #tpu.memory_space<hbm>> -> memref<160000x128xi32, #tpu.memory_space<hbm>>
      tpu.enqueue_indirect_dma source(%dma_start3A_171 : memref<160000x128xi32, #tpu.memory_space<hbm>>) target(%arg8 : memref<80x128xi32, #tpu.memory_space<vmem>>) offsets(%dma_start3A_168 : memref<80xi32, #tpu.memory_space<vmem>>) semaphore(%arg13 : memref<!tpu.dma_semaphore, #tpu.memory_space<semaphore_mem>>)
      %dma_wait3A_172 = arith.constant 0 : i32
      %dma_wait3A_173 = arith.constant 0 : i32
      %dma_wait3A_174 = tpu.memref_slice %arg5[%dma_wait3A_172, %dma_wait3A_173] : memref<125x80xi32, #tpu.memory_space<vmem>> -> memref<1x80xi32, #tpu.memory_space<vmem>>
      %dma_wait3A_175 = tpu.memref_squeeze %dma_wait3A_174 : memref<1x80xi32, #tpu.memory_space<vmem>> -> memref<80xi32, #tpu.memory_space<vmem>>
      %dma_wait3A_176 = arith.constant 0 : i32
      %dma_wait3A_177 = arith.constant 0 : i32
      %dma_wait3A_178 = tpu.memref_slice %arg2[%dma_wait3A_176, %dma_wait3A_177] : memref<160000x128xi32, #tpu.memory_space<hbm>> -> memref<160000x128xi32, #tpu.memory_space<hbm>>
      tpu.wait_indirect_dma semaphore(%arg11 : memref<!tpu.dma_semaphore, #tpu.memory_space<semaphore_mem>>) src(%dma_wait3A_178 : memref<160000x128xi32, #tpu.memory_space<hbm>>) dst(%arg6 : memref<80x128xi32, #tpu.memory_space<vmem>>)
      %mul3A_179 = arith.constant 80 : i32
      %mul3A_180 = arith.muli %add3A_158, %mul3A_179 : i32
      %add3A_181 = arith.addi %mul3A_2, %mul3A_180 : i32
      %dma_start3A_182 = arith.constant 0 : i32
      %dma_start3A_183 = tpu.memref_slice %arg4[%add3A_181, %dma_start3A_182] : memref<320000x128xi32, #tpu.memory_space<hbm>> -> memref<80x128xi32, #tpu.memory_space<hbm>>
      %dma_start3A_184 = arith.constant 0 : i32
      %dma_start3A_185 = tpu.memref_slice %arg4[%add3A_181, %dma_start3A_184] : memref<320000x128xi32, #tpu.memory_space<hbm>> -> memref<80x128xi32, #tpu.memory_space<hbm>>
      tpu.enqueue_dma source(%arg6 : memref<80x128xi32, #tpu.memory_space<vmem>>) target(%dma_start3A_185 : memref<80x128xi32, #tpu.memory_space<hbm>>) target_semaphore(%arg16 : memref<!tpu.dma_semaphore, #tpu.memory_space<semaphore_mem>>)
      %add3A_186 = arith.constant 1 : i32
      %add3A_187 = arith.addi %mul3A_156, %add3A_186 : i32
      %dma_wait3A_188 = arith.constant 0 : i32
      %dma_wait3A_189 = tpu.memref_slice %arg4[%mul3A_2, %dma_wait3A_188] : memref<320000x128xi32, #tpu.memory_space<hbm>> -> memref<80x128xi32, #tpu.memory_space<hbm>>
      %dma_wait3A_190 = arith.constant 0 : i32
      %dma_wait3A_191 = tpu.memref_slice %arg4[%mul3A_2, %dma_wait3A_190] : memref<320000x128xi32, #tpu.memory_space<hbm>> -> memref<80x128xi32, #tpu.memory_space<hbm>>
      tpu.wait_dma2 semaphore(%arg19 : memref<!tpu.dma_semaphore, #tpu.memory_space<semaphore_mem>>) src(%arg9 : memref<80x128xi32, #tpu.memory_space<vmem>>) dst(%dma_wait3A_191 : memref<80x128xi32, #tpu.memory_space<hbm>>)
      %add3A_192 = arith.constant 2 : i32
      %add3A_193 = arith.addi %add3A_187, %add3A_192 : i32
      %lt3A_194 = arith.constant 125 : i32
      %lt3A_195 = arith.cmpi slt, %add3A_193, %lt3A_194 : i32
      %jit3A_196 = arith.constant 0 : i32
      %select_n3A_197 = arith.select %lt3A_195, %add3A_193, %jit3A_196 : i32
      %dma_start3A_198 = arith.constant 0 : i32
      %dma_start3A_199 = tpu.memref_slice %arg5[%select_n3A_197, %dma_start3A_198] : memref<125x80xi32, #tpu.memory_space<vmem>> -> memref<1x80xi32, #tpu.memory_space<vmem>>
      %dma_start3A_200 = tpu.memref_squeeze %dma_start3A_199 : memref<1x80xi32, #tpu.memory_space<vmem>> -> memref<80xi32, #tpu.memory_space<vmem>>
      %dma_start3A_201 = arith.constant 0 : i32
      %dma_start3A_202 = arith.constant 0 : i32
      %dma_start3A_203 = tpu.memref_slice %arg2[%dma_start3A_201, %dma_start3A_202] : memref<160000x128xi32, #tpu.memory_space<hbm>> -> memref<160000x128xi32, #tpu.memory_space<hbm>>
      tpu.enqueue_indirect_dma source(%dma_start3A_203 : memref<160000x128xi32, #tpu.memory_space<hbm>>) target(%arg9 : memref<80x128xi32, #tpu.memory_space<vmem>>) offsets(%dma_start3A_200 : memref<80xi32, #tpu.memory_space<vmem>>) semaphore(%arg14 : memref<!tpu.dma_semaphore, #tpu.memory_space<semaphore_mem>>)
      %dma_wait3A_204 = arith.constant 0 : i32
      %dma_wait3A_205 = arith.constant 0 : i32
      %dma_wait3A_206 = tpu.memref_slice %arg5[%dma_wait3A_204, %dma_wait3A_205] : memref<125x80xi32, #tpu.memory_space<vmem>> -> memref<1x80xi32, #tpu.memory_space<vmem>>
      %dma_wait3A_207 = tpu.memref_squeeze %dma_wait3A_206 : memref<1x80xi32, #tpu.memory_space<vmem>> -> memref<80xi32, #tpu.memory_space<vmem>>
      %dma_wait3A_208 = arith.constant 0 : i32
      %dma_wait3A_209 = arith.constant 0 : i32
      %dma_wait3A_210 = tpu.memref_slice %arg2[%dma_wait3A_208, %dma_wait3A_209] : memref<160000x128xi32, #tpu.memory_space<hbm>> -> memref<160000x128xi32, #tpu.memory_space<hbm>>
      tpu.wait_indirect_dma semaphore(%arg12 : memref<!tpu.dma_semaphore, #tpu.memory_space<semaphore_mem>>) src(%dma_wait3A_210 : memref<160000x128xi32, #tpu.memory_space<hbm>>) dst(%arg7 : memref<80x128xi32, #tpu.memory_space<vmem>>)
      %mul3A_211 = arith.constant 80 : i32
      %mul3A_212 = arith.muli %add3A_187, %mul3A_211 : i32
      %add3A_213 = arith.addi %mul3A_2, %mul3A_212 : i32
      %dma_start3A_214 = arith.constant 0 : i32
      %dma_start3A_215 = tpu.memref_slice %arg4[%add3A_213, %dma_start3A_214] : memref<320000x128xi32, #tpu.memory_space<hbm>> -> memref<80x128xi32, #tpu.memory_space<hbm>>
      %dma_start3A_216 = arith.constant 0 : i32
      %dma_start3A_217 = tpu.memref_slice %arg4[%add3A_213, %dma_start3A_216] : memref<320000x128xi32, #tpu.memory_space<hbm>> -> memref<80x128xi32, #tpu.memory_space<hbm>>
      tpu.enqueue_dma source(%arg7 : memref<80x128xi32, #tpu.memory_space<vmem>>) target(%dma_start3A_217 : memref<80x128xi32, #tpu.memory_space<hbm>>) target_semaphore(%arg17 : memref<!tpu.dma_semaphore, #tpu.memory_space<semaphore_mem>>)
      %add3A_218 = arith.constant 2 : i32
      %add3A_219 = arith.addi %mul3A_156, %add3A_218 : i32
      %dma_wait3A_220 = arith.constant 0 : i32
      %dma_wait3A_221 = tpu.memref_slice %arg4[%mul3A_2, %dma_wait3A_220] : memref<320000x128xi32, #tpu.memory_space<hbm>> -> memref<80x128xi32, #tpu.memory_space<hbm>>
      %dma_wait3A_222 = arith.constant 0 : i32
      %dma_wait3A_223 = tpu.memref_slice %arg4[%mul3A_2, %dma_wait3A_222] : memref<320000x128xi32, #tpu.memory_space<hbm>> -> memref<80x128xi32, #tpu.memory_space<hbm>>
      tpu.wait_dma2 semaphore(%arg20 : memref<!tpu.dma_semaphore, #tpu.memory_space<semaphore_mem>>) src(%arg10 : memref<80x128xi32, #tpu.memory_space<vmem>>) dst(%dma_wait3A_223 : memref<80x128xi32, #tpu.memory_space<hbm>>)
      %add3A_224 = arith.constant 2 : i32
      %add3A_225 = arith.addi %add3A_219, %add3A_224 : i32
      %lt3A_226 = arith.constant 125 : i32
      %lt3A_227 = arith.cmpi slt, %add3A_225, %lt3A_226 : i32
      %jit3A_228 = arith.constant 0 : i32
      %select_n3A_229 = arith.select %lt3A_227, %add3A_225, %jit3A_228 : i32
      %dma_start3A_230 = arith.constant 0 : i32
      %dma_start3A_231 = tpu.memref_slice %arg5[%select_n3A_229, %dma_start3A_230] : memref<125x80xi32, #tpu.memory_space<vmem>> -> memref<1x80xi32, #tpu.memory_space<vmem>>
      %dma_start3A_232 = tpu.memref_squeeze %dma_start3A_231 : memref<1x80xi32, #tpu.memory_space<vmem>> -> memref<80xi32, #tpu.memory_space<vmem>>
      %dma_start3A_233 = arith.constant 0 : i32
      %dma_start3A_234 = arith.constant 0 : i32
      %dma_start3A_235 = tpu.memref_slice %arg2[%dma_start3A_233, %dma_start3A_234] : memref<160000x128xi32, #tpu.memory_space<hbm>> -> memref<160000x128xi32, #tpu.memory_space<hbm>>
      tpu.enqueue_indirect_dma source(%dma_start3A_235 : memref<160000x128xi32, #tpu.memory_space<hbm>>) target(%arg10 : memref<80x128xi32, #tpu.memory_space<vmem>>) offsets(%dma_start3A_232 : memref<80xi32, #tpu.memory_space<vmem>>) semaphore(%arg15 : memref<!tpu.dma_semaphore, #tpu.memory_space<semaphore_mem>>)
      %dma_wait3A_236 = arith.constant 0 : i32
      %dma_wait3A_237 = arith.constant 0 : i32
      %dma_wait3A_238 = tpu.memref_slice %arg5[%dma_wait3A_236, %dma_wait3A_237] : memref<125x80xi32, #tpu.memory_space<vmem>> -> memref<1x80xi32, #tpu.memory_space<vmem>>
      %dma_wait3A_239 = tpu.memref_squeeze %dma_wait3A_238 : memref<1x80xi32, #tpu.memory_space<vmem>> -> memref<80xi32, #tpu.memory_space<vmem>>
      %dma_wait3A_240 = arith.constant 0 : i32
      %dma_wait3A_241 = arith.constant 0 : i32
      %dma_wait3A_242 = tpu.memref_slice %arg2[%dma_wait3A_240, %dma_wait3A_241] : memref<160000x128xi32, #tpu.memory_space<hbm>> -> memref<160000x128xi32, #tpu.memory_space<hbm>>
      tpu.wait_indirect_dma semaphore(%arg13 : memref<!tpu.dma_semaphore, #tpu.memory_space<semaphore_mem>>) src(%dma_wait3A_242 : memref<160000x128xi32, #tpu.memory_space<hbm>>) dst(%arg8 : memref<80x128xi32, #tpu.memory_space<vmem>>)
      %mul3A_243 = arith.constant 80 : i32
      %mul3A_244 = arith.muli %add3A_219, %mul3A_243 : i32
      %add3A_245 = arith.addi %mul3A_2, %mul3A_244 : i32
      %dma_start3A_246 = arith.constant 0 : i32
      %dma_start3A_247 = tpu.memref_slice %arg4[%add3A_245, %dma_start3A_246] : memref<320000x128xi32, #tpu.memory_space<hbm>> -> memref<80x128xi32, #tpu.memory_space<hbm>>
      %dma_start3A_248 = arith.constant 0 : i32
      %dma_start3A_249 = tpu.memref_slice %arg4[%add3A_245, %dma_start3A_248] : memref<320000x128xi32, #tpu.memory_space<hbm>> -> memref<80x128xi32, #tpu.memory_space<hbm>>
      tpu.enqueue_dma source(%arg8 : memref<80x128xi32, #tpu.memory_space<vmem>>) target(%dma_start3A_249 : memref<80x128xi32, #tpu.memory_space<hbm>>) target_semaphore(%arg18 : memref<!tpu.dma_semaphore, #tpu.memory_space<semaphore_mem>>)
      %add3A_250 = arith.constant 3 : i32
      %add3A_251 = arith.addi %mul3A_156, %add3A_250 : i32
      %dma_wait3A_252 = arith.constant 0 : i32
      %dma_wait3A_253 = tpu.memref_slice %arg4[%mul3A_2, %dma_wait3A_252] : memref<320000x128xi32, #tpu.memory_space<hbm>> -> memref<80x128xi32, #tpu.memory_space<hbm>>
      %dma_wait3A_254 = arith.constant 0 : i32
      %dma_wait3A_255 = tpu.memref_slice %arg4[%mul3A_2, %dma_wait3A_254] : memref<320000x128xi32, #tpu.memory_space<hbm>> -> memref<80x128xi32, #tpu.memory_space<hbm>>
      tpu.wait_dma2 semaphore(%arg16 : memref<!tpu.dma_semaphore, #tpu.memory_space<semaphore_mem>>) src(%arg6 : memref<80x128xi32, #tpu.memory_space<vmem>>) dst(%dma_wait3A_255 : memref<80x128xi32, #tpu.memory_space<hbm>>)
      %add3A_256 = arith.constant 2 : i32
      %add3A_257 = arith.addi %add3A_251, %add3A_256 : i32
      %lt3A_258 = arith.constant 125 : i32
      %lt3A_259 = arith.cmpi slt, %add3A_257, %lt3A_258 : i32
      %jit3A_260 = arith.constant 0 : i32
      %select_n3A_261 = arith.select %lt3A_259, %add3A_257, %jit3A_260 : i32
      %dma_start3A_262 = arith.constant 0 : i32
      %dma_start3A_263 = tpu.memref_slice %arg5[%select_n3A_261, %dma_start3A_262] : memref<125x80xi32, #tpu.memory_space<vmem>> -> memref<1x80xi32, #tpu.memory_space<vmem>>
      %dma_start3A_264 = tpu.memref_squeeze %dma_start3A_263 : memref<1x80xi32, #tpu.memory_space<vmem>> -> memref<80xi32, #tpu.memory_space<vmem>>
      %dma_start3A_265 = arith.constant 0 : i32
      %dma_start3A_266 = arith.constant 0 : i32
      %dma_start3A_267 = tpu.memref_slice %arg2[%dma_start3A_265, %dma_start3A_266] : memref<160000x128xi32, #tpu.memory_space<hbm>> -> memref<160000x128xi32, #tpu.memory_space<hbm>>
      tpu.enqueue_indirect_dma source(%dma_start3A_267 : memref<160000x128xi32, #tpu.memory_space<hbm>>) target(%arg6 : memref<80x128xi32, #tpu.memory_space<vmem>>) offsets(%dma_start3A_264 : memref<80xi32, #tpu.memory_space<vmem>>) semaphore(%arg11 : memref<!tpu.dma_semaphore, #tpu.memory_space<semaphore_mem>>)
      %dma_wait3A_268 = arith.constant 0 : i32
      %dma_wait3A_269 = arith.constant 0 : i32
      %dma_wait3A_270 = tpu.memref_slice %arg5[%dma_wait3A_268, %dma_wait3A_269] : memref<125x80xi32, #tpu.memory_space<vmem>> -> memref<1x80xi32, #tpu.memory_space<vmem>>
      %dma_wait3A_271 = tpu.memref_squeeze %dma_wait3A_270 : memref<1x80xi32, #tpu.memory_space<vmem>> -> memref<80xi32, #tpu.memory_space<vmem>>
      %dma_wait3A_272 = arith.constant 0 : i32
      %dma_wait3A_273 = arith.constant 0 : i32
      %dma_wait3A_274 = tpu.memref_slice %arg2[%dma_wait3A_272, %dma_wait3A_273] : memref<160000x128xi32, #tpu.memory_space<hbm>> -> memref<160000x128xi32, #tpu.memory_space<hbm>>
      tpu.wait_indirect_dma semaphore(%arg14 : memref<!tpu.dma_semaphore, #tpu.memory_space<semaphore_mem>>) src(%dma_wait3A_274 : memref<160000x128xi32, #tpu.memory_space<hbm>>) dst(%arg9 : memref<80x128xi32, #tpu.memory_space<vmem>>)
      %mul3A_275 = arith.constant 80 : i32
      %mul3A_276 = arith.muli %add3A_251, %mul3A_275 : i32
      %add3A_277 = arith.addi %mul3A_2, %mul3A_276 : i32
      %dma_start3A_278 = arith.constant 0 : i32
      %dma_start3A_279 = tpu.memref_slice %arg4[%add3A_277, %dma_start3A_278] : memref<320000x128xi32, #tpu.memory_space<hbm>> -> memref<80x128xi32, #tpu.memory_space<hbm>>
      %dma_start3A_280 = arith.constant 0 : i32
      %dma_start3A_281 = tpu.memref_slice %arg4[%add3A_277, %dma_start3A_280] : memref<320000x128xi32, #tpu.memory_space<hbm>> -> memref<80x128xi32, #tpu.memory_space<hbm>>
      tpu.enqueue_dma source(%arg9 : memref<80x128xi32, #tpu.memory_space<vmem>>) target(%dma_start3A_281 : memref<80x128xi32, #tpu.memory_space<hbm>>) target_semaphore(%arg19 : memref<!tpu.dma_semaphore, #tpu.memory_space<semaphore_mem>>)
      %add3A_282 = arith.constant 4 : i32
      %add3A_283 = arith.addi %mul3A_156, %add3A_282 : i32
      %dma_wait3A_284 = arith.constant 0 : i32
      %dma_wait3A_285 = tpu.memref_slice %arg4[%mul3A_2, %dma_wait3A_284] : memref<320000x128xi32, #tpu.memory_space<hbm>> -> memref<80x128xi32, #tpu.memory_space<hbm>>
      %dma_wait3A_286 = arith.constant 0 : i32
      %dma_wait3A_287 = tpu.memref_slice %arg4[%mul3A_2, %dma_wait3A_286] : memref<320000x128xi32, #tpu.memory_space<hbm>> -> memref<80x128xi32, #tpu.memory_space<hbm>>
      tpu.wait_dma2 semaphore(%arg17 : memref<!tpu.dma_semaphore, #tpu.memory_space<semaphore_mem>>) src(%arg7 : memref<80x128xi32, #tpu.memory_space<vmem>>) dst(%dma_wait3A_287 : memref<80x128xi32, #tpu.memory_space<hbm>>)
      %add3A_288 = arith.constant 2 : i32
      %add3A_289 = arith.addi %add3A_283, %add3A_288 : i32
      %lt3A_290 = arith.constant 125 : i32
      %lt3A_291 = arith.cmpi slt, %add3A_289, %lt3A_290 : i32
      %jit3A_292 = arith.constant 0 : i32
      %select_n3A_293 = arith.select %lt3A_291, %add3A_289, %jit3A_292 : i32
      %dma_start3A_294 = arith.constant 0 : i32
      %dma_start3A_295 = tpu.memref_slice %arg5[%select_n3A_293, %dma_start3A_294] : memref<125x80xi32, #tpu.memory_space<vmem>> -> memref<1x80xi32, #tpu.memory_space<vmem>>
      %dma_start3A_296 = tpu.memref_squeeze %dma_start3A_295 : memref<1x80xi32, #tpu.memory_space<vmem>> -> memref<80xi32, #tpu.memory_space<vmem>>
      %dma_start3A_297 = arith.constant 0 : i32
      %dma_start3A_298 = arith.constant 0 : i32
      %dma_start3A_299 = tpu.memref_slice %arg2[%dma_start3A_297, %dma_start3A_298] : memref<160000x128xi32, #tpu.memory_space<hbm>> -> memref<160000x128xi32, #tpu.memory_space<hbm>>
      tpu.enqueue_indirect_dma source(%dma_start3A_299 : memref<160000x128xi32, #tpu.memory_space<hbm>>) target(%arg7 : memref<80x128xi32, #tpu.memory_space<vmem>>) offsets(%dma_start3A_296 : memref<80xi32, #tpu.memory_space<vmem>>) semaphore(%arg12 : memref<!tpu.dma_semaphore, #tpu.memory_space<semaphore_mem>>)
      %dma_wait3A_300 = arith.constant 0 : i32
      %dma_wait3A_301 = arith.constant 0 : i32
      %dma_wait3A_302 = tpu.memref_slice %arg5[%dma_wait3A_300, %dma_wait3A_301] : memref<125x80xi32, #tpu.memory_space<vmem>> -> memref<1x80xi32, #tpu.memory_space<vmem>>
      %dma_wait3A_303 = tpu.memref_squeeze %dma_wait3A_302 : memref<1x80xi32, #tpu.memory_space<vmem>> -> memref<80xi32, #tpu.memory_space<vmem>>
      %dma_wait3A_304 = arith.constant 0 : i32
      %dma_wait3A_305 = arith.constant 0 : i32
      %dma_wait3A_306 = tpu.memref_slice %arg2[%dma_wait3A_304, %dma_wait3A_305] : memref<160000x128xi32, #tpu.memory_space<hbm>> -> memref<160000x128xi32, #tpu.memory_space<hbm>>
      tpu.wait_indirect_dma semaphore(%arg15 : memref<!tpu.dma_semaphore, #tpu.memory_space<semaphore_mem>>) src(%dma_wait3A_306 : memref<160000x128xi32, #tpu.memory_space<hbm>>) dst(%arg10 : memref<80x128xi32, #tpu.memory_space<vmem>>)
      %mul3A_307 = arith.constant 80 : i32
      %mul3A_308 = arith.muli %add3A_283, %mul3A_307 : i32
      %add3A_309 = arith.addi %mul3A_2, %mul3A_308 : i32
      %dma_start3A_310 = arith.constant 0 : i32
      %dma_start3A_311 = tpu.memref_slice %arg4[%add3A_309, %dma_start3A_310] : memref<320000x128xi32, #tpu.memory_space<hbm>> -> memref<80x128xi32, #tpu.memory_space<hbm>>
      %dma_start3A_312 = arith.constant 0 : i32
      %dma_start3A_313 = tpu.memref_slice %arg4[%add3A_309, %dma_start3A_312] : memref<320000x128xi32, #tpu.memory_space<hbm>> -> memref<80x128xi32, #tpu.memory_space<hbm>>
      tpu.enqueue_dma source(%arg10 : memref<80x128xi32, #tpu.memory_space<vmem>>) target(%dma_start3A_313 : memref<80x128xi32, #tpu.memory_space<hbm>>) target_semaphore(%arg20 : memref<!tpu.dma_semaphore, #tpu.memory_space<semaphore_mem>>)
    }
    %scan3A_127 = arith.constant 24 : i32
    %dma_wait3A_128 = arith.constant 0 : i32
    %dma_wait3A_129 = arith.constant 0 : i32
    %dma_wait3A_130 = tpu.memref_slice %arg5[%dma_wait3A_128, %dma_wait3A_129] : memref<125x80xi32, #tpu.memory_space<vmem>> -> memref<1x80xi32, #tpu.memory_space<vmem>>
    %dma_wait3A_131 = tpu.memref_squeeze %dma_wait3A_130 : memref<1x80xi32, #tpu.memory_space<vmem>> -> memref<80xi32, #tpu.memory_space<vmem>>
    %dma_wait3A_132 = arith.constant 0 : i32
    %dma_wait3A_133 = arith.constant 0 : i32
    %dma_wait3A_134 = tpu.memref_slice %arg2[%dma_wait3A_132, %dma_wait3A_133] : memref<160000x128xi32, #tpu.memory_space<hbm>> -> memref<160000x128xi32, #tpu.memory_space<hbm>>
    tpu.wait_indirect_dma semaphore(%arg11 : memref<!tpu.dma_semaphore, #tpu.memory_space<semaphore_mem>>) src(%dma_wait3A_134 : memref<160000x128xi32, #tpu.memory_space<hbm>>) dst(%arg6 : memref<80x128xi32, #tpu.memory_space<vmem>>)
    %dma_wait3A_135 = arith.constant 0 : i32
    %dma_wait3A_136 = arith.constant 0 : i32
    %dma_wait3A_137 = tpu.memref_slice %arg5[%dma_wait3A_135, %dma_wait3A_136] : memref<125x80xi32, #tpu.memory_space<vmem>> -> memref<1x80xi32, #tpu.memory_space<vmem>>
    %dma_wait3A_138 = tpu.memref_squeeze %dma_wait3A_137 : memref<1x80xi32, #tpu.memory_space<vmem>> -> memref<80xi32, #tpu.memory_space<vmem>>
    %dma_wait3A_139 = arith.constant 0 : i32
    %dma_wait3A_140 = arith.constant 0 : i32
    %dma_wait3A_141 = tpu.memref_slice %arg2[%dma_wait3A_139, %dma_wait3A_140] : memref<160000x128xi32, #tpu.memory_space<hbm>> -> memref<160000x128xi32, #tpu.memory_space<hbm>>
    tpu.wait_indirect_dma semaphore(%arg12 : memref<!tpu.dma_semaphore, #tpu.memory_space<semaphore_mem>>) src(%dma_wait3A_141 : memref<160000x128xi32, #tpu.memory_space<hbm>>) dst(%arg7 : memref<80x128xi32, #tpu.memory_space<vmem>>)
    %dma_wait3A_142 = arith.constant 0 : i32
    %dma_wait3A_143 = tpu.memref_slice %arg4[%mul3A_2, %dma_wait3A_142] : memref<320000x128xi32, #tpu.memory_space<hbm>> -> memref<80x128xi32, #tpu.memory_space<hbm>>
    %dma_wait3A_144 = arith.constant 0 : i32
    %dma_wait3A_145 = tpu.memref_slice %arg4[%mul3A_2, %dma_wait3A_144] : memref<320000x128xi32, #tpu.memory_space<hbm>> -> memref<80x128xi32, #tpu.memory_space<hbm>>
    tpu.wait_dma2 semaphore(%arg18 : memref<!tpu.dma_semaphore, #tpu.memory_space<semaphore_mem>>) src(%arg8 : memref<80x128xi32, #tpu.memory_space<vmem>>) dst(%dma_wait3A_145 : memref<80x128xi32, #tpu.memory_space<hbm>>)
    %dma_wait3A_146 = arith.constant 0 : i32
    %dma_wait3A_147 = tpu.memref_slice %arg4[%mul3A_2, %dma_wait3A_146] : memref<320000x128xi32, #tpu.memory_space<hbm>> -> memref<80x128xi32, #tpu.memory_space<hbm>>
    %dma_wait3A_148 = arith.constant 0 : i32
    %dma_wait3A_149 = tpu.memref_slice %arg4[%mul3A_2, %dma_wait3A_148] : memref<320000x128xi32, #tpu.memory_space<hbm>> -> memref<80x128xi32, #tpu.memory_space<hbm>>
    tpu.wait_dma2 semaphore(%arg19 : memref<!tpu.dma_semaphore, #tpu.memory_space<semaphore_mem>>) src(%arg9 : memref<80x128xi32, #tpu.memory_space<vmem>>) dst(%dma_wait3A_149 : memref<80x128xi32, #tpu.memory_space<hbm>>)
    %dma_wait3A_150 = arith.constant 0 : i32
    %dma_wait3A_151 = tpu.memref_slice %arg4[%mul3A_2, %dma_wait3A_150] : memref<320000x128xi32, #tpu.memory_space<hbm>> -> memref<80x128xi32, #tpu.memory_space<hbm>>
    %dma_wait3A_152 = arith.constant 0 : i32
    %dma_wait3A_153 = tpu.memref_slice %arg4[%mul3A_2, %dma_wait3A_152] : memref<320000x128xi32, #tpu.memory_space<hbm>> -> memref<80x128xi32, #tpu.memory_space<hbm>>
    tpu.wait_dma2 semaphore(%arg20 : memref<!tpu.dma_semaphore, #tpu.memory_space<semaphore_mem>>) src(%arg10 : memref<80x128xi32, #tpu.memory_space<vmem>>) dst(%dma_wait3A_153 : memref<80x128xi32, #tpu.memory_space<hbm>>)
    return
  }
}

#map = affine_map<(d0, d1) -> (0, 0)>
#map1 = affine_map<(d0, d1) -> (0, 0, 0)>
module attributes {stable_mosaic.version = 14 : i64} {
  func.func @_sc_gather_body(%arg0: i32, %arg1: i32, %arg2: memref<160000x128xi32, #tpu.memory_space<hbm>>, %arg3: memref<32x125x80xi32, #tpu.memory_space<hbm>>, %arg4: memref<320000x128xi32, #tpu.memory_space<hbm>>, %arg5: memref<125x80xi32, #tpu.memory_space<vmem>>, %arg6: memref<80x128xi32, #tpu.memory_space<vmem>>, %arg7: memref<80x128xi32, #tpu.memory_space<vmem>>, %arg8: memref<80x128xi32, #tpu.memory_space<vmem>>, %arg9: memref<80x128xi32, #tpu.memory_space<vmem>>, %arg10: memref<80x128xi32, #tpu.memory_space<vmem>>, %arg11: memref<!tpu.dma_semaphore, #tpu.memory_space<semaphore_mem>>, %arg12: memref<!tpu.dma_semaphore, #tpu.memory_space<semaphore_mem>>, %arg13: memref<!tpu.dma_semaphore, #tpu.memory_space<semaphore_mem>>, %arg14: memref<!tpu.dma_semaphore, #tpu.memory_space<semaphore_mem>>, %arg15: memref<!tpu.dma_semaphore, #tpu.memory_space<semaphore_mem>>, %arg16: memref<!tpu.dma_semaphore, #tpu.memory_space<semaphore_mem>>, %arg17: memref<!tpu.dma_semaphore, #tpu.memory_space<semaphore_mem>>, %arg18: memref<!tpu.dma_semaphore, #tpu.memory_space<semaphore_mem>>, %arg19: memref<!tpu.dma_semaphore, #tpu.memory_space<semaphore_mem>>, %arg20: memref<!tpu.dma_semaphore, #tpu.memory_space<semaphore_mem>>) attributes {dimension_semantics = [#tpu.dimension_semantics<core_parallel>, #tpu.dimension_semantics<subcore_parallel>], iteration_bounds = array<i64: 2, 16>, scalar_prefetch = 0 : i64, scratch_operands = 16 : i64, tpu.core_type = #tpu.core_type<sc_vector_subcore>, window_params = [{transform_indices = #map}, {transform_indices = #map1}, {transform_indices = #map}]} {
    %mul3A = arith.constant 2 : i32
    %mul3A_0 = arith.muli %arg1, %mul3A : i32
    %add3A = arith.addi %mul3A_0, %arg0 : i32
    %mul3A_1 = arith.constant 10000 : i32
    %mul3A_2 = arith.muli %add3A, %mul3A_1 : i32
    "tpu.region"() ({
      %run_scoped3A = tpu.sem_alloc : memref<!tpu.dma_semaphore, #tpu.memory_space<semaphore_mem>>
      %dma_start3A_154 = arith.constant 0 : i32
      %dma_start3A_155 = arith.constant 0 : i32
      %dma_start3A_156 = tpu.memref_slice %arg3[%add3A, %dma_start3A_154, %dma_start3A_155] : memref<32x125x80xi32, #tpu.memory_space<hbm>> -> memref<1x125x80xi32, #tpu.memory_space<hbm>>
      %dma_start3A_157 = tpu.memref_squeeze %dma_start3A_156 : memref<1x125x80xi32, #tpu.memory_space<hbm>> -> memref<125x80xi32, #tpu.memory_space<hbm>>
      %dma_start3A_158 = arith.constant 0 : i32
      %dma_start3A_159 = arith.constant 0 : i32
      %dma_start3A_160 = tpu.memref_slice %arg3[%add3A, %dma_start3A_158, %dma_start3A_159] : memref<32x125x80xi32, #tpu.memory_space<hbm>> -> memref<1x125x80xi32, #tpu.memory_space<hbm>>
      %dma_start3A_161 = tpu.memref_squeeze %dma_start3A_160 : memref<1x125x80xi32, #tpu.memory_space<hbm>> -> memref<125x80xi32, #tpu.memory_space<hbm>>
      tpu.enqueue_dma source(%dma_start3A_161 : memref<125x80xi32, #tpu.memory_space<hbm>>) target(%arg5 : memref<125x80xi32, #tpu.memory_space<vmem>>) target_semaphore(%run_scoped3A : memref<!tpu.dma_semaphore, #tpu.memory_space<semaphore_mem>>)
      %dma_wait3A_162 = arith.constant 0 : i32
      %dma_wait3A_163 = arith.constant 0 : i32
      %dma_wait3A_164 = tpu.memref_slice %arg3[%add3A, %dma_wait3A_162, %dma_wait3A_163] : memref<32x125x80xi32, #tpu.memory_space<hbm>> -> memref<1x125x80xi32, #tpu.memory_space<hbm>>
      %dma_wait3A_165 = tpu.memref_squeeze %dma_wait3A_164 : memref<1x125x80xi32, #tpu.memory_space<hbm>> -> memref<125x80xi32, #tpu.memory_space<hbm>>
      %dma_wait3A_166 = arith.constant 0 : i32
      %dma_wait3A_167 = arith.constant 0 : i32
      %dma_wait3A_168 = tpu.memref_slice %arg3[%add3A, %dma_wait3A_166, %dma_wait3A_167] : memref<32x125x80xi32, #tpu.memory_space<hbm>> -> memref<1x125x80xi32, #tpu.memory_space<hbm>>
      %dma_wait3A_169 = tpu.memref_squeeze %dma_wait3A_168 : memref<1x125x80xi32, #tpu.memory_space<hbm>> -> memref<125x80xi32, #tpu.memory_space<hbm>>
      tpu.wait_dma2 semaphore(%run_scoped3A : memref<!tpu.dma_semaphore, #tpu.memory_space<semaphore_mem>>) src(%dma_wait3A_169 : memref<125x80xi32, #tpu.memory_space<hbm>>) dst(%arg5 : memref<125x80xi32, #tpu.memory_space<vmem>>)
      tpu.yield
    }) : () -> ()
    %dma_start3A = arith.constant 0 : i32
    %dma_start3A_3 = arith.constant 0 : i32
    %dma_start3A_4 = tpu.memref_slice %arg5[%dma_start3A, %dma_start3A_3] : memref<125x80xi32, #tpu.memory_space<vmem>> -> memref<1x80xi32, #tpu.memory_space<vmem>>
    %dma_start3A_5 = tpu.memref_squeeze %dma_start3A_4 : memref<1x80xi32, #tpu.memory_space<vmem>> -> memref<80xi32, #tpu.memory_space<vmem>>
    %dma_start3A_6 = arith.constant 0 : i32
    %dma_start3A_7 = arith.constant 0 : i32
    %dma_start3A_8 = tpu.memref_slice %arg2[%dma_start3A_6, %dma_start3A_7] : memref<160000x128xi32, #tpu.memory_space<hbm>> -> memref<160000x128xi32, #tpu.memory_space<hbm>>
    tpu.enqueue_indirect_dma source(%dma_start3A_8 : memref<160000x128xi32, #tpu.memory_space<hbm>>) target(%arg6 : memref<80x128xi32, #tpu.memory_space<vmem>>) offsets(%dma_start3A_5 : memref<80xi32, #tpu.memory_space<vmem>>) semaphore(%arg11 : memref<!tpu.dma_semaphore, #tpu.memory_space<semaphore_mem>>)
    %dma_start3A_9 = arith.constant 1 : i32
    %dma_start3A_10 = arith.constant 0 : i32
    %dma_start3A_11 = tpu.memref_slice %arg5[%dma_start3A_9, %dma_start3A_10] : memref<125x80xi32, #tpu.memory_space<vmem>> -> memref<1x80xi32, #tpu.memory_space<vmem>>
    %dma_start3A_12 = tpu.memref_squeeze %dma_start3A_11 : memref<1x80xi32, #tpu.memory_space<vmem>> -> memref<80xi32, #tpu.memory_space<vmem>>
    %dma_start3A_13 = arith.constant 0 : i32
    %dma_start3A_14 = arith.constant 0 : i32
    %dma_start3A_15 = tpu.memref_slice %arg2[%dma_start3A_13, %dma_start3A_14] : memref<160000x128xi32, #tpu.memory_space<hbm>> -> memref<160000x128xi32, #tpu.memory_space<hbm>>
    tpu.enqueue_indirect_dma source(%dma_start3A_15 : memref<160000x128xi32, #tpu.memory_space<hbm>>) target(%arg7 : memref<80x128xi32, #tpu.memory_space<vmem>>) offsets(%dma_start3A_12 : memref<80xi32, #tpu.memory_space<vmem>>) semaphore(%arg12 : memref<!tpu.dma_semaphore, #tpu.memory_space<semaphore_mem>>)
    %dma_start3A_16 = arith.constant 2 : i32
    %dma_start3A_17 = arith.constant 0 : i32
    %dma_start3A_18 = tpu.memref_slice %arg5[%dma_start3A_16, %dma_start3A_17] : memref<125x80xi32, #tpu.memory_space<vmem>> -> memref<1x80xi32, #tpu.memory_space<vmem>>
    %dma_start3A_19 = tpu.memref_squeeze %dma_start3A_18 : memref<1x80xi32, #tpu.memory_space<vmem>> -> memref<80xi32, #tpu.memory_space<vmem>>
    %dma_start3A_20 = arith.constant 0 : i32
    %dma_start3A_21 = arith.constant 0 : i32
    %dma_start3A_22 = tpu.memref_slice %arg2[%dma_start3A_20, %dma_start3A_21] : memref<160000x128xi32, #tpu.memory_space<hbm>> -> memref<160000x128xi32, #tpu.memory_space<hbm>>
    tpu.enqueue_indirect_dma source(%dma_start3A_22 : memref<160000x128xi32, #tpu.memory_space<hbm>>) target(%arg8 : memref<80x128xi32, #tpu.memory_space<vmem>>) offsets(%dma_start3A_19 : memref<80xi32, #tpu.memory_space<vmem>>) semaphore(%arg13 : memref<!tpu.dma_semaphore, #tpu.memory_space<semaphore_mem>>)
    %dma_wait3A = arith.constant 0 : i32
    %dma_wait3A_23 = arith.constant 0 : i32
    %dma_wait3A_24 = tpu.memref_slice %arg5[%dma_wait3A, %dma_wait3A_23] : memref<125x80xi32, #tpu.memory_space<vmem>> -> memref<1x80xi32, #tpu.memory_space<vmem>>
    %dma_wait3A_25 = tpu.memref_squeeze %dma_wait3A_24 : memref<1x80xi32, #tpu.memory_space<vmem>> -> memref<80xi32, #tpu.memory_space<vmem>>
    %dma_wait3A_26 = arith.constant 0 : i32
    %dma_wait3A_27 = arith.constant 0 : i32
    %dma_wait3A_28 = tpu.memref_slice %arg2[%dma_wait3A_26, %dma_wait3A_27] : memref<160000x128xi32, #tpu.memory_space<hbm>> -> memref<160000x128xi32, #tpu.memory_space<hbm>>
    tpu.wait_indirect_dma semaphore(%arg11 : memref<!tpu.dma_semaphore, #tpu.memory_space<semaphore_mem>>) src(%dma_wait3A_28 : memref<160000x128xi32, #tpu.memory_space<hbm>>) dst(%arg6 : memref<80x128xi32, #tpu.memory_space<vmem>>)
    %add3A_29 = arith.constant 0 : i32
    %add3A_30 = arith.addi %mul3A_2, %add3A_29 : i32
    %dma_start3A_31 = arith.constant 0 : i32
    %dma_start3A_32 = tpu.memref_slice %arg4[%add3A_30, %dma_start3A_31] : memref<320000x128xi32, #tpu.memory_space<hbm>> -> memref<80x128xi32, #tpu.memory_space<hbm>>
    %dma_start3A_33 = arith.constant 0 : i32
    %dma_start3A_34 = tpu.memref_slice %arg4[%add3A_30, %dma_start3A_33] : memref<320000x128xi32, #tpu.memory_space<hbm>> -> memref<80x128xi32, #tpu.memory_space<hbm>>
    tpu.enqueue_dma source(%arg6 : memref<80x128xi32, #tpu.memory_space<vmem>>) target(%dma_start3A_34 : memref<80x128xi32, #tpu.memory_space<hbm>>) target_semaphore(%arg16 : memref<!tpu.dma_semaphore, #tpu.memory_space<semaphore_mem>>)
    %dma_start3A_35 = arith.constant 3 : i32
    %dma_start3A_36 = arith.constant 0 : i32
    %dma_start3A_37 = tpu.memref_slice %arg5[%dma_start3A_35, %dma_start3A_36] : memref<125x80xi32, #tpu.memory_space<vmem>> -> memref<1x80xi32, #tpu.memory_space<vmem>>
    %dma_start3A_38 = tpu.memref_squeeze %dma_start3A_37 : memref<1x80xi32, #tpu.memory_space<vmem>> -> memref<80xi32, #tpu.memory_space<vmem>>
    %dma_start3A_39 = arith.constant 0 : i32
    %dma_start3A_40 = arith.constant 0 : i32
    %dma_start3A_41 = tpu.memref_slice %arg2[%dma_start3A_39, %dma_start3A_40] : memref<160000x128xi32, #tpu.memory_space<hbm>> -> memref<160000x128xi32, #tpu.memory_space<hbm>>
    tpu.enqueue_indirect_dma source(%dma_start3A_41 : memref<160000x128xi32, #tpu.memory_space<hbm>>) target(%arg9 : memref<80x128xi32, #tpu.memory_space<vmem>>) offsets(%dma_start3A_38 : memref<80xi32, #tpu.memory_space<vmem>>) semaphore(%arg14 : memref<!tpu.dma_semaphore, #tpu.memory_space<semaphore_mem>>)
    %dma_wait3A_42 = arith.constant 0 : i32
    %dma_wait3A_43 = arith.constant 0 : i32
    %dma_wait3A_44 = tpu.memref_slice %arg5[%dma_wait3A_42, %dma_wait3A_43] : memref<125x80xi32, #tpu.memory_space<vmem>> -> memref<1x80xi32, #tpu.memory_space<vmem>>
    %dma_wait3A_45 = tpu.memref_squeeze %dma_wait3A_44 : memref<1x80xi32, #tpu.memory_space<vmem>> -> memref<80xi32, #tpu.memory_space<vmem>>
    %dma_wait3A_46 = arith.constant 0 : i32
    %dma_wait3A_47 = arith.constant 0 : i32
    %dma_wait3A_48 = tpu.memref_slice %arg2[%dma_wait3A_46, %dma_wait3A_47] : memref<160000x128xi32, #tpu.memory_space<hbm>> -> memref<160000x128xi32, #tpu.memory_space<hbm>>
    tpu.wait_indirect_dma semaphore(%arg12 : memref<!tpu.dma_semaphore, #tpu.memory_space<semaphore_mem>>) src(%dma_wait3A_48 : memref<160000x128xi32, #tpu.memory_space<hbm>>) dst(%arg7 : memref<80x128xi32, #tpu.memory_space<vmem>>)
    %add3A_49 = arith.constant 80 : i32
    %add3A_50 = arith.addi %mul3A_2, %add3A_49 : i32
    %dma_start3A_51 = arith.constant 0 : i32
    %dma_start3A_52 = tpu.memref_slice %arg4[%add3A_50, %dma_start3A_51] : memref<320000x128xi32, #tpu.memory_space<hbm>> -> memref<80x128xi32, #tpu.memory_space<hbm>>
    %dma_start3A_53 = arith.constant 0 : i32
    %dma_start3A_54 = tpu.memref_slice %arg4[%add3A_50, %dma_start3A_53] : memref<320000x128xi32, #tpu.memory_space<hbm>> -> memref<80x128xi32, #tpu.memory_space<hbm>>
    tpu.enqueue_dma source(%arg7 : memref<80x128xi32, #tpu.memory_space<vmem>>) target(%dma_start3A_54 : memref<80x128xi32, #tpu.memory_space<hbm>>) target_semaphore(%arg17 : memref<!tpu.dma_semaphore, #tpu.memory_space<semaphore_mem>>)
    %dma_start3A_55 = arith.constant 4 : i32
    %dma_start3A_56 = arith.constant 0 : i32
    %dma_start3A_57 = tpu.memref_slice %arg5[%dma_start3A_55, %dma_start3A_56] : memref<125x80xi32, #tpu.memory_space<vmem>> -> memref<1x80xi32, #tpu.memory_space<vmem>>
    %dma_start3A_58 = tpu.memref_squeeze %dma_start3A_57 : memref<1x80xi32, #tpu.memory_space<vmem>> -> memref<80xi32, #tpu.memory_space<vmem>>
    %dma_start3A_59 = arith.constant 0 : i32
    %dma_start3A_60 = arith.constant 0 : i32
    %dma_start3A_61 = tpu.memref_slice %arg2[%dma_start3A_59, %dma_start3A_60] : memref<160000x128xi32, #tpu.memory_space<hbm>> -> memref<160000x128xi32, #tpu.memory_space<hbm>>
    tpu.enqueue_indirect_dma source(%dma_start3A_61 : memref<160000x128xi32, #tpu.memory_space<hbm>>) target(%arg10 : memref<80x128xi32, #tpu.memory_space<vmem>>) offsets(%dma_start3A_58 : memref<80xi32, #tpu.memory_space<vmem>>) semaphore(%arg15 : memref<!tpu.dma_semaphore, #tpu.memory_space<semaphore_mem>>)
    %dma_wait3A_62 = arith.constant 0 : i32
    %dma_wait3A_63 = arith.constant 0 : i32
    %dma_wait3A_64 = tpu.memref_slice %arg5[%dma_wait3A_62, %dma_wait3A_63] : memref<125x80xi32, #tpu.memory_space<vmem>> -> memref<1x80xi32, #tpu.memory_space<vmem>>
    %dma_wait3A_65 = tpu.memref_squeeze %dma_wait3A_64 : memref<1x80xi32, #tpu.memory_space<vmem>> -> memref<80xi32, #tpu.memory_space<vmem>>
    %dma_wait3A_66 = arith.constant 0 : i32
    %dma_wait3A_67 = arith.constant 0 : i32
    %dma_wait3A_68 = tpu.memref_slice %arg2[%dma_wait3A_66, %dma_wait3A_67] : memref<160000x128xi32, #tpu.memory_space<hbm>> -> memref<160000x128xi32, #tpu.memory_space<hbm>>
    tpu.wait_indirect_dma semaphore(%arg13 : memref<!tpu.dma_semaphore, #tpu.memory_space<semaphore_mem>>) src(%dma_wait3A_68 : memref<160000x128xi32, #tpu.memory_space<hbm>>) dst(%arg8 : memref<80x128xi32, #tpu.memory_space<vmem>>)
    %add3A_69 = arith.constant 160 : i32
    %add3A_70 = arith.addi %mul3A_2, %add3A_69 : i32
    %dma_start3A_71 = arith.constant 0 : i32
    %dma_start3A_72 = tpu.memref_slice %arg4[%add3A_70, %dma_start3A_71] : memref<320000x128xi32, #tpu.memory_space<hbm>> -> memref<80x128xi32, #tpu.memory_space<hbm>>
    %dma_start3A_73 = arith.constant 0 : i32
    %dma_start3A_74 = tpu.memref_slice %arg4[%add3A_70, %dma_start3A_73] : memref<320000x128xi32, #tpu.memory_space<hbm>> -> memref<80x128xi32, #tpu.memory_space<hbm>>
    tpu.enqueue_dma source(%arg8 : memref<80x128xi32, #tpu.memory_space<vmem>>) target(%dma_start3A_74 : memref<80x128xi32, #tpu.memory_space<hbm>>) target_semaphore(%arg18 : memref<!tpu.dma_semaphore, #tpu.memory_space<semaphore_mem>>)
    %dma_wait3A_75 = arith.constant 0 : i32
    %dma_wait3A_76 = tpu.memref_slice %arg4[%mul3A_2, %dma_wait3A_75] : memref<320000x128xi32, #tpu.memory_space<hbm>> -> memref<80x128xi32, #tpu.memory_space<hbm>>
    %dma_wait3A_77 = arith.constant 0 : i32
    %dma_wait3A_78 = tpu.memref_slice %arg4[%mul3A_2, %dma_wait3A_77] : memref<320000x128xi32, #tpu.memory_space<hbm>> -> memref<80x128xi32, #tpu.memory_space<hbm>>
    tpu.wait_dma2 semaphore(%arg16 : memref<!tpu.dma_semaphore, #tpu.memory_space<semaphore_mem>>) src(%arg6 : memref<80x128xi32, #tpu.memory_space<vmem>>) dst(%dma_wait3A_78 : memref<80x128xi32, #tpu.memory_space<hbm>>)
    %dma_start3A_79 = arith.constant 5 : i32
    %dma_start3A_80 = arith.constant 0 : i32
    %dma_start3A_81 = tpu.memref_slice %arg5[%dma_start3A_79, %dma_start3A_80] : memref<125x80xi32, #tpu.memory_space<vmem>> -> memref<1x80xi32, #tpu.memory_space<vmem>>
    %dma_start3A_82 = tpu.memref_squeeze %dma_start3A_81 : memref<1x80xi32, #tpu.memory_space<vmem>> -> memref<80xi32, #tpu.memory_space<vmem>>
    %dma_start3A_83 = arith.constant 0 : i32
    %dma_start3A_84 = arith.constant 0 : i32
    %dma_start3A_85 = tpu.memref_slice %arg2[%dma_start3A_83, %dma_start3A_84] : memref<160000x128xi32, #tpu.memory_space<hbm>> -> memref<160000x128xi32, #tpu.memory_space<hbm>>
    tpu.enqueue_indirect_dma source(%dma_start3A_85 : memref<160000x128xi32, #tpu.memory_space<hbm>>) target(%arg6 : memref<80x128xi32, #tpu.memory_space<vmem>>) offsets(%dma_start3A_82 : memref<80xi32, #tpu.memory_space<vmem>>) semaphore(%arg11 : memref<!tpu.dma_semaphore, #tpu.memory_space<semaphore_mem>>)
    %dma_wait3A_86 = arith.constant 0 : i32
    %dma_wait3A_87 = arith.constant 0 : i32
    %dma_wait3A_88 = tpu.memref_slice %arg5[%dma_wait3A_86, %dma_wait3A_87] : memref<125x80xi32, #tpu.memory_space<vmem>> -> memref<1x80xi32, #tpu.memory_space<vmem>>
    %dma_wait3A_89 = tpu.memref_squeeze %dma_wait3A_88 : memref<1x80xi32, #tpu.memory_space<vmem>> -> memref<80xi32, #tpu.memory_space<vmem>>
    %dma_wait3A_90 = arith.constant 0 : i32
    %dma_wait3A_91 = arith.constant 0 : i32
    %dma_wait3A_92 = tpu.memref_slice %arg2[%dma_wait3A_90, %dma_wait3A_91] : memref<160000x128xi32, #tpu.memory_space<hbm>> -> memref<160000x128xi32, #tpu.memory_space<hbm>>
    tpu.wait_indirect_dma semaphore(%arg14 : memref<!tpu.dma_semaphore, #tpu.memory_space<semaphore_mem>>) src(%dma_wait3A_92 : memref<160000x128xi32, #tpu.memory_space<hbm>>) dst(%arg9 : memref<80x128xi32, #tpu.memory_space<vmem>>)
    %add3A_93 = arith.constant 240 : i32
    %add3A_94 = arith.addi %mul3A_2, %add3A_93 : i32
    %dma_start3A_95 = arith.constant 0 : i32
    %dma_start3A_96 = tpu.memref_slice %arg4[%add3A_94, %dma_start3A_95] : memref<320000x128xi32, #tpu.memory_space<hbm>> -> memref<80x128xi32, #tpu.memory_space<hbm>>
    %dma_start3A_97 = arith.constant 0 : i32
    %dma_start3A_98 = tpu.memref_slice %arg4[%add3A_94, %dma_start3A_97] : memref<320000x128xi32, #tpu.memory_space<hbm>> -> memref<80x128xi32, #tpu.memory_space<hbm>>
    tpu.enqueue_dma source(%arg9 : memref<80x128xi32, #tpu.memory_space<vmem>>) target(%dma_start3A_98 : memref<80x128xi32, #tpu.memory_space<hbm>>) target_semaphore(%arg19 : memref<!tpu.dma_semaphore, #tpu.memory_space<semaphore_mem>>)
    %dma_wait3A_99 = arith.constant 0 : i32
    %dma_wait3A_100 = tpu.memref_slice %arg4[%mul3A_2, %dma_wait3A_99] : memref<320000x128xi32, #tpu.memory_space<hbm>> -> memref<80x128xi32, #tpu.memory_space<hbm>>
    %dma_wait3A_101 = arith.constant 0 : i32
    %dma_wait3A_102 = tpu.memref_slice %arg4[%mul3A_2, %dma_wait3A_101] : memref<320000x128xi32, #tpu.memory_space<hbm>> -> memref<80x128xi32, #tpu.memory_space<hbm>>
    tpu.wait_dma2 semaphore(%arg17 : memref<!tpu.dma_semaphore, #tpu.memory_space<semaphore_mem>>) src(%arg7 : memref<80x128xi32, #tpu.memory_space<vmem>>) dst(%dma_wait3A_102 : memref<80x128xi32, #tpu.memory_space<hbm>>)
    %dma_start3A_103 = arith.constant 6 : i32
    %dma_start3A_104 = arith.constant 0 : i32
    %dma_start3A_105 = tpu.memref_slice %arg5[%dma_start3A_103, %dma_start3A_104] : memref<125x80xi32, #tpu.memory_space<vmem>> -> memref<1x80xi32, #tpu.memory_space<vmem>>
    %dma_start3A_106 = tpu.memref_squeeze %dma_start3A_105 : memref<1x80xi32, #tpu.memory_space<vmem>> -> memref<80xi32, #tpu.memory_space<vmem>>
    %dma_start3A_107 = arith.constant 0 : i32
    %dma_start3A_108 = arith.constant 0 : i32
    %dma_start3A_109 = tpu.memref_slice %arg2[%dma_start3A_107, %dma_start3A_108] : memref<160000x128xi32, #tpu.memory_space<hbm>> -> memref<160000x128xi32, #tpu.memory_space<hbm>>
    tpu.enqueue_indirect_dma source(%dma_start3A_109 : memref<160000x128xi32, #tpu.memory_space<hbm>>) target(%arg7 : memref<80x128xi32, #tpu.memory_space<vmem>>) offsets(%dma_start3A_106 : memref<80xi32, #tpu.memory_space<vmem>>) semaphore(%arg12 : memref<!tpu.dma_semaphore, #tpu.memory_space<semaphore_mem>>)
    %dma_wait3A_110 = arith.constant 0 : i32
    %dma_wait3A_111 = arith.constant 0 : i32
    %dma_wait3A_112 = tpu.memref_slice %arg5[%dma_wait3A_110, %dma_wait3A_111] : memref<125x80xi32, #tpu.memory_space<vmem>> -> memref<1x80xi32, #tpu.memory_space<vmem>>
    %dma_wait3A_113 = tpu.memref_squeeze %dma_wait3A_112 : memref<1x80xi32, #tpu.memory_space<vmem>> -> memref<80xi32, #tpu.memory_space<vmem>>
    %dma_wait3A_114 = arith.constant 0 : i32
    %dma_wait3A_115 = arith.constant 0 : i32
    %dma_wait3A_116 = tpu.memref_slice %arg2[%dma_wait3A_114, %dma_wait3A_115] : memref<160000x128xi32, #tpu.memory_space<hbm>> -> memref<160000x128xi32, #tpu.memory_space<hbm>>
    tpu.wait_indirect_dma semaphore(%arg15 : memref<!tpu.dma_semaphore, #tpu.memory_space<semaphore_mem>>) src(%dma_wait3A_116 : memref<160000x128xi32, #tpu.memory_space<hbm>>) dst(%arg10 : memref<80x128xi32, #tpu.memory_space<vmem>>)
    %add3A_117 = arith.constant 320 : i32
    %add3A_118 = arith.addi %mul3A_2, %add3A_117 : i32
    %dma_start3A_119 = arith.constant 0 : i32
    %dma_start3A_120 = tpu.memref_slice %arg4[%add3A_118, %dma_start3A_119] : memref<320000x128xi32, #tpu.memory_space<hbm>> -> memref<80x128xi32, #tpu.memory_space<hbm>>
    %dma_start3A_121 = arith.constant 0 : i32
    %dma_start3A_122 = tpu.memref_slice %arg4[%add3A_118, %dma_start3A_121] : memref<320000x128xi32, #tpu.memory_space<hbm>> -> memref<80x128xi32, #tpu.memory_space<hbm>>
    tpu.enqueue_dma source(%arg10 : memref<80x128xi32, #tpu.memory_space<vmem>>) target(%dma_start3A_122 : memref<80x128xi32, #tpu.memory_space<hbm>>) target_semaphore(%arg20 : memref<!tpu.dma_semaphore, #tpu.memory_space<semaphore_mem>>)
    %scan3A = arith.constant 0 : i32
    %scan3A_123 = arith.constant 1 : i32
    %scan3A_124 = arith.constant 24 : i32
    %scan3A_125 = arith.addi %scan3A_123, %scan3A_124 : i32
    %scan3A_126 = arith.constant 1 : i32
    scf.for %scan3A_154 = %scan3A_123 to %scan3A_125 step %scan3A_126  : i32 {
      %mul3A_155 = arith.constant 5 : i32
      %mul3A_156 = arith.muli %mul3A_155, %scan3A_154 : i32
      %add3A_157 = arith.constant 0 : i32
      %add3A_158 = arith.addi %mul3A_156, %add3A_157 : i32
      %dma_wait3A_159 = arith.constant 0 : i32
      %dma_wait3A_160 = tpu.memref_slice %arg4[%mul3A_2, %dma_wait3A_159] : memref<320000x128xi32, #tpu.memory_space<hbm>> -> memref<80x128xi32, #tpu.memory_space<hbm>>
      %dma_wait3A_161 = arith.constant 0 : i32
      %dma_wait3A_162 = tpu.memref_slice %arg4[%mul3A_2, %dma_wait3A_161] : memref<320000x128xi32, #tpu.memory_space<hbm>> -> memref<80x128xi32, #tpu.memory_space<hbm>>
      tpu.wait_dma2 semaphore(%arg18 : memref<!tpu.dma_semaphore, #tpu.memory_space<semaphore_mem>>) src(%arg8 : memref<80x128xi32, #tpu.memory_space<vmem>>) dst(%dma_wait3A_162 : memref<80x128xi32, #tpu.memory_space<hbm>>)
      %add3A_163 = arith.constant 2 : i32
      %add3A_164 = arith.addi %add3A_158, %add3A_163 : i32
      %lt3A = arith.constant 125 : i32
      %lt3A_165 = arith.cmpi slt, %add3A_164, %lt3A : i32
      %jit3A = arith.constant 0 : i32
      %select_n3A = arith.select %lt3A_165, %add3A_164, %jit3A : i32
      %dma_start3A_166 = arith.constant 0 : i32
      %dma_start3A_167 = tpu.memref_slice %arg5[%select_n3A, %dma_start3A_166] : memref<125x80xi32, #tpu.memory_space<vmem>> -> memref<1x80xi32, #tpu.memory_space<vmem>>
      %dma_start3A_168 = tpu.memref_squeeze %dma_start3A_167 : memref<1x80xi32, #tpu.memory_space<vmem>> -> memref<80xi32, #tpu.memory_space<vmem>>
      %dma_start3A_169 = arith.constant 0 : i32
      %dma_start3A_170 = arith.constant 0 : i32
      %dma_start3A_171 = tpu.memref_slice %arg2[%dma_start3A_169, %dma_start3A_170] : memref<160000x128xi32, #tpu.memory_space<hbm>> -> memref<160000x128xi32, #tpu.memory_space<hbm>>
      tpu.enqueue_indirect_dma source(%dma_start3A_171 : memref<160000x128xi32, #tpu.memory_space<hbm>>) target(%arg8 : memref<80x128xi32, #tpu.memory_space<vmem>>) offsets(%dma_start3A_168 : memref<80xi32, #tpu.memory_space<vmem>>) semaphore(%arg13 : memref<!tpu.dma_semaphore, #tpu.memory_space<semaphore_mem>>)
      %dma_wait3A_172 = arith.constant 0 : i32
      %dma_wait3A_173 = arith.constant 0 : i32
      %dma_wait3A_174 = tpu.memref_slice %arg5[%dma_wait3A_172, %dma_wait3A_173] : memref<125x80xi32, #tpu.memory_space<vmem>> -> memref<1x80xi32, #tpu.memory_space<vmem>>
      %dma_wait3A_175 = tpu.memref_squeeze %dma_wait3A_174 : memref<1x80xi32, #tpu.memory_space<vmem>> -> memref<80xi32, #tpu.memory_space<vmem>>
      %dma_wait3A_176 = arith.constant 0 : i32
      %dma_wait3A_177 = arith.constant 0 : i32
      %dma_wait3A_178 = tpu.memref_slice %arg2[%dma_wait3A_176, %dma_wait3A_177] : memref<160000x128xi32, #tpu.memory_space<hbm>> -> memref<160000x128xi32, #tpu.memory_space<hbm>>
      tpu.wait_indirect_dma semaphore(%arg11 : memref<!tpu.dma_semaphore, #tpu.memory_space<semaphore_mem>>) src(%dma_wait3A_178 : memref<160000x128xi32, #tpu.memory_space<hbm>>) dst(%arg6 : memref<80x128xi32, #tpu.memory_space<vmem>>)
      %mul3A_179 = arith.constant 80 : i32
      %mul3A_180 = arith.muli %add3A_158, %mul3A_179 : i32
      %add3A_181 = arith.addi %mul3A_2, %mul3A_180 : i32
      %dma_start3A_182 = arith.constant 0 : i32
      %dma_start3A_183 = tpu.memref_slice %arg4[%add3A_181, %dma_start3A_182] : memref<320000x128xi32, #tpu.memory_space<hbm>> -> memref<80x128xi32, #tpu.memory_space<hbm>>
      %dma_start3A_184 = arith.constant 0 : i32
      %dma_start3A_185 = tpu.memref_slice %arg4[%add3A_181, %dma_start3A_184] : memref<320000x128xi32, #tpu.memory_space<hbm>> -> memref<80x128xi32, #tpu.memory_space<hbm>>
      tpu.enqueue_dma source(%arg6 : memref<80x128xi32, #tpu.memory_space<vmem>>) target(%dma_start3A_185 : memref<80x128xi32, #tpu.memory_space<hbm>>) target_semaphore(%arg16 : memref<!tpu.dma_semaphore, #tpu.memory_space<semaphore_mem>>)
      %add3A_186 = arith.constant 1 : i32
      %add3A_187 = arith.addi %mul3A_156, %add3A_186 : i32
      %dma_wait3A_188 = arith.constant 0 : i32
      %dma_wait3A_189 = tpu.memref_slice %arg4[%mul3A_2, %dma_wait3A_188] : memref<320000x128xi32, #tpu.memory_space<hbm>> -> memref<80x128xi32, #tpu.memory_space<hbm>>
      %dma_wait3A_190 = arith.constant 0 : i32
      %dma_wait3A_191 = tpu.memref_slice %arg4[%mul3A_2, %dma_wait3A_190] : memref<320000x128xi32, #tpu.memory_space<hbm>> -> memref<80x128xi32, #tpu.memory_space<hbm>>
      tpu.wait_dma2 semaphore(%arg19 : memref<!tpu.dma_semaphore, #tpu.memory_space<semaphore_mem>>) src(%arg9 : memref<80x128xi32, #tpu.memory_space<vmem>>) dst(%dma_wait3A_191 : memref<80x128xi32, #tpu.memory_space<hbm>>)
      %add3A_192 = arith.constant 2 : i32
      %add3A_193 = arith.addi %add3A_187, %add3A_192 : i32
      %lt3A_194 = arith.constant 125 : i32
      %lt3A_195 = arith.cmpi slt, %add3A_193, %lt3A_194 : i32
      %jit3A_196 = arith.constant 0 : i32
      %select_n3A_197 = arith.select %lt3A_195, %add3A_193, %jit3A_196 : i32
      %dma_start3A_198 = arith.constant 0 : i32
      %dma_start3A_199 = tpu.memref_slice %arg5[%select_n3A_197, %dma_start3A_198] : memref<125x80xi32, #tpu.memory_space<vmem>> -> memref<1x80xi32, #tpu.memory_space<vmem>>
      %dma_start3A_200 = tpu.memref_squeeze %dma_start3A_199 : memref<1x80xi32, #tpu.memory_space<vmem>> -> memref<80xi32, #tpu.memory_space<vmem>>
      %dma_start3A_201 = arith.constant 0 : i32
      %dma_start3A_202 = arith.constant 0 : i32
      %dma_start3A_203 = tpu.memref_slice %arg2[%dma_start3A_201, %dma_start3A_202] : memref<160000x128xi32, #tpu.memory_space<hbm>> -> memref<160000x128xi32, #tpu.memory_space<hbm>>
      tpu.enqueue_indirect_dma source(%dma_start3A_203 : memref<160000x128xi32, #tpu.memory_space<hbm>>) target(%arg9 : memref<80x128xi32, #tpu.memory_space<vmem>>) offsets(%dma_start3A_200 : memref<80xi32, #tpu.memory_space<vmem>>) semaphore(%arg14 : memref<!tpu.dma_semaphore, #tpu.memory_space<semaphore_mem>>)
      %dma_wait3A_204 = arith.constant 0 : i32
      %dma_wait3A_205 = arith.constant 0 : i32
      %dma_wait3A_206 = tpu.memref_slice %arg5[%dma_wait3A_204, %dma_wait3A_205] : memref<125x80xi32, #tpu.memory_space<vmem>> -> memref<1x80xi32, #tpu.memory_space<vmem>>
      %dma_wait3A_207 = tpu.memref_squeeze %dma_wait3A_206 : memref<1x80xi32, #tpu.memory_space<vmem>> -> memref<80xi32, #tpu.memory_space<vmem>>
      %dma_wait3A_208 = arith.constant 0 : i32
      %dma_wait3A_209 = arith.constant 0 : i32
      %dma_wait3A_210 = tpu.memref_slice %arg2[%dma_wait3A_208, %dma_wait3A_209] : memref<160000x128xi32, #tpu.memory_space<hbm>> -> memref<160000x128xi32, #tpu.memory_space<hbm>>
      tpu.wait_indirect_dma semaphore(%arg12 : memref<!tpu.dma_semaphore, #tpu.memory_space<semaphore_mem>>) src(%dma_wait3A_210 : memref<160000x128xi32, #tpu.memory_space<hbm>>) dst(%arg7 : memref<80x128xi32, #tpu.memory_space<vmem>>)
      %mul3A_211 = arith.constant 80 : i32
      %mul3A_212 = arith.muli %add3A_187, %mul3A_211 : i32
      %add3A_213 = arith.addi %mul3A_2, %mul3A_212 : i32
      %dma_start3A_214 = arith.constant 0 : i32
      %dma_start3A_215 = tpu.memref_slice %arg4[%add3A_213, %dma_start3A_214] : memref<320000x128xi32, #tpu.memory_space<hbm>> -> memref<80x128xi32, #tpu.memory_space<hbm>>
      %dma_start3A_216 = arith.constant 0 : i32
      %dma_start3A_217 = tpu.memref_slice %arg4[%add3A_213, %dma_start3A_216] : memref<320000x128xi32, #tpu.memory_space<hbm>> -> memref<80x128xi32, #tpu.memory_space<hbm>>
      tpu.enqueue_dma source(%arg7 : memref<80x128xi32, #tpu.memory_space<vmem>>) target(%dma_start3A_217 : memref<80x128xi32, #tpu.memory_space<hbm>>) target_semaphore(%arg17 : memref<!tpu.dma_semaphore, #tpu.memory_space<semaphore_mem>>)
      %add3A_218 = arith.constant 2 : i32
      %add3A_219 = arith.addi %mul3A_156, %add3A_218 : i32
      %dma_wait3A_220 = arith.constant 0 : i32
      %dma_wait3A_221 = tpu.memref_slice %arg4[%mul3A_2, %dma_wait3A_220] : memref<320000x128xi32, #tpu.memory_space<hbm>> -> memref<80x128xi32, #tpu.memory_space<hbm>>
      %dma_wait3A_222 = arith.constant 0 : i32
      %dma_wait3A_223 = tpu.memref_slice %arg4[%mul3A_2, %dma_wait3A_222] : memref<320000x128xi32, #tpu.memory_space<hbm>> -> memref<80x128xi32, #tpu.memory_space<hbm>>
      tpu.wait_dma2 semaphore(%arg20 : memref<!tpu.dma_semaphore, #tpu.memory_space<semaphore_mem>>) src(%arg10 : memref<80x128xi32, #tpu.memory_space<vmem>>) dst(%dma_wait3A_223 : memref<80x128xi32, #tpu.memory_space<hbm>>)
      %add3A_224 = arith.constant 2 : i32
      %add3A_225 = arith.addi %add3A_219, %add3A_224 : i32
      %lt3A_226 = arith.constant 125 : i32
      %lt3A_227 = arith.cmpi slt, %add3A_225, %lt3A_226 : i32
      %jit3A_228 = arith.constant 0 : i32
      %select_n3A_229 = arith.select %lt3A_227, %add3A_225, %jit3A_228 : i32
      %dma_start3A_230 = arith.constant 0 : i32
      %dma_start3A_231 = tpu.memref_slice %arg5[%select_n3A_229, %dma_start3A_230] : memref<125x80xi32, #tpu.memory_space<vmem>> -> memref<1x80xi32, #tpu.memory_space<vmem>>
      %dma_start3A_232 = tpu.memref_squeeze %dma_start3A_231 : memref<1x80xi32, #tpu.memory_space<vmem>> -> memref<80xi32, #tpu.memory_space<vmem>>
      %dma_start3A_233 = arith.constant 0 : i32
      %dma_start3A_234 = arith.constant 0 : i32
      %dma_start3A_235 = tpu.memref_slice %arg2[%dma_start3A_233, %dma_start3A_234] : memref<160000x128xi32, #tpu.memory_space<hbm>> -> memref<160000x128xi32, #tpu.memory_space<hbm>>
      tpu.enqueue_indirect_dma source(%dma_start3A_235 : memref<160000x128xi32, #tpu.memory_space<hbm>>) target(%arg10 : memref<80x128xi32, #tpu.memory_space<vmem>>) offsets(%dma_start3A_232 : memref<80xi32, #tpu.memory_space<vmem>>) semaphore(%arg15 : memref<!tpu.dma_semaphore, #tpu.memory_space<semaphore_mem>>)
      %dma_wait3A_236 = arith.constant 0 : i32
      %dma_wait3A_237 = arith.constant 0 : i32
      %dma_wait3A_238 = tpu.memref_slice %arg5[%dma_wait3A_236, %dma_wait3A_237] : memref<125x80xi32, #tpu.memory_space<vmem>> -> memref<1x80xi32, #tpu.memory_space<vmem>>
      %dma_wait3A_239 = tpu.memref_squeeze %dma_wait3A_238 : memref<1x80xi32, #tpu.memory_space<vmem>> -> memref<80xi32, #tpu.memory_space<vmem>>
      %dma_wait3A_240 = arith.constant 0 : i32
      %dma_wait3A_241 = arith.constant 0 : i32
      %dma_wait3A_242 = tpu.memref_slice %arg2[%dma_wait3A_240, %dma_wait3A_241] : memref<160000x128xi32, #tpu.memory_space<hbm>> -> memref<160000x128xi32, #tpu.memory_space<hbm>>
      tpu.wait_indirect_dma semaphore(%arg13 : memref<!tpu.dma_semaphore, #tpu.memory_space<semaphore_mem>>) src(%dma_wait3A_242 : memref<160000x128xi32, #tpu.memory_space<hbm>>) dst(%arg8 : memref<80x128xi32, #tpu.memory_space<vmem>>)
      %mul3A_243 = arith.constant 80 : i32
      %mul3A_244 = arith.muli %add3A_219, %mul3A_243 : i32
      %add3A_245 = arith.addi %mul3A_2, %mul3A_244 : i32
      %dma_start3A_246 = arith.constant 0 : i32
      %dma_start3A_247 = tpu.memref_slice %arg4[%add3A_245, %dma_start3A_246] : memref<320000x128xi32, #tpu.memory_space<hbm>> -> memref<80x128xi32, #tpu.memory_space<hbm>>
      %dma_start3A_248 = arith.constant 0 : i32
      %dma_start3A_249 = tpu.memref_slice %arg4[%add3A_245, %dma_start3A_248] : memref<320000x128xi32, #tpu.memory_space<hbm>> -> memref<80x128xi32, #tpu.memory_space<hbm>>
      tpu.enqueue_dma source(%arg8 : memref<80x128xi32, #tpu.memory_space<vmem>>) target(%dma_start3A_249 : memref<80x128xi32, #tpu.memory_space<hbm>>) target_semaphore(%arg18 : memref<!tpu.dma_semaphore, #tpu.memory_space<semaphore_mem>>)
      %add3A_250 = arith.constant 3 : i32
      %add3A_251 = arith.addi %mul3A_156, %add3A_250 : i32
      %dma_wait3A_252 = arith.constant 0 : i32
      %dma_wait3A_253 = tpu.memref_slice %arg4[%mul3A_2, %dma_wait3A_252] : memref<320000x128xi32, #tpu.memory_space<hbm>> -> memref<80x128xi32, #tpu.memory_space<hbm>>
      %dma_wait3A_254 = arith.constant 0 : i32
      %dma_wait3A_255 = tpu.memref_slice %arg4[%mul3A_2, %dma_wait3A_254] : memref<320000x128xi32, #tpu.memory_space<hbm>> -> memref<80x128xi32, #tpu.memory_space<hbm>>
      tpu.wait_dma2 semaphore(%arg16 : memref<!tpu.dma_semaphore, #tpu.memory_space<semaphore_mem>>) src(%arg6 : memref<80x128xi32, #tpu.memory_space<vmem>>) dst(%dma_wait3A_255 : memref<80x128xi32, #tpu.memory_space<hbm>>)
      %add3A_256 = arith.constant 2 : i32
      %add3A_257 = arith.addi %add3A_251, %add3A_256 : i32
      %lt3A_258 = arith.constant 125 : i32
      %lt3A_259 = arith.cmpi slt, %add3A_257, %lt3A_258 : i32
      %jit3A_260 = arith.constant 0 : i32
      %select_n3A_261 = arith.select %lt3A_259, %add3A_257, %jit3A_260 : i32
      %dma_start3A_262 = arith.constant 0 : i32
      %dma_start3A_263 = tpu.memref_slice %arg5[%select_n3A_261, %dma_start3A_262] : memref<125x80xi32, #tpu.memory_space<vmem>> -> memref<1x80xi32, #tpu.memory_space<vmem>>
      %dma_start3A_264 = tpu.memref_squeeze %dma_start3A_263 : memref<1x80xi32, #tpu.memory_space<vmem>> -> memref<80xi32, #tpu.memory_space<vmem>>
      %dma_start3A_265 = arith.constant 0 : i32
      %dma_start3A_266 = arith.constant 0 : i32
      %dma_start3A_267 = tpu.memref_slice %arg2[%dma_start3A_265, %dma_start3A_266] : memref<160000x128xi32, #tpu.memory_space<hbm>> -> memref<160000x128xi32, #tpu.memory_space<hbm>>
      tpu.enqueue_indirect_dma source(%dma_start3A_267 : memref<160000x128xi32, #tpu.memory_space<hbm>>) target(%arg6 : memref<80x128xi32, #tpu.memory_space<vmem>>) offsets(%dma_start3A_264 : memref<80xi32, #tpu.memory_space<vmem>>) semaphore(%arg11 : memref<!tpu.dma_semaphore, #tpu.memory_space<semaphore_mem>>)
      %dma_wait3A_268 = arith.constant 0 : i32
      %dma_wait3A_269 = arith.constant 0 : i32
      %dma_wait3A_270 = tpu.memref_slice %arg5[%dma_wait3A_268, %dma_wait3A_269] : memref<125x80xi32, #tpu.memory_space<vmem>> -> memref<1x80xi32, #tpu.memory_space<vmem>>
      %dma_wait3A_271 = tpu.memref_squeeze %dma_wait3A_270 : memref<1x80xi32, #tpu.memory_space<vmem>> -> memref<80xi32, #tpu.memory_space<vmem>>
      %dma_wait3A_272 = arith.constant 0 : i32
      %dma_wait3A_273 = arith.constant 0 : i32
      %dma_wait3A_274 = tpu.memref_slice %arg2[%dma_wait3A_272, %dma_wait3A_273] : memref<160000x128xi32, #tpu.memory_space<hbm>> -> memref<160000x128xi32, #tpu.memory_space<hbm>>
      tpu.wait_indirect_dma semaphore(%arg14 : memref<!tpu.dma_semaphore, #tpu.memory_space<semaphore_mem>>) src(%dma_wait3A_274 : memref<160000x128xi32, #tpu.memory_space<hbm>>) dst(%arg9 : memref<80x128xi32, #tpu.memory_space<vmem>>)
      %mul3A_275 = arith.constant 80 : i32
      %mul3A_276 = arith.muli %add3A_251, %mul3A_275 : i32
      %add3A_277 = arith.addi %mul3A_2, %mul3A_276 : i32
      %dma_start3A_278 = arith.constant 0 : i32
      %dma_start3A_279 = tpu.memref_slice %arg4[%add3A_277, %dma_start3A_278] : memref<320000x128xi32, #tpu.memory_space<hbm>> -> memref<80x128xi32, #tpu.memory_space<hbm>>
      %dma_start3A_280 = arith.constant 0 : i32
      %dma_start3A_281 = tpu.memref_slice %arg4[%add3A_277, %dma_start3A_280] : memref<320000x128xi32, #tpu.memory_space<hbm>> -> memref<80x128xi32, #tpu.memory_space<hbm>>
      tpu.enqueue_dma source(%arg9 : memref<80x128xi32, #tpu.memory_space<vmem>>) target(%dma_start3A_281 : memref<80x128xi32, #tpu.memory_space<hbm>>) target_semaphore(%arg19 : memref<!tpu.dma_semaphore, #tpu.memory_space<semaphore_mem>>)
      %add3A_282 = arith.constant 4 : i32
      %add3A_283 = arith.addi %mul3A_156, %add3A_282 : i32
      %dma_wait3A_284 = arith.constant 0 : i32
      %dma_wait3A_285 = tpu.memref_slice %arg4[%mul3A_2, %dma_wait3A_284] : memref<320000x128xi32, #tpu.memory_space<hbm>> -> memref<80x128xi32, #tpu.memory_space<hbm>>
      %dma_wait3A_286 = arith.constant 0 : i32
      %dma_wait3A_287 = tpu.memref_slice %arg4[%mul3A_2, %dma_wait3A_286] : memref<320000x128xi32, #tpu.memory_space<hbm>> -> memref<80x128xi32, #tpu.memory_space<hbm>>
      tpu.wait_dma2 semaphore(%arg17 : memref<!tpu.dma_semaphore, #tpu.memory_space<semaphore_mem>>) src(%arg7 : memref<80x128xi32, #tpu.memory_space<vmem>>) dst(%dma_wait3A_287 : memref<80x128xi32, #tpu.memory_space<hbm>>)
      %add3A_288 = arith.constant 2 : i32
      %add3A_289 = arith.addi %add3A_283, %add3A_288 : i32
      %lt3A_290 = arith.constant 125 : i32
      %lt3A_291 = arith.cmpi slt, %add3A_289, %lt3A_290 : i32
      %jit3A_292 = arith.constant 0 : i32
      %select_n3A_293 = arith.select %lt3A_291, %add3A_289, %jit3A_292 : i32
      %dma_start3A_294 = arith.constant 0 : i32
      %dma_start3A_295 = tpu.memref_slice %arg5[%select_n3A_293, %dma_start3A_294] : memref<125x80xi32, #tpu.memory_space<vmem>> -> memref<1x80xi32, #tpu.memory_space<vmem>>
      %dma_start3A_296 = tpu.memref_squeeze %dma_start3A_295 : memref<1x80xi32, #tpu.memory_space<vmem>> -> memref<80xi32, #tpu.memory_space<vmem>>
      %dma_start3A_297 = arith.constant 0 : i32
      %dma_start3A_298 = arith.constant 0 : i32
      %dma_start3A_299 = tpu.memref_slice %arg2[%dma_start3A_297, %dma_start3A_298] : memref<160000x128xi32, #tpu.memory_space<hbm>> -> memref<160000x128xi32, #tpu.memory_space<hbm>>
      tpu.enqueue_indirect_dma source(%dma_start3A_299 : memref<160000x128xi32, #tpu.memory_space<hbm>>) target(%arg7 : memref<80x128xi32, #tpu.memory_space<vmem>>) offsets(%dma_start3A_296 : memref<80xi32, #tpu.memory_space<vmem>>) semaphore(%arg12 : memref<!tpu.dma_semaphore, #tpu.memory_space<semaphore_mem>>)
      %dma_wait3A_300 = arith.constant 0 : i32
      %dma_wait3A_301 = arith.constant 0 : i32
      %dma_wait3A_302 = tpu.memref_slice %arg5[%dma_wait3A_300, %dma_wait3A_301] : memref<125x80xi32, #tpu.memory_space<vmem>> -> memref<1x80xi32, #tpu.memory_space<vmem>>
      %dma_wait3A_303 = tpu.memref_squeeze %dma_wait3A_302 : memref<1x80xi32, #tpu.memory_space<vmem>> -> memref<80xi32, #tpu.memory_space<vmem>>
      %dma_wait3A_304 = arith.constant 0 : i32
      %dma_wait3A_305 = arith.constant 0 : i32
      %dma_wait3A_306 = tpu.memref_slice %arg2[%dma_wait3A_304, %dma_wait3A_305] : memref<160000x128xi32, #tpu.memory_space<hbm>> -> memref<160000x128xi32, #tpu.memory_space<hbm>>
      tpu.wait_indirect_dma semaphore(%arg15 : memref<!tpu.dma_semaphore, #tpu.memory_space<semaphore_mem>>) src(%dma_wait3A_306 : memref<160000x128xi32, #tpu.memory_space<hbm>>) dst(%arg10 : memref<80x128xi32, #tpu.memory_space<vmem>>)
      %mul3A_307 = arith.constant 80 : i32
      %mul3A_308 = arith.muli %add3A_283, %mul3A_307 : i32
      %add3A_309 = arith.addi %mul3A_2, %mul3A_308 : i32
      %dma_start3A_310 = arith.constant 0 : i32
      %dma_start3A_311 = tpu.memref_slice %arg4[%add3A_309, %dma_start3A_310] : memref<320000x128xi32, #tpu.memory_space<hbm>> -> memref<80x128xi32, #tpu.memory_space<hbm>>
      %dma_start3A_312 = arith.constant 0 : i32
      %dma_start3A_313 = tpu.memref_slice %arg4[%add3A_309, %dma_start3A_312] : memref<320000x128xi32, #tpu.memory_space<hbm>> -> memref<80x128xi32, #tpu.memory_space<hbm>>
      tpu.enqueue_dma source(%arg10 : memref<80x128xi32, #tpu.memory_space<vmem>>) target(%dma_start3A_313 : memref<80x128xi32, #tpu.memory_space<hbm>>) target_semaphore(%arg20 : memref<!tpu.dma_semaphore, #tpu.memory_space<semaphore_mem>>)
    }
    %scan3A_127 = arith.constant 24 : i32
    %dma_wait3A_128 = arith.constant 0 : i32
    %dma_wait3A_129 = arith.constant 0 : i32
    %dma_wait3A_130 = tpu.memref_slice %arg5[%dma_wait3A_128, %dma_wait3A_129] : memref<125x80xi32, #tpu.memory_space<vmem>> -> memref<1x80xi32, #tpu.memory_space<vmem>>
    %dma_wait3A_131 = tpu.memref_squeeze %dma_wait3A_130 : memref<1x80xi32, #tpu.memory_space<vmem>> -> memref<80xi32, #tpu.memory_space<vmem>>
    %dma_wait3A_132 = arith.constant 0 : i32
    %dma_wait3A_133 = arith.constant 0 : i32
    %dma_wait3A_134 = tpu.memref_slice %arg2[%dma_wait3A_132, %dma_wait3A_133] : memref<160000x128xi32, #tpu.memory_space<hbm>> -> memref<160000x128xi32, #tpu.memory_space<hbm>>
    tpu.wait_indirect_dma semaphore(%arg11 : memref<!tpu.dma_semaphore, #tpu.memory_space<semaphore_mem>>) src(%dma_wait3A_134 : memref<160000x128xi32, #tpu.memory_space<hbm>>) dst(%arg6 : memref<80x128xi32, #tpu.memory_space<vmem>>)
    %dma_wait3A_135 = arith.constant 0 : i32
    %dma_wait3A_136 = arith.constant 0 : i32
    %dma_wait3A_137 = tpu.memref_slice %arg5[%dma_wait3A_135, %dma_wait3A_136] : memref<125x80xi32, #tpu.memory_space<vmem>> -> memref<1x80xi32, #tpu.memory_space<vmem>>
    %dma_wait3A_138 = tpu.memref_squeeze %dma_wait3A_137 : memref<1x80xi32, #tpu.memory_space<vmem>> -> memref<80xi32, #tpu.memory_space<vmem>>
    %dma_wait3A_139 = arith.constant 0 : i32
    %dma_wait3A_140 = arith.constant 0 : i32
    %dma_wait3A_141 = tpu.memref_slice %arg2[%dma_wait3A_139, %dma_wait3A_140] : memref<160000x128xi32, #tpu.memory_space<hbm>> -> memref<160000x128xi32, #tpu.memory_space<hbm>>
    tpu.wait_indirect_dma semaphore(%arg12 : memref<!tpu.dma_semaphore, #tpu.memory_space<semaphore_mem>>) src(%dma_wait3A_141 : memref<160000x128xi32, #tpu.memory_space<hbm>>) dst(%arg7 : memref<80x128xi32, #tpu.memory_space<vmem>>)
    %dma_wait3A_142 = arith.constant 0 : i32
    %dma_wait3A_143 = tpu.memref_slice %arg4[%mul3A_2, %dma_wait3A_142] : memref<320000x128xi32, #tpu.memory_space<hbm>> -> memref<80x128xi32, #tpu.memory_space<hbm>>
    %dma_wait3A_144 = arith.constant 0 : i32
    %dma_wait3A_145 = tpu.memref_slice %arg4[%mul3A_2, %dma_wait3A_144] : memref<320000x128xi32, #tpu.memory_space<hbm>> -> memref<80x128xi32, #tpu.memory_space<hbm>>
    tpu.wait_dma2 semaphore(%arg18 : memref<!tpu.dma_semaphore, #tpu.memory_space<semaphore_mem>>) src(%arg8 : memref<80x128xi32, #tpu.memory_space<vmem>>) dst(%dma_wait3A_145 : memref<80x128xi32, #tpu.memory_space<hbm>>)
    %dma_wait3A_146 = arith.constant 0 : i32
    %dma_wait3A_147 = tpu.memref_slice %arg4[%mul3A_2, %dma_wait3A_146] : memref<320000x128xi32, #tpu.memory_space<hbm>> -> memref<80x128xi32, #tpu.memory_space<hbm>>
    %dma_wait3A_148 = arith.constant 0 : i32
    %dma_wait3A_149 = tpu.memref_slice %arg4[%mul3A_2, %dma_wait3A_148] : memref<320000x128xi32, #tpu.memory_space<hbm>> -> memref<80x128xi32, #tpu.memory_space<hbm>>
    tpu.wait_dma2 semaphore(%arg19 : memref<!tpu.dma_semaphore, #tpu.memory_space<semaphore_mem>>) src(%arg9 : memref<80x128xi32, #tpu.memory_space<vmem>>) dst(%dma_wait3A_149 : memref<80x128xi32, #tpu.memory_space<hbm>>)
    %dma_wait3A_150 = arith.constant 0 : i32
    %dma_wait3A_151 = tpu.memref_slice %arg4[%mul3A_2, %dma_wait3A_150] : memref<320000x128xi32, #tpu.memory_space<hbm>> -> memref<80x128xi32, #tpu.memory_space<hbm>>
    %dma_wait3A_152 = arith.constant 0 : i32
    %dma_wait3A_153 = tpu.memref_slice %arg4[%mul3A_2, %dma_wait3A_152] : memref<320000x128xi32, #tpu.memory_space<hbm>> -> memref<80x128xi32, #tpu.memory_space<hbm>>
    tpu.wait_dma2 semaphore(%arg20 : memref<!tpu.dma_semaphore, #tpu.memory_space<semaphore_mem>>) src(%arg10 : memref<80x128xi32, #tpu.memory_space<vmem>>) dst(%dma_wait3A_153 : memref<80x128xi32, #tpu.memory_space<hbm>>)
    return
  }
}

module attributes {stable_mosaic.version = 14 : i64} {
  func.func @_tr_body(%arg0: i32, %arg1: memref<256x640xf32, #tpu.memory_space<vmem>>, %arg2: memref<640x128xi32, #tpu.memory_space<vmem>>) attributes {dimension_semantics = [#tpu.dimension_semantics<arbitrary>], iteration_bounds = array<i64: 250>, scalar_prefetch = 0 : i64, scratch_operands = 0 : i64, tpu.core_type = #tpu.core_type<tc>, window_params = [{transform_indices = @transform_0, window_bounds = array<i64: 256, 640>}, {transform_indices = @transform_1, window_bounds = array<i64: 640, 128>}]} {
    %get3A = arith.constant 0 : index
    %get3A_0 = arith.constant 0 : index
    %get3A_1 = vector.load %arg1[%get3A, %get3A_0] : memref<256x640xf32, #tpu.memory_space<vmem>>, vector<256x640xf32>
    %transpose3A = tpu.transpose %get3A_1, [1, 0] : vector<256x640xf32> -> vector<640x256xf32>
    %slice3A = vector.extract_strided_slice %transpose3A {offsets = [0, 0], sizes = [640, 128], strides = [1, 1]} : vector<640x256xf32> to vector<640x128xf32>
    %bitcast_convert_type3A = tpu.bitcast %slice3A : vector<640x128xf32> -> vector<640x128xi32>
    %add3A = arith.constant 32767 : i32
    %add3A_2 = vector.broadcast %add3A : i32 to vector<640x128xi32>
    %add3A_3 = arith.addi %bitcast_convert_type3A, %add3A_2 : vector<640x128xi32>
    %shift_right_logical3A = arith.constant 16 : i32
    %shift_right_logical3A_4 = vector.broadcast %shift_right_logical3A : i32 to vector<640x128xi32>
    %shift_right_logical3A_5 = arith.shrui %bitcast_convert_type3A, %shift_right_logical3A_4 : vector<640x128xi32>
    %and3A = arith.constant 1 : i32
    %and3A_6 = vector.broadcast %and3A : i32 to vector<640x128xi32>
    %and3A_7 = arith.andi %shift_right_logical3A_5, %and3A_6 : vector<640x128xi32>
    %add3A_8 = arith.addi %add3A_3, %and3A_7 : vector<640x128xi32>
    %shift_right_logical3A_9 = arith.constant 16 : i32
    %shift_right_logical3A_10 = vector.broadcast %shift_right_logical3A_9 : i32 to vector<640x128xi32>
    %shift_right_logical3A_11 = arith.shrui %add3A_8, %shift_right_logical3A_10 : vector<640x128xi32>
    %slice3A_12 = vector.extract_strided_slice %transpose3A {offsets = [0, 128], sizes = [640, 128], strides = [1, 1]} : vector<640x256xf32> to vector<640x128xf32>
    %bitcast_convert_type3A_13 = tpu.bitcast %slice3A_12 : vector<640x128xf32> -> vector<640x128xi32>
    %add3A_14 = arith.constant 32767 : i32
    %add3A_15 = vector.broadcast %add3A_14 : i32 to vector<640x128xi32>
    %add3A_16 = arith.addi %bitcast_convert_type3A_13, %add3A_15 : vector<640x128xi32>
    %shift_right_logical3A_17 = arith.constant 16 : i32
    %shift_right_logical3A_18 = vector.broadcast %shift_right_logical3A_17 : i32 to vector<640x128xi32>
    %shift_right_logical3A_19 = arith.shrui %bitcast_convert_type3A_13, %shift_right_logical3A_18 : vector<640x128xi32>
    %and3A_20 = arith.constant 1 : i32
    %and3A_21 = vector.broadcast %and3A_20 : i32 to vector<640x128xi32>
    %and3A_22 = arith.andi %shift_right_logical3A_19, %and3A_21 : vector<640x128xi32>
    %add3A_23 = arith.addi %add3A_16, %and3A_22 : vector<640x128xi32>
    %shift_right_logical3A_24 = arith.constant 16 : i32
    %shift_right_logical3A_25 = vector.broadcast %shift_right_logical3A_24 : i32 to vector<640x128xi32>
    %shift_right_logical3A_26 = arith.shrui %add3A_23, %shift_right_logical3A_25 : vector<640x128xi32>
    %shift_left3A = arith.constant 16 : i32
    %shift_left3A_27 = vector.broadcast %shift_left3A : i32 to vector<640x128xi32>
    %shift_left3A_28 = arith.shli %shift_right_logical3A_26, %shift_left3A_27 : vector<640x128xi32>
    %or3A = arith.ori %shift_left3A_28, %shift_right_logical3A_11 : vector<640x128xi32>
    %swap3A = arith.constant 0 : index
    %swap3A_29 = arith.constant 0 : index
    %swap3A_30 = vector.load %arg2[%swap3A, %swap3A_29] : memref<640x128xi32, #tpu.memory_space<vmem>>, vector<640x128xi32>
    tpu.vector_store %arg2[%swap3A, %swap3A_29], %or3A {strides = array<i32>} : memref<640x128xi32, #tpu.memory_space<vmem>>, vector<640x128xi32>,
    return
  }
  func.func @transform_0(%arg0: i32) -> (i32, i32) {
    %c0_i32 = arith.constant 0 : i32
    %c0_i32_0 = arith.constant 0 : i32
    return %c0_i32, %arg0 : i32, i32
  }
  func.func @transform_1(%arg0: i32) -> (i32, i32) {
    %c0_i32 = arith.constant 0 : i32
    %c0_i32_0 = arith.constant 0 : i32
    return %arg0, %c0_i32 : i32, i32
  }
}

module attributes {stable_mosaic.version = 14 : i64} {
  func.func @_mm_body(%arg0: i32, %arg1: memref<640x128xi32, #tpu.memory_space<vmem>>, %arg2: memref<4x640x128xi32, #tpu.memory_space<vmem>>, %arg3: memref<5x256x256xf32, #tpu.memory_space<vmem>>, %arg4: memref<1x256xf32, #tpu.memory_space<vmem>>, %arg5: memref<640x128xi32, #tpu.memory_space<vmem>>) attributes {dimension_semantics = [#tpu.dimension_semantics<arbitrary>], iteration_bounds = array<i64: 125>, scalar_prefetch = 0 : i64, scratch_operands = 0 : i64, tpu.core_type = #tpu.core_type<tc>, window_params = [{transform_indices = @transform_0, window_bounds = array<i64: 640, 128>}, {transform_indices = @transform_1, window_bounds = array<i64: 4, 640, 128>}, {pipeline_mode = #tpu.pipeline_mode<synchronous>, transform_indices = @transform_2, window_bounds = array<i64: 5, 256, 256>}, {pipeline_mode = #tpu.pipeline_mode<synchronous>, transform_indices = @transform_3, window_bounds = array<i64: 1, 256>}, {transform_indices = @transform_4, window_bounds = array<i64: 640, 128>}]} {
    %get3A = arith.constant 0 : index
    %get3A_0 = arith.constant 0 : index
    %get3A_1 = vector.load %arg1[%get3A, %get3A_0] : memref<640x128xi32, #tpu.memory_space<vmem>>, vector<640x128xi32>
    %shift_left3A = arith.constant 16 : i32
    %shift_left3A_2 = vector.broadcast %shift_left3A : i32 to vector<640x128xi32>
    %shift_left3A_3 = arith.shli %get3A_1, %shift_left3A_2 : vector<640x128xi32>
    %bitcast_convert_type3A = tpu.bitcast %shift_left3A_3 : vector<640x128xi32> -> vector<640x128xf32>
    %shift_right_logical3A = arith.constant 16 : i32
    %shift_right_logical3A_4 = vector.broadcast %shift_right_logical3A : i32 to vector<640x128xi32>
    %shift_right_logical3A_5 = arith.shrui %get3A_1, %shift_right_logical3A_4 : vector<640x128xi32>
    %shift_left3A_6 = arith.constant 16 : i32
    %shift_left3A_7 = vector.broadcast %shift_left3A_6 : i32 to vector<640x128xi32>
    %shift_left3A_8 = arith.shli %shift_right_logical3A_5, %shift_left3A_7 : vector<640x128xi32>
    %bitcast_convert_type3A_9 = tpu.bitcast %shift_left3A_8 : vector<640x128xi32> -> vector<640x128xf32>
    %concatenate3A = tpu.concatenate %bitcast_convert_type3A, %bitcast_convert_type3A_9 in 1 : vector<640x128xf32>, vector<640x128xf32> -> vector<640x256xf32>
    %get3A_10 = arith.constant 0 : index
    %get3A_11 = arith.constant 0 : index
    %get3A_12 = arith.constant 0 : index
    %get3A_13 = vector.load %arg3[%get3A_10, %get3A_11, %get3A_12] : memref<5x256x256xf32, #tpu.memory_space<vmem>>, vector<1x256x256xf32>
    %get3A_14 = vector.shape_cast %get3A_13 : vector<1x256x256xf32> to vector<256x256xf32>
    %dot_general3A = arith.constant dense<0.000000e+00> : vector<640x256xf32>
    %dot_general3A_15 = tpu.matmul %concatenate3A, %get3A_14, %dot_general3A {dimension_numbers = #tpu.dot_dimension_numbers<[1], [0], [0], [1], [0, 0, 1, 1], [], []>, transpose_lhs_hint = false} : vector<640x256xf32>, vector<256x256xf32>, vector<640x256xf32> -> vector<640x256xf32>
    %get3A_16 = arith.constant 0 : index
    %get3A_17 = arith.constant 0 : index
    %get3A_18 = arith.constant 0 : index
    %get3A_19 = vector.load %arg2[%get3A_16, %get3A_17, %get3A_18] : memref<4x640x128xi32, #tpu.memory_space<vmem>>, vector<1x640x128xi32>
    %get3A_20 = vector.shape_cast %get3A_19 : vector<1x640x128xi32> to vector<640x128xi32>
    %shift_left3A_21 = arith.constant 16 : i32
    %shift_left3A_22 = vector.broadcast %shift_left3A_21 : i32 to vector<640x128xi32>
    %shift_left3A_23 = arith.shli %get3A_20, %shift_left3A_22 : vector<640x128xi32>
    %bitcast_convert_type3A_24 = tpu.bitcast %shift_left3A_23 : vector<640x128xi32> -> vector<640x128xf32>
    %shift_right_logical3A_25 = arith.constant 16 : i32
    %shift_right_logical3A_26 = vector.broadcast %shift_right_logical3A_25 : i32 to vector<640x128xi32>
    %shift_right_logical3A_27 = arith.shrui %get3A_20, %shift_right_logical3A_26 : vector<640x128xi32>
    %shift_left3A_28 = arith.constant 16 : i32
    %shift_left3A_29 = vector.broadcast %shift_left3A_28 : i32 to vector<640x128xi32>
    %shift_left3A_30 = arith.shli %shift_right_logical3A_27, %shift_left3A_29 : vector<640x128xi32>
    %bitcast_convert_type3A_31 = tpu.bitcast %shift_left3A_30 : vector<640x128xi32> -> vector<640x128xf32>
    %concatenate3A_32 = tpu.concatenate %bitcast_convert_type3A_24, %bitcast_convert_type3A_31 in 1 : vector<640x128xf32>, vector<640x128xf32> -> vector<640x256xf32>
    %get3A_33 = arith.constant 1 : index
    %get3A_34 = arith.constant 0 : index
    %get3A_35 = arith.constant 0 : index
    %get3A_36 = vector.load %arg2[%get3A_33, %get3A_34, %get3A_35] : memref<4x640x128xi32, #tpu.memory_space<vmem>>, vector<1x640x128xi32>
    %get3A_37 = vector.shape_cast %get3A_36 : vector<1x640x128xi32> to vector<640x128xi32>
    %shift_left3A_38 = arith.constant 16 : i32
    %shift_left3A_39 = vector.broadcast %shift_left3A_38 : i32 to vector<640x128xi32>
    %shift_left3A_40 = arith.shli %get3A_37, %shift_left3A_39 : vector<640x128xi32>
    %bitcast_convert_type3A_41 = tpu.bitcast %shift_left3A_40 : vector<640x128xi32> -> vector<640x128xf32>
    %shift_right_logical3A_42 = arith.constant 16 : i32
    %shift_right_logical3A_43 = vector.broadcast %shift_right_logical3A_42 : i32 to vector<640x128xi32>
    %shift_right_logical3A_44 = arith.shrui %get3A_37, %shift_right_logical3A_43 : vector<640x128xi32>
    %shift_left3A_45 = arith.constant 16 : i32
    %shift_left3A_46 = vector.broadcast %shift_left3A_45 : i32 to vector<640x128xi32>
    %shift_left3A_47 = arith.shli %shift_right_logical3A_44, %shift_left3A_46 : vector<640x128xi32>
    %bitcast_convert_type3A_48 = tpu.bitcast %shift_left3A_47 : vector<640x128xi32> -> vector<640x128xf32>
    %concatenate3A_49 = tpu.concatenate %bitcast_convert_type3A_41, %bitcast_convert_type3A_48 in 1 : vector<640x128xf32>, vector<640x128xf32> -> vector<640x256xf32>
    %get3A_50 = arith.constant 2 : index
    %get3A_51 = arith.constant 0 : index
    %get3A_52 = arith.constant 0 : index
    %get3A_53 = vector.load %arg2[%get3A_50, %get3A_51, %get3A_52] : memref<4x640x128xi32, #tpu.memory_space<vmem>>, vector<1x640x128xi32>
    %get3A_54 = vector.shape_cast %get3A_53 : vector<1x640x128xi32> to vector<640x128xi32>
    %shift_left3A_55 = arith.constant 16 : i32
    %shift_left3A_56 = vector.broadcast %shift_left3A_55 : i32 to vector<640x128xi32>
    %shift_left3A_57 = arith.shli %get3A_54, %shift_left3A_56 : vector<640x128xi32>
    %bitcast_convert_type3A_58 = tpu.bitcast %shift_left3A_57 : vector<640x128xi32> -> vector<640x128xf32>
    %shift_right_logical3A_59 = arith.constant 16 : i32
    %shift_right_logical3A_60 = vector.broadcast %shift_right_logical3A_59 : i32 to vector<640x128xi32>
    %shift_right_logical3A_61 = arith.shrui %get3A_54, %shift_right_logical3A_60 : vector<640x128xi32>
    %shift_left3A_62 = arith.constant 16 : i32
    %shift_left3A_63 = vector.broadcast %shift_left3A_62 : i32 to vector<640x128xi32>
    %shift_left3A_64 = arith.shli %shift_right_logical3A_61, %shift_left3A_63 : vector<640x128xi32>
    %bitcast_convert_type3A_65 = tpu.bitcast %shift_left3A_64 : vector<640x128xi32> -> vector<640x128xf32>
    %concatenate3A_66 = tpu.concatenate %bitcast_convert_type3A_58, %bitcast_convert_type3A_65 in 1 : vector<640x128xf32>, vector<640x128xf32> -> vector<640x256xf32>
    %get3A_67 = arith.constant 3 : index
    %get3A_68 = arith.constant 0 : index
    %get3A_69 = arith.constant 0 : index
    %get3A_70 = vector.load %arg2[%get3A_67, %get3A_68, %get3A_69] : memref<4x640x128xi32, #tpu.memory_space<vmem>>, vector<1x640x128xi32>
    %get3A_71 = vector.shape_cast %get3A_70 : vector<1x640x128xi32> to vector<640x128xi32>
    %shift_left3A_72 = arith.constant 16 : i32
    %shift_left3A_73 = vector.broadcast %shift_left3A_72 : i32 to vector<640x128xi32>
    %shift_left3A_74 = arith.shli %get3A_71, %shift_left3A_73 : vector<640x128xi32>
    %bitcast_convert_type3A_75 = tpu.bitcast %shift_left3A_74 : vector<640x128xi32> -> vector<640x128xf32>
    %shift_right_logical3A_76 = arith.constant 16 : i32
    %shift_right_logical3A_77 = vector.broadcast %shift_right_logical3A_76 : i32 to vector<640x128xi32>
    %shift_right_logical3A_78 = arith.shrui %get3A_71, %shift_right_logical3A_77 : vector<640x128xi32>
    %shift_left3A_79 = arith.constant 16 : i32
    %shift_left3A_80 = vector.broadcast %shift_left3A_79 : i32 to vector<640x128xi32>
    %shift_left3A_81 = arith.shli %shift_right_logical3A_78, %shift_left3A_80 : vector<640x128xi32>
    %bitcast_convert_type3A_82 = tpu.bitcast %shift_left3A_81 : vector<640x128xi32> -> vector<640x128xf32>
    %concatenate3A_83 = tpu.concatenate %bitcast_convert_type3A_75, %bitcast_convert_type3A_82 in 1 : vector<640x128xf32>, vector<640x128xf32> -> vector<640x256xf32>
    %add3A = arith.addf %concatenate3A_32, %concatenate3A_66 : vector<640x256xf32>
    %get3A_84 = arith.constant 1 : index
    %get3A_85 = arith.constant 0 : index
    %get3A_86 = arith.constant 0 : index
    %get3A_87 = vector.load %arg3[%get3A_84, %get3A_85, %get3A_86] : memref<5x256x256xf32, #tpu.memory_space<vmem>>, vector<1x256x256xf32>
    %get3A_88 = vector.shape_cast %get3A_87 : vector<1x256x256xf32> to vector<256x256xf32>
    %dot_general3A_89 = arith.constant dense<0.000000e+00> : vector<640x256xf32>
    %dot_general3A_90 = tpu.matmul %add3A, %get3A_88, %dot_general3A_89 {dimension_numbers = #tpu.dot_dimension_numbers<[1], [0], [0], [1], [0, 0, 1, 1], [], []>, transpose_lhs_hint = false} : vector<640x256xf32>, vector<256x256xf32>, vector<640x256xf32> -> vector<640x256xf32>
    %add3A_91 = arith.addf %dot_general3A_15, %dot_general3A_90 : vector<640x256xf32>
    %add3A_92 = arith.addf %concatenate3A_49, %concatenate3A_83 : vector<640x256xf32>
    %get3A_93 = arith.constant 2 : index
    %get3A_94 = arith.constant 0 : index
    %get3A_95 = arith.constant 0 : index
    %get3A_96 = vector.load %arg3[%get3A_93, %get3A_94, %get3A_95] : memref<5x256x256xf32, #tpu.memory_space<vmem>>, vector<1x256x256xf32>
    %get3A_97 = vector.shape_cast %get3A_96 : vector<1x256x256xf32> to vector<256x256xf32>
    %dot_general3A_98 = arith.constant dense<0.000000e+00> : vector<640x256xf32>
    %dot_general3A_99 = tpu.matmul %add3A_92, %get3A_97, %dot_general3A_98 {dimension_numbers = #tpu.dot_dimension_numbers<[1], [0], [0], [1], [0, 0, 1, 1], [], []>, transpose_lhs_hint = false} : vector<640x256xf32>, vector<256x256xf32>, vector<640x256xf32> -> vector<640x256xf32>
    %add3A_100 = arith.addf %add3A_91, %dot_general3A_99 : vector<640x256xf32>
    %sub3A = arith.subf %concatenate3A_32, %concatenate3A_66 : vector<640x256xf32>
    %abs3A = math.absf %sub3A : vector<640x256xf32>
    %get3A_101 = arith.constant 3 : index
    %get3A_102 = arith.constant 0 : index
    %get3A_103 = arith.constant 0 : index
    %get3A_104 = vector.load %arg3[%get3A_101, %get3A_102, %get3A_103] : memref<5x256x256xf32, #tpu.memory_space<vmem>>, vector<1x256x256xf32>
    %get3A_105 = vector.shape_cast %get3A_104 : vector<1x256x256xf32> to vector<256x256xf32>
    %dot_general3A_106 = arith.constant dense<0.000000e+00> : vector<640x256xf32>
    %dot_general3A_107 = tpu.matmul %abs3A, %get3A_105, %dot_general3A_106 {dimension_numbers = #tpu.dot_dimension_numbers<[1], [0], [0], [1], [0, 0, 1, 1], [], []>, transpose_lhs_hint = false} : vector<640x256xf32>, vector<256x256xf32>, vector<640x256xf32> -> vector<640x256xf32>
    %add3A_108 = arith.addf %add3A_100, %dot_general3A_107 : vector<640x256xf32>
    %sub3A_109 = arith.subf %concatenate3A_49, %concatenate3A_83 : vector<640x256xf32>
    %abs3A_110 = math.absf %sub3A_109 : vector<640x256xf32>
    %get3A_111 = arith.constant 4 : index
    %get3A_112 = arith.constant 0 : index
    %get3A_113 = arith.constant 0 : index
    %get3A_114 = vector.load %arg3[%get3A_111, %get3A_112, %get3A_113] : memref<5x256x256xf32, #tpu.memory_space<vmem>>, vector<1x256x256xf32>
    %get3A_115 = vector.shape_cast %get3A_114 : vector<1x256x256xf32> to vector<256x256xf32>
    %dot_general3A_116 = arith.constant dense<0.000000e+00> : vector<640x256xf32>
    %dot_general3A_117 = tpu.matmul %abs3A_110, %get3A_115, %dot_general3A_116 {dimension_numbers = #tpu.dot_dimension_numbers<[1], [0], [0], [1], [0, 0, 1, 1], [], []>, transpose_lhs_hint = false} : vector<640x256xf32>, vector<256x256xf32>, vector<640x256xf32> -> vector<640x256xf32>
    %add3A_118 = arith.addf %add3A_108, %dot_general3A_117 : vector<640x256xf32>
    %get3A_119 = arith.constant 0 : index
    %get3A_120 = arith.constant 0 : index
    %get3A_121 = vector.load %arg4[%get3A_119, %get3A_120] : memref<1x256xf32, #tpu.memory_space<vmem>>, vector<1x256xf32>
    %add3A_122 = vector.broadcast %get3A_121 : vector<1x256xf32> to vector<640x256xf32>
    %add3A_123 = arith.addf %add3A_118, %add3A_122 : vector<640x256xf32>
    %slice3A = vector.extract_strided_slice %add3A_123 {offsets = [0, 0], sizes = [640, 128], strides = [1, 1]} : vector<640x256xf32> to vector<640x128xf32>
    %bitcast_convert_type3A_124 = tpu.bitcast %slice3A : vector<640x128xf32> -> vector<640x128xi32>
    %add3A_125 = arith.constant 32767 : i32
    %add3A_126 = vector.broadcast %add3A_125 : i32 to vector<640x128xi32>
    %add3A_127 = arith.addi %bitcast_convert_type3A_124, %add3A_126 : vector<640x128xi32>
    %shift_right_logical3A_128 = arith.constant 16 : i32
    %shift_right_logical3A_129 = vector.broadcast %shift_right_logical3A_128 : i32 to vector<640x128xi32>
    %shift_right_logical3A_130 = arith.shrui %bitcast_convert_type3A_124, %shift_right_logical3A_129 : vector<640x128xi32>
    %and3A = arith.constant 1 : i32
    %and3A_131 = vector.broadcast %and3A : i32 to vector<640x128xi32>
    %and3A_132 = arith.andi %shift_right_logical3A_130, %and3A_131 : vector<640x128xi32>
    %add3A_133 = arith.addi %add3A_127, %and3A_132 : vector<640x128xi32>
    %shift_right_logical3A_134 = arith.constant 16 : i32
    %shift_right_logical3A_135 = vector.broadcast %shift_right_logical3A_134 : i32 to vector<640x128xi32>
    %shift_right_logical3A_136 = arith.shrui %add3A_133, %shift_right_logical3A_135 : vector<640x128xi32>
    %slice3A_137 = vector.extract_strided_slice %add3A_123 {offsets = [0, 128], sizes = [640, 128], strides = [1, 1]} : vector<640x256xf32> to vector<640x128xf32>
    %bitcast_convert_type3A_138 = tpu.bitcast %slice3A_137 : vector<640x128xf32> -> vector<640x128xi32>
    %add3A_139 = arith.constant 32767 : i32
    %add3A_140 = vector.broadcast %add3A_139 : i32 to vector<640x128xi32>
    %add3A_141 = arith.addi %bitcast_convert_type3A_138, %add3A_140 : vector<640x128xi32>
    %shift_right_logical3A_142 = arith.constant 16 : i32
    %shift_right_logical3A_143 = vector.broadcast %shift_right_logical3A_142 : i32 to vector<640x128xi32>
    %shift_right_logical3A_144 = arith.shrui %bitcast_convert_type3A_138, %shift_right_logical3A_143 : vector<640x128xi32>
    %and3A_145 = arith.constant 1 : i32
    %and3A_146 = vector.broadcast %and3A_145 : i32 to vector<640x128xi32>
    %and3A_147 = arith.andi %shift_right_logical3A_144, %and3A_146 : vector<640x128xi32>
    %add3A_148 = arith.addi %add3A_141, %and3A_147 : vector<640x128xi32>
    %shift_right_logical3A_149 = arith.constant 16 : i32
    %shift_right_logical3A_150 = vector.broadcast %shift_right_logical3A_149 : i32 to vector<640x128xi32>
    %shift_right_logical3A_151 = arith.shrui %add3A_148, %shift_right_logical3A_150 : vector<640x128xi32>
    %shift_left3A_152 = arith.constant 16 : i32
    %shift_left3A_153 = vector.broadcast %shift_left3A_152 : i32 to vector<640x128xi32>
    %shift_left3A_154 = arith.shli %shift_right_logical3A_151, %shift_left3A_153 : vector<640x128xi32>
    %or3A = arith.ori %shift_left3A_154, %shift_right_logical3A_136 : vector<640x128xi32>
    %swap3A = arith.constant 0 : index
    %swap3A_155 = arith.constant 0 : index
    %swap3A_156 = vector.load %arg5[%swap3A, %swap3A_155] : memref<640x128xi32, #tpu.memory_space<vmem>>, vector<640x128xi32>
    tpu.vector_store %arg5[%swap3A, %swap3A_155], %or3A {strides = array<i32>} : memref<640x128xi32, #tpu.memory_space<vmem>>, vector<640x128xi32>,
    return
  }
  func.func @transform_0(%arg0: i32) -> (i32, i32) {
    %add3A = arith.constant 0 : i32
    %add3A_0 = arith.addi %arg0, %add3A : i32
    %c0_i32 = arith.constant 0 : i32
    %c0_i32_1 = arith.constant 0 : i32
    return %add3A_0, %c0_i32 : i32, i32
  }
  func.func @transform_1(%arg0: i32) -> (i32, i32, i32) {
    %c0_i32 = arith.constant 0 : i32
    %c0_i32_0 = arith.constant 0 : i32
    %c0_i32_1 = arith.constant 0 : i32
    return %c0_i32, %arg0, %c0_i32_0 : i32, i32, i32
  }
  func.func @transform_2(%arg0: i32) -> (i32, i32, i32) {
    %c0_i32 = arith.constant 0 : i32
    %c0_i32_0 = arith.constant 0 : i32
    %c0_i32_1 = arith.constant 0 : i32
    %c0_i32_2 = arith.constant 0 : i32
    return %c0_i32, %c0_i32_0, %c0_i32_1 : i32, i32, i32
  }
  func.func @transform_3(%arg0: i32) -> (i32, i32) {
    %c0_i32 = arith.constant 0 : i32
    %c0_i32_0 = arith.constant 0 : i32
    %c0_i32_1 = arith.constant 0 : i32
    return %c0_i32, %c0_i32_0 : i32, i32
  }
  func.func @transform_4(%arg0: i32) -> (i32, i32) {
    %add3A = arith.constant 0 : i32
    %add3A_0 = arith.addi %arg0, %add3A : i32
    %c0_i32 = arith.constant 0 : i32
    %c0_i32_1 = arith.constant 0 : i32
    return %add3A_0, %c0_i32 : i32, i32
  }
}

module attributes {stable_mosaic.version = 14 : i64} {
  func.func @_mm_half_body(%arg0: i32, %arg1: memref<160000x128xi32, #tpu.memory_space<any>>, %arg2: memref<640x128xi32, #tpu.memory_space<vmem>>, %arg3: memref<4x640x128xi32, #tpu.memory_space<vmem>>, %arg4: memref<5x256x256xf32, #tpu.memory_space<vmem>>, %arg5: memref<1x256xf32, #tpu.memory_space<vmem>>, %arg6: memref<640x128xi32, #tpu.memory_space<vmem>>) attributes {dimension_semantics = [#tpu.dimension_semantics<arbitrary>], iteration_bounds = array<i64: 125>, scalar_prefetch = 0 : i64, scratch_operands = 0 : i64, tpu.core_type = #tpu.core_type<tc>, window_params = [{}, {transform_indices = @transform_1, window_bounds = array<i64: 640, 128>}, {transform_indices = @transform_2, window_bounds = array<i64: 4, 640, 128>}, {pipeline_mode = #tpu.pipeline_mode<synchronous>, transform_indices = @transform_3, window_bounds = array<i64: 5, 256, 256>}, {pipeline_mode = #tpu.pipeline_mode<synchronous>, transform_indices = @transform_4, window_bounds = array<i64: 1, 256>}, {transform_indices = @transform_5, window_bounds = array<i64: 640, 128>}]} {
    %get3A = arith.constant 0 : index
    %get3A_0 = arith.constant 0 : index
    %get3A_1 = vector.load %arg2[%get3A, %get3A_0] : memref<640x128xi32, #tpu.memory_space<vmem>>, vector<640x128xi32>
    %shift_left3A = arith.constant 16 : i32
    %shift_left3A_2 = vector.broadcast %shift_left3A : i32 to vector<640x128xi32>
    %shift_left3A_3 = arith.shli %get3A_1, %shift_left3A_2 : vector<640x128xi32>
    %bitcast_convert_type3A = tpu.bitcast %shift_left3A_3 : vector<640x128xi32> -> vector<640x128xf32>
    %shift_right_logical3A = arith.constant 16 : i32
    %shift_right_logical3A_4 = vector.broadcast %shift_right_logical3A : i32 to vector<640x128xi32>
    %shift_right_logical3A_5 = arith.shrui %get3A_1, %shift_right_logical3A_4 : vector<640x128xi32>
    %shift_left3A_6 = arith.constant 16 : i32
    %shift_left3A_7 = vector.broadcast %shift_left3A_6 : i32 to vector<640x128xi32>
    %shift_left3A_8 = arith.shli %shift_right_logical3A_5, %shift_left3A_7 : vector<640x128xi32>
    %bitcast_convert_type3A_9 = tpu.bitcast %shift_left3A_8 : vector<640x128xi32> -> vector<640x128xf32>
    %concatenate3A = tpu.concatenate %bitcast_convert_type3A, %bitcast_convert_type3A_9 in 1 : vector<640x128xf32>, vector<640x128xf32> -> vector<640x256xf32>
    %get3A_10 = arith.constant 0 : index
    %get3A_11 = arith.constant 0 : index
    %get3A_12 = arith.constant 0 : index
    %get3A_13 = vector.load %arg4[%get3A_10, %get3A_11, %get3A_12] : memref<5x256x256xf32, #tpu.memory_space<vmem>>, vector<1x256x256xf32>
    %get3A_14 = vector.shape_cast %get3A_13 : vector<1x256x256xf32> to vector<256x256xf32>
    %dot_general3A = arith.constant dense<0.000000e+00> : vector<640x256xf32>
    %dot_general3A_15 = tpu.matmul %concatenate3A, %get3A_14, %dot_general3A {dimension_numbers = #tpu.dot_dimension_numbers<[1], [0], [0], [1], [0, 0, 1, 1], [], []>, transpose_lhs_hint = false} : vector<640x256xf32>, vector<256x256xf32>, vector<640x256xf32> -> vector<640x256xf32>
    %get3A_16 = arith.constant 0 : index
    %get3A_17 = arith.constant 0 : index
    %get3A_18 = arith.constant 0 : index
    %get3A_19 = vector.load %arg3[%get3A_16, %get3A_17, %get3A_18] : memref<4x640x128xi32, #tpu.memory_space<vmem>>, vector<1x640x128xi32>
    %get3A_20 = vector.shape_cast %get3A_19 : vector<1x640x128xi32> to vector<640x128xi32>
    %shift_left3A_21 = arith.constant 16 : i32
    %shift_left3A_22 = vector.broadcast %shift_left3A_21 : i32 to vector<640x128xi32>
    %shift_left3A_23 = arith.shli %get3A_20, %shift_left3A_22 : vector<640x128xi32>
    %bitcast_convert_type3A_24 = tpu.bitcast %shift_left3A_23 : vector<640x128xi32> -> vector<640x128xf32>
    %shift_right_logical3A_25 = arith.constant 16 : i32
    %shift_right_logical3A_26 = vector.broadcast %shift_right_logical3A_25 : i32 to vector<640x128xi32>
    %shift_right_logical3A_27 = arith.shrui %get3A_20, %shift_right_logical3A_26 : vector<640x128xi32>
    %shift_left3A_28 = arith.constant 16 : i32
    %shift_left3A_29 = vector.broadcast %shift_left3A_28 : i32 to vector<640x128xi32>
    %shift_left3A_30 = arith.shli %shift_right_logical3A_27, %shift_left3A_29 : vector<640x128xi32>
    %bitcast_convert_type3A_31 = tpu.bitcast %shift_left3A_30 : vector<640x128xi32> -> vector<640x128xf32>
    %concatenate3A_32 = tpu.concatenate %bitcast_convert_type3A_24, %bitcast_convert_type3A_31 in 1 : vector<640x128xf32>, vector<640x128xf32> -> vector<640x256xf32>
    %get3A_33 = arith.constant 1 : index
    %get3A_34 = arith.constant 0 : index
    %get3A_35 = arith.constant 0 : index
    %get3A_36 = vector.load %arg3[%get3A_33, %get3A_34, %get3A_35] : memref<4x640x128xi32, #tpu.memory_space<vmem>>, vector<1x640x128xi32>
    %get3A_37 = vector.shape_cast %get3A_36 : vector<1x640x128xi32> to vector<640x128xi32>
    %shift_left3A_38 = arith.constant 16 : i32
    %shift_left3A_39 = vector.broadcast %shift_left3A_38 : i32 to vector<640x128xi32>
    %shift_left3A_40 = arith.shli %get3A_37, %shift_left3A_39 : vector<640x128xi32>
    %bitcast_convert_type3A_41 = tpu.bitcast %shift_left3A_40 : vector<640x128xi32> -> vector<640x128xf32>
    %shift_right_logical3A_42 = arith.constant 16 : i32
    %shift_right_logical3A_43 = vector.broadcast %shift_right_logical3A_42 : i32 to vector<640x128xi32>
    %shift_right_logical3A_44 = arith.shrui %get3A_37, %shift_right_logical3A_43 : vector<640x128xi32>
    %shift_left3A_45 = arith.constant 16 : i32
    %shift_left3A_46 = vector.broadcast %shift_left3A_45 : i32 to vector<640x128xi32>
    %shift_left3A_47 = arith.shli %shift_right_logical3A_44, %shift_left3A_46 : vector<640x128xi32>
    %bitcast_convert_type3A_48 = tpu.bitcast %shift_left3A_47 : vector<640x128xi32> -> vector<640x128xf32>
    %concatenate3A_49 = tpu.concatenate %bitcast_convert_type3A_41, %bitcast_convert_type3A_48 in 1 : vector<640x128xf32>, vector<640x128xf32> -> vector<640x256xf32>
    %get3A_50 = arith.constant 2 : index
    %get3A_51 = arith.constant 0 : index
    %get3A_52 = arith.constant 0 : index
    %get3A_53 = vector.load %arg3[%get3A_50, %get3A_51, %get3A_52] : memref<4x640x128xi32, #tpu.memory_space<vmem>>, vector<1x640x128xi32>
    %get3A_54 = vector.shape_cast %get3A_53 : vector<1x640x128xi32> to vector<640x128xi32>
    %shift_left3A_55 = arith.constant 16 : i32
    %shift_left3A_56 = vector.broadcast %shift_left3A_55 : i32 to vector<640x128xi32>
    %shift_left3A_57 = arith.shli %get3A_54, %shift_left3A_56 : vector<640x128xi32>
    %bitcast_convert_type3A_58 = tpu.bitcast %shift_left3A_57 : vector<640x128xi32> -> vector<640x128xf32>
    %shift_right_logical3A_59 = arith.constant 16 : i32
    %shift_right_logical3A_60 = vector.broadcast %shift_right_logical3A_59 : i32 to vector<640x128xi32>
    %shift_right_logical3A_61 = arith.shrui %get3A_54, %shift_right_logical3A_60 : vector<640x128xi32>
    %shift_left3A_62 = arith.constant 16 : i32
    %shift_left3A_63 = vector.broadcast %shift_left3A_62 : i32 to vector<640x128xi32>
    %shift_left3A_64 = arith.shli %shift_right_logical3A_61, %shift_left3A_63 : vector<640x128xi32>
    %bitcast_convert_type3A_65 = tpu.bitcast %shift_left3A_64 : vector<640x128xi32> -> vector<640x128xf32>
    %concatenate3A_66 = tpu.concatenate %bitcast_convert_type3A_58, %bitcast_convert_type3A_65 in 1 : vector<640x128xf32>, vector<640x128xf32> -> vector<640x256xf32>
    %get3A_67 = arith.constant 3 : index
    %get3A_68 = arith.constant 0 : index
    %get3A_69 = arith.constant 0 : index
    %get3A_70 = vector.load %arg3[%get3A_67, %get3A_68, %get3A_69] : memref<4x640x128xi32, #tpu.memory_space<vmem>>, vector<1x640x128xi32>
    %get3A_71 = vector.shape_cast %get3A_70 : vector<1x640x128xi32> to vector<640x128xi32>
    %shift_left3A_72 = arith.constant 16 : i32
    %shift_left3A_73 = vector.broadcast %shift_left3A_72 : i32 to vector<640x128xi32>
    %shift_left3A_74 = arith.shli %get3A_71, %shift_left3A_73 : vector<640x128xi32>
    %bitcast_convert_type3A_75 = tpu.bitcast %shift_left3A_74 : vector<640x128xi32> -> vector<640x128xf32>
    %shift_right_logical3A_76 = arith.constant 16 : i32
    %shift_right_logical3A_77 = vector.broadcast %shift_right_logical3A_76 : i32 to vector<640x128xi32>
    %shift_right_logical3A_78 = arith.shrui %get3A_71, %shift_right_logical3A_77 : vector<640x128xi32>
    %shift_left3A_79 = arith.constant 16 : i32
    %shift_left3A_80 = vector.broadcast %shift_left3A_79 : i32 to vector<640x128xi32>
    %shift_left3A_81 = arith.shli %shift_right_logical3A_78, %shift_left3A_80 : vector<640x128xi32>
    %bitcast_convert_type3A_82 = tpu.bitcast %shift_left3A_81 : vector<640x128xi32> -> vector<640x128xf32>
    %concatenate3A_83 = tpu.concatenate %bitcast_convert_type3A_75, %bitcast_convert_type3A_82 in 1 : vector<640x128xf32>, vector<640x128xf32> -> vector<640x256xf32>
    %add3A = arith.addf %concatenate3A_32, %concatenate3A_66 : vector<640x256xf32>
    %get3A_84 = arith.constant 1 : index
    %get3A_85 = arith.constant 0 : index
    %get3A_86 = arith.constant 0 : index
    %get3A_87 = vector.load %arg4[%get3A_84, %get3A_85, %get3A_86] : memref<5x256x256xf32, #tpu.memory_space<vmem>>, vector<1x256x256xf32>
    %get3A_88 = vector.shape_cast %get3A_87 : vector<1x256x256xf32> to vector<256x256xf32>
    %dot_general3A_89 = arith.constant dense<0.000000e+00> : vector<640x256xf32>
    %dot_general3A_90 = tpu.matmul %add3A, %get3A_88, %dot_general3A_89 {dimension_numbers = #tpu.dot_dimension_numbers<[1], [0], [0], [1], [0, 0, 1, 1], [], []>, transpose_lhs_hint = false} : vector<640x256xf32>, vector<256x256xf32>, vector<640x256xf32> -> vector<640x256xf32>
    %add3A_91 = arith.addf %dot_general3A_15, %dot_general3A_90 : vector<640x256xf32>
    %add3A_92 = arith.addf %concatenate3A_49, %concatenate3A_83 : vector<640x256xf32>
    %get3A_93 = arith.constant 2 : index
    %get3A_94 = arith.constant 0 : index
    %get3A_95 = arith.constant 0 : index
    %get3A_96 = vector.load %arg4[%get3A_93, %get3A_94, %get3A_95] : memref<5x256x256xf32, #tpu.memory_space<vmem>>, vector<1x256x256xf32>
    %get3A_97 = vector.shape_cast %get3A_96 : vector<1x256x256xf32> to vector<256x256xf32>
    %dot_general3A_98 = arith.constant dense<0.000000e+00> : vector<640x256xf32>
    %dot_general3A_99 = tpu.matmul %add3A_92, %get3A_97, %dot_general3A_98 {dimension_numbers = #tpu.dot_dimension_numbers<[1], [0], [0], [1], [0, 0, 1, 1], [], []>, transpose_lhs_hint = false} : vector<640x256xf32>, vector<256x256xf32>, vector<640x256xf32> -> vector<640x256xf32>
    %add3A_100 = arith.addf %add3A_91, %dot_general3A_99 : vector<640x256xf32>
    %sub3A = arith.subf %concatenate3A_32, %concatenate3A_66 : vector<640x256xf32>
    %abs3A = math.absf %sub3A : vector<640x256xf32>
    %get3A_101 = arith.constant 3 : index
    %get3A_102 = arith.constant 0 : index
    %get3A_103 = arith.constant 0 : index
    %get3A_104 = vector.load %arg4[%get3A_101, %get3A_102, %get3A_103] : memref<5x256x256xf32, #tpu.memory_space<vmem>>, vector<1x256x256xf32>
    %get3A_105 = vector.shape_cast %get3A_104 : vector<1x256x256xf32> to vector<256x256xf32>
    %dot_general3A_106 = arith.constant dense<0.000000e+00> : vector<640x256xf32>
    %dot_general3A_107 = tpu.matmul %abs3A, %get3A_105, %dot_general3A_106 {dimension_numbers = #tpu.dot_dimension_numbers<[1], [0], [0], [1], [0, 0, 1, 1], [], []>, transpose_lhs_hint = false} : vector<640x256xf32>, vector<256x256xf32>, vector<640x256xf32> -> vector<640x256xf32>
    %add3A_108 = arith.addf %add3A_100, %dot_general3A_107 : vector<640x256xf32>
    %sub3A_109 = arith.subf %concatenate3A_49, %concatenate3A_83 : vector<640x256xf32>
    %abs3A_110 = math.absf %sub3A_109 : vector<640x256xf32>
    %get3A_111 = arith.constant 4 : index
    %get3A_112 = arith.constant 0 : index
    %get3A_113 = arith.constant 0 : index
    %get3A_114 = vector.load %arg4[%get3A_111, %get3A_112, %get3A_113] : memref<5x256x256xf32, #tpu.memory_space<vmem>>, vector<1x256x256xf32>
    %get3A_115 = vector.shape_cast %get3A_114 : vector<1x256x256xf32> to vector<256x256xf32>
    %dot_general3A_116 = arith.constant dense<0.000000e+00> : vector<640x256xf32>
    %dot_general3A_117 = tpu.matmul %abs3A_110, %get3A_115, %dot_general3A_116 {dimension_numbers = #tpu.dot_dimension_numbers<[1], [0], [0], [1], [0, 0, 1, 1], [], []>, transpose_lhs_hint = false} : vector<640x256xf32>, vector<256x256xf32>, vector<640x256xf32> -> vector<640x256xf32>
    %add3A_118 = arith.addf %add3A_108, %dot_general3A_117 : vector<640x256xf32>
    %get3A_119 = arith.constant 0 : index
    %get3A_120 = arith.constant 0 : index
    %get3A_121 = vector.load %arg5[%get3A_119, %get3A_120] : memref<1x256xf32, #tpu.memory_space<vmem>>, vector<1x256xf32>
    %add3A_122 = vector.broadcast %get3A_121 : vector<1x256xf32> to vector<640x256xf32>
    %add3A_123 = arith.addf %add3A_118, %add3A_122 : vector<640x256xf32>
    %slice3A = vector.extract_strided_slice %add3A_123 {offsets = [0, 0], sizes = [640, 128], strides = [1, 1]} : vector<640x256xf32> to vector<640x128xf32>
    %bitcast_convert_type3A_124 = tpu.bitcast %slice3A : vector<640x128xf32> -> vector<640x128xi32>
    %add3A_125 = arith.constant 32767 : i32
    %add3A_126 = vector.broadcast %add3A_125 : i32 to vector<640x128xi32>
    %add3A_127 = arith.addi %bitcast_convert_type3A_124, %add3A_126 : vector<640x128xi32>
    %shift_right_logical3A_128 = arith.constant 16 : i32
    %shift_right_logical3A_129 = vector.broadcast %shift_right_logical3A_128 : i32 to vector<640x128xi32>
    %shift_right_logical3A_130 = arith.shrui %bitcast_convert_type3A_124, %shift_right_logical3A_129 : vector<640x128xi32>
    %and3A = arith.constant 1 : i32
    %and3A_131 = vector.broadcast %and3A : i32 to vector<640x128xi32>
    %and3A_132 = arith.andi %shift_right_logical3A_130, %and3A_131 : vector<640x128xi32>
    %add3A_133 = arith.addi %add3A_127, %and3A_132 : vector<640x128xi32>
    %shift_right_logical3A_134 = arith.constant 16 : i32
    %shift_right_logical3A_135 = vector.broadcast %shift_right_logical3A_134 : i32 to vector<640x128xi32>
    %shift_right_logical3A_136 = arith.shrui %add3A_133, %shift_right_logical3A_135 : vector<640x128xi32>
    %slice3A_137 = vector.extract_strided_slice %add3A_123 {offsets = [0, 128], sizes = [640, 128], strides = [1, 1]} : vector<640x256xf32> to vector<640x128xf32>
    %bitcast_convert_type3A_138 = tpu.bitcast %slice3A_137 : vector<640x128xf32> -> vector<640x128xi32>
    %add3A_139 = arith.constant 32767 : i32
    %add3A_140 = vector.broadcast %add3A_139 : i32 to vector<640x128xi32>
    %add3A_141 = arith.addi %bitcast_convert_type3A_138, %add3A_140 : vector<640x128xi32>
    %shift_right_logical3A_142 = arith.constant 16 : i32
    %shift_right_logical3A_143 = vector.broadcast %shift_right_logical3A_142 : i32 to vector<640x128xi32>
    %shift_right_logical3A_144 = arith.shrui %bitcast_convert_type3A_138, %shift_right_logical3A_143 : vector<640x128xi32>
    %and3A_145 = arith.constant 1 : i32
    %and3A_146 = vector.broadcast %and3A_145 : i32 to vector<640x128xi32>
    %and3A_147 = arith.andi %shift_right_logical3A_144, %and3A_146 : vector<640x128xi32>
    %add3A_148 = arith.addi %add3A_141, %and3A_147 : vector<640x128xi32>
    %shift_right_logical3A_149 = arith.constant 16 : i32
    %shift_right_logical3A_150 = vector.broadcast %shift_right_logical3A_149 : i32 to vector<640x128xi32>
    %shift_right_logical3A_151 = arith.shrui %add3A_148, %shift_right_logical3A_150 : vector<640x128xi32>
    %shift_left3A_152 = arith.constant 16 : i32
    %shift_left3A_153 = vector.broadcast %shift_left3A_152 : i32 to vector<640x128xi32>
    %shift_left3A_154 = arith.shli %shift_right_logical3A_151, %shift_left3A_153 : vector<640x128xi32>
    %or3A = arith.ori %shift_left3A_154, %shift_right_logical3A_136 : vector<640x128xi32>
    %swap3A = arith.constant 0 : index
    %swap3A_155 = arith.constant 0 : index
    %swap3A_156 = vector.load %arg6[%swap3A, %swap3A_155] : memref<640x128xi32, #tpu.memory_space<vmem>>, vector<640x128xi32>
    tpu.vector_store %arg6[%swap3A, %swap3A_155], %or3A {strides = array<i32>} : memref<640x128xi32, #tpu.memory_space<vmem>>, vector<640x128xi32>,
    return
  }
  func.func @transform_1(%arg0: i32) -> (i32, i32) {
    %add3A = arith.constant 125 : i32
    %add3A_0 = arith.addi %arg0, %add3A : i32
    %c0_i32 = arith.constant 0 : i32
    %c0_i32_1 = arith.constant 0 : i32
    return %add3A_0, %c0_i32 : i32, i32
  }
  func.func @transform_2(%arg0: i32) -> (i32, i32, i32) {
    %c0_i32 = arith.constant 0 : i32
    %c0_i32_0 = arith.constant 0 : i32
    %c0_i32_1 = arith.constant 0 : i32
    return %c0_i32, %arg0, %c0_i32_0 : i32, i32, i32
  }
  func.func @transform_3(%arg0: i32) -> (i32, i32, i32) {
    %c0_i32 = arith.constant 0 : i32
    %c0_i32_0 = arith.constant 0 : i32
    %c0_i32_1 = arith.constant 0 : i32
    %c0_i32_2 = arith.constant 0 : i32
    return %c0_i32, %c0_i32_0, %c0_i32_1 : i32, i32, i32
  }
  func.func @transform_4(%arg0: i32) -> (i32, i32) {
    %c0_i32 = arith.constant 0 : i32
    %c0_i32_0 = arith.constant 0 : i32
    %c0_i32_1 = arith.constant 0 : i32
    return %c0_i32, %c0_i32_0 : i32, i32
  }
  func.func @transform_5(%arg0: i32) -> (i32, i32) {
    %add3A = arith.constant 125 : i32
    %add3A_0 = arith.addi %arg0, %add3A : i32
    %c0_i32 = arith.constant 0 : i32
    %c0_i32_1 = arith.constant 0 : i32
    return %add3A_0, %c0_i32 : i32, i32
  }
}

module attributes {stable_mosaic.version = 14 : i64} {
  func.func @_mm_body(%arg0: i32, %arg1: memref<640x128xi32, #tpu.memory_space<vmem>>, %arg2: memref<4x640x128xi32, #tpu.memory_space<vmem>>, %arg3: memref<5x256x256xf32, #tpu.memory_space<vmem>>, %arg4: memref<1x256xf32, #tpu.memory_space<vmem>>, %arg5: memref<256x640xf32, #tpu.memory_space<vmem>>) attributes {dimension_semantics = [#tpu.dimension_semantics<arbitrary>], iteration_bounds = array<i64: 125>, scalar_prefetch = 0 : i64, scratch_operands = 0 : i64, tpu.core_type = #tpu.core_type<tc>, window_params = [{transform_indices = @transform_0, window_bounds = array<i64: 640, 128>}, {transform_indices = @transform_1, window_bounds = array<i64: 4, 640, 128>}, {pipeline_mode = #tpu.pipeline_mode<synchronous>, transform_indices = @transform_2, window_bounds = array<i64: 5, 256, 256>}, {pipeline_mode = #tpu.pipeline_mode<synchronous>, transform_indices = @transform_3, window_bounds = array<i64: 1, 256>}, {transform_indices = @transform_4, window_bounds = array<i64: 256, 640>}]} {
    %get3A = arith.constant 0 : index
    %get3A_0 = arith.constant 0 : index
    %get3A_1 = vector.load %arg1[%get3A, %get3A_0] : memref<640x128xi32, #tpu.memory_space<vmem>>, vector<640x128xi32>
    %shift_left3A = arith.constant 16 : i32
    %shift_left3A_2 = vector.broadcast %shift_left3A : i32 to vector<640x128xi32>
    %shift_left3A_3 = arith.shli %get3A_1, %shift_left3A_2 : vector<640x128xi32>
    %bitcast_convert_type3A = tpu.bitcast %shift_left3A_3 : vector<640x128xi32> -> vector<640x128xf32>
    %shift_right_logical3A = arith.constant 16 : i32
    %shift_right_logical3A_4 = vector.broadcast %shift_right_logical3A : i32 to vector<640x128xi32>
    %shift_right_logical3A_5 = arith.shrui %get3A_1, %shift_right_logical3A_4 : vector<640x128xi32>
    %shift_left3A_6 = arith.constant 16 : i32
    %shift_left3A_7 = vector.broadcast %shift_left3A_6 : i32 to vector<640x128xi32>
    %shift_left3A_8 = arith.shli %shift_right_logical3A_5, %shift_left3A_7 : vector<640x128xi32>
    %bitcast_convert_type3A_9 = tpu.bitcast %shift_left3A_8 : vector<640x128xi32> -> vector<640x128xf32>
    %concatenate3A = tpu.concatenate %bitcast_convert_type3A, %bitcast_convert_type3A_9 in 1 : vector<640x128xf32>, vector<640x128xf32> -> vector<640x256xf32>
    %get3A_10 = arith.constant 0 : index
    %get3A_11 = arith.constant 0 : index
    %get3A_12 = arith.constant 0 : index
    %get3A_13 = vector.load %arg3[%get3A_10, %get3A_11, %get3A_12] : memref<5x256x256xf32, #tpu.memory_space<vmem>>, vector<1x256x256xf32>
    %get3A_14 = vector.shape_cast %get3A_13 : vector<1x256x256xf32> to vector<256x256xf32>
    %dot_general3A = arith.constant dense<0.000000e+00> : vector<640x256xf32>
    %dot_general3A_15 = tpu.matmul %concatenate3A, %get3A_14, %dot_general3A {dimension_numbers = #tpu.dot_dimension_numbers<[1], [0], [0], [1], [0, 0, 1, 1], [], []>, transpose_lhs_hint = false} : vector<640x256xf32>, vector<256x256xf32>, vector<640x256xf32> -> vector<640x256xf32>
    %get3A_16 = arith.constant 0 : index
    %get3A_17 = arith.constant 0 : index
    %get3A_18 = arith.constant 0 : index
    %get3A_19 = vector.load %arg2[%get3A_16, %get3A_17, %get3A_18] : memref<4x640x128xi32, #tpu.memory_space<vmem>>, vector<1x640x128xi32>
    %get3A_20 = vector.shape_cast %get3A_19 : vector<1x640x128xi32> to vector<640x128xi32>
    %shift_left3A_21 = arith.constant 16 : i32
    %shift_left3A_22 = vector.broadcast %shift_left3A_21 : i32 to vector<640x128xi32>
    %shift_left3A_23 = arith.shli %get3A_20, %shift_left3A_22 : vector<640x128xi32>
    %bitcast_convert_type3A_24 = tpu.bitcast %shift_left3A_23 : vector<640x128xi32> -> vector<640x128xf32>
    %shift_right_logical3A_25 = arith.constant 16 : i32
    %shift_right_logical3A_26 = vector.broadcast %shift_right_logical3A_25 : i32 to vector<640x128xi32>
    %shift_right_logical3A_27 = arith.shrui %get3A_20, %shift_right_logical3A_26 : vector<640x128xi32>
    %shift_left3A_28 = arith.constant 16 : i32
    %shift_left3A_29 = vector.broadcast %shift_left3A_28 : i32 to vector<640x128xi32>
    %shift_left3A_30 = arith.shli %shift_right_logical3A_27, %shift_left3A_29 : vector<640x128xi32>
    %bitcast_convert_type3A_31 = tpu.bitcast %shift_left3A_30 : vector<640x128xi32> -> vector<640x128xf32>
    %concatenate3A_32 = tpu.concatenate %bitcast_convert_type3A_24, %bitcast_convert_type3A_31 in 1 : vector<640x128xf32>, vector<640x128xf32> -> vector<640x256xf32>
    %get3A_33 = arith.constant 1 : index
    %get3A_34 = arith.constant 0 : index
    %get3A_35 = arith.constant 0 : index
    %get3A_36 = vector.load %arg2[%get3A_33, %get3A_34, %get3A_35] : memref<4x640x128xi32, #tpu.memory_space<vmem>>, vector<1x640x128xi32>
    %get3A_37 = vector.shape_cast %get3A_36 : vector<1x640x128xi32> to vector<640x128xi32>
    %shift_left3A_38 = arith.constant 16 : i32
    %shift_left3A_39 = vector.broadcast %shift_left3A_38 : i32 to vector<640x128xi32>
    %shift_left3A_40 = arith.shli %get3A_37, %shift_left3A_39 : vector<640x128xi32>
    %bitcast_convert_type3A_41 = tpu.bitcast %shift_left3A_40 : vector<640x128xi32> -> vector<640x128xf32>
    %shift_right_logical3A_42 = arith.constant 16 : i32
    %shift_right_logical3A_43 = vector.broadcast %shift_right_logical3A_42 : i32 to vector<640x128xi32>
    %shift_right_logical3A_44 = arith.shrui %get3A_37, %shift_right_logical3A_43 : vector<640x128xi32>
    %shift_left3A_45 = arith.constant 16 : i32
    %shift_left3A_46 = vector.broadcast %shift_left3A_45 : i32 to vector<640x128xi32>
    %shift_left3A_47 = arith.shli %shift_right_logical3A_44, %shift_left3A_46 : vector<640x128xi32>
    %bitcast_convert_type3A_48 = tpu.bitcast %shift_left3A_47 : vector<640x128xi32> -> vector<640x128xf32>
    %concatenate3A_49 = tpu.concatenate %bitcast_convert_type3A_41, %bitcast_convert_type3A_48 in 1 : vector<640x128xf32>, vector<640x128xf32> -> vector<640x256xf32>
    %get3A_50 = arith.constant 2 : index
    %get3A_51 = arith.constant 0 : index
    %get3A_52 = arith.constant 0 : index
    %get3A_53 = vector.load %arg2[%get3A_50, %get3A_51, %get3A_52] : memref<4x640x128xi32, #tpu.memory_space<vmem>>, vector<1x640x128xi32>
    %get3A_54 = vector.shape_cast %get3A_53 : vector<1x640x128xi32> to vector<640x128xi32>
    %shift_left3A_55 = arith.constant 16 : i32
    %shift_left3A_56 = vector.broadcast %shift_left3A_55 : i32 to vector<640x128xi32>
    %shift_left3A_57 = arith.shli %get3A_54, %shift_left3A_56 : vector<640x128xi32>
    %bitcast_convert_type3A_58 = tpu.bitcast %shift_left3A_57 : vector<640x128xi32> -> vector<640x128xf32>
    %shift_right_logical3A_59 = arith.constant 16 : i32
    %shift_right_logical3A_60 = vector.broadcast %shift_right_logical3A_59 : i32 to vector<640x128xi32>
    %shift_right_logical3A_61 = arith.shrui %get3A_54, %shift_right_logical3A_60 : vector<640x128xi32>
    %shift_left3A_62 = arith.constant 16 : i32
    %shift_left3A_63 = vector.broadcast %shift_left3A_62 : i32 to vector<640x128xi32>
    %shift_left3A_64 = arith.shli %shift_right_logical3A_61, %shift_left3A_63 : vector<640x128xi32>
    %bitcast_convert_type3A_65 = tpu.bitcast %shift_left3A_64 : vector<640x128xi32> -> vector<640x128xf32>
    %concatenate3A_66 = tpu.concatenate %bitcast_convert_type3A_58, %bitcast_convert_type3A_65 in 1 : vector<640x128xf32>, vector<640x128xf32> -> vector<640x256xf32>
    %get3A_67 = arith.constant 3 : index
    %get3A_68 = arith.constant 0 : index
    %get3A_69 = arith.constant 0 : index
    %get3A_70 = vector.load %arg2[%get3A_67, %get3A_68, %get3A_69] : memref<4x640x128xi32, #tpu.memory_space<vmem>>, vector<1x640x128xi32>
    %get3A_71 = vector.shape_cast %get3A_70 : vector<1x640x128xi32> to vector<640x128xi32>
    %shift_left3A_72 = arith.constant 16 : i32
    %shift_left3A_73 = vector.broadcast %shift_left3A_72 : i32 to vector<640x128xi32>
    %shift_left3A_74 = arith.shli %get3A_71, %shift_left3A_73 : vector<640x128xi32>
    %bitcast_convert_type3A_75 = tpu.bitcast %shift_left3A_74 : vector<640x128xi32> -> vector<640x128xf32>
    %shift_right_logical3A_76 = arith.constant 16 : i32
    %shift_right_logical3A_77 = vector.broadcast %shift_right_logical3A_76 : i32 to vector<640x128xi32>
    %shift_right_logical3A_78 = arith.shrui %get3A_71, %shift_right_logical3A_77 : vector<640x128xi32>
    %shift_left3A_79 = arith.constant 16 : i32
    %shift_left3A_80 = vector.broadcast %shift_left3A_79 : i32 to vector<640x128xi32>
    %shift_left3A_81 = arith.shli %shift_right_logical3A_78, %shift_left3A_80 : vector<640x128xi32>
    %bitcast_convert_type3A_82 = tpu.bitcast %shift_left3A_81 : vector<640x128xi32> -> vector<640x128xf32>
    %concatenate3A_83 = tpu.concatenate %bitcast_convert_type3A_75, %bitcast_convert_type3A_82 in 1 : vector<640x128xf32>, vector<640x128xf32> -> vector<640x256xf32>
    %add3A = arith.addf %concatenate3A_32, %concatenate3A_66 : vector<640x256xf32>
    %get3A_84 = arith.constant 1 : index
    %get3A_85 = arith.constant 0 : index
    %get3A_86 = arith.constant 0 : index
    %get3A_87 = vector.load %arg3[%get3A_84, %get3A_85, %get3A_86] : memref<5x256x256xf32, #tpu.memory_space<vmem>>, vector<1x256x256xf32>
    %get3A_88 = vector.shape_cast %get3A_87 : vector<1x256x256xf32> to vector<256x256xf32>
    %dot_general3A_89 = arith.constant dense<0.000000e+00> : vector<640x256xf32>
    %dot_general3A_90 = tpu.matmul %add3A, %get3A_88, %dot_general3A_89 {dimension_numbers = #tpu.dot_dimension_numbers<[1], [0], [0], [1], [0, 0, 1, 1], [], []>, transpose_lhs_hint = false} : vector<640x256xf32>, vector<256x256xf32>, vector<640x256xf32> -> vector<640x256xf32>
    %add3A_91 = arith.addf %dot_general3A_15, %dot_general3A_90 : vector<640x256xf32>
    %add3A_92 = arith.addf %concatenate3A_49, %concatenate3A_83 : vector<640x256xf32>
    %get3A_93 = arith.constant 2 : index
    %get3A_94 = arith.constant 0 : index
    %get3A_95 = arith.constant 0 : index
    %get3A_96 = vector.load %arg3[%get3A_93, %get3A_94, %get3A_95] : memref<5x256x256xf32, #tpu.memory_space<vmem>>, vector<1x256x256xf32>
    %get3A_97 = vector.shape_cast %get3A_96 : vector<1x256x256xf32> to vector<256x256xf32>
    %dot_general3A_98 = arith.constant dense<0.000000e+00> : vector<640x256xf32>
    %dot_general3A_99 = tpu.matmul %add3A_92, %get3A_97, %dot_general3A_98 {dimension_numbers = #tpu.dot_dimension_numbers<[1], [0], [0], [1], [0, 0, 1, 1], [], []>, transpose_lhs_hint = false} : vector<640x256xf32>, vector<256x256xf32>, vector<640x256xf32> -> vector<640x256xf32>
    %add3A_100 = arith.addf %add3A_91, %dot_general3A_99 : vector<640x256xf32>
    %sub3A = arith.subf %concatenate3A_32, %concatenate3A_66 : vector<640x256xf32>
    %abs3A = math.absf %sub3A : vector<640x256xf32>
    %get3A_101 = arith.constant 3 : index
    %get3A_102 = arith.constant 0 : index
    %get3A_103 = arith.constant 0 : index
    %get3A_104 = vector.load %arg3[%get3A_101, %get3A_102, %get3A_103] : memref<5x256x256xf32, #tpu.memory_space<vmem>>, vector<1x256x256xf32>
    %get3A_105 = vector.shape_cast %get3A_104 : vector<1x256x256xf32> to vector<256x256xf32>
    %dot_general3A_106 = arith.constant dense<0.000000e+00> : vector<640x256xf32>
    %dot_general3A_107 = tpu.matmul %abs3A, %get3A_105, %dot_general3A_106 {dimension_numbers = #tpu.dot_dimension_numbers<[1], [0], [0], [1], [0, 0, 1, 1], [], []>, transpose_lhs_hint = false} : vector<640x256xf32>, vector<256x256xf32>, vector<640x256xf32> -> vector<640x256xf32>
    %add3A_108 = arith.addf %add3A_100, %dot_general3A_107 : vector<640x256xf32>
    %sub3A_109 = arith.subf %concatenate3A_49, %concatenate3A_83 : vector<640x256xf32>
    %abs3A_110 = math.absf %sub3A_109 : vector<640x256xf32>
    %get3A_111 = arith.constant 4 : index
    %get3A_112 = arith.constant 0 : index
    %get3A_113 = arith.constant 0 : index
    %get3A_114 = vector.load %arg3[%get3A_111, %get3A_112, %get3A_113] : memref<5x256x256xf32, #tpu.memory_space<vmem>>, vector<1x256x256xf32>
    %get3A_115 = vector.shape_cast %get3A_114 : vector<1x256x256xf32> to vector<256x256xf32>
    %dot_general3A_116 = arith.constant dense<0.000000e+00> : vector<640x256xf32>
    %dot_general3A_117 = tpu.matmul %abs3A_110, %get3A_115, %dot_general3A_116 {dimension_numbers = #tpu.dot_dimension_numbers<[1], [0], [0], [1], [0, 0, 1, 1], [], []>, transpose_lhs_hint = false} : vector<640x256xf32>, vector<256x256xf32>, vector<640x256xf32> -> vector<640x256xf32>
    %add3A_118 = arith.addf %add3A_108, %dot_general3A_117 : vector<640x256xf32>
    %get3A_119 = arith.constant 0 : index
    %get3A_120 = arith.constant 0 : index
    %get3A_121 = vector.load %arg4[%get3A_119, %get3A_120] : memref<1x256xf32, #tpu.memory_space<vmem>>, vector<1x256xf32>
    %add3A_122 = vector.broadcast %get3A_121 : vector<1x256xf32> to vector<640x256xf32>
    %add3A_123 = arith.addf %add3A_118, %add3A_122 : vector<640x256xf32>
    %transpose3A = tpu.transpose %add3A_123, [1, 0] : vector<640x256xf32> -> vector<256x640xf32>
    %swap3A = arith.constant 0 : index
    %swap3A_124 = arith.constant 0 : index
    %swap3A_125 = vector.load %arg5[%swap3A, %swap3A_124] : memref<256x640xf32, #tpu.memory_space<vmem>>, vector<256x640xf32>
    tpu.vector_store %arg5[%swap3A, %swap3A_124], %transpose3A {strides = array<i32>} : memref<256x640xf32, #tpu.memory_space<vmem>>, vector<256x640xf32>,
    return
  }
  func.func @transform_0(%arg0: i32) -> (i32, i32) {
    %add3A = arith.constant 0 : i32
    %add3A_0 = arith.addi %arg0, %add3A : i32
    %c0_i32 = arith.constant 0 : i32
    %c0_i32_1 = arith.constant 0 : i32
    return %add3A_0, %c0_i32 : i32, i32
  }
  func.func @transform_1(%arg0: i32) -> (i32, i32, i32) {
    %c0_i32 = arith.constant 0 : i32
    %c0_i32_0 = arith.constant 0 : i32
    %c0_i32_1 = arith.constant 0 : i32
    return %c0_i32, %arg0, %c0_i32_0 : i32, i32, i32
  }
  func.func @transform_2(%arg0: i32) -> (i32, i32, i32) {
    %c0_i32 = arith.constant 0 : i32
    %c0_i32_0 = arith.constant 0 : i32
    %c0_i32_1 = arith.constant 0 : i32
    %c0_i32_2 = arith.constant 0 : i32
    return %c0_i32, %c0_i32_0, %c0_i32_1 : i32, i32, i32
  }
  func.func @transform_3(%arg0: i32) -> (i32, i32) {
    %c0_i32 = arith.constant 0 : i32
    %c0_i32_0 = arith.constant 0 : i32
    %c0_i32_1 = arith.constant 0 : i32
    return %c0_i32, %c0_i32_0 : i32, i32
  }
  func.func @transform_4(%arg0: i32) -> (i32, i32) {
    %add3A = arith.constant 0 : i32
    %add3A_0 = arith.addi %arg0, %add3A : i32
    %c0_i32 = arith.constant 0 : i32
    %c0_i32_1 = arith.constant 0 : i32
    return %c0_i32, %add3A_0 : i32, i32
  }
}

module attributes {stable_mosaic.version = 14 : i64} {
  func.func @_mm_half_body(%arg0: i32, %arg1: memref<256x160000xf32, #tpu.memory_space<any>>, %arg2: memref<640x128xi32, #tpu.memory_space<vmem>>, %arg3: memref<4x640x128xi32, #tpu.memory_space<vmem>>, %arg4: memref<5x256x256xf32, #tpu.memory_space<vmem>>, %arg5: memref<1x256xf32, #tpu.memory_space<vmem>>, %arg6: memref<256x640xf32, #tpu.memory_space<vmem>>) attributes {dimension_semantics = [#tpu.dimension_semantics<arbitrary>], iteration_bounds = array<i64: 125>, scalar_prefetch = 0 : i64, scratch_operands = 0 : i64, tpu.core_type = #tpu.core_type<tc>, window_params = [{}, {transform_indices = @transform_1, window_bounds = array<i64: 640, 128>}, {transform_indices = @transform_2, window_bounds = array<i64: 4, 640, 128>}, {pipeline_mode = #tpu.pipeline_mode<synchronous>, transform_indices = @transform_3, window_bounds = array<i64: 5, 256, 256>}, {pipeline_mode = #tpu.pipeline_mode<synchronous>, transform_indices = @transform_4, window_bounds = array<i64: 1, 256>}, {transform_indices = @transform_5, window_bounds = array<i64: 256, 640>}]} {
    %get3A = arith.constant 0 : index
    %get3A_0 = arith.constant 0 : index
    %get3A_1 = vector.load %arg2[%get3A, %get3A_0] : memref<640x128xi32, #tpu.memory_space<vmem>>, vector<640x128xi32>
    %shift_left3A = arith.constant 16 : i32
    %shift_left3A_2 = vector.broadcast %shift_left3A : i32 to vector<640x128xi32>
    %shift_left3A_3 = arith.shli %get3A_1, %shift_left3A_2 : vector<640x128xi32>
    %bitcast_convert_type3A = tpu.bitcast %shift_left3A_3 : vector<640x128xi32> -> vector<640x128xf32>
    %shift_right_logical3A = arith.constant 16 : i32
    %shift_right_logical3A_4 = vector.broadcast %shift_right_logical3A : i32 to vector<640x128xi32>
    %shift_right_logical3A_5 = arith.shrui %get3A_1, %shift_right_logical3A_4 : vector<640x128xi32>
    %shift_left3A_6 = arith.constant 16 : i32
    %shift_left3A_7 = vector.broadcast %shift_left3A_6 : i32 to vector<640x128xi32>
    %shift_left3A_8 = arith.shli %shift_right_logical3A_5, %shift_left3A_7 : vector<640x128xi32>
    %bitcast_convert_type3A_9 = tpu.bitcast %shift_left3A_8 : vector<640x128xi32> -> vector<640x128xf32>
    %concatenate3A = tpu.concatenate %bitcast_convert_type3A, %bitcast_convert_type3A_9 in 1 : vector<640x128xf32>, vector<640x128xf32> -> vector<640x256xf32>
    %get3A_10 = arith.constant 0 : index
    %get3A_11 = arith.constant 0 : index
    %get3A_12 = arith.constant 0 : index
    %get3A_13 = vector.load %arg4[%get3A_10, %get3A_11, %get3A_12] : memref<5x256x256xf32, #tpu.memory_space<vmem>>, vector<1x256x256xf32>
    %get3A_14 = vector.shape_cast %get3A_13 : vector<1x256x256xf32> to vector<256x256xf32>
    %dot_general3A = arith.constant dense<0.000000e+00> : vector<640x256xf32>
    %dot_general3A_15 = tpu.matmul %concatenate3A, %get3A_14, %dot_general3A {dimension_numbers = #tpu.dot_dimension_numbers<[1], [0], [0], [1], [0, 0, 1, 1], [], []>, transpose_lhs_hint = false} : vector<640x256xf32>, vector<256x256xf32>, vector<640x256xf32> -> vector<640x256xf32>
    %get3A_16 = arith.constant 0 : index
    %get3A_17 = arith.constant 0 : index
    %get3A_18 = arith.constant 0 : index
    %get3A_19 = vector.load %arg3[%get3A_16, %get3A_17, %get3A_18] : memref<4x640x128xi32, #tpu.memory_space<vmem>>, vector<1x640x128xi32>
    %get3A_20 = vector.shape_cast %get3A_19 : vector<1x640x128xi32> to vector<640x128xi32>
    %shift_left3A_21 = arith.constant 16 : i32
    %shift_left3A_22 = vector.broadcast %shift_left3A_21 : i32 to vector<640x128xi32>
    %shift_left3A_23 = arith.shli %get3A_20, %shift_left3A_22 : vector<640x128xi32>
    %bitcast_convert_type3A_24 = tpu.bitcast %shift_left3A_23 : vector<640x128xi32> -> vector<640x128xf32>
    %shift_right_logical3A_25 = arith.constant 16 : i32
    %shift_right_logical3A_26 = vector.broadcast %shift_right_logical3A_25 : i32 to vector<640x128xi32>
    %shift_right_logical3A_27 = arith.shrui %get3A_20, %shift_right_logical3A_26 : vector<640x128xi32>
    %shift_left3A_28 = arith.constant 16 : i32
    %shift_left3A_29 = vector.broadcast %shift_left3A_28 : i32 to vector<640x128xi32>
    %shift_left3A_30 = arith.shli %shift_right_logical3A_27, %shift_left3A_29 : vector<640x128xi32>
    %bitcast_convert_type3A_31 = tpu.bitcast %shift_left3A_30 : vector<640x128xi32> -> vector<640x128xf32>
    %concatenate3A_32 = tpu.concatenate %bitcast_convert_type3A_24, %bitcast_convert_type3A_31 in 1 : vector<640x128xf32>, vector<640x128xf32> -> vector<640x256xf32>
    %get3A_33 = arith.constant 1 : index
    %get3A_34 = arith.constant 0 : index
    %get3A_35 = arith.constant 0 : index
    %get3A_36 = vector.load %arg3[%get3A_33, %get3A_34, %get3A_35] : memref<4x640x128xi32, #tpu.memory_space<vmem>>, vector<1x640x128xi32>
    %get3A_37 = vector.shape_cast %get3A_36 : vector<1x640x128xi32> to vector<640x128xi32>
    %shift_left3A_38 = arith.constant 16 : i32
    %shift_left3A_39 = vector.broadcast %shift_left3A_38 : i32 to vector<640x128xi32>
    %shift_left3A_40 = arith.shli %get3A_37, %shift_left3A_39 : vector<640x128xi32>
    %bitcast_convert_type3A_41 = tpu.bitcast %shift_left3A_40 : vector<640x128xi32> -> vector<640x128xf32>
    %shift_right_logical3A_42 = arith.constant 16 : i32
    %shift_right_logical3A_43 = vector.broadcast %shift_right_logical3A_42 : i32 to vector<640x128xi32>
    %shift_right_logical3A_44 = arith.shrui %get3A_37, %shift_right_logical3A_43 : vector<640x128xi32>
    %shift_left3A_45 = arith.constant 16 : i32
    %shift_left3A_46 = vector.broadcast %shift_left3A_45 : i32 to vector<640x128xi32>
    %shift_left3A_47 = arith.shli %shift_right_logical3A_44, %shift_left3A_46 : vector<640x128xi32>
    %bitcast_convert_type3A_48 = tpu.bitcast %shift_left3A_47 : vector<640x128xi32> -> vector<640x128xf32>
    %concatenate3A_49 = tpu.concatenate %bitcast_convert_type3A_41, %bitcast_convert_type3A_48 in 1 : vector<640x128xf32>, vector<640x128xf32> -> vector<640x256xf32>
    %get3A_50 = arith.constant 2 : index
    %get3A_51 = arith.constant 0 : index
    %get3A_52 = arith.constant 0 : index
    %get3A_53 = vector.load %arg3[%get3A_50, %get3A_51, %get3A_52] : memref<4x640x128xi32, #tpu.memory_space<vmem>>, vector<1x640x128xi32>
    %get3A_54 = vector.shape_cast %get3A_53 : vector<1x640x128xi32> to vector<640x128xi32>
    %shift_left3A_55 = arith.constant 16 : i32
    %shift_left3A_56 = vector.broadcast %shift_left3A_55 : i32 to vector<640x128xi32>
    %shift_left3A_57 = arith.shli %get3A_54, %shift_left3A_56 : vector<640x128xi32>
    %bitcast_convert_type3A_58 = tpu.bitcast %shift_left3A_57 : vector<640x128xi32> -> vector<640x128xf32>
    %shift_right_logical3A_59 = arith.constant 16 : i32
    %shift_right_logical3A_60 = vector.broadcast %shift_right_logical3A_59 : i32 to vector<640x128xi32>
    %shift_right_logical3A_61 = arith.shrui %get3A_54, %shift_right_logical3A_60 : vector<640x128xi32>
    %shift_left3A_62 = arith.constant 16 : i32
    %shift_left3A_63 = vector.broadcast %shift_left3A_62 : i32 to vector<640x128xi32>
    %shift_left3A_64 = arith.shli %shift_right_logical3A_61, %shift_left3A_63 : vector<640x128xi32>
    %bitcast_convert_type3A_65 = tpu.bitcast %shift_left3A_64 : vector<640x128xi32> -> vector<640x128xf32>
    %concatenate3A_66 = tpu.concatenate %bitcast_convert_type3A_58, %bitcast_convert_type3A_65 in 1 : vector<640x128xf32>, vector<640x128xf32> -> vector<640x256xf32>
    %get3A_67 = arith.constant 3 : index
    %get3A_68 = arith.constant 0 : index
    %get3A_69 = arith.constant 0 : index
    %get3A_70 = vector.load %arg3[%get3A_67, %get3A_68, %get3A_69] : memref<4x640x128xi32, #tpu.memory_space<vmem>>, vector<1x640x128xi32>
    %get3A_71 = vector.shape_cast %get3A_70 : vector<1x640x128xi32> to vector<640x128xi32>
    %shift_left3A_72 = arith.constant 16 : i32
    %shift_left3A_73 = vector.broadcast %shift_left3A_72 : i32 to vector<640x128xi32>
    %shift_left3A_74 = arith.shli %get3A_71, %shift_left3A_73 : vector<640x128xi32>
    %bitcast_convert_type3A_75 = tpu.bitcast %shift_left3A_74 : vector<640x128xi32> -> vector<640x128xf32>
    %shift_right_logical3A_76 = arith.constant 16 : i32
    %shift_right_logical3A_77 = vector.broadcast %shift_right_logical3A_76 : i32 to vector<640x128xi32>
    %shift_right_logical3A_78 = arith.shrui %get3A_71, %shift_right_logical3A_77 : vector<640x128xi32>
    %shift_left3A_79 = arith.constant 16 : i32
    %shift_left3A_80 = vector.broadcast %shift_left3A_79 : i32 to vector<640x128xi32>
    %shift_left3A_81 = arith.shli %shift_right_logical3A_78, %shift_left3A_80 : vector<640x128xi32>
    %bitcast_convert_type3A_82 = tpu.bitcast %shift_left3A_81 : vector<640x128xi32> -> vector<640x128xf32>
    %concatenate3A_83 = tpu.concatenate %bitcast_convert_type3A_75, %bitcast_convert_type3A_82 in 1 : vector<640x128xf32>, vector<640x128xf32> -> vector<640x256xf32>
    %add3A = arith.addf %concatenate3A_32, %concatenate3A_66 : vector<640x256xf32>
    %get3A_84 = arith.constant 1 : index
    %get3A_85 = arith.constant 0 : index
    %get3A_86 = arith.constant 0 : index
    %get3A_87 = vector.load %arg4[%get3A_84, %get3A_85, %get3A_86] : memref<5x256x256xf32, #tpu.memory_space<vmem>>, vector<1x256x256xf32>
    %get3A_88 = vector.shape_cast %get3A_87 : vector<1x256x256xf32> to vector<256x256xf32>
    %dot_general3A_89 = arith.constant dense<0.000000e+00> : vector<640x256xf32>
    %dot_general3A_90 = tpu.matmul %add3A, %get3A_88, %dot_general3A_89 {dimension_numbers = #tpu.dot_dimension_numbers<[1], [0], [0], [1], [0, 0, 1, 1], [], []>, transpose_lhs_hint = false} : vector<640x256xf32>, vector<256x256xf32>, vector<640x256xf32> -> vector<640x256xf32>
    %add3A_91 = arith.addf %dot_general3A_15, %dot_general3A_90 : vector<640x256xf32>
    %add3A_92 = arith.addf %concatenate3A_49, %concatenate3A_83 : vector<640x256xf32>
    %get3A_93 = arith.constant 2 : index
    %get3A_94 = arith.constant 0 : index
    %get3A_95 = arith.constant 0 : index
    %get3A_96 = vector.load %arg4[%get3A_93, %get3A_94, %get3A_95] : memref<5x256x256xf32, #tpu.memory_space<vmem>>, vector<1x256x256xf32>
    %get3A_97 = vector.shape_cast %get3A_96 : vector<1x256x256xf32> to vector<256x256xf32>
    %dot_general3A_98 = arith.constant dense<0.000000e+00> : vector<640x256xf32>
    %dot_general3A_99 = tpu.matmul %add3A_92, %get3A_97, %dot_general3A_98 {dimension_numbers = #tpu.dot_dimension_numbers<[1], [0], [0], [1], [0, 0, 1, 1], [], []>, transpose_lhs_hint = false} : vector<640x256xf32>, vector<256x256xf32>, vector<640x256xf32> -> vector<640x256xf32>
    %add3A_100 = arith.addf %add3A_91, %dot_general3A_99 : vector<640x256xf32>
    %sub3A = arith.subf %concatenate3A_32, %concatenate3A_66 : vector<640x256xf32>
    %abs3A = math.absf %sub3A : vector<640x256xf32>
    %get3A_101 = arith.constant 3 : index
    %get3A_102 = arith.constant 0 : index
    %get3A_103 = arith.constant 0 : index
    %get3A_104 = vector.load %arg4[%get3A_101, %get3A_102, %get3A_103] : memref<5x256x256xf32, #tpu.memory_space<vmem>>, vector<1x256x256xf32>
    %get3A_105 = vector.shape_cast %get3A_104 : vector<1x256x256xf32> to vector<256x256xf32>
    %dot_general3A_106 = arith.constant dense<0.000000e+00> : vector<640x256xf32>
    %dot_general3A_107 = tpu.matmul %abs3A, %get3A_105, %dot_general3A_106 {dimension_numbers = #tpu.dot_dimension_numbers<[1], [0], [0], [1], [0, 0, 1, 1], [], []>, transpose_lhs_hint = false} : vector<640x256xf32>, vector<256x256xf32>, vector<640x256xf32> -> vector<640x256xf32>
    %add3A_108 = arith.addf %add3A_100, %dot_general3A_107 : vector<640x256xf32>
    %sub3A_109 = arith.subf %concatenate3A_49, %concatenate3A_83 : vector<640x256xf32>
    %abs3A_110 = math.absf %sub3A_109 : vector<640x256xf32>
    %get3A_111 = arith.constant 4 : index
    %get3A_112 = arith.constant 0 : index
    %get3A_113 = arith.constant 0 : index
    %get3A_114 = vector.load %arg4[%get3A_111, %get3A_112, %get3A_113] : memref<5x256x256xf32, #tpu.memory_space<vmem>>, vector<1x256x256xf32>
    %get3A_115 = vector.shape_cast %get3A_114 : vector<1x256x256xf32> to vector<256x256xf32>
    %dot_general3A_116 = arith.constant dense<0.000000e+00> : vector<640x256xf32>
    %dot_general3A_117 = tpu.matmul %abs3A_110, %get3A_115, %dot_general3A_116 {dimension_numbers = #tpu.dot_dimension_numbers<[1], [0], [0], [1], [0, 0, 1, 1], [], []>, transpose_lhs_hint = false} : vector<640x256xf32>, vector<256x256xf32>, vector<640x256xf32> -> vector<640x256xf32>
    %add3A_118 = arith.addf %add3A_108, %dot_general3A_117 : vector<640x256xf32>
    %get3A_119 = arith.constant 0 : index
    %get3A_120 = arith.constant 0 : index
    %get3A_121 = vector.load %arg5[%get3A_119, %get3A_120] : memref<1x256xf32, #tpu.memory_space<vmem>>, vector<1x256xf32>
    %add3A_122 = vector.broadcast %get3A_121 : vector<1x256xf32> to vector<640x256xf32>
    %add3A_123 = arith.addf %add3A_118, %add3A_122 : vector<640x256xf32>
    %transpose3A = tpu.transpose %add3A_123, [1, 0] : vector<640x256xf32> -> vector<256x640xf32>
    %swap3A = arith.constant 0 : index
    %swap3A_124 = arith.constant 0 : index
    %swap3A_125 = vector.load %arg6[%swap3A, %swap3A_124] : memref<256x640xf32, #tpu.memory_space<vmem>>, vector<256x640xf32>
    tpu.vector_store %arg6[%swap3A, %swap3A_124], %transpose3A {strides = array<i32>} : memref<256x640xf32, #tpu.memory_space<vmem>>, vector<256x640xf32>,
    return
  }
  func.func @transform_1(%arg0: i32) -> (i32, i32) {
    %add3A = arith.constant 125 : i32
    %add3A_0 = arith.addi %arg0, %add3A : i32
    %c0_i32 = arith.constant 0 : i32
    %c0_i32_1 = arith.constant 0 : i32
    return %add3A_0, %c0_i32 : i32, i32
  }
  func.func @transform_2(%arg0: i32) -> (i32, i32, i32) {
    %c0_i32 = arith.constant 0 : i32
    %c0_i32_0 = arith.constant 0 : i32
    %c0_i32_1 = arith.constant 0 : i32
    return %c0_i32, %arg0, %c0_i32_0 : i32, i32, i32
  }
  func.func @transform_3(%arg0: i32) -> (i32, i32, i32) {
    %c0_i32 = arith.constant 0 : i32
    %c0_i32_0 = arith.constant 0 : i32
    %c0_i32_1 = arith.constant 0 : i32
    %c0_i32_2 = arith.constant 0 : i32
    return %c0_i32, %c0_i32_0, %c0_i32_1 : i32, i32, i32
  }
  func.func @transform_4(%arg0: i32) -> (i32, i32) {
    %c0_i32 = arith.constant 0 : i32
    %c0_i32_0 = arith.constant 0 : i32
    %c0_i32_1 = arith.constant 0 : i32
    return %c0_i32, %c0_i32_0 : i32, i32
  }
  func.func @transform_5(%arg0: i32) -> (i32, i32) {
    %add3A = arith.constant 125 : i32
    %add3A_0 = arith.addi %arg0, %add3A : i32
    %c0_i32 = arith.constant 0 : i32
    %c0_i32_1 = arith.constant 0 : i32
    return %c0_i32, %add3A_0 : i32, i32
  }
}

</mosaic_0001>

<sc_bundles>
// kernel: kernel.11.cloned.1.call-start
scs
__scs_entry_jumppad:
0x0: {  	(pc) =	sbr.rel $0x88, $3  }
0x1: {  	(tag) =	ssettag $0x0;
	lr =	simm.s32 $0x1  }
0x2: {  	[smem:$0x3F9B] =	sst lr;
	_ =	strace $0xD0000000  }
0x3: {  	_ = 	snop  }
0x4: {  	_ = 	snop  }
0x5: {  	_ = 	snop  }
0x6: {  	_ = 	snop  }
0x7: {  	_ = 	snop  }
__scs_overlays_trampoline_lowered:
0x8: {  	[smem:$0x3FAA] =	sst s0  }
0x9: {  	[smem:$0x3FAB] =	sst s1  }
0xa: {  	[smem:$0x3FAC] =	sst s2  }
0xb: {  	[smem:$0x3FAD] =	sst s3  }
0xc: {  	[smem:$0x3FAE] =	sst s4  }
0xd: {  	[smem:$0x3FAF] =	sst s5  }
0xe: {  	[smem:$0x3FB0] =	sst s6  }
0xf: {  	[smem:$0x3FB1] =	sst s7  }
0x10: {  	[smem:$0x3FB2] =	sst s8  }
0x11: {  	[smem:$0x3FB3] =	sst s9;
	s0 =	simm.s32 @!p0 $0x0  }
0x12: {  	s1 =	sld [smem:$0x3F99];
	s0 =	simm.s32 @p0 $0x1  }
0x13: {  	[smem:$0x3FB4] =	sst s0;
	s0 =	simm.s32 @!p1 $0x0  }
0x14: {  	s2 =	sld [smem:$0x3F98];
	s0 =	simm.s32 @p1 $0x1  }
0x15: {  	[smem:$0x3FB5] =	sst s0;
	s0 =	simm.s32 @!p2 $0x0  }
0x16: {  	s3 =	sld [smem:$0x3FDB];
	s0 =	simm.s32 @p2 $0x1  }
0x17: {  	s4 =	simm.s32 $0x1BF5;
	[smem:$0x3FB7] =	sst s0  }
0x18: {  	s0 =	sld [smem:$0x3F9A];
	_ =	swait.ge [sflag:s4], $0x0  }
0x19: {  	s7 =	sld [smem:$0x3F9B]  }
0x1a: {  	s8 =	sadd.s32 $0xFFFFE003, lr  }
0x1b: {  	s9 =	sadd.s32 $0xFFFFFEF7, lr;
	s5 =	simm.s32 $0xFFFFFFFF;
	p2 =	slt.u32 s8, $0xFFFFF086  }
0x1c: {  	p1 =	slt.u32 s9, $0xF7A;
	s5 =	simm.s32 @!p2 $0x0  }
0x1d: {  	s5 =	simm.s32 @p1 $0x1;
	p0 =	seq.s32 s7, s2  }
0x1e: {  	s7 =	smul.u32 @!p0 $0xF7A, s2;
	p2 =	seq.s32 @!p0 s5, $0x0  }
0x1f: {  	s9 =	smul.u32 $0xF7A, s1;
	s8 =	simm.s32 @!p0 $0x1BF5;
	p2 =	por !p2, p0  }
0x20: {  	[sflag:s8] =	ssyncset.s32 @!p0 $0xFFFFF086;
	s6 =	sadd.s32 @!p0 s3, s7;
	s7 =	simm.s32 @!p0 $0x108  }
0x21: {  	s3 =	sadd.s32 s3, s9;
	s6 =	sadd.s32 @!p0 $0x88, s6;
	s7 =	simm.s32 @p2 $0x1082  }
0x22: {  	[simem:s7], [sflag:s8] =	dma.local @!p0 [hbm:s6], $0xF7A  }
0x23: {  	s9 =	sor.u32 $0xD0000000, s2;
	s6 =	simm.s32 $0x108;
	_ =	swait.ge @!p0 [sflag:s8], $0x0  }
0x24: {  	s3 =	sadd.s32 $0x88, s3;
	s6 =	simm.s32 @!p1 $0x1082;
	[sflag:s4] =	ssyncset.s32 $0xFFFFF086  }
0x25: {  	[simem:s6], [sflag:s4] =	dma.local [hbm:s3], $0xF7A  }
0x26: {  	[smem:$0x3F9B] =	sst s1;
	(tag) =	ssettag s2;
	_ =	strace s9  }
0x27: {  	s1 =	sld [smem:$0x3FAB]  }
0x28: {  	s2 =	sld [smem:$0x3FAC]  }
0x29: {  	s4 =	sld [smem:$0x3FAE]  }
0x2a: {  	p0 =	seq.s32 s5, $0x0;
	s5 =	sld [smem:$0x3FAF]  }
0x2b: {  	s6 =	sld [smem:$0x3FB0]  }
0x2c: {  	s7 =	sld [smem:$0x3FB1]  }
0x2d: {  	s3 =	simm.s32 $0x108;
	s8 =	sld [smem:$0x3FB2]  }
0x2e: {  	s3 =	simm.s32 @!p0 $0x1082;
	s9 =	sld [smem:$0x3FB3]  }
0x2f: {  	lr =	sadd.s32 s0, s3;
	s0 =	sld [smem:$0x3FAA]  }
0x30: {  	s3 =	sld [smem:$0x3FAD]  }
0x31: {  	[smem:$0x3FB6] =	sst s10  }
0x32: {  	s10 =	sld [smem:$0x3FB4];
	_ =	sdelay $0x3  }
0x33: {  	p0 =	seq.s32 s10, $0x1;
	s10 =	sld [smem:$0x3FB6];
	_ =	sdelay $0x3  }
0x34: {  	[smem:$0x3FB6] =	sst s10  }
0x35: {  	s10 =	sld [smem:$0x3FB5];
	_ =	sdelay $0x3  }
0x36: {  	p1 =	seq.s32 s10, $0x1;
	s10 =	sld [smem:$0x3FB6];
	_ =	sdelay $0x3  }
0x37: {  	[smem:$0x3FB6] =	sst s10  }
0x38: {  	s10 =	sld [smem:$0x3FB7]  }
0x39: {  	_ = 	snop;
	(pc) =	sbr.ind lr, $3  }
0x3a: {  	_ = 	snop  }
0x3b: {  	_ = 	snop  }
0x3c: {  	p2 =	seq.s32 s10, $0x1;
	s10 =	sld [smem:$0x3FB6]  }
0x3d: {  	_ =	shalt  }
0x3e: {  	_ =	shalt  }
0x3f: {  	_ =	shalt  }
0x40: {  	_ =	shalt  }
0x41: {  	_ =	shalt  }
0x42: {  	_ =	shalt  }
0x43: {  	_ =	shalt  }
0x44: {  	_ =	shalt  }
0x45: {  	_ =	shalt  }
0x46: {  	_ =	shalt  }
0x47: {  	_ =	shalt  }
0x48: {  	_ =	shalt  }
0x49: {  	_ =	shalt  }
0x4a: {  	_ =	shalt  }
0x4b: {  	_ =	shalt  }
0x4c: {  	_ =	shalt  }
0x4d: {  	_ =	shalt  }
0x4e: {  	_ =	shalt  }
0x4f: {  	_ =	shalt  }
0x50: {  	_ =	shalt  }
0x51: {  	_ =	shalt  }
0x52: {  	_ =	shalt  }
0x53: {  	_ =	shalt  }
0x54: {  	_ =	shalt  }
0x55: {  	_ =	shalt  }
0x56: {  	_ =	shalt  }
0x57: {  	_ =	shalt  }
0x58: {  	_ =	shalt  }
0x59: {  	_ =	shalt  }
0x5a: {  	_ =	shalt  }
0x5b: {  	_ =	shalt  }
0x5c: {  	_ =	shalt  }
0x5d: {  	_ =	shalt  }
0x5e: {  	_ =	shalt  }
0x5f: {  	_ =	shalt  }
0x60: {  	_ =	shalt  }
0x61: {  	_ =	shalt  }
0x62: {  	_ =	shalt  }
0x63: {  	_ =	shalt  }
0x64: {  	_ =	shalt  }
0x65: {  	_ =	shalt  }
0x66: {  	_ =	shalt  }
0x67: {  	_ =	shalt  }
0x68: {  	_ =	shalt  }
0x69: {  	_ =	shalt  }
0x6a: {  	_ =	shalt  }
0x6b: {  	_ =	shalt  }
0x6c: {  	_ =	shalt  }
0x6d: {  	_ =	shalt  }
0x6e: {  	_ =	shalt  }
0x6f: {  	_ =	shalt  }
0x70: {  	_ =	shalt  }
0x71: {  	_ =	shalt  }
0x72: {  	_ =	shalt  }
0x73: {  	_ =	shalt  }
0x74: {  	_ =	shalt  }
0x75: {  	_ =	shalt  }
0x76: {  	_ =	shalt  }
0x77: {  	_ =	shalt  }
0x78: {  	_ =	shalt  }
0x79: {  	_ =	shalt  }
0x7a: {  	_ =	shalt  }
0x7b: {  	_ =	shalt  }
0x7c: {  	_ =	shalt  }
0x7d: {  	_ =	shalt  }
0x7e: {  	_ =	shalt  }
0x7f: {  	_ =	shalt  }
0x80: {  	_ =	shalt  }
0x81: {  	_ =	shalt  }
0x82: {  	_ =	shalt  }
0x83: {  	_ =	shalt  }
0x84: {  	_ =	shalt  }
0x85: {  	_ =	shalt  }
0x86: {  	_ =	shalt  }
0x87: {  	_ =	shalt  }
.Lfunc_end0:
.L_simem_size_0:
called_computation_lowered:
.L_overlay_start_0:
0x88: {  	s2 =	sld [smem:$0x3FD9]  }
0x89: {  	s3 =	sld [smem:$0x3FFE];
	_ =	sdelay $0x1  }
0x8a: {  	s1 =	srdreg.scid  }
0x8b: {  	s0 =	sand.u32 $0x1, s1  }
0x8c: {  	s16 =	sshll.u32 s0, $0xA;
	s2 =	sadd.s32 s3, s2  }
0x8d: {  	s2 =	sadd.s32 s2, s16  }
0x8e: {  	[smem:$0x3FC2] =	sst s2  }
0x8f: {  	_ = 	snop  }
0x90: {  	(tm) =	ssettm $0x1  }
0x91: {  	s17 =	sld [smem:$0x3FFB];
	_ =	sdelay $0x3  }
0x92: {  	_ =	strace s17  }
0x93: {  	s2 =	sld [smem:$0x3FFC];
	_ =	sdelay $0x3  }
0x94: {  	_ =	strace s2  }
0x95: {  	s2 =	sld [smem:$0x3FFD];
	_ =	sdelay $0x3  }
0x96: {  	_ =	strace s2  }
0x97: {  	_ =	strace $0x8FFFFFFF  }
0x98: {  	s18 =	sld [smem:$0x3FDB];
	_ =	sdelay $0x1  }
0x99: {  	s19 =	simm.s32 $_scs_section_size  }
0x9a: {  	s4 =	simm.s32 $_size__tile_overlayer_lowered;
	s5 =	simm.s32 $_tile_overlayer_lowered  }
0x9b: {  	s22 =	simm.s32 $0x1BFF;
	s21 =	sshll.u32 s5, $0x1;
	s2 =	sadd.s32 s19, s18  }
0x9c: {  	s6 =	simm.s32 $0x0;
	s20 =	sshll.u32 s4, $0x1;
	s4 =	sadd.s32 s21, s2  }
0x9d: {  	[timem:s6], [sflag:s22] =	dma.local [hbm:s4], s20  }
0x9e: {  	_ =	swait.ge [sflag:s22], s20  }
0x9f: {  	s3 =	ssub.s32 $0x0, s20;
	[sflag:s22] =	ssyncset.done $0x0  }
0xa0: {  	[sflag:s22] =	ssyncadd.s32 s3;
	_ =	sdelay $0x1  }
0xa1: {  	s23 =	simm.s32 $0x1B8B  }
0xa2: {  	_ =	swait.ge [sflag:s23], $0x1  }
0xa3: {  	[sflag:s23] =	ssyncset.done $0x0  }
0xa4: {  	s25 =	simm.s32 $0x1B8E;
	s24 =	sld [smem:$0x3FFE];
	[sflag:s23] =	ssyncadd.s32 $0xFFFFFFFF  }
0xa5: {  	s26 =	simm.s32 $execute0_lowered;
	[smem:$0x3FD2] =	sst s25  }
0xa6: {  	s4 =	sshll.u32 s26, $0x1;
	_ =	strace $0x80000046;
	[dreg:$0x1] =	wrdreg $0xFFFFFFFF  }
0xa7: {  	s28 =	simm.s32 $_size_execute0_lowered;
	s2 =	sadd.s32 s2, s4;
	[dreg:$0x0] =	wrdreg $0x0  }
0xa8: {  	s4 =	sshll.u32 s28, $0x1;
	[dreg:$0x2] =	wrdreg s2  }
0xa9: {  	[dreg:$0x3] =	wrdreg s4  }
0xaa: {  	[dreg:$0x4] =	wrdreg $0xC0  }
0xab: {  	_ =	task [dreg:s6], $0x5FFFF  }
0xac: {  	[dreg:$0x1] =	wrdreg $0xFFFFFFFF  }
0xad: {  	[dreg:$0x0] =	wrdreg $0x60  }
0xae: {  	[dreg:$0x2] =	wrdreg s24  }
0xaf: {  	[dreg:$0x3] =	wrdreg $0x9  }
0xb0: {  	_ =	task.clear_ibuf [dreg:s6], $0x4FFFF;
	_ =	strace $0x90000046  }
0xb1: {  	s29 =	simm.s32 $0x9;
	_ =	strace $0x80000048  }
0xb2: {  	_ =	swait.ge [sflag:s29], $0x1  }
0xb3: {  	[sflag:s29] =	ssyncadd.s32 $0xFFFFFFFF  }
0xb4: {  	_ =	strace $0x90000048  }
0xb5: {  	_ =	sfence  }
0xb6: {  	s30 =	sld [smem:$0x0];
	_ =	sdelay $0x2  }
0xb7: {  	s31 =	sshll.u32 s1, $0xD;
	s1 =	sshrl.u32 s1, $0x2  }
0xb8: {  	s3 =	sand.u32 $0x4000, s31;
	s1 =	sadd.s32 s1, s30  }
0xb9: {  	s0 =	sor.u32 s3, s0;
	s1 =	sshll.u32 s1, $0x11  }
0xba: {  	s0 =	sor.u32 s1, s0  }
0xbb: {  	s0 =	sadd.s32 $0x8F2B, s0  }
0xbc: {  	[sflag:s0] =	ssyncadd.remote.s32 $0x1  }
0xbd: {  	_ =	sfence.sel $0xFFFF  }
0xbe: {  	[dreg:$0x0] =	wrdreg $0xFFFFFFFF;
	(pc) =	sbr.abs _section_cstart, $3  }
0xbf: {  	[dreg:$0x1] =	wrdreg $0xFFFFFFFF  }
0xc0: {  	_ =	task.clear_ibuf [dreg:s6], $0x2FFFF;
	_ =	strace $0x9FFFFFFF  }
0xc1: {  	(tm) =	ssettm $0x7FFFFFFF  }
tec
execute0_lowered:
.L_overlay_start_1:
0x0: {  	(tag) =	ssettag $0x1  }
0x1: {  	s0 =	rddreg [dreg:$0x0]  }
0x2: {  	s1 =	srdreg.scid;
	s9 =	stileid.u32;
	s2 =	simm.s32 $0x0  }
0x3: {  	s11 =	simm.s32 $0xB;
	s12 =	simm.s32 $0x50;
	s13 =	simm.s32 $0x4000  }
0x4: {  	s15 =	simm.s32 $0x6800;
	s17 =	simm.s32 $0x9000;
	s18 =	simm.s32 $0x1  }
0x5: {  	s20 =	simm.s32 $0xB800;
	s21 =	simm.s32 $0x2;
	s23 =	simm.s32 $0xE000  }
0x6: {  	s24 =	simm.s32 $0x3;
	s28 =	simm.s32 $0x4;
	s29 =	simm.s32 $0x7  }
0x7: {  	s31 =	simm.s32 $0x5;
	s14 =	simm.s32 $0xA;
	s16 =	simm.s32 $0x0  }
0x8: {  	s1 =	sand.u32 $0x1, s1;
	s3 =	sshll.u32 s9, $0x1;
	[smem:$0x7FF] =	sst s2  }
0x9: {  	s26 =	smul.u32 $0x4E200, s9;
	s4 =	sor.u32 s1, s3;
	_ =	strace $0x80000047  }
0xa: {  	s3 =	sadd.s32 $0x11A00, s0;
	s6 =	ssub.s32 $0x2, s1;
	s1 =	smul.u32 $0x27100, s1  }
0xb: {  	s5 =	sshll.u32 s4, $0xB;
	s7 =	smul.u32 $0x138800, s4;
	s8 =	sshrl.u32 s6, $0x1  }
0xc: {  	s4 =	smul.u32 $0x27100, s4;
	s5 =	sadd.s32 s5, s0;
	s0 =	sadd.s32 $0x282A00, s0  }
0xd: {  	s10 =	ssub.s32 s6, s8;
	s25 =	sshrl.u32 s7, $0x3;
	s5 =	sadd.s32 $0x1A00, s5  }
0xe: {  	s4 =	sadd.s32 s0, s4;
	s10 =	smax.u32 s10, $0x1;
	[dreg:$0x3] =	wrdreg s5  }
0xf: {  	s30 =	sadd.s32 s0, s25;
	[dreg:$0x4] =	wrdreg s4;
	s0 =	sadd.s32 s26, s0  }
0x10: {  	s25 =	simm.s32 $0x6;
	s6 =	sadd.s32 $0x500, s30;
	s7 =	sadd.s32 $0xA00, s30  }
0x11: {  	s8 =	sadd.s32 $0xF00, s30;
	s0 =	sadd.s32 s1, s0;
	s9 =	sadd.s32 $0x1400, s30  }
0x12: {  	s1 =	simm.s32 $0x9;
	[dreg:$0x2] =	wrdreg s0;
	s0 =	simm.s32 $0x8  }
.LBB2_1:
0x13: {  	s4 =	rddreg [dreg:$0x3]  }
0x14: {  	[tilespmem:s2], [sflag:$0xB] =	stream.linear.gather [hbm4b:s4+s2], $0x3E80, $0x38;
	[tilespmem:$0x10800] =	vst v63  }
0x15: {  	_ =	swait.ge [sflag:s11], $0x3E80  }
0x16: {  	[sflag:s11] =	ssyncset.done $0x0  }
0x17: {  	[sflag:s11] =	ssyncadd.s32 $0xFFFFC180  }
0x18: {  	[tilespmem:s13], [sflag:$0x1] =	stream.indirect.gather [hbm4b:s3+s12], $0x80, s2, s12, $0xb8;
	[tilespmem:$0x10800] =	vst v63  }
0x19: {  	s5 =	simm.s32 $0x80  }
0x1a: {  	[tilespmem:s15], [sflag:$0x2] =	stream.indirect.gather [hbm4b:s3+s12], $0x80, s5, s12, $0xb8;
	[tilespmem:$0x10800] =	vst v63  }
0x1b: {  	s19 =	simm.s32 $0x100  }
0x1c: {  	[tilespmem:s17], [sflag:$0x3] =	stream.indirect.gather [hbm4b:s3+s12], $0x80, s19, s12, $0xb8;
	[tilespmem:$0x10800] =	vst v63  }
0x1d: {  	_ =	swait.ge [sflag:s18], $0x2800  }
0x1e: {  	[sflag:s18] =	ssyncset.done $0x0  }
0x1f: {  	s22 =	rddreg [dreg:$0x4];
	[sflag:s18] =	ssyncadd.s32 $0xFFFFD800  }
0x20: {  	[hbm4b:s22+s2] =	stream.linear.scatter [tilespmem:s13], [sflag:$0x6], $0x2800, $0x38;
	[tilespmem:$0x10800] =	vst v63  }
0x21: {  	s26 =	simm.s32 $0x180  }
0x22: {  	[tilespmem:s20], [sflag:$0x4] =	stream.indirect.gather [hbm4b:s3+s12], $0x80, s26, s12, $0xb8;
	[tilespmem:$0x10800] =	vst v63  }
0x23: {  	_ =	swait.ge [sflag:s21], $0x2800  }
0x24: {  	[sflag:s21] =	ssyncset.done $0x0  }
0x25: {  	[sflag:s21] =	ssyncadd.s32 $0xFFFFD800  }
0x26: {  	[hbm4b:s6+s2] =	stream.linear.scatter [tilespmem:s15], [sflag:$0x7], $0x2800, $0x38;
	[tilespmem:$0x10800] =	vst v63  }
0x27: {  	s30 =	simm.s32 $0x200  }
0x28: {  	[tilespmem:s23], [sflag:$0x5] =	stream.indirect.gather [hbm4b:s3+s12], $0x80, s30, s12, $0xb8;
	[tilespmem:$0x10800] =	vst v63  }
0x29: {  	_ =	swait.ge [sflag:s24], $0x2800  }
0x2a: {  	[sflag:s24] =	ssyncset.done $0x0  }
0x2b: {  	[sflag:s24] =	ssyncadd.s32 $0xFFFFD800  }
0x2c: {  	[hbm4b:s7+s2] =	stream.linear.scatter [tilespmem:s17], [sflag:$0x8], $0x2800, $0x38;
	[tilespmem:$0x10800] =	vst v63  }
0x2d: {  	_ =	swait.ge [sflag:s25], $0x2800  }
0x2e: {  	[sflag:s25] =	ssyncset.done $0x0  }
0x2f: {  	s5 =	simm.s32 $0x280;
	[sflag:s25] =	ssyncadd.s32 $0xFFFFD800  }
0x30: {  	[tilespmem:s13], [sflag:$0x1] =	stream.indirect.gather [hbm4b:s3+s12], $0x80, s5, s12, $0xb8;
	[tilespmem:$0x10800] =	vst v63  }
0x31: {  	_ =	swait.ge [sflag:s28], $0x2800  }
0x32: {  	[sflag:s28] =	ssyncset.done $0x0  }
0x33: {  	[sflag:s28] =	ssyncadd.s32 $0xFFFFD800  }
0x34: {  	[hbm4b:s8+s2] =	stream.linear.scatter [tilespmem:s20], [sflag:$0x9], $0x2800, $0x38;
	[tilespmem:$0x10800] =	vst v63  }
0x35: {  	_ =	swait.ge [sflag:s29], $0x2800  }
0x36: {  	[sflag:s29] =	ssyncset.done $0x0  }
0x37: {  	s19 =	simm.s32 $0x300;
	[sflag:s29] =	ssyncadd.s32 $0xFFFFD800  }
0x38: {  	[tilespmem:s15], [sflag:$0x2] =	stream.indirect.gather [hbm4b:s3+s12], $0x80, s19, s12, $0xb8;
	[tilespmem:$0x10800] =	vst v63  }
0x39: {  	_ =	swait.ge [sflag:s31], $0x2800  }
0x3a: {  	[sflag:s31] =	ssyncset.done $0x0  }
0x3b: {  	[sflag:s31] =	ssyncadd.s32 $0xFFFFD800  }
0x3c: {  	[hbm4b:s9+s2] =	stream.linear.scatter [tilespmem:s23], [sflag:$0xA], $0x2800, $0x38;
	[tilespmem:$0x10800] =	vst v63  }
0x3d: {  	_ =	swait.ge [sflag:s0], $0x2800  }
0x3e: {  	[sflag:s0] =	ssyncset.done $0x0  }
0x3f: {  	s22 =	simm.s32 $0x380;
	[sflag:s0] =	ssyncadd.s32 $0xFFFFD800  }
0x40: {  	[tilespmem:s17], [sflag:$0x3] =	stream.indirect.gather [hbm4b:s3+s12], $0x80, s22, s12, $0xb8;
	[tilespmem:$0x10800] =	vst v63  }
0x41: {  	_ =	swait.ge [sflag:s18], $0x2800  }
0x42: {  	s26 =	rddreg [dreg:$0x2]  }
0x43: {  	[sflag:s18] =	ssyncset.done $0x0;
	s4 =	sadd.s32 $0x0, s26  }
0x44: {  	[sflag:s18] =	ssyncadd.s32 $0xFFFFD800;
	s19 =	sadd.s32 $0x1900, s4  }
0x45: {  	[hbm4b:s19+s2] =	stream.linear.scatter [tilespmem:s13], [sflag:$0x6], $0x2800, $0x38;
	[tilespmem:$0x10800] =	vst v63  }
0x46: {  	_ =	swait.ge [sflag:s1], $0x2800  }
0x47: {  	[sflag:s1] =	ssyncset.done $0x0  }
0x48: {  	s30 =	simm.s32 $0x400;
	[sflag:s1] =	ssyncadd.s32 $0xFFFFD800  }
0x49: {  	[tilespmem:s20], [sflag:$0x4] =	stream.indirect.gather [hbm4b:s3+s12], $0x80, s30, s12, $0xb8;
	[tilespmem:$0x10800] =	vst v63  }
0x4a: {  	_ =	swait.ge [sflag:s21], $0x2800  }
0x4b: {  	[sflag:s21] =	ssyncset.done $0x0  }
0x4c: {  	s5 =	sadd.s32 $0x1E00, s4;
	[sflag:s21] =	ssyncadd.s32 $0xFFFFD800  }
0x4d: {  	[hbm4b:s5+s2] =	stream.linear.scatter [tilespmem:s15], [sflag:$0x7], $0x2800, $0x38;
	[tilespmem:$0x10800] =	vst v63  }
0x4e: {  	_ =	swait.ge [sflag:s14], $0x2800  }
0x4f: {  	[sflag:s14] =	ssyncset.done $0x0  }
0x50: {  	s22 =	simm.s32 $0x480;
	[sflag:s14] =	ssyncadd.s32 $0xFFFFD800  }
0x51: {  	[tilespmem:s23], [sflag:$0x5] =	stream.indirect.gather [hbm4b:s3+s12], $0x80, s22, s12, $0xb8;
	[tilespmem:$0x10800] =	vst v63  }
0x52: {  	_ =	swait.ge [sflag:s24], $0x2800  }
0x53: {  	[sflag:s24] =	ssyncset.done $0x0  }
0x54: {  	s26 =	sadd.s32 $0x2300, s4;
	[sflag:s24] =	ssyncadd.s32 $0xFFFFD800  }
0x55: {  	[hbm4b:s26+s2] =	stream.linear.scatter [tilespmem:s17], [sflag:$0x8], $0x2800, $0x38;
	[tilespmem:$0x10800] =	vst v63  }
0x56: {  	_ =	swait.ge [sflag:s25], $0x2800  }
0x57: {  	p0 =	por $0x0, $0x0;
	s19 =	simm.s32 $0x500;
	[sflag:s25] =	ssyncset.done $0x0  }
0x58: {  	s19 =	simm.s32 @p0 $0x0;
	[sflag:s25] =	ssyncadd.s32 $0xFFFFD800  }
0x59: {  	[tilespmem:s13], [sflag:$0x1] =	stream.indirect.gather [hbm4b:s3+s12], $0x80, s19, s12, $0xb8;
	[tilespmem:$0x10800] =	vst v63  }
0x5a: {  	_ =	swait.ge [sflag:s28], $0x2800  }
0x5b: {  	[sflag:s28] =	ssyncset.done $0x0  }
0x5c: {  	s30 =	sadd.s32 $0x2800, s4;
	[sflag:s28] =	ssyncadd.s32 $0xFFFFD800  }
0x5d: {  	[hbm4b:s30+s2] =	stream.linear.scatter [tilespmem:s20], [sflag:$0x9], $0x2800, $0x38;
	[tilespmem:$0x10800] =	vst v63  }
0x5e: {  	_ =	swait.ge [sflag:s29], $0x2800  }
0x5f: {  	s19 =	simm.s32 $0x580;
	[sflag:s29] =	ssyncset.done $0x0  }
0x60: {  	s19 =	simm.s32 @p0 $0x0;
	[sflag:s29] =	ssyncadd.s32 $0xFFFFD800  }
0x61: {  	[tilespmem:s15], [sflag:$0x2] =	stream.indirect.gather [hbm4b:s3+s12], $0x80, s19, s12, $0xb8;
	[tilespmem:$0x10800] =	vst v63  }
0x62: {  	_ =	swait.ge [sflag:s31], $0x2800  }
0x63: {  	s4 =	sadd.s32 $0x2D00, s4;
	s22 =	simm.s32 $0x800;
	[sflag:s31] =	ssyncset.done $0x0  }
0x64: {  	s26 =	simm.s32 $0x700;
	s19 =	simm.s32 $0x1900;
	[sflag:s31] =	ssyncadd.s32 $0xFFFFD800  }
.LBB2_2:
0x65: {  	[hbm4b:s4+s2] =	stream.linear.scatter [tilespmem:s23], [sflag:$0xA], $0x2800, $0x38;
	[tilespmem:$0x10800] =	vst v63  }
0x66: {  	_ =	swait.ge [sflag:s0], $0x2800  }
0x67: {  	[sflag:s0] =	ssyncset.done $0x0  }
0x68: {  	s30 =	sadd.s32 $0xFFFFFF00, s26;
	[sflag:s0] =	ssyncadd.s32 $0xFFFFD800  }
0x69: {  	[tilespmem:s17], [sflag:$0x3] =	stream.indirect.gather [hbm4b:s3+s12], $0x80, s30, s12, $0xb8;
	[tilespmem:$0x10800] =	vst v63  }
0x6a: {  	_ =	swait.ge [sflag:s18], $0x2800  }
0x6b: {  	s4 =	smov.u32 s19;
	s5 =	rddreg [dreg:$0x2]  }
0x6c: {  	[sflag:s18] =	ssyncset.done $0x0;
	s30 =	sadd.s32 s4, s5  }
0x6d: {  	[sflag:s18] =	ssyncadd.s32 $0xFFFFD800;
	s5 =	sadd.s32 $0x1900, s30  }
0x6e: {  	[hbm4b:s5+s2] =	stream.linear.scatter [tilespmem:s13], [sflag:$0x6], $0x2800, $0x38;
	[tilespmem:$0x10800] =	vst v63  }
0x6f: {  	_ =	swait.ge [sflag:s1], $0x2800  }
0x70: {  	[sflag:s1] =	ssyncset.done $0x0  }
0x71: {  	s5 =	sadd.s32 $0xFFFFFF80, s26;
	[sflag:s1] =	ssyncadd.s32 $0xFFFFD800  }
0x72: {  	[tilespmem:s20], [sflag:$0x4] =	stream.indirect.gather [hbm4b:s3+s12], $0x80, s5, s12, $0xb8;
	[tilespmem:$0x10800] =	vst v63  }
0x73: {  	_ =	swait.ge [sflag:s21], $0x2800  }
0x74: {  	[sflag:s21] =	ssyncset.done $0x0  }
0x75: {  	s5 =	sadd.s32 $0x1E00, s30;
	[sflag:s21] =	ssyncadd.s32 $0xFFFFD800  }
0x76: {  	[hbm4b:s5+s2] =	stream.linear.scatter [tilespmem:s15], [sflag:$0x7], $0x2800, $0x38;
	[tilespmem:$0x10800] =	vst v63  }
0x77: {  	_ =	swait.ge [sflag:s14], $0x2800  }
0x78: {  	[sflag:s14] =	ssyncset.done $0x0  }
0x79: {  	[sflag:s14] =	ssyncadd.s32 $0xFFFFD800  }
0x7a: {  	[tilespmem:s23], [sflag:$0x5] =	stream.indirect.gather [hbm4b:s3+s12], $0x80, s26, s12, $0xb8;
	[tilespmem:$0x10800] =	vst v63  }
0x7b: {  	_ =	swait.ge [sflag:s24], $0x2800  }
0x7c: {  	[sflag:s24] =	ssyncset.done $0x0  }
0x7d: {  	s5 =	sadd.s32 $0x2300, s30;
	[sflag:s24] =	ssyncadd.s32 $0xFFFFD800  }
0x7e: {  	[hbm4b:s5+s2] =	stream.linear.scatter [tilespmem:s17], [sflag:$0x8], $0x2800, $0x38;
	[tilespmem:$0x10800] =	vst v63  }
0x7f: {  	_ =	swait.ge [sflag:s25], $0x2800  }
0x80: {  	p1 =	seq.s32 s4, $0x23F00;
	s4 =	sadd.s32 $0xFFFFFF80, s22;
	[sflag:s25] =	ssyncset.done $0x0  }
0x81: {  	s4 =	simm.s32 @p1 $0x0;
	[sflag:s25] =	ssyncadd.s32 $0xFFFFD800  }
0x82: {  	[tilespmem:s13], [sflag:$0x1] =	stream.indirect.gather [hbm4b:s3+s12], $0x80, s4, s12, $0xb8;
	[tilespmem:$0x10800] =	vst v63  }
0x83: {  	_ =	swait.ge [sflag:s28], $0x2800  }
0x84: {  	[sflag:s28] =	ssyncset.done $0x0  }
0x85: {  	s5 =	sadd.s32 $0x2800, s30;
	[sflag:s28] =	ssyncadd.s32 $0xFFFFD800  }
0x86: {  	[hbm4b:s5+s2] =	stream.linear.scatter [tilespmem:s20], [sflag:$0x9], $0x2800, $0x38;
	[tilespmem:$0x10800] =	vst v63  }
0x87: {  	_ =	swait.ge [sflag:s29], $0x2800  }
0x88: {  	p0 =	sne.s32 s19, $0x23F00;
	s4 =	smov.u32 s22;
	[sflag:s29] =	ssyncset.done $0x0  }
.Ltmp0:
0x89: {  	s4 =	simm.s32 @p1 $0x0;
	[sflag:s29] =	ssyncadd.s32 $0xFFFFD800;
	(pc) =	sbr.rel @p0 .LBB2_2-.Ltmp0, $4  }
0x8a: {  	[tilespmem:s15], [sflag:$0x2] =	stream.indirect.gather [hbm4b:s3+s12], $0x80, s4, s12, $0xb8;
	[tilespmem:$0x10800] =	vst v63  }
0x8b: {  	_ =	swait.ge [sflag:s31], $0x2800  }
0x8c: {  	s19 =	sadd.s32 $0x1900, s19;
	s26 =	sadd.s32 $0x280, s26;
	[sflag:s31] =	ssyncset.done $0x0  }
0x8d: {  	s22 =	sadd.s32 $0x280, s22;
	s4 =	sadd.s32 $0x2D00, s30;
	[sflag:s31] =	ssyncadd.s32 $0xFFFFD800  }
0x8e: {  	[hbm4b:s4+s2] =	stream.linear.scatter [tilespmem:s23], [sflag:$0xA], $0x2800, $0x38;
	[tilespmem:$0x10800] =	vst v63  }
0x8f: {  	_ =	swait.ge [sflag:s18], $0x2800  }
0x90: {  	[sflag:s18] =	ssyncset.done $0x0  }
0x91: {  	[sflag:s18] =	ssyncadd.s32 $0xFFFFD800  }
0x92: {  	_ =	swait.ge [sflag:s21], $0x2800  }
0x93: {  	[sflag:s21] =	ssyncset.done $0x0  }
0x94: {  	[sflag:s21] =	ssyncadd.s32 $0xFFFFD800  }
0x95: {  	_ =	swait.ge [sflag:s0], $0x2800  }
0x96: {  	[sflag:s0] =	ssyncset.done $0x0  }
0x97: {  	s16 =	sadd.s32 $0x1, s16;
	[sflag:s0] =	ssyncadd.s32 $0xFFFFD800  }
0x98: {  	p0 =	sne.s32 s16, s10;
	_ =	swait.ge [sflag:s1], $0x2800  }
.Ltmp1:
0x99: {  	[sflag:s1] =	ssyncset.done $0x0;
	(pc) =	sbr.rel @p0 .LBB2_1-.Ltmp1, $4  }
0x9a: {  	[sflag:s1] =	ssyncadd.s32 $0xFFFFD800  }
0x9b: {  	_ =	swait.ge [sflag:s14], $0x2800  }
0x9c: {  	[sflag:s14] =	ssyncset.done $0x0  }
0x9d: {  	[sflag:s14] =	ssyncadd.s32 $0xFFFFD800  }
0x9e: {  	_ =	sfence.sel $0x180000  }
0x9f: {  	[bflag:$0x0] =	sbarrier.arrive $0xFFFF  }
0xa0: {  	_ =	strace $0x90000047  }
0xa1: {  	s0 =	stileid.u32;
	[bflag:$0x2] =	sbarrier.arrive $0xFFFF  }
0xa2: {  	p0 =	sne.s32 s0, $0x0;
	s0 =	rddreg [dreg:$0x1]  }
0xa3: {  	s0 =	sadd.s32 @!p0 $0x100000, s0  }
0xa4: {  	[sflag:s0] =	ssyncadd.tile.s32 @!p0 $0x1;
	_ =	shalt  }
.Lfunc_end2:
_tile_overlayer_lowered:
.L_overlay_start_2:
0xa5: {  	(tag) =	ssettag $0x2  }
0xa6: {  	s0 =	rddreg [dreg:$0x0];
	s2 =	stileid.u32  }
0xa7: {  	s1 =	rddreg [dreg:$0x1];
	p0 =	sne.s32 s2, $0x0  }
0xa8: {  	s3 =	rddreg [dreg:$0x2];
	[bflag:$0x3] =	sbarrier.arrive $0xFFFF;
	s2 =	simm.s32 @!p0 $0x1C0B  }
0xa9: {  	[timem:s3], [sflag:s2] =	dma.local @!p0 [hbm:s0], s1  }
0xaa: {  	s0 =	simm.s32 @!p0 $0xB  }
0xab: {  	_ =	swait.ge @!p0 [sflag:s0], s1  }
0xac: {  	s1 =	ssub.s32 @!p0 $0x0, s1;
	[sflag:s0] =	ssyncset.done @!p0 $0x0  }
0xad: {  	[sflag:s0] =	ssyncadd.s32 @!p0 s1  }
0xae: {  	[bflag:$0x3] =	sbarrier.arrive $0xFFFF  }
0xaf: {  	_ =	shalt  }

// kernel: kernel.14.cloned.1.call-start
scs
__scs_entry_jumppad:
0x0: {  	(pc) =	sbr.rel $0x88, $3  }
0x1: {  	(tag) =	ssettag $0x0;
	lr =	simm.s32 $0x1  }
0x2: {  	[smem:$0x3F9B] =	sst lr;
	_ =	strace $0xD0000000  }
0x3: {  	_ = 	snop  }
0x4: {  	_ = 	snop  }
0x5: {  	_ = 	snop  }
0x6: {  	_ = 	snop  }
0x7: {  	_ = 	snop  }
__scs_overlays_trampoline_lowered:
0x8: {  	[smem:$0x3FAA] =	sst s0  }
0x9: {  	[smem:$0x3FAB] =	sst s1  }
0xa: {  	[smem:$0x3FAC] =	sst s2  }
0xb: {  	[smem:$0x3FAD] =	sst s3  }
0xc: {  	[smem:$0x3FAE] =	sst s4  }
0xd: {  	[smem:$0x3FAF] =	sst s5  }
0xe: {  	[smem:$0x3FB0] =	sst s6  }
0xf: {  	[smem:$0x3FB1] =	sst s7  }
0x10: {  	[smem:$0x3FB2] =	sst s8  }
0x11: {  	[smem:$0x3FB3] =	sst s9;
	s0 =	simm.s32 @!p0 $0x0  }
0x12: {  	s1 =	sld [smem:$0x3F99];
	s0 =	simm.s32 @p0 $0x1  }
0x13: {  	[smem:$0x3FB4] =	sst s0;
	s0 =	simm.s32 @!p1 $0x0  }
0x14: {  	s2 =	sld [smem:$0x3F98];
	s0 =	simm.s32 @p1 $0x1  }
0x15: {  	[smem:$0x3FB5] =	sst s0;
	s0 =	simm.s32 @!p2 $0x0  }
0x16: {  	s3 =	sld [smem:$0x3FDB];
	s0 =	simm.s32 @p2 $0x1  }
0x17: {  	s4 =	simm.s32 $0x1BF5;
	[smem:$0x3FB7] =	sst s0  }
0x18: {  	s0 =	sld [smem:$0x3F9A];
	_ =	swait.ge [sflag:s4], $0x0  }
0x19: {  	s7 =	sld [smem:$0x3F9B]  }
0x1a: {  	s8 =	sadd.s32 $0xFFFFE003, lr  }
0x1b: {  	s9 =	sadd.s32 $0xFFFFFEF7, lr;
	s5 =	simm.s32 $0xFFFFFFFF;
	p2 =	slt.u32 s8, $0xFFFFF086  }
0x1c: {  	p1 =	slt.u32 s9, $0xF7A;
	s5 =	simm.s32 @!p2 $0x0  }
0x1d: {  	s5 =	simm.s32 @p1 $0x1;
	p0 =	seq.s32 s7, s2  }
0x1e: {  	s7 =	smul.u32 @!p0 $0xF7A, s2;
	p2 =	seq.s32 @!p0 s5, $0x0  }
0x1f: {  	s9 =	smul.u32 $0xF7A, s1;
	s8 =	simm.s32 @!p0 $0x1BF5;
	p2 =	por !p2, p0  }
0x20: {  	[sflag:s8] =	ssyncset.s32 @!p0 $0xFFFFF086;
	s6 =	sadd.s32 @!p0 s3, s7;
	s7 =	simm.s32 @!p0 $0x108  }
0x21: {  	s3 =	sadd.s32 s3, s9;
	s6 =	sadd.s32 @!p0 $0x88, s6;
	s7 =	simm.s32 @p2 $0x1082  }
0x22: {  	[simem:s7], [sflag:s8] =	dma.local @!p0 [hbm:s6], $0xF7A  }
0x23: {  	s9 =	sor.u32 $0xD0000000, s2;
	s6 =	simm.s32 $0x108;
	_ =	swait.ge @!p0 [sflag:s8], $0x0  }
0x24: {  	s3 =	sadd.s32 $0x88, s3;
	s6 =	simm.s32 @!p1 $0x1082;
	[sflag:s4] =	ssyncset.s32 $0xFFFFF086  }
0x25: {  	[simem:s6], [sflag:s4] =	dma.local [hbm:s3], $0xF7A  }
0x26: {  	[smem:$0x3F9B] =	sst s1;
	(tag) =	ssettag s2;
	_ =	strace s9  }
0x27: {  	s1 =	sld [smem:$0x3FAB]  }
0x28: {  	s2 =	sld [smem:$0x3FAC]  }
0x29: {  	s4 =	sld [smem:$0x3FAE]  }
0x2a: {  	p0 =	seq.s32 s5, $0x0;
	s5 =	sld [smem:$0x3FAF]  }
0x2b: {  	s6 =	sld [smem:$0x3FB0]  }
0x2c: {  	s7 =	sld [smem:$0x3FB1]  }
0x2d: {  	s3 =	simm.s32 $0x108;
	s8 =	sld [smem:$0x3FB2]  }
0x2e: {  	s3 =	simm.s32 @!p0 $0x1082;
	s9 =	sld [smem:$0x3FB3]  }
0x2f: {  	lr =	sadd.s32 s0, s3;
	s0 =	sld [smem:$0x3FAA]  }
0x30: {  	s3 =	sld [smem:$0x3FAD]  }
0x31: {  	[smem:$0x3FB6] =	sst s10  }
0x32: {  	s10 =	sld [smem:$0x3FB4];
	_ =	sdelay $0x3  }
0x33: {  	p0 =	seq.s32 s10, $0x1;
	s10 =	sld [smem:$0x3FB6];
	_ =	sdelay $0x3  }
0x34: {  	[smem:$0x3FB6] =	sst s10  }
0x35: {  	s10 =	sld [smem:$0x3FB5];
	_ =	sdelay $0x3  }
0x36: {  	p1 =	seq.s32 s10, $0x1;
	s10 =	sld [smem:$0x3FB6];
	_ =	sdelay $0x3  }
0x37: {  	[smem:$0x3FB6] =	sst s10  }
0x38: {  	s10 =	sld [smem:$0x3FB7]  }
0x39: {  	_ = 	snop;
	(pc) =	sbr.ind lr, $3  }
0x3a: {  	_ = 	snop  }
0x3b: {  	_ = 	snop  }
0x3c: {  	p2 =	seq.s32 s10, $0x1;
	s10 =	sld [smem:$0x3FB6]  }
0x3d: {  	_ =	shalt  }
0x3e: {  	_ =	shalt  }
0x3f: {  	_ =	shalt  }
0x40: {  	_ =	shalt  }
0x41: {  	_ =	shalt  }
0x42: {  	_ =	shalt  }
0x43: {  	_ =	shalt  }
0x44: {  	_ =	shalt  }
0x45: {  	_ =	shalt  }
0x46: {  	_ =	shalt  }
0x47: {  	_ =	shalt  }
0x48: {  	_ =	shalt  }
0x49: {  	_ =	shalt  }
0x4a: {  	_ =	shalt  }
0x4b: {  	_ =	shalt  }
0x4c: {  	_ =	shalt  }
0x4d: {  	_ =	shalt  }
0x4e: {  	_ =	shalt  }
0x4f: {  	_ =	shalt  }
0x50: {  	_ =	shalt  }
0x51: {  	_ =	shalt  }
0x52: {  	_ =	shalt  }
0x53: {  	_ =	shalt  }
0x54: {  	_ =	shalt  }
0x55: {  	_ =	shalt  }
0x56: {  	_ =	shalt  }
0x57: {  	_ =	shalt  }
0x58: {  	_ =	shalt  }
0x59: {  	_ =	shalt  }
0x5a: {  	_ =	shalt  }
0x5b: {  	_ =	shalt  }
0x5c: {  	_ =	shalt  }
0x5d: {  	_ =	shalt  }
0x5e: {  	_ =	shalt  }
0x5f: {  	_ =	shalt  }
0x60: {  	_ =	shalt  }
0x61: {  	_ =	shalt  }
0x62: {  	_ =	shalt  }
0x63: {  	_ =	shalt  }
0x64: {  	_ =	shalt  }
0x65: {  	_ =	shalt  }
0x66: {  	_ =	shalt  }
0x67: {  	_ =	shalt  }
0x68: {  	_ =	shalt  }
0x69: {  	_ =	shalt  }
0x6a: {  	_ =	shalt  }
0x6b: {  	_ =	shalt  }
0x6c: {  	_ =	shalt  }
0x6d: {  	_ =	shalt  }
0x6e: {  	_ =	shalt  }
0x6f: {  	_ =	shalt  }
0x70: {  	_ =	shalt  }
0x71: {  	_ =	shalt  }
0x72: {  	_ =	shalt  }
0x73: {  	_ =	shalt  }
0x74: {  	_ =	shalt  }
0x75: {  	_ =	shalt  }
0x76: {  	_ =	shalt  }
0x77: {  	_ =	shalt  }
0x78: {  	_ =	shalt  }
0x79: {  	_ =	shalt  }
0x7a: {  	_ =	shalt  }
0x7b: {  	_ =	shalt  }
0x7c: {  	_ =	shalt  }
0x7d: {  	_ =	shalt  }
0x7e: {  	_ =	shalt  }
0x7f: {  	_ =	shalt  }
0x80: {  	_ =	shalt  }
0x81: {  	_ =	shalt  }
0x82: {  	_ =	shalt  }
0x83: {  	_ =	shalt  }
0x84: {  	_ =	shalt  }
0x85: {  	_ =	shalt  }
0x86: {  	_ =	shalt  }
0x87: {  	_ =	shalt  }
.Lfunc_end0:
.L_simem_size_0:
called_computation.1_lowered:
.L_overlay_start_0:
0x88: {  	s2 =	sld [smem:$0x3FD9]  }
0x89: {  	s3 =	sld [smem:$0x3FFE];
	_ =	sdelay $0x1  }
0x8a: {  	s1 =	srdreg.scid  }
0x8b: {  	s0 =	sand.u32 $0x1, s1  }
0x8c: {  	s17 =	sshll.u32 s0, $0xA;
	s2 =	sadd.s32 s3, s2  }
0x8d: {  	s2 =	sadd.s32 s2, s17  }
0x8e: {  	[smem:$0x3FC2] =	sst s2  }
0x8f: {  	_ = 	snop  }
0x90: {  	s18 =	sld [smem:$0x3FD0];
	(tm) =	ssettm $0x1  }
0x91: {  	s19 =	sld [smem:$0x3FFB];
	_ =	sdelay $0x3  }
0x92: {  	_ =	strace s19  }
0x93: {  	s2 =	sld [smem:$0x3FFC];
	_ =	sdelay $0x3  }
0x94: {  	_ =	strace s2  }
0x95: {  	s2 =	sld [smem:$0x3FFD];
	_ =	sdelay $0x3  }
0x96: {  	_ =	strace s2  }
0x97: {  	_ =	strace $0x8FFFFFFF  }
0x98: {  	s20 =	sld [smem:$0x3FDB];
	_ =	sdelay $0x1  }
0x99: {  	s4 =	simm.s32 $_scs_section_size  }
0x9a: {  	s5 =	simm.s32 $_size__tile_overlayer_lowered;
	s6 =	simm.s32 $_tile_overlayer_lowered  }
0x9b: {  	s7 =	simm.s32 $0x1BFF;
	s21 =	sshll.u32 s6, $0x1;
	s4 =	sadd.s32 s4, s20  }
0x9c: {  	s22 =	simm.s32 $0x0;
	s5 =	sshll.u32 s5, $0x1;
	s6 =	sadd.s32 s21, s4  }
0x9d: {  	[timem:s22], [sflag:s7] =	dma.local [hbm:s6], s5  }
0x9e: {  	_ =	swait.ge [sflag:s7], s5  }
0x9f: {  	s5 =	ssub.s32 $0x0, s5;
	[sflag:s7] =	ssyncset.done $0x0  }
0xa0: {  	[sflag:s7] =	ssyncadd.s32 s5;
	_ =	sdelay $0x1  }
0xa1: {  	s23 =	simm.s32 $0x1B8B  }
0xa2: {  	_ =	swait.ge [sflag:s23], $0x1  }
0xa3: {  	[sflag:s23] =	ssyncset.done $0x0  }
0xa4: {  	[sflag:s23] =	ssyncadd.s32 $0xFFFFFFFF  }
0xa5: {  	s5 =	sld [smem:$0x0]  }
0xa6: {  	s6 =	sand.u32 $0xFFFFFFFE, s1  }
0xa7: {  	p0 =	sne.s32 s1, s6  }
0xa8: {  	s6 =	sshll.u32 @p0 s6, $0xE  }
0xa9: {  	s6 =	sadd.s32 @p0 $0x11B8D, s6;
	s7 =	sshll.u32 @p0 s5, $0x11  }
0xaa: {  	s6 =	sor.u32 @p0 s7, s6  }
0xab: {  	[sflag:s6] =	ssyncadd.remote.s32 @p0 $0x1;
	_ =	sdelay $0x1  }
0xac: {  	s6 =	simm.s32 @p0 $0x1B8D  }
0xad: {  	_ =	swait.eq @p0 [sflag:s6], $0x1  }
0xae: {  	[sflag:s6] =	ssyncadd.s32 @p0 $0xFFFFFFFF  }
0xaf: {  	s7 =	sshll.u32 @!p0 s1, $0xE  }
0xb0: {  	s7 =	sor.u32 @!p0 $0x4000, s7;
	s6 =	simm.s32 @!p0 $0x1B8D  }
0xb1: {  	s5 =	sshll.u32 @!p0 s5, $0x11;
	s7 =	sadd.s32 @!p0 $0x11B8D, s7;
	_ =	swait.eq @!p0 [sflag:s6], $0x1  }
0xb2: {  	s5 =	sor.u32 @!p0 s5, s7;
	[sflag:s6] =	ssyncadd.s32 @!p0 $0xFFFFFFFF  }
0xb3: {  	s25 =	simm.s32 $0x1B8E;
	s24 =	sld [smem:$0x3FFE];
	[sflag:s5] =	ssyncadd.remote.s32 @!p0 $0x1  }
0xb4: {  	s26 =	simm.s32 $execute0_lowered;
	[smem:$0x3FD2] =	sst s25  }
0xb5: {  	s6 =	sshll.u32 s26, $0x1;
	_ =	strace $0x80000049;
	[dreg:$0x1] =	wrdreg $0xFFFFFFFF  }
0xb6: {  	s28 =	simm.s32 $_size_execute0_lowered;
	s4 =	sadd.s32 s4, s6;
	[dreg:$0x0] =	wrdreg $0x0  }
0xb7: {  	s6 =	sshll.u32 s28, $0x1;
	[dreg:$0x2] =	wrdreg s4  }
0xb8: {  	[dreg:$0x3] =	wrdreg s6  }
0xb9: {  	[dreg:$0x4] =	wrdreg $0xC0  }
0xba: {  	_ =	task [dreg:s22], $0x5FFFF  }
0xbb: {  	[dreg:$0x1] =	wrdreg $0xFFFFFFFF  }
0xbc: {  	[dreg:$0x0] =	wrdreg $0x60  }
0xbd: {  	[dreg:$0x2] =	wrdreg s24  }
0xbe: {  	[dreg:$0x3] =	wrdreg s18  }
0xbf: {  	[dreg:$0x4] =	wrdreg $0xA  }
0xc0: {  	_ =	task.clear_ibuf [dreg:s22], $0x5FFFF;
	_ =	strace $0x90000049  }
0xc1: {  	s29 =	simm.s32 $0xA;
	_ =	strace $0x8000004B  }
0xc2: {  	_ =	swait.ge [sflag:s29], $0x1  }
0xc3: {  	[sflag:s29] =	ssyncadd.s32 $0xFFFFFFFF  }
0xc4: {  	_ =	strace $0x9000004B  }
0xc5: {  	_ =	sfence  }
0xc6: {  	s30 =	sld [smem:$0x0];
	_ =	sdelay $0x2  }
0xc7: {  	s31 =	sshll.u32 s1, $0xD;
	s1 =	sshrl.u32 s1, $0x2  }
0xc8: {  	s4 =	sand.u32 $0x4000, s31;
	s1 =	sadd.s32 s1, s30  }
0xc9: {  	s0 =	sor.u32 s4, s0;
	s1 =	sshll.u32 s1, $0x11  }
0xca: {  	s0 =	sor.u32 s1, s0  }
0xcb: {  	s0 =	sadd.s32 $0x8F2B, s0  }
0xcc: {  	[sflag:s0] =	ssyncadd.remote.s32 $0x1  }
0xcd: {  	_ =	sfence.sel $0xFFFF  }
0xce: {  	[dreg:$0x0] =	wrdreg $0xFFFFFFFF;
	(pc) =	sbr.abs _section_cstart, $3  }
0xcf: {  	[dreg:$0x1] =	wrdreg $0xFFFFFFFF  }
0xd0: {  	_ =	task.clear_ibuf [dreg:s22], $0x2FFFF;
	_ =	strace $0x9FFFFFFF  }
0xd1: {  	(tm) =	ssettm $0x7FFFFFFF  }
tec
execute0_lowered:
.L_overlay_start_1:
0x0: {  	(tag) =	ssettag $0x1  }
0x1: {  	s0 =	rddreg [dreg:$0x0]  }
0x2: {  	s1 =	rddreg [dreg:$0x1];
	s2 =	simm.s32 $0x0;
	s3 =	srdreg.scid  }
0x3: {  	s9 =	stileid.u32;
	s11 =	simm.s32 $0xB;
	s12 =	simm.s32 $0x50  }
0x4: {  	s13 =	simm.s32 $0x4000;
	s15 =	simm.s32 $0x6800;
	s17 =	simm.s32 $0x9000  }
0x5: {  	s18 =	simm.s32 $0x1;
	s20 =	simm.s32 $0xB800;
	s21 =	simm.s32 $0x2  }
0x6: {  	s23 =	simm.s32 $0xE000;
	s28 =	simm.s32 $0x4;
	s29 =	simm.s32 $0x7  }
0x7: {  	s31 =	simm.s32 $0x5;
	s14 =	simm.s32 $0xA;
	s16 =	simm.s32 $0x0  }
0x8: {  	[smem:$0x7FF] =	sst s2;
	s4 =	sand.u32 $0x1, s3;
	s5 =	sshll.u32 s9, $0x1  }
0x9: {  	s3 =	sadd.s32 $0x11A00, s0;
	s26 =	smul.u32 $0x4E200, s9;
	_ =	strace $0x8000004A  }
0xa: {  	s5 =	sor.u32 s4, s5;
	s7 =	ssub.s32 $0x2, s4;
	s4 =	smul.u32 $0x27100, s4  }
0xb: {  	s6 =	sshll.u32 s5, $0xB;
	s8 =	smul.u32 $0x138800, s5;
	s24 =	sshrl.u32 s7, $0x1  }
0xc: {  	s5 =	smul.u32 $0x27100, s5;
	s0 =	sadd.s32 s6, s0;
	s10 =	ssub.s32 s7, s24  }
0xd: {  	s24 =	simm.s32 $0x3;
	s25 =	sshrl.u32 s8, $0x3;
	s0 =	sadd.s32 $0x764A00, s0  }
0xe: {  	s5 =	sadd.s32 s1, s5;
	s10 =	smax.u32 s10, $0x1;
	[dreg:$0x4] =	wrdreg s0  }
0xf: {  	s30 =	sadd.s32 s1, s25;
	[dreg:$0x5] =	wrdreg s5;
	s1 =	sadd.s32 s26, s1  }
0x10: {  	s25 =	simm.s32 $0x6;
	s0 =	simm.s32 $0x8;
	s6 =	sadd.s32 $0x500, s30  }
0x11: {  	s7 =	sadd.s32 $0xA00, s30;
	s8 =	sadd.s32 $0xF00, s30;
	s1 =	sadd.s32 s4, s1  }
0x12: {  	s9 =	sadd.s32 $0x1400, s30;
	[dreg:$0x3] =	wrdreg s1;
	s1 =	simm.s32 $0x9  }
.LBB2_1:
0x13: {  	s4 =	rddreg [dreg:$0x4]  }
0x14: {  	[tilespmem:s2], [sflag:$0xB] =	stream.linear.gather [hbm4b:s4+s2], $0x3E80, $0x38;
	[tilespmem:$0x10800] =	vst v63  }
0x15: {  	_ =	swait.ge [sflag:s11], $0x3E80  }
0x16: {  	[sflag:s11] =	ssyncset.done $0x0  }
0x17: {  	[sflag:s11] =	ssyncadd.s32 $0xFFFFC180  }
0x18: {  	[tilespmem:s13], [sflag:$0x1] =	stream.indirect.gather [hbm4b:s3+s12], $0x80, s2, s12, $0xb8;
	[tilespmem:$0x10800] =	vst v63  }
0x19: {  	s5 =	simm.s32 $0x80  }
0x1a: {  	[tilespmem:s15], [sflag:$0x2] =	stream.indirect.gather [hbm4b:s3+s12], $0x80, s5, s12, $0xb8;
	[tilespmem:$0x10800] =	vst v63  }
0x1b: {  	s19 =	simm.s32 $0x100  }
0x1c: {  	[tilespmem:s17], [sflag:$0x3] =	stream.indirect.gather [hbm4b:s3+s12], $0x80, s19, s12, $0xb8;
	[tilespmem:$0x10800] =	vst v63  }
0x1d: {  	_ =	swait.ge [sflag:s18], $0x2800  }
0x1e: {  	[sflag:s18] =	ssyncset.done $0x0  }
0x1f: {  	s22 =	rddreg [dreg:$0x5];
	[sflag:s18] =	ssyncadd.s32 $0xFFFFD800  }
0x20: {  	[hbm4b:s22+s2] =	stream.linear.scatter [tilespmem:s13], [sflag:$0x6], $0x2800, $0x38;
	[tilespmem:$0x10800] =	vst v63  }
0x21: {  	s26 =	simm.s32 $0x180  }
0x22: {  	[tilespmem:s20], [sflag:$0x4] =	stream.indirect.gather [hbm4b:s3+s12], $0x80, s26, s12, $0xb8;
	[tilespmem:$0x10800] =	vst v63  }
0x23: {  	_ =	swait.ge [sflag:s21], $0x2800  }
0x24: {  	[sflag:s21] =	ssyncset.done $0x0  }
0x25: {  	[sflag:s21] =	ssyncadd.s32 $0xFFFFD800  }
0x26: {  	[hbm4b:s6+s2] =	stream.linear.scatter [tilespmem:s15], [sflag:$0x7], $0x2800, $0x38;
	[tilespmem:$0x10800] =	vst v63  }
0x27: {  	s30 =	simm.s32 $0x200  }
0x28: {  	[tilespmem:s23], [sflag:$0x5] =	stream.indirect.gather [hbm4b:s3+s12], $0x80, s30, s12, $0xb8;
	[tilespmem:$0x10800] =	vst v63  }
0x29: {  	_ =	swait.ge [sflag:s24], $0x2800  }
0x2a: {  	[sflag:s24] =	ssyncset.done $0x0  }
0x2b: {  	[sflag:s24] =	ssyncadd.s32 $0xFFFFD800  }
0x2c: {  	[hbm4b:s7+s2] =	stream.linear.scatter [tilespmem:s17], [sflag:$0x8], $0x2800, $0x38;
	[tilespmem:$0x10800] =	vst v63  }
0x2d: {  	_ =	swait.ge [sflag:s25], $0x2800  }
0x2e: {  	[sflag:s25] =	ssyncset.done $0x0  }
0x2f: {  	s5 =	simm.s32 $0x280;
	[sflag:s25] =	ssyncadd.s32 $0xFFFFD800  }
0x30: {  	[tilespmem:s13], [sflag:$0x1] =	stream.indirect.gather [hbm4b:s3+s12], $0x80, s5, s12, $0xb8;
	[tilespmem:$0x10800] =	vst v63  }
0x31: {  	_ =	swait.ge [sflag:s28], $0x2800  }
0x32: {  	[sflag:s28] =	ssyncset.done $0x0  }
0x33: {  	[sflag:s28] =	ssyncadd.s32 $0xFFFFD800  }
0x34: {  	[hbm4b:s8+s2] =	stream.linear.scatter [tilespmem:s20], [sflag:$0x9], $0x2800, $0x38;
	[tilespmem:$0x10800] =	vst v63  }
0x35: {  	_ =	swait.ge [sflag:s29], $0x2800  }
0x36: {  	[sflag:s29] =	ssyncset.done $0x0  }
0x37: {  	s19 =	simm.s32 $0x300;
	[sflag:s29] =	ssyncadd.s32 $0xFFFFD800  }
0x38: {  	[tilespmem:s15], [sflag:$0x2] =	stream.indirect.gather [hbm4b:s3+s12], $0x80, s19, s12, $0xb8;
	[tilespmem:$0x10800] =	vst v63  }
0x39: {  	_ =	swait.ge [sflag:s31], $0x2800  }
0x3a: {  	[sflag:s31] =	ssyncset.done $0x0  }
0x3b: {  	[sflag:s31] =	ssyncadd.s32 $0xFFFFD800  }
0x3c: {  	[hbm4b:s9+s2] =	stream.linear.scatter [tilespmem:s23], [sflag:$0xA], $0x2800, $0x38;
	[tilespmem:$0x10800] =	vst v63  }
0x3d: {  	_ =	swait.ge [sflag:s0], $0x2800  }
0x3e: {  	[sflag:s0] =	ssyncset.done $0x0  }
0x3f: {  	s22 =	simm.s32 $0x380;
	[sflag:s0] =	ssyncadd.s32 $0xFFFFD800  }
0x40: {  	[tilespmem:s17], [sflag:$0x3] =	stream.indirect.gather [hbm4b:s3+s12], $0x80, s22, s12, $0xb8;
	[tilespmem:$0x10800] =	vst v63  }
0x41: {  	_ =	swait.ge [sflag:s18], $0x2800  }
0x42: {  	s26 =	rddreg [dreg:$0x3]  }
0x43: {  	[sflag:s18] =	ssyncset.done $0x0;
	s4 =	sadd.s32 $0x0, s26  }
0x44: {  	[sflag:s18] =	ssyncadd.s32 $0xFFFFD800;
	s19 =	sadd.s32 $0x1900, s4  }
0x45: {  	[hbm4b:s19+s2] =	stream.linear.scatter [tilespmem:s13], [sflag:$0x6], $0x2800, $0x38;
	[tilespmem:$0x10800] =	vst v63  }
0x46: {  	_ =	swait.ge [sflag:s1], $0x2800  }
0x47: {  	[sflag:s1] =	ssyncset.done $0x0  }
0x48: {  	s30 =	simm.s32 $0x400;
	[sflag:s1] =	ssyncadd.s32 $0xFFFFD800  }
0x49: {  	[tilespmem:s20], [sflag:$0x4] =	stream.indirect.gather [hbm4b:s3+s12], $0x80, s30, s12, $0xb8;
	[tilespmem:$0x10800] =	vst v63  }
0x4a: {  	_ =	swait.ge [sflag:s21], $0x2800  }
0x4b: {  	[sflag:s21] =	ssyncset.done $0x0  }
0x4c: {  	s5 =	sadd.s32 $0x1E00, s4;
	[sflag:s21] =	ssyncadd.s32 $0xFFFFD800  }
0x4d: {  	[hbm4b:s5+s2] =	stream.linear.scatter [tilespmem:s15], [sflag:$0x7], $0x2800, $0x38;
	[tilespmem:$0x10800] =	vst v63  }
0x4e: {  	_ =	swait.ge [sflag:s14], $0x2800  }
0x4f: {  	[sflag:s14] =	ssyncset.done $0x0  }
0x50: {  	s22 =	simm.s32 $0x480;
	[sflag:s14] =	ssyncadd.s32 $0xFFFFD800  }
0x51: {  	[tilespmem:s23], [sflag:$0x5] =	stream.indirect.gather [hbm4b:s3+s12], $0x80, s22, s12, $0xb8;
	[tilespmem:$0x10800] =	vst v63  }
0x52: {  	_ =	swait.ge [sflag:s24], $0x2800  }
0x53: {  	[sflag:s24] =	ssyncset.done $0x0  }
0x54: {  	s26 =	sadd.s32 $0x2300, s4;
	[sflag:s24] =	ssyncadd.s32 $0xFFFFD800  }
0x55: {  	[hbm4b:s26+s2] =	stream.linear.scatter [tilespmem:s17], [sflag:$0x8], $0x2800, $0x38;
	[tilespmem:$0x10800] =	vst v63  }
0x56: {  	_ =	swait.ge [sflag:s25], $0x2800  }
0x57: {  	p0 =	por $0x0, $0x0;
	s19 =	simm.s32 $0x500;
	[sflag:s25] =	ssyncset.done $0x0  }
0x58: {  	s19 =	simm.s32 @p0 $0x0;
	[sflag:s25] =	ssyncadd.s32 $0xFFFFD800  }
0x59: {  	[tilespmem:s13], [sflag:$0x1] =	stream.indirect.gather [hbm4b:s3+s12], $0x80, s19, s12, $0xb8;
	[tilespmem:$0x10800] =	vst v63  }
0x5a: {  	_ =	swait.ge [sflag:s28], $0x2800  }
0x5b: {  	[sflag:s28] =	ssyncset.done $0x0  }
0x5c: {  	s30 =	sadd.s32 $0x2800, s4;
	[sflag:s28] =	ssyncadd.s32 $0xFFFFD800  }
0x5d: {  	[hbm4b:s30+s2] =	stream.linear.scatter [tilespmem:s20], [sflag:$0x9], $0x2800, $0x38;
	[tilespmem:$0x10800] =	vst v63  }
0x5e: {  	_ =	swait.ge [sflag:s29], $0x2800  }
0x5f: {  	s19 =	simm.s32 $0x580;
	[sflag:s29] =	ssyncset.done $0x0  }
0x60: {  	s19 =	simm.s32 @p0 $0x0;
	[sflag:s29] =	ssyncadd.s32 $0xFFFFD800  }
0x61: {  	[tilespmem:s15], [sflag:$0x2] =	stream.indirect.gather [hbm4b:s3+s12], $0x80, s19, s12, $0xb8;
	[tilespmem:$0x10800] =	vst v63  }
0x62: {  	_ =	swait.ge [sflag:s31], $0x2800  }
0x63: {  	s4 =	sadd.s32 $0x2D00, s4;
	s22 =	simm.s32 $0x800;
	[sflag:s31] =	ssyncset.done $0x0  }
0x64: {  	s26 =	simm.s32 $0x700;
	s19 =	simm.s32 $0x1900;
	[sflag:s31] =	ssyncadd.s32 $0xFFFFD800  }
.LBB2_2:
0x65: {  	[hbm4b:s4+s2] =	stream.linear.scatter [tilespmem:s23], [sflag:$0xA], $0x2800, $0x38;
	[tilespmem:$0x10800] =	vst v63  }
0x66: {  	_ =	swait.ge [sflag:s0], $0x2800  }
0x67: {  	[sflag:s0] =	ssyncset.done $0x0  }
0x68: {  	s30 =	sadd.s32 $0xFFFFFF00, s26;
	[sflag:s0] =	ssyncadd.s32 $0xFFFFD800  }
0x69: {  	[tilespmem:s17], [sflag:$0x3] =	stream.indirect.gather [hbm4b:s3+s12], $0x80, s30, s12, $0xb8;
	[tilespmem:$0x10800] =	vst v63  }
0x6a: {  	_ =	swait.ge [sflag:s18], $0x2800  }
0x6b: {  	s4 =	smov.u32 s19;
	s5 =	rddreg [dreg:$0x3]  }
0x6c: {  	[sflag:s18] =	ssyncset.done $0x0;
	s30 =	sadd.s32 s4, s5  }
0x6d: {  	[sflag:s18] =	ssyncadd.s32 $0xFFFFD800;
	s5 =	sadd.s32 $0x1900, s30  }
0x6e: {  	[hbm4b:s5+s2] =	stream.linear.scatter [tilespmem:s13], [sflag:$0x6], $0x2800, $0x38;
	[tilespmem:$0x10800] =	vst v63  }
0x6f: {  	_ =	swait.ge [sflag:s1], $0x2800  }
0x70: {  	[sflag:s1] =	ssyncset.done $0x0  }
0x71: {  	s5 =	sadd.s32 $0xFFFFFF80, s26;
	[sflag:s1] =	ssyncadd.s32 $0xFFFFD800  }
0x72: {  	[tilespmem:s20], [sflag:$0x4] =	stream.indirect.gather [hbm4b:s3+s12], $0x80, s5, s12, $0xb8;
	[tilespmem:$0x10800] =	vst v63  }
0x73: {  	_ =	swait.ge [sflag:s21], $0x2800  }
0x74: {  	[sflag:s21] =	ssyncset.done $0x0  }
0x75: {  	s5 =	sadd.s32 $0x1E00, s30;
	[sflag:s21] =	ssyncadd.s32 $0xFFFFD800  }
0x76: {  	[hbm4b:s5+s2] =	stream.linear.scatter [tilespmem:s15], [sflag:$0x7], $0x2800, $0x38;
	[tilespmem:$0x10800] =	vst v63  }
0x77: {  	_ =	swait.ge [sflag:s14], $0x2800  }
0x78: {  	[sflag:s14] =	ssyncset.done $0x0  }
0x79: {  	[sflag:s14] =	ssyncadd.s32 $0xFFFFD800  }
0x7a: {  	[tilespmem:s23], [sflag:$0x5] =	stream.indirect.gather [hbm4b:s3+s12], $0x80, s26, s12, $0xb8;
	[tilespmem:$0x10800] =	vst v63  }
0x7b: {  	_ =	swait.ge [sflag:s24], $0x2800  }
0x7c: {  	[sflag:s24] =	ssyncset.done $0x0  }
0x7d: {  	s5 =	sadd.s32 $0x2300, s30;
	[sflag:s24] =	ssyncadd.s32 $0xFFFFD800  }
0x7e: {  	[hbm4b:s5+s2] =	stream.linear.scatter [tilespmem:s17], [sflag:$0x8], $0x2800, $0x38;
	[tilespmem:$0x10800] =	vst v63  }
0x7f: {  	_ =	swait.ge [sflag:s25], $0x2800  }
0x80: {  	p1 =	seq.s32 s4, $0x23F00;
	s4 =	sadd.s32 $0xFFFFFF80, s22;
	[sflag:s25] =	ssyncset.done $0x0  }
0x81: {  	s4 =	simm.s32 @p1 $0x0;
	[sflag:s25] =	ssyncadd.s32 $0xFFFFD800  }
0x82: {  	[tilespmem:s13], [sflag:$0x1] =	stream.indirect.gather [hbm4b:s3+s12], $0x80, s4, s12, $0xb8;
	[tilespmem:$0x10800] =	vst v63  }
0x83: {  	_ =	swait.ge [sflag:s28], $0x2800  }
0x84: {  	[sflag:s28] =	ssyncset.done $0x0  }
0x85: {  	s5 =	sadd.s32 $0x2800, s30;
	[sflag:s28] =	ssyncadd.s32 $0xFFFFD800  }
0x86: {  	[hbm4b:s5+s2] =	stream.linear.scatter [tilespmem:s20], [sflag:$0x9], $0x2800, $0x38;
	[tilespmem:$0x10800] =	vst v63  }
0x87: {  	_ =	swait.ge [sflag:s29], $0x2800  }
0x88: {  	p0 =	sne.s32 s19, $0x23F00;
	s4 =	smov.u32 s22;
	[sflag:s29] =	ssyncset.done $0x0  }
.Ltmp0:
0x89: {  	s4 =	simm.s32 @p1 $0x0;
	[sflag:s29] =	ssyncadd.s32 $0xFFFFD800;
	(pc) =	sbr.rel @p0 .LBB2_2-.Ltmp0, $4  }
0x8a: {  	[tilespmem:s15], [sflag:$0x2] =	stream.indirect.gather [hbm4b:s3+s12], $0x80, s4, s12, $0xb8;
	[tilespmem:$0x10800] =	vst v63  }
0x8b: {  	_ =	swait.ge [sflag:s31], $0x2800  }
0x8c: {  	s19 =	sadd.s32 $0x1900, s19;
	s26 =	sadd.s32 $0x280, s26;
	[sflag:s31] =	ssyncset.done $0x0  }
0x8d: {  	s22 =	sadd.s32 $0x280, s22;
	s4 =	sadd.s32 $0x2D00, s30;
	[sflag:s31] =	ssyncadd.s32 $0xFFFFD800  }
0x8e: {  	[hbm4b:s4+s2] =	stream.linear.scatter [tilespmem:s23], [sflag:$0xA], $0x2800, $0x38;
	[tilespmem:$0x10800] =	vst v63  }
0x8f: {  	_ =	swait.ge [sflag:s18], $0x2800  }
0x90: {  	[sflag:s18] =	ssyncset.done $0x0  }
0x91: {  	[sflag:s18] =	ssyncadd.s32 $0xFFFFD800  }
0x92: {  	_ =	swait.ge [sflag:s21], $0x2800  }
0x93: {  	[sflag:s21] =	ssyncset.done $0x0  }
0x94: {  	[sflag:s21] =	ssyncadd.s32 $0xFFFFD800  }
0x95: {  	_ =	swait.ge [sflag:s0], $0x2800  }
0x96: {  	[sflag:s0] =	ssyncset.done $0x0  }
0x97: {  	s16 =	sadd.s32 $0x1, s16;
	[sflag:s0] =	ssyncadd.s32 $0xFFFFD800  }
0x98: {  	p0 =	sne.s32 s16, s10;
	_ =	swait.ge [sflag:s1], $0x2800  }
.Ltmp1:
0x99: {  	[sflag:s1] =	ssyncset.done $0x0;
	(pc) =	sbr.rel @p0 .LBB2_1-.Ltmp1, $4  }
0x9a: {  	[sflag:s1] =	ssyncadd.s32 $0xFFFFD800  }
0x9b: {  	_ =	swait.ge [sflag:s14], $0x2800  }
0x9c: {  	[sflag:s14] =	ssyncset.done $0x0  }
0x9d: {  	[sflag:s14] =	ssyncadd.s32 $0xFFFFD800  }
0x9e: {  	_ =	sfence.sel $0x180000  }
0x9f: {  	[bflag:$0x0] =	sbarrier.arrive $0xFFFF  }
0xa0: {  	_ =	strace $0x9000004A  }
0xa1: {  	s0 =	stileid.u32;
	[bflag:$0x2] =	sbarrier.arrive $0xFFFF  }
0xa2: {  	p0 =	sne.s32 s0, $0x0;
	s0 =	rddreg [dreg:$0x2]  }
0xa3: {  	s0 =	sadd.s32 @!p0 $0x100000, s0  }
0xa4: {  	[sflag:s0] =	ssyncadd.tile.s32 @!p0 $0x1;
	_ =	shalt  }
.Lfunc_end2:
_tile_overlayer_lowered:
.L_overlay_start_2:
0xa5: {  	(tag) =	ssettag $0x2  }
0xa6: {  	s0 =	rddreg [dreg:$0x0];
	s2 =	stileid.u32  }
0xa7: {  	s1 =	rddreg [dreg:$0x1];
	p0 =	sne.s32 s2, $0x0  }
0xa8: {  	s3 =	rddreg [dreg:$0x2];
	[bflag:$0x3] =	sbarrier.arrive $0xFFFF;
	s2 =	simm.s32 @!p0 $0x1C0B  }
0xa9: {  	[timem:s3], [sflag:s2] =	dma.local @!p0 [hbm:s0], s1  }
0xaa: {  	s0 =	simm.s32 @!p0 $0xB  }
0xab: {  	_ =	swait.ge @!p0 [sflag:s0], s1  }
0xac: {  	s1 =	ssub.s32 @!p0 $0x0, s1;
	[sflag:s0] =	ssyncset.done @!p0 $0x0  }
0xad: {  	[sflag:s0] =	ssyncadd.s32 @!p0 s1  }
0xae: {  	[bflag:$0x3] =	sbarrier.arrive $0xFFFF  }
0xaf: {  	_ =	shalt  }

// kernel: kernel.17.cloned.1.call-start
scs
__scs_entry_jumppad:
0x0: {  	(pc) =	sbr.rel $0x88, $3  }
0x1: {  	(tag) =	ssettag $0x0;
	lr =	simm.s32 $0x1  }
0x2: {  	[smem:$0x3F9B] =	sst lr;
	_ =	strace $0xD0000000  }
0x3: {  	_ = 	snop  }
0x4: {  	_ = 	snop  }
0x5: {  	_ = 	snop  }
0x6: {  	_ = 	snop  }
0x7: {  	_ = 	snop  }
__scs_overlays_trampoline_lowered:
0x8: {  	[smem:$0x3FAA] =	sst s0  }
0x9: {  	[smem:$0x3FAB] =	sst s1  }
0xa: {  	[smem:$0x3FAC] =	sst s2  }
0xb: {  	[smem:$0x3FAD] =	sst s3  }
0xc: {  	[smem:$0x3FAE] =	sst s4  }
0xd: {  	[smem:$0x3FAF] =	sst s5  }
0xe: {  	[smem:$0x3FB0] =	sst s6  }
0xf: {  	[smem:$0x3FB1] =	sst s7  }
0x10: {  	[smem:$0x3FB2] =	sst s8  }
0x11: {  	[smem:$0x3FB3] =	sst s9;
	s0 =	simm.s32 @!p0 $0x0  }
0x12: {  	s1 =	sld [smem:$0x3F99];
	s0 =	simm.s32 @p0 $0x1  }
0x13: {  	[smem:$0x3FB4] =	sst s0;
	s0 =	simm.s32 @!p1 $0x0  }
0x14: {  	s2 =	sld [smem:$0x3F98];
	s0 =	simm.s32 @p1 $0x1  }
0x15: {  	[smem:$0x3FB5] =	sst s0;
	s0 =	simm.s32 @!p2 $0x0  }
0x16: {  	s3 =	sld [smem:$0x3FDB];
	s0 =	simm.s32 @p2 $0x1  }
0x17: {  	s4 =	simm.s32 $0x1BF5;
	[smem:$0x3FB7] =	sst s0  }
0x18: {  	s0 =	sld [smem:$0x3F9A];
	_ =	swait.ge [sflag:s4], $0x0  }
0x19: {  	s7 =	sld [smem:$0x3F9B]  }
0x1a: {  	s8 =	sadd.s32 $0xFFFFE003, lr  }
0x1b: {  	s9 =	sadd.s32 $0xFFFFFEF7, lr;
	s5 =	simm.s32 $0xFFFFFFFF;
	p2 =	slt.u32 s8, $0xFFFFF086  }
0x1c: {  	p1 =	slt.u32 s9, $0xF7A;
	s5 =	simm.s32 @!p2 $0x0  }
0x1d: {  	s5 =	simm.s32 @p1 $0x1;
	p0 =	seq.s32 s7, s2  }
0x1e: {  	s7 =	smul.u32 @!p0 $0xF7A, s2;
	p2 =	seq.s32 @!p0 s5, $0x0  }
0x1f: {  	s9 =	smul.u32 $0xF7A, s1;
	s8 =	simm.s32 @!p0 $0x1BF5;
	p2 =	por !p2, p0  }
0x20: {  	[sflag:s8] =	ssyncset.s32 @!p0 $0xFFFFF086;
	s6 =	sadd.s32 @!p0 s3, s7;
	s7 =	simm.s32 @!p0 $0x108  }
0x21: {  	s3 =	sadd.s32 s3, s9;
	s6 =	sadd.s32 @!p0 $0x88, s6;
	s7 =	simm.s32 @p2 $0x1082  }
0x22: {  	[simem:s7], [sflag:s8] =	dma.local @!p0 [hbm:s6], $0xF7A  }
0x23: {  	s9 =	sor.u32 $0xD0000000, s2;
	s6 =	simm.s32 $0x108;
	_ =	swait.ge @!p0 [sflag:s8], $0x0  }
0x24: {  	s3 =	sadd.s32 $0x88, s3;
	s6 =	simm.s32 @!p1 $0x1082;
	[sflag:s4] =	ssyncset.s32 $0xFFFFF086  }
0x25: {  	[simem:s6], [sflag:s4] =	dma.local [hbm:s3], $0xF7A  }
0x26: {  	[smem:$0x3F9B] =	sst s1;
	(tag) =	ssettag s2;
	_ =	strace s9  }
0x27: {  	s1 =	sld [smem:$0x3FAB]  }
0x28: {  	s2 =	sld [smem:$0x3FAC]  }
0x29: {  	s4 =	sld [smem:$0x3FAE]  }
0x2a: {  	p0 =	seq.s32 s5, $0x0;
	s5 =	sld [smem:$0x3FAF]  }
0x2b: {  	s6 =	sld [smem:$0x3FB0]  }
0x2c: {  	s7 =	sld [smem:$0x3FB1]  }
0x2d: {  	s3 =	simm.s32 $0x108;
	s8 =	sld [smem:$0x3FB2]  }
0x2e: {  	s3 =	simm.s32 @!p0 $0x1082;
	s9 =	sld [smem:$0x3FB3]  }
0x2f: {  	lr =	sadd.s32 s0, s3;
	s0 =	sld [smem:$0x3FAA]  }
0x30: {  	s3 =	sld [smem:$0x3FAD]  }
0x31: {  	[smem:$0x3FB6] =	sst s10  }
0x32: {  	s10 =	sld [smem:$0x3FB4];
	_ =	sdelay $0x3  }
0x33: {  	p0 =	seq.s32 s10, $0x1;
	s10 =	sld [smem:$0x3FB6];
	_ =	sdelay $0x3  }
0x34: {  	[smem:$0x3FB6] =	sst s10  }
0x35: {  	s10 =	sld [smem:$0x3FB5];
	_ =	sdelay $0x3  }
0x36: {  	p1 =	seq.s32 s10, $0x1;
	s10 =	sld [smem:$0x3FB6];
	_ =	sdelay $0x3  }
0x37: {  	[smem:$0x3FB6] =	sst s10  }
0x38: {  	s10 =	sld [smem:$0x3FB7]  }
0x39: {  	_ = 	snop;
	(pc) =	sbr.ind lr, $3  }
0x3a: {  	_ = 	snop  }
0x3b: {  	_ = 	snop  }
0x3c: {  	p2 =	seq.s32 s10, $0x1;
	s10 =	sld [smem:$0x3FB6]  }
0x3d: {  	_ =	shalt  }
0x3e: {  	_ =	shalt  }
0x3f: {  	_ =	shalt  }
0x40: {  	_ =	shalt  }
0x41: {  	_ =	shalt  }
0x42: {  	_ =	shalt  }
0x43: {  	_ =	shalt  }
0x44: {  	_ =	shalt  }
0x45: {  	_ =	shalt  }
0x46: {  	_ =	shalt  }
0x47: {  	_ =	shalt  }
0x48: {  	_ =	shalt  }
0x49: {  	_ =	shalt  }
0x4a: {  	_ =	shalt  }
0x4b: {  	_ =	shalt  }
0x4c: {  	_ =	shalt  }
0x4d: {  	_ =	shalt  }
0x4e: {  	_ =	shalt  }
0x4f: {  	_ =	shalt  }
0x50: {  	_ =	shalt  }
0x51: {  	_ =	shalt  }
0x52: {  	_ =	shalt  }
0x53: {  	_ =	shalt  }
0x54: {  	_ =	shalt  }
0x55: {  	_ =	shalt  }
0x56: {  	_ =	shalt  }
0x57: {  	_ =	shalt  }
0x58: {  	_ =	shalt  }
0x59: {  	_ =	shalt  }
0x5a: {  	_ =	shalt  }
0x5b: {  	_ =	shalt  }
0x5c: {  	_ =	shalt  }
0x5d: {  	_ =	shalt  }
0x5e: {  	_ =	shalt  }
0x5f: {  	_ =	shalt  }
0x60: {  	_ =	shalt  }
0x61: {  	_ =	shalt  }
0x62: {  	_ =	shalt  }
0x63: {  	_ =	shalt  }
0x64: {  	_ =	shalt  }
0x65: {  	_ =	shalt  }
0x66: {  	_ =	shalt  }
0x67: {  	_ =	shalt  }
0x68: {  	_ =	shalt  }
0x69: {  	_ =	shalt  }
0x6a: {  	_ =	shalt  }
0x6b: {  	_ =	shalt  }
0x6c: {  	_ =	shalt  }
0x6d: {  	_ =	shalt  }
0x6e: {  	_ =	shalt  }
0x6f: {  	_ =	shalt  }
0x70: {  	_ =	shalt  }
0x71: {  	_ =	shalt  }
0x72: {  	_ =	shalt  }
0x73: {  	_ =	shalt  }
0x74: {  	_ =	shalt  }
0x75: {  	_ =	shalt  }
0x76: {  	_ =	shalt  }
0x77: {  	_ =	shalt  }
0x78: {  	_ =	shalt  }
0x79: {  	_ =	shalt  }
0x7a: {  	_ =	shalt  }
0x7b: {  	_ =	shalt  }
0x7c: {  	_ =	shalt  }
0x7d: {  	_ =	shalt  }
0x7e: {  	_ =	shalt  }
0x7f: {  	_ =	shalt  }
0x80: {  	_ =	shalt  }
0x81: {  	_ =	shalt  }
0x82: {  	_ =	shalt  }
0x83: {  	_ =	shalt  }
0x84: {  	_ =	shalt  }
0x85: {  	_ =	shalt  }
0x86: {  	_ =	shalt  }
0x87: {  	_ =	shalt  }
.Lfunc_end0:
.L_simem_size_0:
called_computation.2_lowered:
.L_overlay_start_0:
0x88: {  	s2 =	sld [smem:$0x3FD9]  }
0x89: {  	s3 =	sld [smem:$0x3FFE];
	_ =	sdelay $0x1  }
0x8a: {  	s1 =	srdreg.scid  }
0x8b: {  	s0 =	sand.u32 $0x1, s1  }
0x8c: {  	s16 =	sshll.u32 s0, $0xA;
	s2 =	sadd.s32 s3, s2  }
0x8d: {  	s2 =	sadd.s32 s2, s16  }
0x8e: {  	[smem:$0x3FC2] =	sst s2  }
0x8f: {  	_ = 	snop  }
0x90: {  	(tm) =	ssettm $0x1  }
0x91: {  	s17 =	sld [smem:$0x3FFB];
	_ =	sdelay $0x3  }
0x92: {  	_ =	strace s17  }
0x93: {  	s2 =	sld [smem:$0x3FFC];
	_ =	sdelay $0x3  }
0x94: {  	_ =	strace s2  }
0x95: {  	s2 =	sld [smem:$0x3FFD];
	_ =	sdelay $0x3  }
0x96: {  	_ =	strace s2  }
0x97: {  	_ =	strace $0x8FFFFFFF  }
0x98: {  	s18 =	sld [smem:$0x3FDB];
	_ =	sdelay $0x1  }
0x99: {  	s19 =	simm.s32 $_scs_section_size  }
0x9a: {  	s4 =	simm.s32 $_size__tile_overlayer_lowered;
	s5 =	simm.s32 $_tile_overlayer_lowered  }
0x9b: {  	s22 =	simm.s32 $0x1BFF;
	s21 =	sshll.u32 s5, $0x1;
	s2 =	sadd.s32 s19, s18  }
0x9c: {  	s6 =	simm.s32 $0x0;
	s20 =	sshll.u32 s4, $0x1;
	s4 =	sadd.s32 s21, s2  }
0x9d: {  	[timem:s6], [sflag:s22] =	dma.local [hbm:s4], s20  }
0x9e: {  	_ =	swait.ge [sflag:s22], s20  }
0x9f: {  	s3 =	ssub.s32 $0x0, s20;
	[sflag:s22] =	ssyncset.done $0x0  }
0xa0: {  	[sflag:s22] =	ssyncadd.s32 s3;
	_ =	sdelay $0x1  }
0xa1: {  	s23 =	simm.s32 $0x1B8B  }
0xa2: {  	_ =	swait.ge [sflag:s23], $0x1  }
0xa3: {  	[sflag:s23] =	ssyncset.done $0x0  }
0xa4: {  	s25 =	simm.s32 $0x1B8E;
	s24 =	sld [smem:$0x3FFE];
	[sflag:s23] =	ssyncadd.s32 $0xFFFFFFFF  }
0xa5: {  	s26 =	simm.s32 $execute0_lowered;
	[smem:$0x3FD2] =	sst s25  }
0xa6: {  	s4 =	sshll.u32 s26, $0x1;
	_ =	strace $0x8000004C;
	[dreg:$0x1] =	wrdreg $0xFFFFFFFF  }
0xa7: {  	s28 =	simm.s32 $_size_execute0_lowered;
	s2 =	sadd.s32 s2, s4;
	[dreg:$0x0] =	wrdreg $0x0  }
0xa8: {  	s4 =	sshll.u32 s28, $0x1;
	[dreg:$0x2] =	wrdreg s2  }
0xa9: {  	[dreg:$0x3] =	wrdreg s4  }
0xaa: {  	[dreg:$0x4] =	wrdreg $0xC0  }
0xab: {  	_ =	task [dreg:s6], $0x5FFFF  }
0xac: {  	[dreg:$0x1] =	wrdreg $0xFFFFFFFF  }
0xad: {  	[dreg:$0x0] =	wrdreg $0x60  }
0xae: {  	[dreg:$0x2] =	wrdreg s24  }
0xaf: {  	[dreg:$0x3] =	wrdreg $0x9  }
0xb0: {  	_ =	task.clear_ibuf [dreg:s6], $0x4FFFF;
	_ =	strace $0x9000004C  }
0xb1: {  	s29 =	simm.s32 $0x9;
	_ =	strace $0x8000004E  }
0xb2: {  	_ =	swait.ge [sflag:s29], $0x1  }
0xb3: {  	[sflag:s29] =	ssyncadd.s32 $0xFFFFFFFF  }
0xb4: {  	_ =	strace $0x9000004E  }
0xb5: {  	_ =	sfence  }
0xb6: {  	s30 =	sld [smem:$0x0];
	_ =	sdelay $0x2  }
0xb7: {  	s31 =	sshll.u32 s1, $0xD;
	s1 =	sshrl.u32 s1, $0x2  }
0xb8: {  	s3 =	sand.u32 $0x4000, s31;
	s1 =	sadd.s32 s1, s30  }
0xb9: {  	s0 =	sor.u32 s3, s0;
	s1 =	sshll.u32 s1, $0x11  }
0xba: {  	s0 =	sor.u32 s1, s0  }
0xbb: {  	s0 =	sadd.s32 $0x8F2B, s0  }
0xbc: {  	[sflag:s0] =	ssyncadd.remote.s32 $0x1  }
0xbd: {  	_ =	sfence.sel $0xFFFF  }
0xbe: {  	[dreg:$0x0] =	wrdreg $0xFFFFFFFF;
	(pc) =	sbr.abs _section_cstart, $3  }
0xbf: {  	[dreg:$0x1] =	wrdreg $0xFFFFFFFF  }
0xc0: {  	_ =	task.clear_ibuf [dreg:s6], $0x2FFFF;
	_ =	strace $0x9FFFFFFF  }
0xc1: {  	(tm) =	ssettm $0x7FFFFFFF  }
tec
execute0_lowered:
.L_overlay_start_1:
0x0: {  	(tag) =	ssettag $0x1  }
0x1: {  	s0 =	rddreg [dreg:$0x0]  }
0x2: {  	s2 =	simm.s32 $0x0;
	s1 =	srdreg.scid;
	s9 =	stileid.u32  }
0x3: {  	s11 =	simm.s32 $0xB;
	s12 =	simm.s32 $0x50;
	s13 =	simm.s32 $0x4000  }
0x4: {  	s15 =	simm.s32 $0x6800;
	s17 =	simm.s32 $0x9000;
	s18 =	simm.s32 $0x1  }
0x5: {  	s20 =	simm.s32 $0xB800;
	s21 =	simm.s32 $0x2;
	s23 =	simm.s32 $0xE000  }
0x6: {  	s24 =	simm.s32 $0x3;
	s28 =	simm.s32 $0x4;
	s29 =	simm.s32 $0x7  }
0x7: {  	s31 =	simm.s32 $0x5;
	s14 =	simm.s32 $0xA;
	s16 =	simm.s32 $0x0  }
0x8: {  	[smem:$0x7FF] =	sst s2;
	s1 =	sand.u32 $0x1, s1;
	s3 =	sshll.u32 s9, $0x1  }
0x9: {  	s26 =	smul.u32 $0x4E200, s9;
	_ =	strace $0x8000004D;
	s4 =	sor.u32 s1, s3  }
0xa: {  	s3 =	sadd.s32 $0x774A00, s0;
	s6 =	ssub.s32 $0x2, s1;
	s1 =	smul.u32 $0x27100, s1  }
0xb: {  	s5 =	sshll.u32 s4, $0xB;
	s7 =	smul.u32 $0x138800, s4;
	s8 =	sshrl.u32 s6, $0x1  }
0xc: {  	s4 =	smul.u32 $0x27100, s4;
	s5 =	sadd.s32 s5, s0;
	s0 =	sadd.s32 $0x11A00, s0  }
0xd: {  	s10 =	ssub.s32 s6, s8;
	s25 =	sshrl.u32 s7, $0x3;
	s5 =	sadd.s32 $0x1A00, s5  }
0xe: {  	s4 =	sadd.s32 s0, s4;
	s10 =	smax.u32 s10, $0x1;
	[dreg:$0x3] =	wrdreg s5  }
0xf: {  	s30 =	sadd.s32 s0, s25;
	[dreg:$0x4] =	wrdreg s4;
	s0 =	sadd.s32 s26, s0  }
0x10: {  	s25 =	simm.s32 $0x6;
	s6 =	sadd.s32 $0x500, s30;
	s7 =	sadd.s32 $0xA00, s30  }
0x11: {  	s8 =	sadd.s32 $0xF00, s30;
	s0 =	sadd.s32 s1, s0;
	s9 =	sadd.s32 $0x1400, s30  }
0x12: {  	s1 =	simm.s32 $0x9;
	[dreg:$0x2] =	wrdreg s0;
	s0 =	simm.s32 $0x8  }
.LBB2_1:
0x13: {  	s4 =	rddreg [dreg:$0x3]  }
0x14: {  	[tilespmem:s2], [sflag:$0xB] =	stream.linear.gather [hbm4b:s4+s2], $0x3E80, $0x38;
	[tilespmem:$0x10800] =	vst v63  }
0x15: {  	_ =	swait.ge [sflag:s11], $0x3E80  }
0x16: {  	[sflag:s11] =	ssyncset.done $0x0  }
0x17: {  	[sflag:s11] =	ssyncadd.s32 $0xFFFFC180  }
0x18: {  	[tilespmem:s13], [sflag:$0x1] =	stream.indirect.gather [hbm4b:s3+s12], $0x80, s2, s12, $0xb8;
	[tilespmem:$0x10800] =	vst v63  }
0x19: {  	s5 =	simm.s32 $0x80  }
0x1a: {  	[tilespmem:s15], [sflag:$0x2] =	stream.indirect.gather [hbm4b:s3+s12], $0x80, s5, s12, $0xb8;
	[tilespmem:$0x10800] =	vst v63  }
0x1b: {  	s19 =	simm.s32 $0x100  }
0x1c: {  	[tilespmem:s17], [sflag:$0x3] =	stream.indirect.gather [hbm4b:s3+s12], $0x80, s19, s12, $0xb8;
	[tilespmem:$0x10800] =	vst v63  }
0x1d: {  	_ =	swait.ge [sflag:s18], $0x2800  }
0x1e: {  	[sflag:s18] =	ssyncset.done $0x0  }
0x1f: {  	s22 =	rddreg [dreg:$0x4];
	[sflag:s18] =	ssyncadd.s32 $0xFFFFD800  }
0x20: {  	[hbm4b:s22+s2] =	stream.linear.scatter [tilespmem:s13], [sflag:$0x6], $0x2800, $0x38;
	[tilespmem:$0x10800] =	vst v63  }
0x21: {  	s26 =	simm.s32 $0x180  }
0x22: {  	[tilespmem:s20], [sflag:$0x4] =	stream.indirect.gather [hbm4b:s3+s12], $0x80, s26, s12, $0xb8;
	[tilespmem:$0x10800] =	vst v63  }
0x23: {  	_ =	swait.ge [sflag:s21], $0x2800  }
0x24: {  	[sflag:s21] =	ssyncset.done $0x0  }
0x25: {  	[sflag:s21] =	ssyncadd.s32 $0xFFFFD800  }
0x26: {  	[hbm4b:s6+s2] =	stream.linear.scatter [tilespmem:s15], [sflag:$0x7], $0x2800, $0x38;
	[tilespmem:$0x10800] =	vst v63  }
0x27: {  	s30 =	simm.s32 $0x200  }
0x28: {  	[tilespmem:s23], [sflag:$0x5] =	stream.indirect.gather [hbm4b:s3+s12], $0x80, s30, s12, $0xb8;
	[tilespmem:$0x10800] =	vst v63  }
0x29: {  	_ =	swait.ge [sflag:s24], $0x2800  }
0x2a: {  	[sflag:s24] =	ssyncset.done $0x0  }
0x2b: {  	[sflag:s24] =	ssyncadd.s32 $0xFFFFD800  }
0x2c: {  	[hbm4b:s7+s2] =	stream.linear.scatter [tilespmem:s17], [sflag:$0x8], $0x2800, $0x38;
	[tilespmem:$0x10800] =	vst v63  }
0x2d: {  	_ =	swait.ge [sflag:s25], $0x2800  }
0x2e: {  	[sflag:s25] =	ssyncset.done $0x0  }
0x2f: {  	s5 =	simm.s32 $0x280;
	[sflag:s25] =	ssyncadd.s32 $0xFFFFD800  }
0x30: {  	[tilespmem:s13], [sflag:$0x1] =	stream.indirect.gather [hbm4b:s3+s12], $0x80, s5, s12, $0xb8;
	[tilespmem:$0x10800] =	vst v63  }
0x31: {  	_ =	swait.ge [sflag:s28], $0x2800  }
0x32: {  	[sflag:s28] =	ssyncset.done $0x0  }
0x33: {  	[sflag:s28] =	ssyncadd.s32 $0xFFFFD800  }
0x34: {  	[hbm4b:s8+s2] =	stream.linear.scatter [tilespmem:s20], [sflag:$0x9], $0x2800, $0x38;
	[tilespmem:$0x10800] =	vst v63  }
0x35: {  	_ =	swait.ge [sflag:s29], $0x2800  }
0x36: {  	[sflag:s29] =	ssyncset.done $0x0  }
0x37: {  	s19 =	simm.s32 $0x300;
	[sflag:s29] =	ssyncadd.s32 $0xFFFFD800  }
0x38: {  	[tilespmem:s15], [sflag:$0x2] =	stream.indirect.gather [hbm4b:s3+s12], $0x80, s19, s12, $0xb8;
	[tilespmem:$0x10800] =	vst v63  }
0x39: {  	_ =	swait.ge [sflag:s31], $0x2800  }
0x3a: {  	[sflag:s31] =	ssyncset.done $0x0  }
0x3b: {  	[sflag:s31] =	ssyncadd.s32 $0xFFFFD800  }
0x3c: {  	[hbm4b:s9+s2] =	stream.linear.scatter [tilespmem:s23], [sflag:$0xA], $0x2800, $0x38;
	[tilespmem:$0x10800] =	vst v63  }
0x3d: {  	_ =	swait.ge [sflag:s0], $0x2800  }
0x3e: {  	[sflag:s0] =	ssyncset.done $0x0  }
0x3f: {  	s22 =	simm.s32 $0x380;
	[sflag:s0] =	ssyncadd.s32 $0xFFFFD800  }
0x40: {  	[tilespmem:s17], [sflag:$0x3] =	stream.indirect.gather [hbm4b:s3+s12], $0x80, s22, s12, $0xb8;
	[tilespmem:$0x10800] =	vst v63  }
0x41: {  	_ =	swait.ge [sflag:s18], $0x2800  }
0x42: {  	s26 =	rddreg [dreg:$0x2]  }
0x43: {  	[sflag:s18] =	ssyncset.done $0x0;
	s4 =	sadd.s32 $0x0, s26  }
0x44: {  	[sflag:s18] =	ssyncadd.s32 $0xFFFFD800;
	s19 =	sadd.s32 $0x1900, s4  }
0x45: {  	[hbm4b:s19+s2] =	stream.linear.scatter [tilespmem:s13], [sflag:$0x6], $0x2800, $0x38;
	[tilespmem:$0x10800] =	vst v63  }
0x46: {  	_ =	swait.ge [sflag:s1], $0x2800  }
0x47: {  	[sflag:s1] =	ssyncset.done $0x0  }
0x48: {  	s30 =	simm.s32 $0x400;
	[sflag:s1] =	ssyncadd.s32 $0xFFFFD800  }
0x49: {  	[tilespmem:s20], [sflag:$0x4] =	stream.indirect.gather [hbm4b:s3+s12], $0x80, s30, s12, $0xb8;
	[tilespmem:$0x10800] =	vst v63  }
0x4a: {  	_ =	swait.ge [sflag:s21], $0x2800  }
0x4b: {  	[sflag:s21] =	ssyncset.done $0x0  }
0x4c: {  	s5 =	sadd.s32 $0x1E00, s4;
	[sflag:s21] =	ssyncadd.s32 $0xFFFFD800  }
0x4d: {  	[hbm4b:s5+s2] =	stream.linear.scatter [tilespmem:s15], [sflag:$0x7], $0x2800, $0x38;
	[tilespmem:$0x10800] =	vst v63  }
0x4e: {  	_ =	swait.ge [sflag:s14], $0x2800  }
0x4f: {  	[sflag:s14] =	ssyncset.done $0x0  }
0x50: {  	s22 =	simm.s32 $0x480;
	[sflag:s14] =	ssyncadd.s32 $0xFFFFD800  }
0x51: {  	[tilespmem:s23], [sflag:$0x5] =	stream.indirect.gather [hbm4b:s3+s12], $0x80, s22, s12, $0xb8;
	[tilespmem:$0x10800] =	vst v63  }
0x52: {  	_ =	swait.ge [sflag:s24], $0x2800  }
0x53: {  	[sflag:s24] =	ssyncset.done $0x0  }
0x54: {  	s26 =	sadd.s32 $0x2300, s4;
	[sflag:s24] =	ssyncadd.s32 $0xFFFFD800  }
0x55: {  	[hbm4b:s26+s2] =	stream.linear.scatter [tilespmem:s17], [sflag:$0x8], $0x2800, $0x38;
	[tilespmem:$0x10800] =	vst v63  }
0x56: {  	_ =	swait.ge [sflag:s25], $0x2800  }
0x57: {  	p0 =	por $0x0, $0x0;
	s19 =	simm.s32 $0x500;
	[sflag:s25] =	ssyncset.done $0x0  }
0x58: {  	s19 =	simm.s32 @p0 $0x0;
	[sflag:s25] =	ssyncadd.s32 $0xFFFFD800  }
0x59: {  	[tilespmem:s13], [sflag:$0x1] =	stream.indirect.gather [hbm4b:s3+s12], $0x80, s19, s12, $0xb8;
	[tilespmem:$0x10800] =	vst v63  }
0x5a: {  	_ =	swait.ge [sflag:s28], $0x2800  }
0x5b: {  	[sflag:s28] =	ssyncset.done $0x0  }
0x5c: {  	s30 =	sadd.s32 $0x2800, s4;
	[sflag:s28] =	ssyncadd.s32 $0xFFFFD800  }
0x5d: {  	[hbm4b:s30+s2] =	stream.linear.scatter [tilespmem:s20], [sflag:$0x9], $0x2800, $0x38;
	[tilespmem:$0x10800] =	vst v63  }
0x5e: {  	_ =	swait.ge [sflag:s29], $0x2800  }
0x5f: {  	s19 =	simm.s32 $0x580;
	[sflag:s29] =	ssyncset.done $0x0  }
0x60: {  	s19 =	simm.s32 @p0 $0x0;
	[sflag:s29] =	ssyncadd.s32 $0xFFFFD800  }
0x61: {  	[tilespmem:s15], [sflag:$0x2] =	stream.indirect.gather [hbm4b:s3+s12], $0x80, s19, s12, $0xb8;
	[tilespmem:$0x10800] =	vst v63  }
0x62: {  	_ =	swait.ge [sflag:s31], $0x2800  }
0x63: {  	s4 =	sadd.s32 $0x2D00, s4;
	s22 =	simm.s32 $0x800;
	[sflag:s31] =	ssyncset.done $0x0  }
0x64: {  	s26 =	simm.s32 $0x700;
	s19 =	simm.s32 $0x1900;
	[sflag:s31] =	ssyncadd.s32 $0xFFFFD800  }
.LBB2_2:
0x65: {  	[hbm4b:s4+s2] =	stream.linear.scatter [tilespmem:s23], [sflag:$0xA], $0x2800, $0x38;
	[tilespmem:$0x10800] =	vst v63  }
0x66: {  	_ =	swait.ge [sflag:s0], $0x2800  }
0x67: {  	[sflag:s0] =	ssyncset.done $0x0  }
0x68: {  	s30 =	sadd.s32 $0xFFFFFF00, s26;
	[sflag:s0] =	ssyncadd.s32 $0xFFFFD800  }
0x69: {  	[tilespmem:s17], [sflag:$0x3] =	stream.indirect.gather [hbm4b:s3+s12], $0x80, s30, s12, $0xb8;
	[tilespmem:$0x10800] =	vst v63  }
0x6a: {  	_ =	swait.ge [sflag:s18], $0x2800  }
0x6b: {  	s4 =	smov.u32 s19;
	s5 =	rddreg [dreg:$0x2]  }
0x6c: {  	[sflag:s18] =	ssyncset.done $0x0;
	s30 =	sadd.s32 s4, s5  }
0x6d: {  	[sflag:s18] =	ssyncadd.s32 $0xFFFFD800;
	s5 =	sadd.s32 $0x1900, s30  }
0x6e: {  	[hbm4b:s5+s2] =	stream.linear.scatter [tilespmem:s13], [sflag:$0x6], $0x2800, $0x38;
	[tilespmem:$0x10800] =	vst v63  }
0x6f: {  	_ =	swait.ge [sflag:s1], $0x2800  }
0x70: {  	[sflag:s1] =	ssyncset.done $0x0  }
0x71: {  	s5 =	sadd.s32 $0xFFFFFF80, s26;
	[sflag:s1] =	ssyncadd.s32 $0xFFFFD800  }
0x72: {  	[tilespmem:s20], [sflag:$0x4] =	stream.indirect.gather [hbm4b:s3+s12], $0x80, s5, s12, $0xb8;
	[tilespmem:$0x10800] =	vst v63  }
0x73: {  	_ =	swait.ge [sflag:s21], $0x2800  }
0x74: {  	[sflag:s21] =	ssyncset.done $0x0  }
0x75: {  	s5 =	sadd.s32 $0x1E00, s30;
	[sflag:s21] =	ssyncadd.s32 $0xFFFFD800  }
0x76: {  	[hbm4b:s5+s2] =	stream.linear.scatter [tilespmem:s15], [sflag:$0x7], $0x2800, $0x38;
	[tilespmem:$0x10800] =	vst v63  }
0x77: {  	_ =	swait.ge [sflag:s14], $0x2800  }
0x78: {  	[sflag:s14] =	ssyncset.done $0x0  }
0x79: {  	[sflag:s14] =	ssyncadd.s32 $0xFFFFD800  }
0x7a: {  	[tilespmem:s23], [sflag:$0x5] =	stream.indirect.gather [hbm4b:s3+s12], $0x80, s26, s12, $0xb8;
	[tilespmem:$0x10800] =	vst v63  }
0x7b: {  	_ =	swait.ge [sflag:s24], $0x2800  }
0x7c: {  	[sflag:s24] =	ssyncset.done $0x0  }
0x7d: {  	s5 =	sadd.s32 $0x2300, s30;
	[sflag:s24] =	ssyncadd.s32 $0xFFFFD800  }
0x7e: {  	[hbm4b:s5+s2] =	stream.linear.scatter [tilespmem:s17], [sflag:$0x8], $0x2800, $0x38;
	[tilespmem:$0x10800] =	vst v63  }
0x7f: {  	_ =	swait.ge [sflag:s25], $0x2800  }
0x80: {  	p1 =	seq.s32 s4, $0x23F00;
	s4 =	sadd.s32 $0xFFFFFF80, s22;
	[sflag:s25] =	ssyncset.done $0x0  }
0x81: {  	s4 =	simm.s32 @p1 $0x0;
	[sflag:s25] =	ssyncadd.s32 $0xFFFFD800  }
0x82: {  	[tilespmem:s13], [sflag:$0x1] =	stream.indirect.gather [hbm4b:s3+s12], $0x80, s4, s12, $0xb8;
	[tilespmem:$0x10800] =	vst v63  }
0x83: {  	_ =	swait.ge [sflag:s28], $0x2800  }
0x84: {  	[sflag:s28] =	ssyncset.done $0x0  }
0x85: {  	s5 =	sadd.s32 $0x2800, s30;
	[sflag:s28] =	ssyncadd.s32 $0xFFFFD800  }
0x86: {  	[hbm4b:s5+s2] =	stream.linear.scatter [tilespmem:s20], [sflag:$0x9], $0x2800, $0x38;
	[tilespmem:$0x10800] =	vst v63  }
0x87: {  	_ =	swait.ge [sflag:s29], $0x2800  }
0x88: {  	p0 =	sne.s32 s19, $0x23F00;
	s4 =	smov.u32 s22;
	[sflag:s29] =	ssyncset.done $0x0  }
.Ltmp0:
0x89: {  	s4 =	simm.s32 @p1 $0x0;
	[sflag:s29] =	ssyncadd.s32 $0xFFFFD800;
	(pc) =	sbr.rel @p0 .LBB2_2-.Ltmp0, $4  }
0x8a: {  	[tilespmem:s15], [sflag:$0x2] =	stream.indirect.gather [hbm4b:s3+s12], $0x80, s4, s12, $0xb8;
	[tilespmem:$0x10800] =	vst v63  }
0x8b: {  	_ =	swait.ge [sflag:s31], $0x2800  }
0x8c: {  	s19 =	sadd.s32 $0x1900, s19;
	s26 =	sadd.s32 $0x280, s26;
	[sflag:s31] =	ssyncset.done $0x0  }
0x8d: {  	s22 =	sadd.s32 $0x280, s22;
	s4 =	sadd.s32 $0x2D00, s30;
	[sflag:s31] =	ssyncadd.s32 $0xFFFFD800  }
0x8e: {  	[hbm4b:s4+s2] =	stream.linear.scatter [tilespmem:s23], [sflag:$0xA], $0x2800, $0x38;
	[tilespmem:$0x10800] =	vst v63  }
0x8f: {  	_ =	swait.ge [sflag:s18], $0x2800  }
0x90: {  	[sflag:s18] =	ssyncset.done $0x0  }
0x91: {  	[sflag:s18] =	ssyncadd.s32 $0xFFFFD800  }
0x92: {  	_ =	swait.ge [sflag:s21], $0x2800  }
0x93: {  	[sflag:s21] =	ssyncset.done $0x0  }
0x94: {  	[sflag:s21] =	ssyncadd.s32 $0xFFFFD800  }
0x95: {  	_ =	swait.ge [sflag:s0], $0x2800  }
0x96: {  	[sflag:s0] =	ssyncset.done $0x0  }
0x97: {  	s16 =	sadd.s32 $0x1, s16;
	[sflag:s0] =	ssyncadd.s32 $0xFFFFD800  }
0x98: {  	p0 =	sne.s32 s16, s10;
	_ =	swait.ge [sflag:s1], $0x2800  }
.Ltmp1:
0x99: {  	[sflag:s1] =	ssyncset.done $0x0;
	(pc) =	sbr.rel @p0 .LBB2_1-.Ltmp1, $4  }
0x9a: {  	[sflag:s1] =	ssyncadd.s32 $0xFFFFD800  }
0x9b: {  	_ =	swait.ge [sflag:s14], $0x2800  }
0x9c: {  	[sflag:s14] =	ssyncset.done $0x0  }
0x9d: {  	[sflag:s14] =	ssyncadd.s32 $0xFFFFD800  }
0x9e: {  	_ =	sfence.sel $0x180000  }
0x9f: {  	[bflag:$0x0] =	sbarrier.arrive $0xFFFF  }
0xa0: {  	_ =	strace $0x9000004D  }
0xa1: {  	s0 =	stileid.u32;
	[bflag:$0x2] =	sbarrier.arrive $0xFFFF  }
0xa2: {  	p0 =	sne.s32 s0, $0x0;
	s0 =	rddreg [dreg:$0x1]  }
0xa3: {  	s0 =	sadd.s32 @!p0 $0x100000, s0  }
0xa4: {  	[sflag:s0] =	ssyncadd.tile.s32 @!p0 $0x1;
	_ =	shalt  }
.Lfunc_end2:
_tile_overlayer_lowered:
.L_overlay_start_2:
0xa5: {  	(tag) =	ssettag $0x2  }
0xa6: {  	s0 =	rddreg [dreg:$0x0];
	s2 =	stileid.u32  }
0xa7: {  	s1 =	rddreg [dreg:$0x1];
	p0 =	sne.s32 s2, $0x0  }
0xa8: {  	s3 =	rddreg [dreg:$0x2];
	[bflag:$0x3] =	sbarrier.arrive $0xFFFF;
	s2 =	simm.s32 @!p0 $0x1C0B  }
0xa9: {  	[timem:s3], [sflag:s2] =	dma.local @!p0 [hbm:s0], s1  }
0xaa: {  	s0 =	simm.s32 @!p0 $0xB  }
0xab: {  	_ =	swait.ge @!p0 [sflag:s0], s1  }
0xac: {  	s1 =	ssub.s32 @!p0 $0x0, s1;
	[sflag:s0] =	ssyncset.done @!p0 $0x0  }
0xad: {  	[sflag:s0] =	ssyncadd.s32 @!p0 s1  }
0xae: {  	[bflag:$0x3] =	sbarrier.arrive $0xFFFF  }
0xaf: {  	_ =	shalt  }

// kernel: kernel.20.cloned.1.call-start
scs
__scs_entry_jumppad:
0x0: {  	(pc) =	sbr.rel $0x88, $3  }
0x1: {  	(tag) =	ssettag $0x0;
	lr =	simm.s32 $0x1  }
0x2: {  	[smem:$0x3F9B] =	sst lr;
	_ =	strace $0xD0000000  }
0x3: {  	_ = 	snop  }
0x4: {  	_ = 	snop  }
0x5: {  	_ = 	snop  }
0x6: {  	_ = 	snop  }
0x7: {  	_ = 	snop  }
__scs_overlays_trampoline_lowered:
0x8: {  	[smem:$0x3FAA] =	sst s0  }
0x9: {  	[smem:$0x3FAB] =	sst s1  }
0xa: {  	[smem:$0x3FAC] =	sst s2  }
0xb: {  	[smem:$0x3FAD] =	sst s3  }
0xc: {  	[smem:$0x3FAE] =	sst s4  }
0xd: {  	[smem:$0x3FAF] =	sst s5  }
0xe: {  	[smem:$0x3FB0] =	sst s6  }
0xf: {  	[smem:$0x3FB1] =	sst s7  }
0x10: {  	[smem:$0x3FB2] =	sst s8  }
0x11: {  	[smem:$0x3FB3] =	sst s9;
	s0 =	simm.s32 @!p0 $0x0  }
0x12: {  	s1 =	sld [smem:$0x3F99];
	s0 =	simm.s32 @p0 $0x1  }
0x13: {  	[smem:$0x3FB4] =	sst s0;
	s0 =	simm.s32 @!p1 $0x0  }
0x14: {  	s2 =	sld [smem:$0x3F98];
	s0 =	simm.s32 @p1 $0x1  }
0x15: {  	[smem:$0x3FB5] =	sst s0;
	s0 =	simm.s32 @!p2 $0x0  }
0x16: {  	s3 =	sld [smem:$0x3FDB];
	s0 =	simm.s32 @p2 $0x1  }
0x17: {  	s4 =	simm.s32 $0x1BF5;
	[smem:$0x3FB7] =	sst s0  }
0x18: {  	s0 =	sld [smem:$0x3F9A];
	_ =	swait.ge [sflag:s4], $0x0  }
0x19: {  	s7 =	sld [smem:$0x3F9B]  }
0x1a: {  	s8 =	sadd.s32 $0xFFFFE003, lr  }
0x1b: {  	s9 =	sadd.s32 $0xFFFFFEF7, lr;
	s5 =	simm.s32 $0xFFFFFFFF;
	p2 =	slt.u32 s8, $0xFFFFF086  }
0x1c: {  	p1 =	slt.u32 s9, $0xF7A;
	s5 =	simm.s32 @!p2 $0x0  }
0x1d: {  	s5 =	simm.s32 @p1 $0x1;
	p0 =	seq.s32 s7, s2  }
0x1e: {  	s7 =	smul.u32 @!p0 $0xF7A, s2;
	p2 =	seq.s32 @!p0 s5, $0x0  }
0x1f: {  	s9 =	smul.u32 $0xF7A, s1;
	s8 =	simm.s32 @!p0 $0x1BF5;
	p2 =	por !p2, p0  }
0x20: {  	[sflag:s8] =	ssyncset.s32 @!p0 $0xFFFFF086;
	s6 =	sadd.s32 @!p0 s3, s7;
	s7 =	simm.s32 @!p0 $0x108  }
0x21: {  	s3 =	sadd.s32 s3, s9;
	s6 =	sadd.s32 @!p0 $0x88, s6;
	s7 =	simm.s32 @p2 $0x1082  }
0x22: {  	[simem:s7], [sflag:s8] =	dma.local @!p0 [hbm:s6], $0xF7A  }
0x23: {  	s9 =	sor.u32 $0xD0000000, s2;
	s6 =	simm.s32 $0x108;
	_ =	swait.ge @!p0 [sflag:s8], $0x0  }
0x24: {  	s3 =	sadd.s32 $0x88, s3;
	s6 =	simm.s32 @!p1 $0x1082;
	[sflag:s4] =	ssyncset.s32 $0xFFFFF086  }
0x25: {  	[simem:s6], [sflag:s4] =	dma.local [hbm:s3], $0xF7A  }
0x26: {  	[smem:$0x3F9B] =	sst s1;
	(tag) =	ssettag s2;
	_ =	strace s9  }
0x27: {  	s1 =	sld [smem:$0x3FAB]  }
0x28: {  	s2 =	sld [smem:$0x3FAC]  }
0x29: {  	s4 =	sld [smem:$0x3FAE]  }
0x2a: {  	p0 =	seq.s32 s5, $0x0;
	s5 =	sld [smem:$0x3FAF]  }
0x2b: {  	s6 =	sld [smem:$0x3FB0]  }
0x2c: {  	s7 =	sld [smem:$0x3FB1]  }
0x2d: {  	s3 =	simm.s32 $0x108;
	s8 =	sld [smem:$0x3FB2]  }
0x2e: {  	s3 =	simm.s32 @!p0 $0x1082;
	s9 =	sld [smem:$0x3FB3]  }
0x2f: {  	lr =	sadd.s32 s0, s3;
	s0 =	sld [smem:$0x3FAA]  }
0x30: {  	s3 =	sld [smem:$0x3FAD]  }
0x31: {  	[smem:$0x3FB6] =	sst s10  }
0x32: {  	s10 =	sld [smem:$0x3FB4];
	_ =	sdelay $0x3  }
0x33: {  	p0 =	seq.s32 s10, $0x1;
	s10 =	sld [smem:$0x3FB6];
	_ =	sdelay $0x3  }
0x34: {  	[smem:$0x3FB6] =	sst s10  }
0x35: {  	s10 =	sld [smem:$0x3FB5];
	_ =	sdelay $0x3  }
0x36: {  	p1 =	seq.s32 s10, $0x1;
	s10 =	sld [smem:$0x3FB6];
	_ =	sdelay $0x3  }
0x37: {  	[smem:$0x3FB6] =	sst s10  }
0x38: {  	s10 =	sld [smem:$0x3FB7]  }
0x39: {  	_ = 	snop;
	(pc) =	sbr.ind lr, $3  }
0x3a: {  	_ = 	snop  }
0x3b: {  	_ = 	snop  }
0x3c: {  	p2 =	seq.s32 s10, $0x1;
	s10 =	sld [smem:$0x3FB6]  }
0x3d: {  	_ =	shalt  }
0x3e: {  	_ =	shalt  }
0x3f: {  	_ =	shalt  }
0x40: {  	_ =	shalt  }
0x41: {  	_ =	shalt  }
0x42: {  	_ =	shalt  }
0x43: {  	_ =	shalt  }
0x44: {  	_ =	shalt  }
0x45: {  	_ =	shalt  }
0x46: {  	_ =	shalt  }
0x47: {  	_ =	shalt  }
0x48: {  	_ =	shalt  }
0x49: {  	_ =	shalt  }
0x4a: {  	_ =	shalt  }
0x4b: {  	_ =	shalt  }
0x4c: {  	_ =	shalt  }
0x4d: {  	_ =	shalt  }
0x4e: {  	_ =	shalt  }
0x4f: {  	_ =	shalt  }
0x50: {  	_ =	shalt  }
0x51: {  	_ =	shalt  }
0x52: {  	_ =	shalt  }
0x53: {  	_ =	shalt  }
0x54: {  	_ =	shalt  }
0x55: {  	_ =	shalt  }
0x56: {  	_ =	shalt  }
0x57: {  	_ =	shalt  }
0x58: {  	_ =	shalt  }
0x59: {  	_ =	shalt  }
0x5a: {  	_ =	shalt  }
0x5b: {  	_ =	shalt  }
0x5c: {  	_ =	shalt  }
0x5d: {  	_ =	shalt  }
0x5e: {  	_ =	shalt  }
0x5f: {  	_ =	shalt  }
0x60: {  	_ =	shalt  }
0x61: {  	_ =	shalt  }
0x62: {  	_ =	shalt  }
0x63: {  	_ =	shalt  }
0x64: {  	_ =	shalt  }
0x65: {  	_ =	shalt  }
0x66: {  	_ =	shalt  }
0x67: {  	_ =	shalt  }
0x68: {  	_ =	shalt  }
0x69: {  	_ =	shalt  }
0x6a: {  	_ =	shalt  }
0x6b: {  	_ =	shalt  }
0x6c: {  	_ =	shalt  }
0x6d: {  	_ =	shalt  }
0x6e: {  	_ =	shalt  }
0x6f: {  	_ =	shalt  }
0x70: {  	_ =	shalt  }
0x71: {  	_ =	shalt  }
0x72: {  	_ =	shalt  }
0x73: {  	_ =	shalt  }
0x74: {  	_ =	shalt  }
0x75: {  	_ =	shalt  }
0x76: {  	_ =	shalt  }
0x77: {  	_ =	shalt  }
0x78: {  	_ =	shalt  }
0x79: {  	_ =	shalt  }
0x7a: {  	_ =	shalt  }
0x7b: {  	_ =	shalt  }
0x7c: {  	_ =	shalt  }
0x7d: {  	_ =	shalt  }
0x7e: {  	_ =	shalt  }
0x7f: {  	_ =	shalt  }
0x80: {  	_ =	shalt  }
0x81: {  	_ =	shalt  }
0x82: {  	_ =	shalt  }
0x83: {  	_ =	shalt  }
0x84: {  	_ =	shalt  }
0x85: {  	_ =	shalt  }
0x86: {  	_ =	shalt  }
0x87: {  	_ =	shalt  }
.Lfunc_end0:
.L_simem_size_0:
called_computation.3_lowered:
.L_overlay_start_0:
0x88: {  	s2 =	sld [smem:$0x3FD9]  }
0x89: {  	s3 =	sld [smem:$0x3FFE];
	_ =	sdelay $0x1  }
0x8a: {  	s1 =	srdreg.scid  }
0x8b: {  	s0 =	sand.u32 $0x1, s1  }
0x8c: {  	s17 =	sshll.u32 s0, $0xA;
	s2 =	sadd.s32 s3, s2  }
0x8d: {  	s2 =	sadd.s32 s2, s17  }
0x8e: {  	[smem:$0x3FC2] =	sst s2  }
0x8f: {  	_ = 	snop  }
0x90: {  	(tm) =	ssettm $0x1  }
0x91: {  	s18 =	sld [smem:$0x3FFB];
	_ =	sdelay $0x3  }
0x92: {  	_ =	strace s18  }
0x93: {  	s2 =	sld [smem:$0x3FFC];
	_ =	sdelay $0x3  }
0x94: {  	_ =	strace s2  }
0x95: {  	s2 =	sld [smem:$0x3FFD];
	_ =	sdelay $0x3  }
0x96: {  	_ =	strace s2  }
0x97: {  	_ =	strace $0x8FFFFFFF  }
0x98: {  	s19 =	sld [smem:$0x3FDB];
	_ =	sdelay $0x1  }
0x99: {  	s20 =	simm.s32 $_scs_section_size  }
0x9a: {  	s4 =	simm.s32 $_size__tile_overlayer_lowered;
	s5 =	simm.s32 $_tile_overlayer_lowered  }
0x9b: {  	s6 =	simm.s32 $0x1BFF;
	s21 =	sshll.u32 s5, $0x1;
	s3 =	sadd.s32 s20, s19  }
0x9c: {  	s22 =	simm.s32 $0x0;
	s4 =	sshll.u32 s4, $0x1;
	s5 =	sadd.s32 s21, s3  }
0x9d: {  	[timem:s22], [sflag:s6] =	dma.local [hbm:s5], s4  }
0x9e: {  	_ =	swait.ge [sflag:s6], s4  }
0x9f: {  	s4 =	ssub.s32 $0x0, s4;
	[sflag:s6] =	ssyncset.done $0x0  }
0xa0: {  	[sflag:s6] =	ssyncadd.s32 s4;
	_ =	sdelay $0x1  }
0xa1: {  	s23 =	simm.s32 $0x1B8B  }
0xa2: {  	_ =	swait.ge [sflag:s23], $0x1  }
0xa3: {  	[sflag:s23] =	ssyncset.done $0x0  }
0xa4: {  	[sflag:s23] =	ssyncadd.s32 $0xFFFFFFFF  }
0xa5: {  	s4 =	sld [smem:$0x0]  }
0xa6: {  	s5 =	sand.u32 $0xFFFFFFFE, s1  }
0xa7: {  	p0 =	sne.s32 s1, s5  }
0xa8: {  	s5 =	sshll.u32 @p0 s5, $0xE  }
0xa9: {  	s5 =	sadd.s32 @p0 $0x11B8D, s5;
	s6 =	sshll.u32 @p0 s4, $0x11  }
0xaa: {  	s5 =	sor.u32 @p0 s6, s5  }
0xab: {  	[sflag:s5] =	ssyncadd.remote.s32 @p0 $0x1;
	_ =	sdelay $0x1  }
0xac: {  	s5 =	simm.s32 @p0 $0x1B8D  }
0xad: {  	_ =	swait.eq @p0 [sflag:s5], $0x1  }
0xae: {  	[sflag:s5] =	ssyncadd.s32 @p0 $0xFFFFFFFF  }
0xaf: {  	s6 =	sshll.u32 @!p0 s1, $0xE  }
0xb0: {  	s6 =	sor.u32 @!p0 $0x4000, s6;
	s5 =	simm.s32 @!p0 $0x1B8D  }
0xb1: {  	s4 =	sshll.u32 @!p0 s4, $0x11;
	s6 =	sadd.s32 @!p0 $0x11B8D, s6;
	_ =	swait.eq @!p0 [sflag:s5], $0x1  }
0xb2: {  	s4 =	sor.u32 @!p0 s4, s6;
	[sflag:s5] =	ssyncadd.s32 @!p0 $0xFFFFFFFF  }
0xb3: {  	s25 =	simm.s32 $0x1B8E;
	s24 =	sld [smem:$0x3FFE];
	[sflag:s4] =	ssyncadd.remote.s32 @!p0 $0x1  }
0xb4: {  	s26 =	simm.s32 $execute0_lowered;
	[smem:$0x3FD2] =	sst s25  }
0xb5: {  	s5 =	sshll.u32 s26, $0x1;
	_ =	strace $0x8000004F;
	[dreg:$0x1] =	wrdreg $0xFFFFFFFF  }
0xb6: {  	s28 =	simm.s32 $_size_execute0_lowered;
	s3 =	sadd.s32 s3, s5;
	[dreg:$0x0] =	wrdreg $0x0  }
0xb7: {  	s5 =	sshll.u32 s28, $0x1;
	[dreg:$0x2] =	wrdreg s3  }
0xb8: {  	[dreg:$0x3] =	wrdreg s5  }
0xb9: {  	[dreg:$0x4] =	wrdreg $0xC0  }
0xba: {  	_ =	task [dreg:s22], $0x5FFFF  }
0xbb: {  	[dreg:$0x1] =	wrdreg $0xFFFFFFFF  }
0xbc: {  	[dreg:$0x0] =	wrdreg $0x60  }
0xbd: {  	[dreg:$0x2] =	wrdreg s24  }
0xbe: {  	[dreg:$0x3] =	wrdreg $0xA  }
0xbf: {  	_ =	task.clear_ibuf [dreg:s22], $0x4FFFF;
	_ =	strace $0x9000004F  }
0xc0: {  	s29 =	simm.s32 $0xA;
	_ =	strace $0x80000051  }
0xc1: {  	_ =	swait.ge [sflag:s29], $0x1  }
0xc2: {  	[sflag:s29] =	ssyncadd.s32 $0xFFFFFFFF  }
0xc3: {  	_ =	strace $0x90000051  }
0xc4: {  	_ =	sfence  }
0xc5: {  	s30 =	sld [smem:$0x0];
	_ =	sdelay $0x2  }
0xc6: {  	s31 =	sshll.u32 s1, $0xD;
	s1 =	sshrl.u32 s1, $0x2  }
0xc7: {  	s4 =	sand.u32 $0x4000, s31;
	s1 =	sadd.s32 s1, s30  }
0xc8: {  	s0 =	sor.u32 s4, s0;
	s1 =	sshll.u32 s1, $0x11  }
0xc9: {  	s0 =	sor.u32 s1, s0  }
0xca: {  	s0 =	sadd.s32 $0x8F2B, s0  }
0xcb: {  	[sflag:s0] =	ssyncadd.remote.s32 $0x1  }
0xcc: {  	_ =	sfence.sel $0xFFFF  }
0xcd: {  	[dreg:$0x0] =	wrdreg $0xFFFFFFFF;
	(pc) =	sbr.abs _section_cstart, $3  }
0xce: {  	[dreg:$0x1] =	wrdreg $0xFFFFFFFF  }
0xcf: {  	_ =	task.clear_ibuf [dreg:s22], $0x2FFFF;
	_ =	strace $0x9FFFFFFF  }
0xd0: {  	(tm) =	ssettm $0x7FFFFFFF  }
0xd1: {  	_ =	shalt  }
tec
execute0_lowered:
.L_overlay_start_1:
0x0: {  	(tag) =	ssettag $0x1  }
0x1: {  	s0 =	rddreg [dreg:$0x0]  }
0x2: {  	s2 =	simm.s32 $0x0;
	s1 =	srdreg.scid;
	s9 =	stileid.u32  }
0x3: {  	s11 =	simm.s32 $0xB;
	s12 =	simm.s32 $0x50;
	s13 =	simm.s32 $0x4000  }
0x4: {  	s15 =	simm.s32 $0x6800;
	s17 =	simm.s32 $0x9000;
	s18 =	simm.s32 $0x1  }
0x5: {  	s20 =	simm.s32 $0xB800;
	s21 =	simm.s32 $0x2;
	s23 =	simm.s32 $0xE000  }
0x6: {  	s24 =	simm.s32 $0x3;
	s28 =	simm.s32 $0x4;
	s29 =	simm.s32 $0x7  }
0x7: {  	s31 =	simm.s32 $0x5;
	s14 =	simm.s32 $0xA;
	s16 =	simm.s32 $0x0  }
0x8: {  	[smem:$0x7FF] =	sst s2;
	s1 =	sand.u32 $0x1, s1;
	s3 =	sshll.u32 s9, $0x1  }
0x9: {  	s26 =	smul.u32 $0x4E200, s9;
	_ =	strace $0x80000050;
	s4 =	sor.u32 s1, s3  }
0xa: {  	s3 =	sadd.s32 $0x774A00, s0;
	s6 =	ssub.s32 $0x2, s1;
	s1 =	smul.u32 $0x27100, s1  }
0xb: {  	s5 =	sshll.u32 s4, $0xB;
	s7 =	smul.u32 $0x138800, s4;
	s8 =	sshrl.u32 s6, $0x1  }
0xc: {  	s4 =	smul.u32 $0x27100, s4;
	s5 =	sadd.s32 s5, s0;
	s0 =	sadd.s32 $0x9E5A00, s0  }
0xd: {  	s10 =	ssub.s32 s6, s8;
	s25 =	sshrl.u32 s7, $0x3;
	s5 =	sadd.s32 $0x764A00, s5  }
0xe: {  	s4 =	sadd.s32 s0, s4;
	s10 =	smax.u32 s10, $0x1;
	[dreg:$0x3] =	wrdreg s5  }
0xf: {  	s30 =	sadd.s32 s0, s25;
	[dreg:$0x4] =	wrdreg s4;
	s0 =	sadd.s32 s26, s0  }
0x10: {  	s25 =	simm.s32 $0x6;
	s6 =	sadd.s32 $0x500, s30;
	s7 =	sadd.s32 $0xA00, s30  }
0x11: {  	s8 =	sadd.s32 $0xF00, s30;
	s0 =	sadd.s32 s1, s0;
	s9 =	sadd.s32 $0x1400, s30  }
0x12: {  	s1 =	simm.s32 $0x9;
	[dreg:$0x2] =	wrdreg s0;
	s0 =	simm.s32 $0x8  }
.LBB2_1:
0x13: {  	s4 =	rddreg [dreg:$0x3]  }
0x14: {  	[tilespmem:s2], [sflag:$0xB] =	stream.linear.gather [hbm4b:s4+s2], $0x3E80, $0x38;
	[tilespmem:$0x10800] =	vst v63  }
0x15: {  	_ =	swait.ge [sflag:s11], $0x3E80  }
0x16: {  	[sflag:s11] =	ssyncset.done $0x0  }
0x17: {  	[sflag:s11] =	ssyncadd.s32 $0xFFFFC180  }
0x18: {  	[tilespmem:s13], [sflag:$0x1] =	stream.indirect.gather [hbm4b:s3+s12], $0x80, s2, s12, $0xb8;
	[tilespmem:$0x10800] =	vst v63  }
0x19: {  	s5 =	simm.s32 $0x80  }
0x1a: {  	[tilespmem:s15], [sflag:$0x2] =	stream.indirect.gather [hbm4b:s3+s12], $0x80, s5, s12, $0xb8;
	[tilespmem:$0x10800] =	vst v63  }
0x1b: {  	s19 =	simm.s32 $0x100  }
0x1c: {  	[tilespmem:s17], [sflag:$0x3] =	stream.indirect.gather [hbm4b:s3+s12], $0x80, s19, s12, $0xb8;
	[tilespmem:$0x10800] =	vst v63  }
0x1d: {  	_ =	swait.ge [sflag:s18], $0x2800  }
0x1e: {  	[sflag:s18] =	ssyncset.done $0x0  }
0x1f: {  	s22 =	rddreg [dreg:$0x4];
	[sflag:s18] =	ssyncadd.s32 $0xFFFFD800  }
0x20: {  	[hbm4b:s22+s2] =	stream.linear.scatter [tilespmem:s13], [sflag:$0x6], $0x2800, $0x38;
	[tilespmem:$0x10800] =	vst v63  }
0x21: {  	s26 =	simm.s32 $0x180  }
0x22: {  	[tilespmem:s20], [sflag:$0x4] =	stream.indirect.gather [hbm4b:s3+s12], $0x80, s26, s12, $0xb8;
	[tilespmem:$0x10800] =	vst v63  }
0x23: {  	_ =	swait.ge [sflag:s21], $0x2800  }
0x24: {  	[sflag:s21] =	ssyncset.done $0x0  }
0x25: {  	[sflag:s21] =	ssyncadd.s32 $0xFFFFD800  }
0x26: {  	[hbm4b:s6+s2] =	stream.linear.scatter [tilespmem:s15], [sflag:$0x7], $0x2800, $0x38;
	[tilespmem:$0x10800] =	vst v63  }
0x27: {  	s30 =	simm.s32 $0x200  }
0x28: {  	[tilespmem:s23], [sflag:$0x5] =	stream.indirect.gather [hbm4b:s3+s12], $0x80, s30, s12, $0xb8;
	[tilespmem:$0x10800] =	vst v63  }
0x29: {  	_ =	swait.ge [sflag:s24], $0x2800  }
0x2a: {  	[sflag:s24] =	ssyncset.done $0x0  }
0x2b: {  	[sflag:s24] =	ssyncadd.s32 $0xFFFFD800  }
0x2c: {  	[hbm4b:s7+s2] =	stream.linear.scatter [tilespmem:s17], [sflag:$0x8], $0x2800, $0x38;
	[tilespmem:$0x10800] =	vst v63  }
0x2d: {  	_ =	swait.ge [sflag:s25], $0x2800  }
0x2e: {  	[sflag:s25] =	ssyncset.done $0x0  }
0x2f: {  	s5 =	simm.s32 $0x280;
	[sflag:s25] =	ssyncadd.s32 $0xFFFFD800  }
0x30: {  	[tilespmem:s13], [sflag:$0x1] =	stream.indirect.gather [hbm4b:s3+s12], $0x80, s5, s12, $0xb8;
	[tilespmem:$0x10800] =	vst v63  }
0x31: {  	_ =	swait.ge [sflag:s28], $0x2800  }
0x32: {  	[sflag:s28] =	ssyncset.done $0x0  }
0x33: {  	[sflag:s28] =	ssyncadd.s32 $0xFFFFD800  }
0x34: {  	[hbm4b:s8+s2] =	stream.linear.scatter [tilespmem:s20], [sflag:$0x9], $0x2800, $0x38;
	[tilespmem:$0x10800] =	vst v63  }
0x35: {  	_ =	swait.ge [sflag:s29], $0x2800  }
0x36: {  	[sflag:s29] =	ssyncset.done $0x0  }
0x37: {  	s19 =	simm.s32 $0x300;
	[sflag:s29] =	ssyncadd.s32 $0xFFFFD800  }
0x38: {  	[tilespmem:s15], [sflag:$0x2] =	stream.indirect.gather [hbm4b:s3+s12], $0x80, s19, s12, $0xb8;
	[tilespmem:$0x10800] =	vst v63  }
0x39: {  	_ =	swait.ge [sflag:s31], $0x2800  }
0x3a: {  	[sflag:s31] =	ssyncset.done $0x0  }
0x3b: {  	[sflag:s31] =	ssyncadd.s32 $0xFFFFD800  }
0x3c: {  	[hbm4b:s9+s2] =	stream.linear.scatter [tilespmem:s23], [sflag:$0xA], $0x2800, $0x38;
	[tilespmem:$0x10800] =	vst v63  }
0x3d: {  	_ =	swait.ge [sflag:s0], $0x2800  }
0x3e: {  	[sflag:s0] =	ssyncset.done $0x0  }
0x3f: {  	s22 =	simm.s32 $0x380;
	[sflag:s0] =	ssyncadd.s32 $0xFFFFD800  }
0x40: {  	[tilespmem:s17], [sflag:$0x3] =	stream.indirect.gather [hbm4b:s3+s12], $0x80, s22, s12, $0xb8;
	[tilespmem:$0x10800] =	vst v63  }
0x41: {  	_ =	swait.ge [sflag:s18], $0x2800  }
0x42: {  	s26 =	rddreg [dreg:$0x2]  }
0x43: {  	[sflag:s18] =	ssyncset.done $0x0;
	s4 =	sadd.s32 $0x0, s26  }
0x44: {  	[sflag:s18] =	ssyncadd.s32 $0xFFFFD800;
	s19 =	sadd.s32 $0x1900, s4  }
0x45: {  	[hbm4b:s19+s2] =	stream.linear.scatter [tilespmem:s13], [sflag:$0x6], $0x2800, $0x38;
	[tilespmem:$0x10800] =	vst v63  }
0x46: {  	_ =	swait.ge [sflag:s1], $0x2800  }
0x47: {  	[sflag:s1] =	ssyncset.done $0x0  }
0x48: {  	s30 =	simm.s32 $0x400;
	[sflag:s1] =	ssyncadd.s32 $0xFFFFD800  }
0x49: {  	[tilespmem:s20], [sflag:$0x4] =	stream.indirect.gather [hbm4b:s3+s12], $0x80, s30, s12, $0xb8;
	[tilespmem:$0x10800] =	vst v63  }
0x4a: {  	_ =	swait.ge [sflag:s21], $0x2800  }
0x4b: {  	[sflag:s21] =	ssyncset.done $0x0  }
0x4c: {  	s5 =	sadd.s32 $0x1E00, s4;
	[sflag:s21] =	ssyncadd.s32 $0xFFFFD800  }
0x4d: {  	[hbm4b:s5+s2] =	stream.linear.scatter [tilespmem:s15], [sflag:$0x7], $0x2800, $0x38;
	[tilespmem:$0x10800] =	vst v63  }
0x4e: {  	_ =	swait.ge [sflag:s14], $0x2800  }
0x4f: {  	[sflag:s14] =	ssyncset.done $0x0  }
0x50: {  	s22 =	simm.s32 $0x480;
	[sflag:s14] =	ssyncadd.s32 $0xFFFFD800  }
0x51: {  	[tilespmem:s23], [sflag:$0x5] =	stream.indirect.gather [hbm4b:s3+s12], $0x80, s22, s12, $0xb8;
	[tilespmem:$0x10800] =	vst v63  }
0x52: {  	_ =	swait.ge [sflag:s24], $0x2800  }
0x53: {  	[sflag:s24] =	ssyncset.done $0x0  }
0x54: {  	s26 =	sadd.s32 $0x2300, s4;
	[sflag:s24] =	ssyncadd.s32 $0xFFFFD800  }
0x55: {  	[hbm4b:s26+s2] =	stream.linear.scatter [tilespmem:s17], [sflag:$0x8], $0x2800, $0x38;
	[tilespmem:$0x10800] =	vst v63  }
0x56: {  	_ =	swait.ge [sflag:s25], $0x2800  }
0x57: {  	p0 =	por $0x0, $0x0;
	s19 =	simm.s32 $0x500;
	[sflag:s25] =	ssyncset.done $0x0  }
0x58: {  	s19 =	simm.s32 @p0 $0x0;
	[sflag:s25] =	ssyncadd.s32 $0xFFFFD800  }
0x59: {  	[tilespmem:s13], [sflag:$0x1] =	stream.indirect.gather [hbm4b:s3+s12], $0x80, s19, s12, $0xb8;
	[tilespmem:$0x10800] =	vst v63  }
0x5a: {  	_ =	swait.ge [sflag:s28], $0x2800  }
0x5b: {  	[sflag:s28] =	ssyncset.done $0x0  }
0x5c: {  	s30 =	sadd.s32 $0x2800, s4;
	[sflag:s28] =	ssyncadd.s32 $0xFFFFD800  }
0x5d: {  	[hbm4b:s30+s2] =	stream.linear.scatter [tilespmem:s20], [sflag:$0x9], $0x2800, $0x38;
	[tilespmem:$0x10800] =	vst v63  }
0x5e: {  	_ =	swait.ge [sflag:s29], $0x2800  }
0x5f: {  	s19 =	simm.s32 $0x580;
	[sflag:s29] =	ssyncset.done $0x0  }
0x60: {  	s19 =	simm.s32 @p0 $0x0;
	[sflag:s29] =	ssyncadd.s32 $0xFFFFD800  }
0x61: {  	[tilespmem:s15], [sflag:$0x2] =	stream.indirect.gather [hbm4b:s3+s12], $0x80, s19, s12, $0xb8;
	[tilespmem:$0x10800] =	vst v63  }
0x62: {  	_ =	swait.ge [sflag:s31], $0x2800  }
0x63: {  	s4 =	sadd.s32 $0x2D00, s4;
	s22 =	simm.s32 $0x800;
	[sflag:s31] =	ssyncset.done $0x0  }
0x64: {  	s26 =	simm.s32 $0x700;
	s19 =	simm.s32 $0x1900;
	[sflag:s31] =	ssyncadd.s32 $0xFFFFD800  }
.LBB2_2:
0x65: {  	[hbm4b:s4+s2] =	stream.linear.scatter [tilespmem:s23], [sflag:$0xA], $0x2800, $0x38;
	[tilespmem:$0x10800] =	vst v63  }
0x66: {  	_ =	swait.ge [sflag:s0], $0x2800  }
0x67: {  	[sflag:s0] =	ssyncset.done $0x0  }
0x68: {  	s30 =	sadd.s32 $0xFFFFFF00, s26;
	[sflag:s0] =	ssyncadd.s32 $0xFFFFD800  }
0x69: {  	[tilespmem:s17], [sflag:$0x3] =	stream.indirect.gather [hbm4b:s3+s12], $0x80, s30, s12, $0xb8;
	[tilespmem:$0x10800] =	vst v63  }
0x6a: {  	_ =	swait.ge [sflag:s18], $0x2800  }
0x6b: {  	s4 =	smov.u32 s19;
	s5 =	rddreg [dreg:$0x2]  }
0x6c: {  	[sflag:s18] =	ssyncset.done $0x0;
	s30 =	sadd.s32 s4, s5  }
0x6d: {  	[sflag:s18] =	ssyncadd.s32 $0xFFFFD800;
	s5 =	sadd.s32 $0x1900, s30  }
0x6e: {  	[hbm4b:s5+s2] =	stream.linear.scatter [tilespmem:s13], [sflag:$0x6], $0x2800, $0x38;
	[tilespmem:$0x10800] =	vst v63  }
0x6f: {  	_ =	swait.ge [sflag:s1], $0x2800  }
0x70: {  	[sflag:s1] =	ssyncset.done $0x0  }
0x71: {  	s5 =	sadd.s32 $0xFFFFFF80, s26;
	[sflag:s1] =	ssyncadd.s32 $0xFFFFD800  }
0x72: {  	[tilespmem:s20], [sflag:$0x4] =	stream.indirect.gather [hbm4b:s3+s12], $0x80, s5, s12, $0xb8;
	[tilespmem:$0x10800] =	vst v63  }
0x73: {  	_ =	swait.ge [sflag:s21], $0x2800  }
0x74: {  	[sflag:s21] =	ssyncset.done $0x0  }
0x75: {  	s5 =	sadd.s32 $0x1E00, s30;
	[sflag:s21] =	ssyncadd.s32 $0xFFFFD800  }
0x76: {  	[hbm4b:s5+s2] =	stream.linear.scatter [tilespmem:s15], [sflag:$0x7], $0x2800, $0x38;
	[tilespmem:$0x10800] =	vst v63  }
0x77: {  	_ =	swait.ge [sflag:s14], $0x2800  }
0x78: {  	[sflag:s14] =	ssyncset.done $0x0  }
0x79: {  	[sflag:s14] =	ssyncadd.s32 $0xFFFFD800  }
0x7a: {  	[tilespmem:s23], [sflag:$0x5] =	stream.indirect.gather [hbm4b:s3+s12], $0x80, s26, s12, $0xb8;
	[tilespmem:$0x10800] =	vst v63  }
0x7b: {  	_ =	swait.ge [sflag:s24], $0x2800  }
0x7c: {  	[sflag:s24] =	ssyncset.done $0x0  }
0x7d: {  	s5 =	sadd.s32 $0x2300, s30;
	[sflag:s24] =	ssyncadd.s32 $0xFFFFD800  }
0x7e: {  	[hbm4b:s5+s2] =	stream.linear.scatter [tilespmem:s17], [sflag:$0x8], $0x2800, $0x38;
	[tilespmem:$0x10800] =	vst v63  }
0x7f: {  	_ =	swait.ge [sflag:s25], $0x2800  }
0x80: {  	p1 =	seq.s32 s4, $0x23F00;
	s4 =	sadd.s32 $0xFFFFFF80, s22;
	[sflag:s25] =	ssyncset.done $0x0  }
0x81: {  	s4 =	simm.s32 @p1 $0x0;
	[sflag:s25] =	ssyncadd.s32 $0xFFFFD800  }
0x82: {  	[tilespmem:s13], [sflag:$0x1] =	stream.indirect.gather [hbm4b:s3+s12], $0x80, s4, s12, $0xb8;
	[tilespmem:$0x10800] =	vst v63  }
0x83: {  	_ =	swait.ge [sflag:s28], $0x2800  }
0x84: {  	[sflag:s28] =	ssyncset.done $0x0  }
0x85: {  	s5 =	sadd.s32 $0x2800, s30;
	[sflag:s28] =	ssyncadd.s32 $0xFFFFD800  }
0x86: {  	[hbm4b:s5+s2] =	stream.linear.scatter [tilespmem:s20], [sflag:$0x9], $0x2800, $0x38;
	[tilespmem:$0x10800] =	vst v63  }
0x87: {  	_ =	swait.ge [sflag:s29], $0x2800  }
0x88: {  	p0 =	sne.s32 s19, $0x23F00;
	s4 =	smov.u32 s22;
	[sflag:s29] =	ssyncset.done $0x0  }
.Ltmp0:
0x89: {  	s4 =	simm.s32 @p1 $0x0;
	[sflag:s29] =	ssyncadd.s32 $0xFFFFD800;
	(pc) =	sbr.rel @p0 .LBB2_2-.Ltmp0, $4  }
0x8a: {  	[tilespmem:s15], [sflag:$0x2] =	stream.indirect.gather [hbm4b:s3+s12], $0x80, s4, s12, $0xb8;
	[tilespmem:$0x10800] =	vst v63  }
0x8b: {  	_ =	swait.ge [sflag:s31], $0x2800  }
0x8c: {  	s19 =	sadd.s32 $0x1900, s19;
	s26 =	sadd.s32 $0x280, s26;
	[sflag:s31] =	ssyncset.done $0x0  }
0x8d: {  	s22 =	sadd.s32 $0x280, s22;
	s4 =	sadd.s32 $0x2D00, s30;
	[sflag:s31] =	ssyncadd.s32 $0xFFFFD800  }
0x8e: {  	[hbm4b:s4+s2] =	stream.linear.scatter [tilespmem:s23], [sflag:$0xA], $0x2800, $0x38;
	[tilespmem:$0x10800] =	vst v63  }
0x8f: {  	_ =	swait.ge [sflag:s18], $0x2800  }
0x90: {  	[sflag:s18] =	ssyncset.done $0x0  }
0x91: {  	[sflag:s18] =	ssyncadd.s32 $0xFFFFD800  }
0x92: {  	_ =	swait.ge [sflag:s21], $0x2800  }
0x93: {  	[sflag:s21] =	ssyncset.done $0x0  }
0x94: {  	[sflag:s21] =	ssyncadd.s32 $0xFFFFD800  }
0x95: {  	_ =	swait.ge [sflag:s0], $0x2800  }
0x96: {  	[sflag:s0] =	ssyncset.done $0x0  }
0x97: {  	s16 =	sadd.s32 $0x1, s16;
	[sflag:s0] =	ssyncadd.s32 $0xFFFFD800  }
0x98: {  	p0 =	sne.s32 s16, s10;
	_ =	swait.ge [sflag:s1], $0x2800  }
.Ltmp1:
0x99: {  	[sflag:s1] =	ssyncset.done $0x0;
	(pc) =	sbr.rel @p0 .LBB2_1-.Ltmp1, $4  }
0x9a: {  	[sflag:s1] =	ssyncadd.s32 $0xFFFFD800  }
0x9b: {  	_ =	swait.ge [sflag:s14], $0x2800  }
0x9c: {  	[sflag:s14] =	ssyncset.done $0x0  }
0x9d: {  	[sflag:s14] =	ssyncadd.s32 $0xFFFFD800  }
0x9e: {  	_ =	sfence.sel $0x180000  }
0x9f: {  	[bflag:$0x0] =	sbarrier.arrive $0xFFFF  }
0xa0: {  	_ =	strace $0x90000050  }
0xa1: {  	s0 =	stileid.u32;
	[bflag:$0x2] =	sbarrier.arrive $0xFFFF  }
0xa2: {  	p0 =	sne.s32 s0, $0x0;
	s0 =	rddreg [dreg:$0x1]  }
0xa3: {  	s0 =	sadd.s32 @!p0 $0x100000, s0  }
0xa4: {  	[sflag:s0] =	ssyncadd.tile.s32 @!p0 $0x1;
	_ =	shalt  }
.Lfunc_end2:
_tile_overlayer_lowered:
.L_overlay_start_2:
0xa5: {  	(tag) =	ssettag $0x2  }
0xa6: {  	s0 =	rddreg [dreg:$0x0];
	s2 =	stileid.u32  }
0xa7: {  	s1 =	rddreg [dreg:$0x1];
	p0 =	sne.s32 s2, $0x0  }
0xa8: {  	s3 =	rddreg [dreg:$0x2];
	[bflag:$0x3] =	sbarrier.arrive $0xFFFF;
	s2 =	simm.s32 @!p0 $0x1C0B  }
0xa9: {  	[timem:s3], [sflag:s2] =	dma.local @!p0 [hbm:s0], s1  }
0xaa: {  	s0 =	simm.s32 @!p0 $0xB  }
0xab: {  	_ =	swait.ge @!p0 [sflag:s0], s1  }
0xac: {  	s1 =	ssub.s32 @!p0 $0x0, s1;
	[sflag:s0] =	ssyncset.done @!p0 $0x0  }
0xad: {  	[sflag:s0] =	ssyncadd.s32 @!p0 s1  }
0xae: {  	[bflag:$0x3] =	sbarrier.arrive $0xFFFF  }
0xaf: {  	_ =	shalt  }

</sc_bundles>
